<compile_context>
chip_gen: v7x
topology: tpu7x:2x2x1
jax: 0.10.2.dev20260603
libtpu: 0.0.44.dev20260713+nightly
codegen_flags: <defaults>
</compile_context>

<pallas_src>
import functools

import jax
import jax.numpy as jnp
from jax import lax
from jax.experimental import pallas as pl
from jax.experimental.pallas import tpu as pltpu
from jax.experimental.pallas import tpu_sc as plsc

N_NODES = 10000
N_EDGES = 160000
D_NODE = 256
D_EDGE = 16
HIDDEN = 256
DEPTH = 5

NC = 2
NS = 16
NW = NC * NS
CH = 128
NCH = N_EDGES // CH
HHALF = HIDDEN // 2
ZR = 80
NZCH = N_NODES // ZR

_f32 = jnp.float32


def _sc_mesh():
    return plsc.VectorSubcoreMesh(core_axis_name="c", subcore_axis_name="s")


def _gather1_body(tab, idx, out, idx_v, rows_v, sem):
    c = lax.axis_index("c")
    s = lax.axis_index("s")
    wid = s * NC + c
    nj = (NCH + NW - 1) // NW

    def body(j, carry):
        cid = wid + j * NW

        @pl.when(cid < NCH)
        def _():
            base = cid * CH
            pltpu.sync_copy(idx.at[pl.ds(base, CH)], idx_v)
            pltpu.async_copy(tab.at[idx_v], rows_v, sem).wait()
            pltpu.sync_copy(rows_v, out.at[pl.ds(base, CH)])

        return carry

    lax.fori_loop(0, nj, body, 0)


def _sc_gather(tab, idx):
    rows, d = tab.shape
    e = idx.shape[0]
    assert e % CH == 0
    return pl.kernel(
        _gather1_body,
        out_type=jax.ShapeDtypeStruct((e, d), tab.dtype),
        mesh=_sc_mesh(),
        scratch_types=[
            pltpu.VMEM((CH,), jnp.int32),
            pltpu.VMEM((CH, d), tab.dtype),
            pltpu.SemaphoreType.DMA,
        ],
    )(tab, idx)


def _gather2_body(s_tab, p_tab, src, rev, o1, o2, i1_v, i2_v, r1_v, r2_v, sem1, sem2):
    c = lax.axis_index("c")
    s = lax.axis_index("s")
    wid = s * NC + c
    nj = (NCH + NW - 1) // NW

    def body(j, carry):
        cid = wid + j * NW

        @pl.when(cid < NCH)
        def _():
            base = cid * CH
            pltpu.sync_copy(src.at[pl.ds(base, CH)], i1_v)
            pltpu.sync_copy(rev.at[pl.ds(base, CH)], i2_v)
            d1 = pltpu.async_copy(s_tab.at[i1_v], r1_v, sem1)
            d2 = pltpu.async_copy(p_tab.at[i2_v], r2_v, sem2)
            d1.wait()
            d2.wait()
            pltpu.sync_copy(r1_v, o1.at[pl.ds(base, CH)])
            pltpu.sync_copy(r2_v, o2.at[pl.ds(base, CH)])

        return carry

    lax.fori_loop(0, nj, body, 0)


def _sc_gather2(s_tab, p_tab, src, rev):
    e = src.shape[0]
    d = s_tab.shape[1]
    return pl.kernel(
        _gather2_body,
        out_type=(
            jax.ShapeDtypeStruct((e, d), _f32),
            jax.ShapeDtypeStruct((e, d), _f32),
        ),
        mesh=_sc_mesh(),
        scratch_types=[
            pltpu.VMEM((CH,), jnp.int32),
            pltpu.VMEM((CH,), jnp.int32),
            pltpu.VMEM((CH, d), _f32),
            pltpu.VMEM((CH, d), _f32),
            pltpu.SemaphoreType.DMA,
            pltpu.SemaphoreType.DMA,
        ],
    )(s_tab, p_tab, src, rev)


def _scatter_body(p, dst, out, idx_v, rows_v, zb, acc):
    c = lax.axis_index("c")
    s = lax.axis_index("s")

    def zbody(i, carry):
        r = i // (HHALF // 16)
        k = i % (HHALF // 16)
        zb[r, pl.ds(k * 16, 16)] = jnp.zeros((16,), _f32)
        return carry

    lax.fori_loop(0, ZR * (HHALF // 16), zbody, 0)

    nz = (NZCH + NS - 1) // NS

    def z2(i, carry):
        cid = s + i * NS

        @pl.when(cid < NZCH)
        def _():
            pltpu.sync_copy(zb, acc.at[pl.ds(cid * ZR, ZR)])

        return carry

    lax.fori_loop(0, nz, z2, 0)
    plsc.subcore_barrier()

    nj = (NCH + NS - 1) // NS

    def body(j, carry):
        cid = s + j * NS

        @pl.when(cid < NCH)
        def _():
            base = cid * CH
            pltpu.sync_copy(dst.at[pl.ds(base, CH)], idx_v)
            pltpu.sync_copy(p.at[pl.ds(base, CH), pl.ds(c * HHALF, HHALF)], rows_v)
            pltpu.sync_copy(rows_v, acc.at[idx_v], add=True)

        return carry

    lax.fori_loop(0, nj, body, 0)
    plsc.subcore_barrier()

    def wr(i, carry):
        cid = s + i * NS

        @pl.when(cid < NZCH)
        def _():
            r = cid * ZR
            pltpu.sync_copy(acc.at[pl.ds(r, ZR)], out.at[pl.ds(r, ZR), pl.ds(c * HHALF, HHALF)])

        return carry

    lax.fori_loop(0, nz, wr, 0)


def _sc_segment_sum(p, dst):
    return pl.kernel(
        _scatter_body,
        out_type=jax.ShapeDtypeStruct((N_NODES, HIDDEN), _f32),
        mesh=_sc_mesh(),
        scratch_types=[
            pltpu.VMEM((CH,), jnp.int32),
            pltpu.VMEM((CH, HHALF), _f32),
            pltpu.VMEM((ZR, HHALF), _f32),
            pltpu.VMEM_SHARED((N_NODES, HHALF), _f32),
        ],
    )(p, dst)


BN = 2000
BE = 2000


def _pre_body(x_ref, w1t_ref, wntt_ref, bnt_ref, xw1_ref, tx_ref):
    xb = x_ref[...]
    xw1_ref[...] = jnp.dot(xb, w1t_ref[...], preferred_element_type=_f32)
    tx_ref[...] = jnp.dot(xb, wntt_ref[...], preferred_element_type=_f32) + bnt_ref[...]


def _tc_pre(x, w1t, wntt, bnt):
    n = x.shape[0]
    grid = (n // BN,)
    return pl.pallas_call(
        _pre_body,
        grid=grid,
        in_specs=[
            pl.BlockSpec((BN, D_NODE), lambda i: (i, 0)),
            pl.BlockSpec((D_NODE, HIDDEN), lambda i: (0, 0)),
            pl.BlockSpec((D_NODE, HIDDEN), lambda i: (0, 0)),
            pl.BlockSpec((1, HIDDEN), lambda i: (0, 0)),
        ],
        out_specs=(
            pl.BlockSpec((BN, HIDDEN), lambda i: (i, 0)),
            pl.BlockSpec((BN, HIDDEN), lambda i: (i, 0)),
        ),
        out_shape=(
            jax.ShapeDtypeStruct((n, HIDDEN), _f32),
            jax.ShapeDtypeStruct((n, HIDDEN), _f32),
        ),
    )(x, w1t, wntt, bnt)


def _mm0_body(gx_ref, ea_ref, w2t_ref, bi_ref, wht_ref, a_ref, p_ref):
    a = gx_ref[...] + jnp.dot(ea_ref[...], w2t_ref[...], preferred_element_type=_f32) + bi_ref[...]
    a_ref[...] = a
    p_ref[...] = jnp.dot(jnp.maximum(a, 0.0), wht_ref[...], preferred_element_type=_f32)


def _tc_mm0(gx, ea, w2t, bi, wht):
    e = gx.shape[0]
    grid = (e // BE,)
    return pl.pallas_call(
        _mm0_body,
        grid=grid,
        in_specs=[
            pl.BlockSpec((BE, HIDDEN), lambda i: (i, 0)),
            pl.BlockSpec((BE, D_EDGE), lambda i: (i, 0)),
            pl.BlockSpec((D_EDGE, HIDDEN), lambda i: (0, 0)),
            pl.BlockSpec((1, HIDDEN), lambda i: (0, 0)),
            pl.BlockSpec((HIDDEN, HIDDEN), lambda i: (0, 0)),
        ],
        out_specs=(
            pl.BlockSpec((BE, HIDDEN), lambda i: (i, 0)),
            pl.BlockSpec((BE, HIDDEN), lambda i: (i, 0)),
        ),
        out_shape=(
            jax.ShapeDtypeStruct((e, HIDDEN), _f32),
            jax.ShapeDtypeStruct((e, HIDDEN), _f32),
        ),
    )(gx, ea, w2t, bi, wht)


def _mm_body(a_ref, ss_ref, pr_ref, bh_ref, wht_ref, p_ref):
    g = a_ref[...] + ss_ref[...] - pr_ref[...] + bh_ref[...]
    p_ref[...] = jnp.dot(jnp.maximum(g, 0.0), wht_ref[...], preferred_element_type=_f32)


def _tc_mm(a, ssrc, prev, bh, wht):
    e = a.shape[0]
    grid = (e // BE,)
    return pl.pallas_call(
        _mm_body,
        grid=grid,
        in_specs=[
            pl.BlockSpec((BE, HIDDEN), lambda i: (i, 0)),
            pl.BlockSpec((BE, HIDDEN), lambda i: (i, 0)),
            pl.BlockSpec((BE, HIDDEN), lambda i: (i, 0)),
            pl.BlockSpec((1, HIDDEN), lambda i: (0, 0)),
            pl.BlockSpec((HIDDEN, HIDDEN), lambda i: (0, 0)),
        ],
        out_specs=pl.BlockSpec((BE, HIDDEN), lambda i: (i, 0)),
        out_shape=jax.ShapeDtypeStruct((e, HIDDEN), _f32),
    )(a, ssrc, prev, bh, wht)


def _ew_body(a_ref, ss_ref, pr_ref, bh_ref, h_ref):
    g = a_ref[...] + ss_ref[...] - pr_ref[...] + bh_ref[...]
    h_ref[...] = jnp.maximum(g, 0.0)


def _tc_ew(a, ssrc, prev, bh):
    e = a.shape[0]
    grid = (e // BE,)
    return pl.pallas_call(
        _ew_body,
        grid=grid,
        in_specs=[
            pl.BlockSpec((BE, HIDDEN), lambda i: (i, 0)),
            pl.BlockSpec((BE, HIDDEN), lambda i: (i, 0)),
            pl.BlockSpec((BE, HIDDEN), lambda i: (i, 0)),
            pl.BlockSpec((1, HIDDEN), lambda i: (0, 0)),
        ],
        out_specs=pl.BlockSpec((BE, HIDDEN), lambda i: (i, 0)),
        out_shape=jax.ShapeDtypeStruct((e, HIDDEN), _f32),
    )(a, ssrc, prev, bh)


def _final_body(x_ref, sn_ref, tx_ref, wo1t_ref, wo2t_ref, bo_ref, out_ref):
    sn = sn_ref[...]
    rs = jnp.sum(sn, axis=1, keepdims=True)
    mn = jnp.where(rs == 0.0, tx_ref[...], sn)
    acc = jnp.dot(x_ref[...], wo1t_ref[...], preferred_element_type=_f32)
    acc = acc + jnp.dot(mn, wo2t_ref[...], preferred_element_type=_f32) + bo_ref[...]
    out_ref[...] = jnp.maximum(acc, 0.0)


def _tc_final(x, snode, tx, wo1t, wo2t, bo):
    n = x.shape[0]
    grid = (n // BN,)
    return pl.pallas_call(
        _final_body,
        grid=grid,
        in_specs=[
            pl.BlockSpec((BN, D_NODE), lambda i: (i, 0)),
            pl.BlockSpec((BN, HIDDEN), lambda i: (i, 0)),
            pl.BlockSpec((BN, HIDDEN), lambda i: (i, 0)),
            pl.BlockSpec((D_NODE, HIDDEN), lambda i: (0, 0)),
            pl.BlockSpec((HIDDEN, HIDDEN), lambda i: (0, 0)),
            pl.BlockSpec((1, HIDDEN), lambda i: (0, 0)),
        ],
        out_specs=pl.BlockSpec((BN, HIDDEN), lambda i: (i, 0)),
        out_shape=jax.ShapeDtypeStruct((n, HIDDEN), _f32),
    )(x, snode, tx, wo1t, wo2t, bo)


def kernel(x, edge_index, edge_attr, rev_edge_index, W_i, b_i, W_h, b_h, W_o, b_o, W_nt, b_nt):
    src = edge_index[0].astype(jnp.int32)
    dst = edge_index[1].astype(jnp.int32)
    rev = rev_edge_index.astype(jnp.int32)

    w1t = W_i[:, :D_NODE].T
    w2t = W_i[:, D_NODE:].T
    wht = W_h.T
    wntt = W_nt.T
    wo1t = W_o[:, :D_NODE].T
    wo2t = W_o[:, D_NODE:].T
    bi = b_i.reshape(1, -1)
    bh = b_h.reshape(1, -1)
    bo = b_o.reshape(1, -1)
    bnt = b_nt.reshape(1, -1)

    xw1, tx = _tc_pre(x, w1t, wntt, bnt)
    gx = _sc_gather(xw1, src)
    a, p = _tc_mm0(gx, edge_attr, w2t, bi, wht)

    for t in range(1, DEPTH):
        s_nodes = _sc_segment_sum(p, dst)
        ssrc, prev = _sc_gather2(s_nodes, p, src, rev)
        if t < DEPTH - 1:
            p = _tc_mm(a, ssrc, prev, bh, wht)
        else:
            h = _tc_ew(a, ssrc, prev, bh)

    snode = _sc_segment_sum(h, dst)
    return _tc_final(x, snode, tx, wo1t, wo2t, bo)

# --- scband reference (transcript-rebuilt; emitter-appended) ---
"""Pipeline reference for scband-bond-message-passing-30880814858524 (READ-ONLY COPY).

The authoritative reference and input builder live on the scoring server;
editing this copy changes nothing except your own understanding.
"""

import jax, jax.numpy as jnp
import numpy as np

N_NODES = 10000
N_EDGES = 160000
D_NODE = 256
D_EDGE = 16
HIDDEN = 256
DEPTH = 5


def setup_inputs(seed: int = 0) -> dict:
    key = jax.random.key(seed)
    ks = jax.random.split(key, 12)
    x = jax.random.normal(ks[0], (N_NODES, D_NODE), dtype=jnp.float32)
    edge_index = jax.random.randint(ks[1], (2, N_EDGES), 0, N_NODES, dtype=jnp.int64) if jax.config.jax_enable_x64 else jax.random.randint(ks[1], (2, N_EDGES), 0, N_NODES)
    edge_attr = jax.random.normal(ks[2], (N_EDGES, D_EDGE), dtype=jnp.float32)
    rev_edge_index = jax.random.randint(ks[3], (N_EDGES,), 0, N_EDGES)
    s = 0.05
    W_i = jax.random.normal(ks[4], (HIDDEN, D_NODE + D_EDGE), dtype=jnp.float32) * s
    b_i = jnp.zeros((HIDDEN,), dtype=jnp.float32)
    W_h = jax.random.normal(ks[5], (HIDDEN, HIDDEN), dtype=jnp.float32) * s
    b_h = jnp.zeros((HIDDEN,), dtype=jnp.float32)
    W_o = jax.random.normal(ks[6], (HIDDEN, D_NODE + HIDDEN), dtype=jnp.float32) * s
    b_o = jnp.zeros((HIDDEN,), dtype=jnp.float32)
    W_nt = jax.random.normal(ks[7], (HIDDEN, D_NODE), dtype=jnp.float32) * s
    b_nt = jnp.zeros((HIDDEN,), dtype=jnp.float32)
    return {
        'x': x,
        'edge_index': edge_index,
        'edge_attr': edge_attr,
        'rev_edge_index': rev_edge_index,
        'W_i': W_i, 'b_i': b_i,
        'W_h': W_h, 'b_h': b_h,
        'W_o': W_o, 'b_o': b_o,
        'W_nt': W_nt, 'b_nt': b_nt,
    }


def reference(x, edge_index, edge_attr, rev_edge_index, W_i, b_i, W_h, b_h, W_o, b_o, W_nt, b_nt):
    # Eval mode: dropout is identity.
    src = edge_index[0]
    dst = edge_index[1]
    combined = jnp.concatenate([x[src], edge_attr], axis=1)  # [E, D_NODE+D_EDGE]
    H0 = combined @ W_i.T + b_i                               # W_i(combined)
    H = jax.nn.relu(H0)
    for _ in range(1, DEPTH):
        # message: scatter-sum H onto dst nodes, gather back by src, subtract reverse edge
        M_all = jax.ops.segment_sum(H, dst, num_segments=N_NODES)[src]
        M_rev = H[rev_edge_index]
        M = M_all - M_rev
        # update
        H_t = M @ W_h.T + b_h
        H = jax.nn.relu(H0 + H_t)
    # final node aggregation
    M_node = jax.ops.segment_sum(H, dst, num_segments=N_NODES)  # [N, HIDDEN]
    transformed_x = x @ W_nt.T + b_nt
    M_node = jnp.where(jnp.sum(M_node, axis=1, keepdims=True) == 0, transformed_x, M_node)
    final_features = jnp.concatenate([x, M_node], axis=1)
    out = jax.nn.relu(final_features @ W_o.T + b_o)
    return out

if __name__ == "__main__":
    import jax
    _d = setup_inputs()
    print(jax.jit(kernel)(*tuple(_d.values())))

</pallas_src>

<mosaic_0001>
#map = affine_map<(d0, d1) -> (0, 0)>
#map1 = affine_map<(d0, d1) -> (0)>
module attributes {stable_mosaic.version = 14 : i64} {
  func.func @_gather1_body(%arg0: i32, %arg1: i32, %arg2: memref<10000x256xf32, #tpu.memory_space<hbm>>, %arg3: memref<160000xi32, #tpu.memory_space<hbm>>, %arg4: memref<160000x256xf32, #tpu.memory_space<hbm>>, %arg5: memref<128xi32, #tpu.memory_space<vmem>>, %arg6: memref<128x256xf32, #tpu.memory_space<vmem>>, %arg7: memref<!tpu.dma_semaphore, #tpu.memory_space<semaphore_mem>>) attributes {dimension_semantics = [#tpu.dimension_semantics<core_parallel>, #tpu.dimension_semantics<subcore_parallel>], iteration_bounds = array<i64: 2, 16>, scalar_prefetch = 0 : i64, scratch_operands = 3 : i64, tpu.core_type = #tpu.core_type<sc_vector_subcore>, window_params = [{transform_indices = #map}, {transform_indices = #map1}, {transform_indices = #map}]} {
    %mul3A = arith.constant 2 : i32
    %mul3A_0 = arith.muli %arg1, %mul3A : i32
    %add3A = arith.addi %mul3A_0, %arg0 : i32
    %scan3A = arith.constant 0 : i32
    %scan3A_1 = arith.constant 0 : i32
    %scan3A_2 = arith.constant 40 : i32
    %scan3A_3 = arith.addi %scan3A_1, %scan3A_2 : i32
    %scan3A_4 = arith.constant 1 : i32
    scf.for %scan3A_6 = %scan3A_1 to %scan3A_3 step %scan3A_4  : i32 {
      %mul3A_7 = arith.constant 32 : i32
      %mul3A_8 = arith.muli %scan3A_6, %mul3A_7 : i32
      %add3A_9 = arith.addi %add3A, %mul3A_8 : i32
      %lt3A = arith.constant 1250 : i32
      %lt3A_10 = arith.cmpi slt, %add3A_9, %lt3A : i32
      %convert_element_type3A = arith.extui %lt3A_10 : i1 to i32
      %cond3A = arith.constant 0 : i32
      %cond3A_11 = arith.cmpi ne, %convert_element_type3A, %cond3A : i32
      scf.if %cond3A_11 {
        %mul3A_12 = arith.constant 128 : i32
        %mul3A_13 = arith.muli %add3A_9, %mul3A_12 : i32
        "tpu.region"() ({
          %run_scoped3A = tpu.sem_alloc : memref<!tpu.dma_semaphore, #tpu.memory_space<semaphore_mem>>
          %dma_start3A_18 = tpu.memref_slice %arg3[%mul3A_13] : memref<160000xi32, #tpu.memory_space<hbm>> -> memref<128xi32, #tpu.memory_space<hbm>>
          %dma_start3A_19 = tpu.memref_slice %arg3[%mul3A_13] : memref<160000xi32, #tpu.memory_space<hbm>> -> memref<128xi32, #tpu.memory_space<hbm>>
          tpu.enqueue_dma source(%dma_start3A_19 : memref<128xi32, #tpu.memory_space<hbm>>) target(%arg5 : memref<128xi32, #tpu.memory_space<vmem>>) target_semaphore(%run_scoped3A : memref<!tpu.dma_semaphore, #tpu.memory_space<semaphore_mem>>)
          %dma_wait3A_20 = tpu.memref_slice %arg3[%mul3A_13] : memref<160000xi32, #tpu.memory_space<hbm>> -> memref<128xi32, #tpu.memory_space<hbm>>
          %dma_wait3A_21 = tpu.memref_slice %arg3[%mul3A_13] : memref<160000xi32, #tpu.memory_space<hbm>> -> memref<128xi32, #tpu.memory_space<hbm>>
          tpu.wait_dma2 semaphore(%run_scoped3A : memref<!tpu.dma_semaphore, #tpu.memory_space<semaphore_mem>>) src(%dma_wait3A_21 : memref<128xi32, #tpu.memory_space<hbm>>) dst(%arg5 : memref<128xi32, #tpu.memory_space<vmem>>)
          tpu.yield
        }) : () -> ()
        %dma_start3A = arith.constant 0 : i32
        %dma_start3A_14 = arith.constant 0 : i32
        %dma_start3A_15 = tpu.memref_slice %arg2[%dma_start3A, %dma_start3A_14] : memref<10000x256xf32, #tpu.memory_space<hbm>> -> memref<10000x256xf32, #tpu.memory_space<hbm>>
        tpu.enqueue_indirect_dma source(%dma_start3A_15 : memref<10000x256xf32, #tpu.memory_space<hbm>>) target(%arg6 : memref<128x256xf32, #tpu.memory_space<vmem>>) offsets(%arg5 : memref<128xi32, #tpu.memory_space<vmem>>) semaphore(%arg7 : memref<!tpu.dma_semaphore, #tpu.memory_space<semaphore_mem>>)
        %dma_wait3A = arith.constant 0 : i32
        %dma_wait3A_16 = arith.constant 0 : i32
        %dma_wait3A_17 = tpu.memref_slice %arg2[%dma_wait3A, %dma_wait3A_16] : memref<10000x256xf32, #tpu.memory_space<hbm>> -> memref<10000x256xf32, #tpu.memory_space<hbm>>
        tpu.wait_indirect_dma semaphore(%arg7 : memref<!tpu.dma_semaphore, #tpu.memory_space<semaphore_mem>>) src(%dma_wait3A_17 : memref<10000x256xf32, #tpu.memory_space<hbm>>) dst(%arg6 : memref<128x256xf32, #tpu.memory_space<vmem>>)
        "tpu.region"() ({
          %run_scoped3A = tpu.sem_alloc : memref<!tpu.dma_semaphore, #tpu.memory_space<semaphore_mem>>
          %dma_start3A_18 = arith.constant 0 : i32
          %dma_start3A_19 = tpu.memref_slice %arg4[%mul3A_13, %dma_start3A_18] : memref<160000x256xf32, #tpu.memory_space<hbm>> -> memref<128x256xf32, #tpu.memory_space<hbm>>
          %dma_start3A_20 = arith.constant 0 : i32
          %dma_start3A_21 = tpu.memref_slice %arg4[%mul3A_13, %dma_start3A_20] : memref<160000x256xf32, #tpu.memory_space<hbm>> -> memref<128x256xf32, #tpu.memory_space<hbm>>
          tpu.enqueue_dma source(%arg6 : memref<128x256xf32, #tpu.memory_space<vmem>>) target(%dma_start3A_21 : memref<128x256xf32, #tpu.memory_space<hbm>>) target_semaphore(%run_scoped3A : memref<!tpu.dma_semaphore, #tpu.memory_space<semaphore_mem>>)
          %dma_wait3A_22 = arith.constant 0 : i32
          %dma_wait3A_23 = tpu.memref_slice %arg4[%mul3A_13, %dma_wait3A_22] : memref<160000x256xf32, #tpu.memory_space<hbm>> -> memref<128x256xf32, #tpu.memory_space<hbm>>
          %dma_wait3A_24 = arith.constant 0 : i32
          %dma_wait3A_25 = tpu.memref_slice %arg4[%mul3A_13, %dma_wait3A_24] : memref<160000x256xf32, #tpu.memory_space<hbm>> -> memref<128x256xf32, #tpu.memory_space<hbm>>
          tpu.wait_dma2 semaphore(%run_scoped3A : memref<!tpu.dma_semaphore, #tpu.memory_space<semaphore_mem>>) src(%arg6 : memref<128x256xf32, #tpu.memory_space<vmem>>) dst(%dma_wait3A_25 : memref<128x256xf32, #tpu.memory_space<hbm>>)
          tpu.yield
        }) : () -> ()
      } else {
      }
    }
    %scan3A_5 = arith.constant 40 : i32
    return
  }
}

#map = affine_map<(d0, d1) -> (0, 0)>
#map1 = affine_map<(d0, d1) -> (0)>
module attributes {stable_mosaic.version = 14 : i64} {
  func.func @_scatter_body(%arg0: i32, %arg1: i32, %arg2: memref<160000x256xf32, #tpu.memory_space<hbm>>, %arg3: memref<160000xi32, #tpu.memory_space<hbm>>, %arg4: memref<10000x256xf32, #tpu.memory_space<hbm>>, %arg5: memref<128xi32, #tpu.memory_space<vmem>>, %arg6: memref<128x128xf32, #tpu.memory_space<vmem>>, %arg7: memref<80x128xf32, #tpu.memory_space<vmem>>, %arg8: memref<10000x128xf32, #tpu.memory_space<vmem_shared>>) attributes {dimension_semantics = [#tpu.dimension_semantics<core_parallel>, #tpu.dimension_semantics<subcore_parallel>], iteration_bounds = array<i64: 2, 16>, scalar_prefetch = 0 : i64, scratch_operands = 4 : i64, tpu.core_type = #tpu.core_type<sc_vector_subcore>, window_params = [{transform_indices = #map}, {transform_indices = #map1}, {transform_indices = #map}]} {
    %scan3A = arith.constant 0 : i32
    %scan3A_0 = arith.constant 0 : i32
    %scan3A_1 = arith.constant 640 : i32
    %scan3A_2 = arith.addi %scan3A_0, %scan3A_1 : i32
    %scan3A_3 = arith.constant 1 : i32
    scf.for %scan3A_24 = %scan3A_0 to %scan3A_2 step %scan3A_3  : i32 {
      %jit3A = arith.constant 8 : i32
      %div3A = arith.divsi %scan3A_24, %jit3A : i32
      %sign3A = arith.constant 0 : i32
      %sign3A_25 = arith.cmpi sgt, %scan3A_24, %sign3A : i32
      %sign3A_26 = arith.extui %sign3A_25 : i1 to i32
      %sign3A_27 = arith.constant 0 : i32
      %sign3A_28 = arith.cmpi slt, %scan3A_24, %sign3A_27 : i32
      %sign3A_29 = arith.extui %sign3A_28 : i1 to i32
      %sign3A_30 = arith.subi %sign3A_26, %sign3A_29 : i32
      %sign3A_31 = arith.constant 0 : i32
      %sign3A_32 = arith.cmpi sgt, %jit3A, %sign3A_31 : i32
      %sign3A_33 = arith.extui %sign3A_32 : i1 to i32
      %sign3A_34 = arith.constant 0 : i32
      %sign3A_35 = arith.cmpi slt, %jit3A, %sign3A_34 : i32
      %sign3A_36 = arith.extui %sign3A_35 : i1 to i32
      %sign3A_37 = arith.subi %sign3A_33, %sign3A_36 : i32
      %ne3A = arith.cmpi ne, %sign3A_30, %sign3A_37 : i32
      %rem3A = arith.remsi %scan3A_24, %jit3A : i32
      %ne3A_38 = arith.constant 0 : i32
      %ne3A_39 = arith.cmpi ne, %rem3A, %ne3A_38 : i32
      %and3A = arith.andi %ne3A, %ne3A_39 : i1
      %sub3A = arith.constant 1 : i32
      %sub3A_40 = arith.subi %div3A, %sub3A : i32
      %select_n3A = arith.select %and3A, %sub3A_40, %div3A : i32
      %jit3A_41 = arith.constant 8 : i32
      %eq3A = arith.constant 0 : i32
      %eq3A_42 = arith.cmpi eq, %jit3A_41, %eq3A : i32
      %jit3A_43 = arith.constant 1 : i32
      %select_n3A_44 = arith.select %eq3A_42, %jit3A_43, %jit3A_41 : i32
      %rem3A_45 = arith.remsi %scan3A_24, %select_n3A_44 : i32
      %ne3A_46 = arith.constant 0 : i32
      %ne3A_47 = arith.cmpi ne, %rem3A_45, %ne3A_46 : i32
      %lt3A = arith.constant 0 : i32
      %lt3A_48 = arith.cmpi slt, %rem3A_45, %lt3A : i32
      %lt3A_49 = arith.constant 0 : i32
      %lt3A_50 = arith.cmpi slt, %select_n3A_44, %lt3A_49 : i32
      %ne3A_51 = arith.xori %lt3A_48, %lt3A_50 : i1
      %and3A_52 = arith.andi %ne3A_51, %ne3A_47 : i1
      %add3A = arith.addi %rem3A_45, %select_n3A_44 : i32
      %select_n3A_53 = arith.select %and3A_52, %add3A, %rem3A_45 : i32
      %broadcast_in_dim3A = arith.constant 0.000000e+00 : f32
      %broadcast_in_dim3A_54 = vector.broadcast %broadcast_in_dim3A : f32 to vector<16xf32>
      %mul3A = arith.constant 16 : i32
      %mul3A_55 = arith.muli %select_n3A_53, %mul3A : i32
      %swap3A = arith.index_cast %select_n3A : i32 to index
      %swap3A_56 = arith.index_cast %mul3A_55 : i32 to index
      %swap3A_57 = tpu.vector_load %arg7[%swap3A, %swap3A_56] {strides = array<i32>} : memref<80x128xf32, #tpu.memory_space<vmem>>, vector<1x16xf32>,
      %swap3A_58 = vector.shape_cast %swap3A_57 : vector<1x16xf32> to vector<16xf32>
      %swap3A_59 = vector.shape_cast %broadcast_in_dim3A_54 : vector<16xf32> to vector<1x16xf32>
      tpu.vector_store %arg7[%swap3A, %swap3A_56], %swap3A_59 {strides = array<i32>} : memref<80x128xf32, #tpu.memory_space<vmem>>, vector<1x16xf32>,
    }
    %scan3A_4 = arith.constant 640 : i32
    %scan3A_5 = arith.constant 0 : i32
    %scan3A_6 = arith.constant 0 : i32
    %scan3A_7 = arith.constant 8 : i32
    %scan3A_8 = arith.addi %scan3A_6, %scan3A_7 : i32
    %scan3A_9 = arith.constant 1 : i32
    scf.for %scan3A_24 = %scan3A_6 to %scan3A_8 step %scan3A_9  : i32 {
      %mul3A = arith.constant 16 : i32
      %mul3A_25 = arith.muli %scan3A_24, %mul3A : i32
      %add3A = arith.addi %arg1, %mul3A_25 : i32
      %lt3A = arith.constant 125 : i32
      %lt3A_26 = arith.cmpi slt, %add3A, %lt3A : i32
      %convert_element_type3A = arith.extui %lt3A_26 : i1 to i32
      %cond3A = arith.constant 0 : i32
      %cond3A_27 = arith.cmpi ne, %convert_element_type3A, %cond3A : i32
      scf.if %cond3A_27 {
        %mul3A_28 = arith.constant 80 : i32
        %mul3A_29 = arith.muli %add3A, %mul3A_28 : i32
        "tpu.region"() ({
          %run_scoped3A = tpu.sem_alloc : memref<!tpu.dma_semaphore, #tpu.memory_space<semaphore_mem>>
          %dma_start3A = arith.constant 0 : i32
          %dma_start3A_30 = tpu.memref_slice %arg8[%mul3A_29, %dma_start3A] : memref<10000x128xf32, #tpu.memory_space<vmem_shared>> -> memref<80x128xf32, #tpu.memory_space<vmem_shared>>
          %dma_start3A_31 = arith.constant 0 : i32
          %dma_start3A_32 = tpu.memref_slice %arg8[%mul3A_29, %dma_start3A_31] : memref<10000x128xf32, #tpu.memory_space<vmem_shared>> -> memref<80x128xf32, #tpu.memory_space<vmem_shared>>
          tpu.enqueue_dma source(%arg7 : memref<80x128xf32, #tpu.memory_space<vmem>>) target(%dma_start3A_32 : memref<80x128xf32, #tpu.memory_space<vmem_shared>>) target_semaphore(%run_scoped3A : memref<!tpu.dma_semaphore, #tpu.memory_space<semaphore_mem>>)
          %dma_wait3A = arith.constant 0 : i32
          %dma_wait3A_33 = tpu.memref_slice %arg8[%mul3A_29, %dma_wait3A] : memref<10000x128xf32, #tpu.memory_space<vmem_shared>> -> memref<80x128xf32, #tpu.memory_space<vmem_shared>>
          %dma_wait3A_34 = arith.constant 0 : i32
          %dma_wait3A_35 = tpu.memref_slice %arg8[%mul3A_29, %dma_wait3A_34] : memref<10000x128xf32, #tpu.memory_space<vmem_shared>> -> memref<80x128xf32, #tpu.memory_space<vmem_shared>>
          tpu.wait_dma2 semaphore(%run_scoped3A : memref<!tpu.dma_semaphore, #tpu.memory_space<semaphore_mem>>) src(%arg7 : memref<80x128xf32, #tpu.memory_space<vmem>>) dst(%dma_wait3A_35 : memref<80x128xf32, #tpu.memory_space<vmem_shared>>)
          tpu.yield
        }) : () -> ()
      } else {
      }
    }
    %scan3A_10 = arith.constant 8 : i32
    %barrier3A = arith.constant 0 : index
    tpu.barrier barrier_id(%barrier3A)
    %scan3A_11 = arith.constant 0 : i32
    %scan3A_12 = arith.constant 0 : i32
    %scan3A_13 = arith.constant 79 : i32
    %scan3A_14 = arith.addi %scan3A_12, %scan3A_13 : i32
    %scan3A_15 = arith.constant 1 : i32
    scf.for %scan3A_24 = %scan3A_12 to %scan3A_14 step %scan3A_15  : i32 {
      %mul3A = arith.constant 16 : i32
      %mul3A_25 = arith.muli %scan3A_24, %mul3A : i32
      %add3A = arith.addi %arg1, %mul3A_25 : i32
      %lt3A = arith.constant 1250 : i32
      %lt3A_26 = arith.cmpi slt, %add3A, %lt3A : i32
      %convert_element_type3A = arith.extui %lt3A_26 : i1 to i32
      %cond3A = arith.constant 0 : i32
      %cond3A_27 = arith.cmpi ne, %convert_element_type3A, %cond3A : i32
      scf.if %cond3A_27 {
        %mul3A_28 = arith.constant 128 : i32
        %mul3A_29 = arith.muli %add3A, %mul3A_28 : i32
        "tpu.region"() ({
          %run_scoped3A = tpu.sem_alloc : memref<!tpu.dma_semaphore, #tpu.memory_space<semaphore_mem>>
          %dma_start3A = tpu.memref_slice %arg3[%mul3A_29] : memref<160000xi32, #tpu.memory_space<hbm>> -> memref<128xi32, #tpu.memory_space<hbm>>
          %dma_start3A_32 = tpu.memref_slice %arg3[%mul3A_29] : memref<160000xi32, #tpu.memory_space<hbm>> -> memref<128xi32, #tpu.memory_space<hbm>>
          tpu.enqueue_dma source(%dma_start3A_32 : memref<128xi32, #tpu.memory_space<hbm>>) target(%arg5 : memref<128xi32, #tpu.memory_space<vmem>>) target_semaphore(%run_scoped3A : memref<!tpu.dma_semaphore, #tpu.memory_space<semaphore_mem>>)
          %dma_wait3A = tpu.memref_slice %arg3[%mul3A_29] : memref<160000xi32, #tpu.memory_space<hbm>> -> memref<128xi32, #tpu.memory_space<hbm>>
          %dma_wait3A_33 = tpu.memref_slice %arg3[%mul3A_29] : memref<160000xi32, #tpu.memory_space<hbm>> -> memref<128xi32, #tpu.memory_space<hbm>>
          tpu.wait_dma2 semaphore(%run_scoped3A : memref<!tpu.dma_semaphore, #tpu.memory_space<semaphore_mem>>) src(%dma_wait3A_33 : memref<128xi32, #tpu.memory_space<hbm>>) dst(%arg5 : memref<128xi32, #tpu.memory_space<vmem>>)
          tpu.yield
        }) : () -> ()
        %mul3A_30 = arith.constant 128 : i32
        %mul3A_31 = arith.muli %arg0, %mul3A_30 : i32
        "tpu.region"() ({
          %run_scoped3A = tpu.sem_alloc : memref<!tpu.dma_semaphore, #tpu.memory_space<semaphore_mem>>
          %dma_start3A = tpu.memref_slice %arg2[%mul3A_29, %mul3A_31] : memref<160000x256xf32, #tpu.memory_space<hbm>> -> memref<128x128xf32, #tpu.memory_space<hbm>>
          %dma_start3A_32 = tpu.memref_slice %arg2[%mul3A_29, %mul3A_31] : memref<160000x256xf32, #tpu.memory_space<hbm>> -> memref<128x128xf32, #tpu.memory_space<hbm>>
          tpu.enqueue_dma source(%dma_start3A_32 : memref<128x128xf32, #tpu.memory_space<hbm>>) target(%arg6 : memref<128x128xf32, #tpu.memory_space<vmem>>) target_semaphore(%run_scoped3A : memref<!tpu.dma_semaphore, #tpu.memory_space<semaphore_mem>>)
          %dma_wait3A = tpu.memref_slice %arg2[%mul3A_29, %mul3A_31] : memref<160000x256xf32, #tpu.memory_space<hbm>> -> memref<128x128xf32, #tpu.memory_space<hbm>>
          %dma_wait3A_33 = tpu.memref_slice %arg2[%mul3A_29, %mul3A_31] : memref<160000x256xf32, #tpu.memory_space<hbm>> -> memref<128x128xf32, #tpu.memory_space<hbm>>
          tpu.wait_dma2 semaphore(%run_scoped3A : memref<!tpu.dma_semaphore, #tpu.memory_space<semaphore_mem>>) src(%dma_wait3A_33 : memref<128x128xf32, #tpu.memory_space<hbm>>) dst(%arg6 : memref<128x128xf32, #tpu.memory_space<vmem>>)
          tpu.yield
        }) : () -> ()
        "tpu.region"() ({
          %run_scoped3A = tpu.sem_alloc : memref<!tpu.dma_semaphore, #tpu.memory_space<semaphore_mem>>
          %dma_start3A = arith.constant 0 : i32
          %dma_start3A_32 = arith.constant 0 : i32
          %dma_start3A_33 = tpu.memref_slice %arg8[%dma_start3A, %dma_start3A_32] : memref<10000x128xf32, #tpu.memory_space<vmem_shared>> -> memref<10000x128xf32, #tpu.memory_space<vmem_shared>>
          tpu.enqueue_indirect_dma source(%arg6 : memref<128x128xf32, #tpu.memory_space<vmem>>) target(%dma_start3A_33 : memref<10000x128xf32, #tpu.memory_space<vmem_shared>>) offsets(%arg5 : memref<128xi32, #tpu.memory_space<vmem>>) semaphore(%run_scoped3A : memref<!tpu.dma_semaphore, #tpu.memory_space<semaphore_mem>>) {add = true}
          %dma_wait3A = arith.constant 0 : i32
          %dma_wait3A_34 = arith.constant 0 : i32
          %dma_wait3A_35 = tpu.memref_slice %arg8[%dma_wait3A, %dma_wait3A_34] : memref<10000x128xf32, #tpu.memory_space<vmem_shared>> -> memref<10000x128xf32, #tpu.memory_space<vmem_shared>>
          tpu.wait_indirect_dma semaphore(%run_scoped3A : memref<!tpu.dma_semaphore, #tpu.memory_space<semaphore_mem>>) src(%arg6 : memref<128x128xf32, #tpu.memory_space<vmem>>) dst(%dma_wait3A_35 : memref<10000x128xf32, #tpu.memory_space<vmem_shared>>)
          tpu.yield
        }) : () -> ()
      } else {
      }
    }
    %scan3A_16 = arith.constant 79 : i32
    %barrier3A_17 = arith.constant 0 : index
    tpu.barrier barrier_id(%barrier3A_17)
    %scan3A_18 = arith.constant 0 : i32
    %scan3A_19 = arith.constant 0 : i32
    %scan3A_20 = arith.constant 8 : i32
    %scan3A_21 = arith.addi %scan3A_19, %scan3A_20 : i32
    %scan3A_22 = arith.constant 1 : i32
    scf.for %scan3A_24 = %scan3A_19 to %scan3A_21 step %scan3A_22  : i32 {
      %mul3A = arith.constant 16 : i32
      %mul3A_25 = arith.muli %scan3A_24, %mul3A : i32
      %add3A = arith.addi %arg1, %mul3A_25 : i32
      %lt3A = arith.constant 125 : i32
      %lt3A_26 = arith.cmpi slt, %add3A, %lt3A : i32
      %convert_element_type3A = arith.extui %lt3A_26 : i1 to i32
      %cond3A = arith.constant 0 : i32
      %cond3A_27 = arith.cmpi ne, %convert_element_type3A, %cond3A : i32
      scf.if %cond3A_27 {
        %mul3A_28 = arith.constant 80 : i32
        %mul3A_29 = arith.muli %add3A, %mul3A_28 : i32
        %mul3A_30 = arith.constant 128 : i32
        %mul3A_31 = arith.muli %arg0, %mul3A_30 : i32
        "tpu.region"() ({
          %run_scoped3A = tpu.sem_alloc : memref<!tpu.dma_semaphore, #tpu.memory_space<semaphore_mem>>
          %dma_start3A = tpu.memref_slice %arg4[%mul3A_29, %mul3A_31] : memref<10000x256xf32, #tpu.memory_space<hbm>> -> memref<80x128xf32, #tpu.memory_space<hbm>>
          %dma_start3A_32 = arith.constant 0 : i32
          %dma_start3A_33 = tpu.memref_slice %arg8[%mul3A_29, %dma_start3A_32] : memref<10000x128xf32, #tpu.memory_space<vmem_shared>> -> memref<80x128xf32, #tpu.memory_space<vmem_shared>>
          tpu.enqueue_dma source(%dma_start3A_33 : memref<80x128xf32, #tpu.memory_space<vmem_shared>>) target(%dma_start3A : memref<80x128xf32, #tpu.memory_space<hbm>>) target_semaphore(%run_scoped3A : memref<!tpu.dma_semaphore, #tpu.memory_space<semaphore_mem>>)
          %dma_wait3A = tpu.memref_slice %arg4[%mul3A_29, %mul3A_31] : memref<10000x256xf32, #tpu.memory_space<hbm>> -> memref<80x128xf32, #tpu.memory_space<hbm>>
          %dma_wait3A_34 = arith.constant 0 : i32
          %dma_wait3A_35 = tpu.memref_slice %arg8[%mul3A_29, %dma_wait3A_34] : memref<10000x128xf32, #tpu.memory_space<vmem_shared>> -> memref<80x128xf32, #tpu.memory_space<vmem_shared>>
          tpu.wait_dma2 semaphore(%run_scoped3A : memref<!tpu.dma_semaphore, #tpu.memory_space<semaphore_mem>>) src(%dma_wait3A_35 : memref<80x128xf32, #tpu.memory_space<vmem_shared>>) dst(%dma_wait3A : memref<80x128xf32, #tpu.memory_space<hbm>>)
          tpu.yield
        }) : () -> ()
      } else {
      }
    }
    %scan3A_23 = arith.constant 8 : i32
    return
  }
}

#map = affine_map<(d0, d1) -> (0, 0)>
#map1 = affine_map<(d0, d1) -> (0)>
module attributes {stable_mosaic.version = 14 : i64} {
  func.func @_scatter_body(%arg0: i32, %arg1: i32, %arg2: memref<160000x256xf32, #tpu.memory_space<hbm>>, %arg3: memref<160000xi32, #tpu.memory_space<hbm>>, %arg4: memref<10000x256xf32, #tpu.memory_space<hbm>>, %arg5: memref<128xi32, #tpu.memory_space<vmem>>, %arg6: memref<128x128xf32, #tpu.memory_space<vmem>>, %arg7: memref<80x128xf32, #tpu.memory_space<vmem>>, %arg8: memref<10000x128xf32, #tpu.memory_space<vmem_shared>>) attributes {dimension_semantics = [#tpu.dimension_semantics<core_parallel>, #tpu.dimension_semantics<subcore_parallel>], iteration_bounds = array<i64: 2, 16>, scalar_prefetch = 0 : i64, scratch_operands = 4 : i64, tpu.core_type = #tpu.core_type<sc_vector_subcore>, window_params = [{transform_indices = #map}, {transform_indices = #map1}, {transform_indices = #map}]} {
    %scan3A = arith.constant 0 : i32
    %scan3A_0 = arith.constant 0 : i32
    %scan3A_1 = arith.constant 640 : i32
    %scan3A_2 = arith.addi %scan3A_0, %scan3A_1 : i32
    %scan3A_3 = arith.constant 1 : i32
    scf.for %scan3A_24 = %scan3A_0 to %scan3A_2 step %scan3A_3  : i32 {
      %jit3A = arith.constant 8 : i32
      %div3A = arith.divsi %scan3A_24, %jit3A : i32
      %sign3A = arith.constant 0 : i32
      %sign3A_25 = arith.cmpi sgt, %scan3A_24, %sign3A : i32
      %sign3A_26 = arith.extui %sign3A_25 : i1 to i32
      %sign3A_27 = arith.constant 0 : i32
      %sign3A_28 = arith.cmpi slt, %scan3A_24, %sign3A_27 : i32
      %sign3A_29 = arith.extui %sign3A_28 : i1 to i32
      %sign3A_30 = arith.subi %sign3A_26, %sign3A_29 : i32
      %sign3A_31 = arith.constant 0 : i32
      %sign3A_32 = arith.cmpi sgt, %jit3A, %sign3A_31 : i32
      %sign3A_33 = arith.extui %sign3A_32 : i1 to i32
      %sign3A_34 = arith.constant 0 : i32
      %sign3A_35 = arith.cmpi slt, %jit3A, %sign3A_34 : i32
      %sign3A_36 = arith.extui %sign3A_35 : i1 to i32
      %sign3A_37 = arith.subi %sign3A_33, %sign3A_36 : i32
      %ne3A = arith.cmpi ne, %sign3A_30, %sign3A_37 : i32
      %rem3A = arith.remsi %scan3A_24, %jit3A : i32
      %ne3A_38 = arith.constant 0 : i32
      %ne3A_39 = arith.cmpi ne, %rem3A, %ne3A_38 : i32
      %and3A = arith.andi %ne3A, %ne3A_39 : i1
      %sub3A = arith.constant 1 : i32
      %sub3A_40 = arith.subi %div3A, %sub3A : i32
      %select_n3A = arith.select %and3A, %sub3A_40, %div3A : i32
      %jit3A_41 = arith.constant 8 : i32
      %eq3A = arith.constant 0 : i32
      %eq3A_42 = arith.cmpi eq, %jit3A_41, %eq3A : i32
      %jit3A_43 = arith.constant 1 : i32
      %select_n3A_44 = arith.select %eq3A_42, %jit3A_43, %jit3A_41 : i32
      %rem3A_45 = arith.remsi %scan3A_24, %select_n3A_44 : i32
      %ne3A_46 = arith.constant 0 : i32
      %ne3A_47 = arith.cmpi ne, %rem3A_45, %ne3A_46 : i32
      %lt3A = arith.constant 0 : i32
      %lt3A_48 = arith.cmpi slt, %rem3A_45, %lt3A : i32
      %lt3A_49 = arith.constant 0 : i32
      %lt3A_50 = arith.cmpi slt, %select_n3A_44, %lt3A_49 : i32
      %ne3A_51 = arith.xori %lt3A_48, %lt3A_50 : i1
      %and3A_52 = arith.andi %ne3A_51, %ne3A_47 : i1
      %add3A = arith.addi %rem3A_45, %select_n3A_44 : i32
      %select_n3A_53 = arith.select %and3A_52, %add3A, %rem3A_45 : i32
      %broadcast_in_dim3A = arith.constant 0.000000e+00 : f32
      %broadcast_in_dim3A_54 = vector.broadcast %broadcast_in_dim3A : f32 to vector<16xf32>
      %mul3A = arith.constant 16 : i32
      %mul3A_55 = arith.muli %select_n3A_53, %mul3A : i32
      %swap3A = arith.index_cast %select_n3A : i32 to index
      %swap3A_56 = arith.index_cast %mul3A_55 : i32 to index
      %swap3A_57 = tpu.vector_load %arg7[%swap3A, %swap3A_56] {strides = array<i32>} : memref<80x128xf32, #tpu.memory_space<vmem>>, vector<1x16xf32>,
      %swap3A_58 = vector.shape_cast %swap3A_57 : vector<1x16xf32> to vector<16xf32>
      %swap3A_59 = vector.shape_cast %broadcast_in_dim3A_54 : vector<16xf32> to vector<1x16xf32>
      tpu.vector_store %arg7[%swap3A, %swap3A_56], %swap3A_59 {strides = array<i32>} : memref<80x128xf32, #tpu.memory_space<vmem>>, vector<1x16xf32>,
    }
    %scan3A_4 = arith.constant 640 : i32
    %scan3A_5 = arith.constant 0 : i32
    %scan3A_6 = arith.constant 0 : i32
    %scan3A_7 = arith.constant 8 : i32
    %scan3A_8 = arith.addi %scan3A_6, %scan3A_7 : i32
    %scan3A_9 = arith.constant 1 : i32
    scf.for %scan3A_24 = %scan3A_6 to %scan3A_8 step %scan3A_9  : i32 {
      %mul3A = arith.constant 16 : i32
      %mul3A_25 = arith.muli %scan3A_24, %mul3A : i32
      %add3A = arith.addi %arg1, %mul3A_25 : i32
      %lt3A = arith.constant 125 : i32
      %lt3A_26 = arith.cmpi slt, %add3A, %lt3A : i32
      %convert_element_type3A = arith.extui %lt3A_26 : i1 to i32
      %cond3A = arith.constant 0 : i32
      %cond3A_27 = arith.cmpi ne, %convert_element_type3A, %cond3A : i32
      scf.if %cond3A_27 {
        %mul3A_28 = arith.constant 80 : i32
        %mul3A_29 = arith.muli %add3A, %mul3A_28 : i32
        "tpu.region"() ({
          %run_scoped3A = tpu.sem_alloc : memref<!tpu.dma_semaphore, #tpu.memory_space<semaphore_mem>>
          %dma_start3A = arith.constant 0 : i32
          %dma_start3A_30 = tpu.memref_slice %arg8[%mul3A_29, %dma_start3A] : memref<10000x128xf32, #tpu.memory_space<vmem_shared>> -> memref<80x128xf32, #tpu.memory_space<vmem_shared>>
          %dma_start3A_31 = arith.constant 0 : i32
          %dma_start3A_32 = tpu.memref_slice %arg8[%mul3A_29, %dma_start3A_31] : memref<10000x128xf32, #tpu.memory_space<vmem_shared>> -> memref<80x128xf32, #tpu.memory_space<vmem_shared>>
          tpu.enqueue_dma source(%arg7 : memref<80x128xf32, #tpu.memory_space<vmem>>) target(%dma_start3A_32 : memref<80x128xf32, #tpu.memory_space<vmem_shared>>) target_semaphore(%run_scoped3A : memref<!tpu.dma_semaphore, #tpu.memory_space<semaphore_mem>>)
          %dma_wait3A = arith.constant 0 : i32
          %dma_wait3A_33 = tpu.memref_slice %arg8[%mul3A_29, %dma_wait3A] : memref<10000x128xf32, #tpu.memory_space<vmem_shared>> -> memref<80x128xf32, #tpu.memory_space<vmem_shared>>
          %dma_wait3A_34 = arith.constant 0 : i32
          %dma_wait3A_35 = tpu.memref_slice %arg8[%mul3A_29, %dma_wait3A_34] : memref<10000x128xf32, #tpu.memory_space<vmem_shared>> -> memref<80x128xf32, #tpu.memory_space<vmem_shared>>
          tpu.wait_dma2 semaphore(%run_scoped3A : memref<!tpu.dma_semaphore, #tpu.memory_space<semaphore_mem>>) src(%arg7 : memref<80x128xf32, #tpu.memory_space<vmem>>) dst(%dma_wait3A_35 : memref<80x128xf32, #tpu.memory_space<vmem_shared>>)
          tpu.yield
        }) : () -> ()
      } else {
      }
    }
    %scan3A_10 = arith.constant 8 : i32
    %barrier3A = arith.constant 0 : index
    tpu.barrier barrier_id(%barrier3A)
    %scan3A_11 = arith.constant 0 : i32
    %scan3A_12 = arith.constant 0 : i32
    %scan3A_13 = arith.constant 79 : i32
    %scan3A_14 = arith.addi %scan3A_12, %scan3A_13 : i32
    %scan3A_15 = arith.constant 1 : i32
    scf.for %scan3A_24 = %scan3A_12 to %scan3A_14 step %scan3A_15  : i32 {
      %mul3A = arith.constant 16 : i32
      %mul3A_25 = arith.muli %scan3A_24, %mul3A : i32
      %add3A = arith.addi %arg1, %mul3A_25 : i32
      %lt3A = arith.constant 1250 : i32
      %lt3A_26 = arith.cmpi slt, %add3A, %lt3A : i32
      %convert_element_type3A = arith.extui %lt3A_26 : i1 to i32
      %cond3A = arith.constant 0 : i32
      %cond3A_27 = arith.cmpi ne, %convert_element_type3A, %cond3A : i32
      scf.if %cond3A_27 {
        %mul3A_28 = arith.constant 128 : i32
        %mul3A_29 = arith.muli %add3A, %mul3A_28 : i32
        "tpu.region"() ({
          %run_scoped3A = tpu.sem_alloc : memref<!tpu.dma_semaphore, #tpu.memory_space<semaphore_mem>>
          %dma_start3A = tpu.memref_slice %arg3[%mul3A_29] : memref<160000xi32, #tpu.memory_space<hbm>> -> memref<128xi32, #tpu.memory_space<hbm>>
          %dma_start3A_32 = tpu.memref_slice %arg3[%mul3A_29] : memref<160000xi32, #tpu.memory_space<hbm>> -> memref<128xi32, #tpu.memory_space<hbm>>
          tpu.enqueue_dma source(%dma_start3A_32 : memref<128xi32, #tpu.memory_space<hbm>>) target(%arg5 : memref<128xi32, #tpu.memory_space<vmem>>) target_semaphore(%run_scoped3A : memref<!tpu.dma_semaphore, #tpu.memory_space<semaphore_mem>>)
          %dma_wait3A = tpu.memref_slice %arg3[%mul3A_29] : memref<160000xi32, #tpu.memory_space<hbm>> -> memref<128xi32, #tpu.memory_space<hbm>>
          %dma_wait3A_33 = tpu.memref_slice %arg3[%mul3A_29] : memref<160000xi32, #tpu.memory_space<hbm>> -> memref<128xi32, #tpu.memory_space<hbm>>
          tpu.wait_dma2 semaphore(%run_scoped3A : memref<!tpu.dma_semaphore, #tpu.memory_space<semaphore_mem>>) src(%dma_wait3A_33 : memref<128xi32, #tpu.memory_space<hbm>>) dst(%arg5 : memref<128xi32, #tpu.memory_space<vmem>>)
          tpu.yield
        }) : () -> ()
        %mul3A_30 = arith.constant 128 : i32
        %mul3A_31 = arith.muli %arg0, %mul3A_30 : i32
        "tpu.region"() ({
          %run_scoped3A = tpu.sem_alloc : memref<!tpu.dma_semaphore, #tpu.memory_space<semaphore_mem>>
          %dma_start3A = tpu.memref_slice %arg2[%mul3A_29, %mul3A_31] : memref<160000x256xf32, #tpu.memory_space<hbm>> -> memref<128x128xf32, #tpu.memory_space<hbm>>
          %dma_start3A_32 = tpu.memref_slice %arg2[%mul3A_29, %mul3A_31] : memref<160000x256xf32, #tpu.memory_space<hbm>> -> memref<128x128xf32, #tpu.memory_space<hbm>>
          tpu.enqueue_dma source(%dma_start3A_32 : memref<128x128xf32, #tpu.memory_space<hbm>>) target(%arg6 : memref<128x128xf32, #tpu.memory_space<vmem>>) target_semaphore(%run_scoped3A : memref<!tpu.dma_semaphore, #tpu.memory_space<semaphore_mem>>)
          %dma_wait3A = tpu.memref_slice %arg2[%mul3A_29, %mul3A_31] : memref<160000x256xf32, #tpu.memory_space<hbm>> -> memref<128x128xf32, #tpu.memory_space<hbm>>
          %dma_wait3A_33 = tpu.memref_slice %arg2[%mul3A_29, %mul3A_31] : memref<160000x256xf32, #tpu.memory_space<hbm>> -> memref<128x128xf32, #tpu.memory_space<hbm>>
          tpu.wait_dma2 semaphore(%run_scoped3A : memref<!tpu.dma_semaphore, #tpu.memory_space<semaphore_mem>>) src(%dma_wait3A_33 : memref<128x128xf32, #tpu.memory_space<hbm>>) dst(%arg6 : memref<128x128xf32, #tpu.memory_space<vmem>>)
          tpu.yield
        }) : () -> ()
        "tpu.region"() ({
          %run_scoped3A = tpu.sem_alloc : memref<!tpu.dma_semaphore, #tpu.memory_space<semaphore_mem>>
          %dma_start3A = arith.constant 0 : i32
          %dma_start3A_32 = arith.constant 0 : i32
          %dma_start3A_33 = tpu.memref_slice %arg8[%dma_start3A, %dma_start3A_32] : memref<10000x128xf32, #tpu.memory_space<vmem_shared>> -> memref<10000x128xf32, #tpu.memory_space<vmem_shared>>
          tpu.enqueue_indirect_dma source(%arg6 : memref<128x128xf32, #tpu.memory_space<vmem>>) target(%dma_start3A_33 : memref<10000x128xf32, #tpu.memory_space<vmem_shared>>) offsets(%arg5 : memref<128xi32, #tpu.memory_space<vmem>>) semaphore(%run_scoped3A : memref<!tpu.dma_semaphore, #tpu.memory_space<semaphore_mem>>) {add = true}
          %dma_wait3A = arith.constant 0 : i32
          %dma_wait3A_34 = arith.constant 0 : i32
          %dma_wait3A_35 = tpu.memref_slice %arg8[%dma_wait3A, %dma_wait3A_34] : memref<10000x128xf32, #tpu.memory_space<vmem_shared>> -> memref<10000x128xf32, #tpu.memory_space<vmem_shared>>
          tpu.wait_indirect_dma semaphore(%run_scoped3A : memref<!tpu.dma_semaphore, #tpu.memory_space<semaphore_mem>>) src(%arg6 : memref<128x128xf32, #tpu.memory_space<vmem>>) dst(%dma_wait3A_35 : memref<10000x128xf32, #tpu.memory_space<vmem_shared>>)
          tpu.yield
        }) : () -> ()
      } else {
      }
    }
    %scan3A_16 = arith.constant 79 : i32
    %barrier3A_17 = arith.constant 0 : index
    tpu.barrier barrier_id(%barrier3A_17)
    %scan3A_18 = arith.constant 0 : i32
    %scan3A_19 = arith.constant 0 : i32
    %scan3A_20 = arith.constant 8 : i32
    %scan3A_21 = arith.addi %scan3A_19, %scan3A_20 : i32
    %scan3A_22 = arith.constant 1 : i32
    scf.for %scan3A_24 = %scan3A_19 to %scan3A_21 step %scan3A_22  : i32 {
      %mul3A = arith.constant 16 : i32
      %mul3A_25 = arith.muli %scan3A_24, %mul3A : i32
      %add3A = arith.addi %arg1, %mul3A_25 : i32
      %lt3A = arith.constant 125 : i32
      %lt3A_26 = arith.cmpi slt, %add3A, %lt3A : i32
      %convert_element_type3A = arith.extui %lt3A_26 : i1 to i32
      %cond3A = arith.constant 0 : i32
      %cond3A_27 = arith.cmpi ne, %convert_element_type3A, %cond3A : i32
      scf.if %cond3A_27 {
        %mul3A_28 = arith.constant 80 : i32
        %mul3A_29 = arith.muli %add3A, %mul3A_28 : i32
        %mul3A_30 = arith.constant 128 : i32
        %mul3A_31 = arith.muli %arg0, %mul3A_30 : i32
        "tpu.region"() ({
          %run_scoped3A = tpu.sem_alloc : memref<!tpu.dma_semaphore, #tpu.memory_space<semaphore_mem>>
          %dma_start3A = tpu.memref_slice %arg4[%mul3A_29, %mul3A_31] : memref<10000x256xf32, #tpu.memory_space<hbm>> -> memref<80x128xf32, #tpu.memory_space<hbm>>
          %dma_start3A_32 = arith.constant 0 : i32
          %dma_start3A_33 = tpu.memref_slice %arg8[%mul3A_29, %dma_start3A_32] : memref<10000x128xf32, #tpu.memory_space<vmem_shared>> -> memref<80x128xf32, #tpu.memory_space<vmem_shared>>
          tpu.enqueue_dma source(%dma_start3A_33 : memref<80x128xf32, #tpu.memory_space<vmem_shared>>) target(%dma_start3A : memref<80x128xf32, #tpu.memory_space<hbm>>) target_semaphore(%run_scoped3A : memref<!tpu.dma_semaphore, #tpu.memory_space<semaphore_mem>>)
          %dma_wait3A = tpu.memref_slice %arg4[%mul3A_29, %mul3A_31] : memref<10000x256xf32, #tpu.memory_space<hbm>> -> memref<80x128xf32, #tpu.memory_space<hbm>>
          %dma_wait3A_34 = arith.constant 0 : i32
          %dma_wait3A_35 = tpu.memref_slice %arg8[%mul3A_29, %dma_wait3A_34] : memref<10000x128xf32, #tpu.memory_space<vmem_shared>> -> memref<80x128xf32, #tpu.memory_space<vmem_shared>>
          tpu.wait_dma2 semaphore(%run_scoped3A : memref<!tpu.dma_semaphore, #tpu.memory_space<semaphore_mem>>) src(%dma_wait3A_35 : memref<80x128xf32, #tpu.memory_space<vmem_shared>>) dst(%dma_wait3A : memref<80x128xf32, #tpu.memory_space<hbm>>)
          tpu.yield
        }) : () -> ()
      } else {
      }
    }
    %scan3A_23 = arith.constant 8 : i32
    return
  }
}

#map = affine_map<(d0, d1) -> (0, 0)>
#map1 = affine_map<(d0, d1) -> (0)>
module attributes {stable_mosaic.version = 14 : i64} {
  func.func @_gather2_body(%arg0: i32, %arg1: i32, %arg2: memref<10000x256xf32, #tpu.memory_space<hbm>>, %arg3: memref<160000x256xf32, #tpu.memory_space<hbm>>, %arg4: memref<160000xi32, #tpu.memory_space<hbm>>, %arg5: memref<160000xi32, #tpu.memory_space<hbm>>, %arg6: memref<160000x256xf32, #tpu.memory_space<hbm>>, %arg7: memref<160000x256xf32, #tpu.memory_space<hbm>>, %arg8: memref<128xi32, #tpu.memory_space<vmem>>, %arg9: memref<128xi32, #tpu.memory_space<vmem>>, %arg10: memref<128x256xf32, #tpu.memory_space<vmem>>, %arg11: memref<128x256xf32, #tpu.memory_space<vmem>>, %arg12: memref<!tpu.dma_semaphore, #tpu.memory_space<semaphore_mem>>, %arg13: memref<!tpu.dma_semaphore, #tpu.memory_space<semaphore_mem>>) attributes {dimension_semantics = [#tpu.dimension_semantics<core_parallel>, #tpu.dimension_semantics<subcore_parallel>], iteration_bounds = array<i64: 2, 16>, scalar_prefetch = 0 : i64, scratch_operands = 6 : i64, tpu.core_type = #tpu.core_type<sc_vector_subcore>, window_params = [{transform_indices = #map}, {transform_indices = #map}, {transform_indices = #map1}, {transform_indices = #map1}, {transform_indices = #map}, {transform_indices = #map}]} {
    %mul3A = arith.constant 2 : i32
    %mul3A_0 = arith.muli %arg1, %mul3A : i32
    %add3A = arith.addi %mul3A_0, %arg0 : i32
    %scan3A = arith.constant 0 : i32
    %scan3A_1 = arith.constant 0 : i32
    %scan3A_2 = arith.constant 40 : i32
    %scan3A_3 = arith.addi %scan3A_1, %scan3A_2 : i32
    %scan3A_4 = arith.constant 1 : i32
    scf.for %scan3A_6 = %scan3A_1 to %scan3A_3 step %scan3A_4  : i32 {
      %mul3A_7 = arith.constant 32 : i32
      %mul3A_8 = arith.muli %scan3A_6, %mul3A_7 : i32
      %add3A_9 = arith.addi %add3A, %mul3A_8 : i32
      %lt3A = arith.constant 1250 : i32
      %lt3A_10 = arith.cmpi slt, %add3A_9, %lt3A : i32
      %convert_element_type3A = arith.extui %lt3A_10 : i1 to i32
      %cond3A = arith.constant 0 : i32
      %cond3A_11 = arith.cmpi ne, %convert_element_type3A, %cond3A : i32
      scf.if %cond3A_11 {
        %mul3A_12 = arith.constant 128 : i32
        %mul3A_13 = arith.muli %add3A_9, %mul3A_12 : i32
        "tpu.region"() ({
          %run_scoped3A = tpu.sem_alloc : memref<!tpu.dma_semaphore, #tpu.memory_space<semaphore_mem>>
          %dma_start3A_24 = tpu.memref_slice %arg4[%mul3A_13] : memref<160000xi32, #tpu.memory_space<hbm>> -> memref<128xi32, #tpu.memory_space<hbm>>
          %dma_start3A_25 = tpu.memref_slice %arg4[%mul3A_13] : memref<160000xi32, #tpu.memory_space<hbm>> -> memref<128xi32, #tpu.memory_space<hbm>>
          tpu.enqueue_dma source(%dma_start3A_25 : memref<128xi32, #tpu.memory_space<hbm>>) target(%arg8 : memref<128xi32, #tpu.memory_space<vmem>>) target_semaphore(%run_scoped3A : memref<!tpu.dma_semaphore, #tpu.memory_space<semaphore_mem>>)
          %dma_wait3A_26 = tpu.memref_slice %arg4[%mul3A_13] : memref<160000xi32, #tpu.memory_space<hbm>> -> memref<128xi32, #tpu.memory_space<hbm>>
          %dma_wait3A_27 = tpu.memref_slice %arg4[%mul3A_13] : memref<160000xi32, #tpu.memory_space<hbm>> -> memref<128xi32, #tpu.memory_space<hbm>>
          tpu.wait_dma2 semaphore(%run_scoped3A : memref<!tpu.dma_semaphore, #tpu.memory_space<semaphore_mem>>) src(%dma_wait3A_27 : memref<128xi32, #tpu.memory_space<hbm>>) dst(%arg8 : memref<128xi32, #tpu.memory_space<vmem>>)
          tpu.yield
        }) : () -> ()
        "tpu.region"() ({
          %run_scoped3A = tpu.sem_alloc : memref<!tpu.dma_semaphore, #tpu.memory_space<semaphore_mem>>
          %dma_start3A_24 = tpu.memref_slice %arg5[%mul3A_13] : memref<160000xi32, #tpu.memory_space<hbm>> -> memref<128xi32, #tpu.memory_space<hbm>>
          %dma_start3A_25 = tpu.memref_slice %arg5[%mul3A_13] : memref<160000xi32, #tpu.memory_space<hbm>> -> memref<128xi32, #tpu.memory_space<hbm>>
          tpu.enqueue_dma source(%dma_start3A_25 : memref<128xi32, #tpu.memory_space<hbm>>) target(%arg9 : memref<128xi32, #tpu.memory_space<vmem>>) target_semaphore(%run_scoped3A : memref<!tpu.dma_semaphore, #tpu.memory_space<semaphore_mem>>)
          %dma_wait3A_26 = tpu.memref_slice %arg5[%mul3A_13] : memref<160000xi32, #tpu.memory_space<hbm>> -> memref<128xi32, #tpu.memory_space<hbm>>
          %dma_wait3A_27 = tpu.memref_slice %arg5[%mul3A_13] : memref<160000xi32, #tpu.memory_space<hbm>> -> memref<128xi32, #tpu.memory_space<hbm>>
          tpu.wait_dma2 semaphore(%run_scoped3A : memref<!tpu.dma_semaphore, #tpu.memory_space<semaphore_mem>>) src(%dma_wait3A_27 : memref<128xi32, #tpu.memory_space<hbm>>) dst(%arg9 : memref<128xi32, #tpu.memory_space<vmem>>)
          tpu.yield
        }) : () -> ()
        %dma_start3A = arith.constant 0 : i32
        %dma_start3A_14 = arith.constant 0 : i32
        %dma_start3A_15 = tpu.memref_slice %arg2[%dma_start3A, %dma_start3A_14] : memref<10000x256xf32, #tpu.memory_space<hbm>> -> memref<10000x256xf32, #tpu.memory_space<hbm>>
        tpu.enqueue_indirect_dma source(%dma_start3A_15 : memref<10000x256xf32, #tpu.memory_space<hbm>>) target(%arg10 : memref<128x256xf32, #tpu.memory_space<vmem>>) offsets(%arg8 : memref<128xi32, #tpu.memory_space<vmem>>) semaphore(%arg12 : memref<!tpu.dma_semaphore, #tpu.memory_space<semaphore_mem>>)
        %dma_start3A_16 = arith.constant 0 : i32
        %dma_start3A_17 = arith.constant 0 : i32
        %dma_start3A_18 = tpu.memref_slice %arg3[%dma_start3A_16, %dma_start3A_17] : memref<160000x256xf32, #tpu.memory_space<hbm>> -> memref<160000x256xf32, #tpu.memory_space<hbm>>
        tpu.enqueue_indirect_dma source(%dma_start3A_18 : memref<160000x256xf32, #tpu.memory_space<hbm>>) target(%arg11 : memref<128x256xf32, #tpu.memory_space<vmem>>) offsets(%arg9 : memref<128xi32, #tpu.memory_space<vmem>>) semaphore(%arg13 : memref<!tpu.dma_semaphore, #tpu.memory_space<semaphore_mem>>)
        %dma_wait3A = arith.constant 0 : i32
        %dma_wait3A_19 = arith.constant 0 : i32
        %dma_wait3A_20 = tpu.memref_slice %arg2[%dma_wait3A, %dma_wait3A_19] : memref<10000x256xf32, #tpu.memory_space<hbm>> -> memref<10000x256xf32, #tpu.memory_space<hbm>>
        tpu.wait_indirect_dma semaphore(%arg12 : memref<!tpu.dma_semaphore, #tpu.memory_space<semaphore_mem>>) src(%dma_wait3A_20 : memref<10000x256xf32, #tpu.memory_space<hbm>>) dst(%arg10 : memref<128x256xf32, #tpu.memory_space<vmem>>)
        %dma_wait3A_21 = arith.constant 0 : i32
        %dma_wait3A_22 = arith.constant 0 : i32
        %dma_wait3A_23 = tpu.memref_slice %arg3[%dma_wait3A_21, %dma_wait3A_22] : memref<160000x256xf32, #tpu.memory_space<hbm>> -> memref<160000x256xf32, #tpu.memory_space<hbm>>
        tpu.wait_indirect_dma semaphore(%arg13 : memref<!tpu.dma_semaphore, #tpu.memory_space<semaphore_mem>>) src(%dma_wait3A_23 : memref<160000x256xf32, #tpu.memory_space<hbm>>) dst(%arg11 : memref<128x256xf32, #tpu.memory_space<vmem>>)
        "tpu.region"() ({
          %run_scoped3A = tpu.sem_alloc : memref<!tpu.dma_semaphore, #tpu.memory_space<semaphore_mem>>
          %dma_start3A_24 = arith.constant 0 : i32
          %dma_start3A_25 = tpu.memref_slice %arg6[%mul3A_13, %dma_start3A_24] : memref<160000x256xf32, #tpu.memory_space<hbm>> -> memref<128x256xf32, #tpu.memory_space<hbm>>
          %dma_start3A_26 = arith.constant 0 : i32
          %dma_start3A_27 = tpu.memref_slice %arg6[%mul3A_13, %dma_start3A_26] : memref<160000x256xf32, #tpu.memory_space<hbm>> -> memref<128x256xf32, #tpu.memory_space<hbm>>
          tpu.enqueue_dma source(%arg10 : memref<128x256xf32, #tpu.memory_space<vmem>>) target(%dma_start3A_27 : memref<128x256xf32, #tpu.memory_space<hbm>>) target_semaphore(%run_scoped3A : memref<!tpu.dma_semaphore, #tpu.memory_space<semaphore_mem>>)
          %dma_wait3A_28 = arith.constant 0 : i32
          %dma_wait3A_29 = tpu.memref_slice %arg6[%mul3A_13, %dma_wait3A_28] : memref<160000x256xf32, #tpu.memory_space<hbm>> -> memref<128x256xf32, #tpu.memory_space<hbm>>
          %dma_wait3A_30 = arith.constant 0 : i32
          %dma_wait3A_31 = tpu.memref_slice %arg6[%mul3A_13, %dma_wait3A_30] : memref<160000x256xf32, #tpu.memory_space<hbm>> -> memref<128x256xf32, #tpu.memory_space<hbm>>
          tpu.wait_dma2 semaphore(%run_scoped3A : memref<!tpu.dma_semaphore, #tpu.memory_space<semaphore_mem>>) src(%arg10 : memref<128x256xf32, #tpu.memory_space<vmem>>) dst(%dma_wait3A_31 : memref<128x256xf32, #tpu.memory_space<hbm>>)
          tpu.yield
        }) : () -> ()
        "tpu.region"() ({
          %run_scoped3A = tpu.sem_alloc : memref<!tpu.dma_semaphore, #tpu.memory_space<semaphore_mem>>
          %dma_start3A_24 = arith.constant 0 : i32
          %dma_start3A_25 = tpu.memref_slice %arg7[%mul3A_13, %dma_start3A_24] : memref<160000x256xf32, #tpu.memory_space<hbm>> -> memref<128x256xf32, #tpu.memory_space<hbm>>
          %dma_start3A_26 = arith.constant 0 : i32
          %dma_start3A_27 = tpu.memref_slice %arg7[%mul3A_13, %dma_start3A_26] : memref<160000x256xf32, #tpu.memory_space<hbm>> -> memref<128x256xf32, #tpu.memory_space<hbm>>
          tpu.enqueue_dma source(%arg11 : memref<128x256xf32, #tpu.memory_space<vmem>>) target(%dma_start3A_27 : memref<128x256xf32, #tpu.memory_space<hbm>>) target_semaphore(%run_scoped3A : memref<!tpu.dma_semaphore, #tpu.memory_space<semaphore_mem>>)
          %dma_wait3A_28 = arith.constant 0 : i32
          %dma_wait3A_29 = tpu.memref_slice %arg7[%mul3A_13, %dma_wait3A_28] : memref<160000x256xf32, #tpu.memory_space<hbm>> -> memref<128x256xf32, #tpu.memory_space<hbm>>
          %dma_wait3A_30 = arith.constant 0 : i32
          %dma_wait3A_31 = tpu.memref_slice %arg7[%mul3A_13, %dma_wait3A_30] : memref<160000x256xf32, #tpu.memory_space<hbm>> -> memref<128x256xf32, #tpu.memory_space<hbm>>
          tpu.wait_dma2 semaphore(%run_scoped3A : memref<!tpu.dma_semaphore, #tpu.memory_space<semaphore_mem>>) src(%arg11 : memref<128x256xf32, #tpu.memory_space<vmem>>) dst(%dma_wait3A_31 : memref<128x256xf32, #tpu.memory_space<hbm>>)
          tpu.yield
        }) : () -> ()
      } else {
      }
    }
    %scan3A_5 = arith.constant 40 : i32
    return
  }
}

#map = affine_map<(d0, d1) -> (0, 0)>
#map1 = affine_map<(d0, d1) -> (0)>
module attributes {stable_mosaic.version = 14 : i64} {
  func.func @_gather2_body(%arg0: i32, %arg1: i32, %arg2: memref<10000x256xf32, #tpu.memory_space<hbm>>, %arg3: memref<160000x256xf32, #tpu.memory_space<hbm>>, %arg4: memref<160000xi32, #tpu.memory_space<hbm>>, %arg5: memref<160000xi32, #tpu.memory_space<hbm>>, %arg6: memref<160000x256xf32, #tpu.memory_space<hbm>>, %arg7: memref<160000x256xf32, #tpu.memory_space<hbm>>, %arg8: memref<128xi32, #tpu.memory_space<vmem>>, %arg9: memref<128xi32, #tpu.memory_space<vmem>>, %arg10: memref<128x256xf32, #tpu.memory_space<vmem>>, %arg11: memref<128x256xf32, #tpu.memory_space<vmem>>, %arg12: memref<!tpu.dma_semaphore, #tpu.memory_space<semaphore_mem>>, %arg13: memref<!tpu.dma_semaphore, #tpu.memory_space<semaphore_mem>>) attributes {dimension_semantics = [#tpu.dimension_semantics<core_parallel>, #tpu.dimension_semantics<subcore_parallel>], iteration_bounds = array<i64: 2, 16>, scalar_prefetch = 0 : i64, scratch_operands = 6 : i64, tpu.core_type = #tpu.core_type<sc_vector_subcore>, window_params = [{transform_indices = #map}, {transform_indices = #map}, {transform_indices = #map1}, {transform_indices = #map1}, {transform_indices = #map}, {transform_indices = #map}]} {
    %mul3A = arith.constant 2 : i32
    %mul3A_0 = arith.muli %arg1, %mul3A : i32
    %add3A = arith.addi %mul3A_0, %arg0 : i32
    %scan3A = arith.constant 0 : i32
    %scan3A_1 = arith.constant 0 : i32
    %scan3A_2 = arith.constant 40 : i32
    %scan3A_3 = arith.addi %scan3A_1, %scan3A_2 : i32
    %scan3A_4 = arith.constant 1 : i32
    scf.for %scan3A_6 = %scan3A_1 to %scan3A_3 step %scan3A_4  : i32 {
      %mul3A_7 = arith.constant 32 : i32
      %mul3A_8 = arith.muli %scan3A_6, %mul3A_7 : i32
      %add3A_9 = arith.addi %add3A, %mul3A_8 : i32
      %lt3A = arith.constant 1250 : i32
      %lt3A_10 = arith.cmpi slt, %add3A_9, %lt3A : i32
      %convert_element_type3A = arith.extui %lt3A_10 : i1 to i32
      %cond3A = arith.constant 0 : i32
      %cond3A_11 = arith.cmpi ne, %convert_element_type3A, %cond3A : i32
      scf.if %cond3A_11 {
        %mul3A_12 = arith.constant 128 : i32
        %mul3A_13 = arith.muli %add3A_9, %mul3A_12 : i32
        "tpu.region"() ({
          %run_scoped3A = tpu.sem_alloc : memref<!tpu.dma_semaphore, #tpu.memory_space<semaphore_mem>>
          %dma_start3A_24 = tpu.memref_slice %arg4[%mul3A_13] : memref<160000xi32, #tpu.memory_space<hbm>> -> memref<128xi32, #tpu.memory_space<hbm>>
          %dma_start3A_25 = tpu.memref_slice %arg4[%mul3A_13] : memref<160000xi32, #tpu.memory_space<hbm>> -> memref<128xi32, #tpu.memory_space<hbm>>
          tpu.enqueue_dma source(%dma_start3A_25 : memref<128xi32, #tpu.memory_space<hbm>>) target(%arg8 : memref<128xi32, #tpu.memory_space<vmem>>) target_semaphore(%run_scoped3A : memref<!tpu.dma_semaphore, #tpu.memory_space<semaphore_mem>>)
          %dma_wait3A_26 = tpu.memref_slice %arg4[%mul3A_13] : memref<160000xi32, #tpu.memory_space<hbm>> -> memref<128xi32, #tpu.memory_space<hbm>>
          %dma_wait3A_27 = tpu.memref_slice %arg4[%mul3A_13] : memref<160000xi32, #tpu.memory_space<hbm>> -> memref<128xi32, #tpu.memory_space<hbm>>
          tpu.wait_dma2 semaphore(%run_scoped3A : memref<!tpu.dma_semaphore, #tpu.memory_space<semaphore_mem>>) src(%dma_wait3A_27 : memref<128xi32, #tpu.memory_space<hbm>>) dst(%arg8 : memref<128xi32, #tpu.memory_space<vmem>>)
          tpu.yield
        }) : () -> ()
        "tpu.region"() ({
          %run_scoped3A = tpu.sem_alloc : memref<!tpu.dma_semaphore, #tpu.memory_space<semaphore_mem>>
          %dma_start3A_24 = tpu.memref_slice %arg5[%mul3A_13] : memref<160000xi32, #tpu.memory_space<hbm>> -> memref<128xi32, #tpu.memory_space<hbm>>
          %dma_start3A_25 = tpu.memref_slice %arg5[%mul3A_13] : memref<160000xi32, #tpu.memory_space<hbm>> -> memref<128xi32, #tpu.memory_space<hbm>>
          tpu.enqueue_dma source(%dma_start3A_25 : memref<128xi32, #tpu.memory_space<hbm>>) target(%arg9 : memref<128xi32, #tpu.memory_space<vmem>>) target_semaphore(%run_scoped3A : memref<!tpu.dma_semaphore, #tpu.memory_space<semaphore_mem>>)
          %dma_wait3A_26 = tpu.memref_slice %arg5[%mul3A_13] : memref<160000xi32, #tpu.memory_space<hbm>> -> memref<128xi32, #tpu.memory_space<hbm>>
          %dma_wait3A_27 = tpu.memref_slice %arg5[%mul3A_13] : memref<160000xi32, #tpu.memory_space<hbm>> -> memref<128xi32, #tpu.memory_space<hbm>>
          tpu.wait_dma2 semaphore(%run_scoped3A : memref<!tpu.dma_semaphore, #tpu.memory_space<semaphore_mem>>) src(%dma_wait3A_27 : memref<128xi32, #tpu.memory_space<hbm>>) dst(%arg9 : memref<128xi32, #tpu.memory_space<vmem>>)
          tpu.yield
        }) : () -> ()
        %dma_start3A = arith.constant 0 : i32
        %dma_start3A_14 = arith.constant 0 : i32
        %dma_start3A_15 = tpu.memref_slice %arg2[%dma_start3A, %dma_start3A_14] : memref<10000x256xf32, #tpu.memory_space<hbm>> -> memref<10000x256xf32, #tpu.memory_space<hbm>>
        tpu.enqueue_indirect_dma source(%dma_start3A_15 : memref<10000x256xf32, #tpu.memory_space<hbm>>) target(%arg10 : memref<128x256xf32, #tpu.memory_space<vmem>>) offsets(%arg8 : memref<128xi32, #tpu.memory_space<vmem>>) semaphore(%arg12 : memref<!tpu.dma_semaphore, #tpu.memory_space<semaphore_mem>>)
        %dma_start3A_16 = arith.constant 0 : i32
        %dma_start3A_17 = arith.constant 0 : i32
        %dma_start3A_18 = tpu.memref_slice %arg3[%dma_start3A_16, %dma_start3A_17] : memref<160000x256xf32, #tpu.memory_space<hbm>> -> memref<160000x256xf32, #tpu.memory_space<hbm>>
        tpu.enqueue_indirect_dma source(%dma_start3A_18 : memref<160000x256xf32, #tpu.memory_space<hbm>>) target(%arg11 : memref<128x256xf32, #tpu.memory_space<vmem>>) offsets(%arg9 : memref<128xi32, #tpu.memory_space<vmem>>) semaphore(%arg13 : memref<!tpu.dma_semaphore, #tpu.memory_space<semaphore_mem>>)
        %dma_wait3A = arith.constant 0 : i32
        %dma_wait3A_19 = arith.constant 0 : i32
        %dma_wait3A_20 = tpu.memref_slice %arg2[%dma_wait3A, %dma_wait3A_19] : memref<10000x256xf32, #tpu.memory_space<hbm>> -> memref<10000x256xf32, #tpu.memory_space<hbm>>
        tpu.wait_indirect_dma semaphore(%arg12 : memref<!tpu.dma_semaphore, #tpu.memory_space<semaphore_mem>>) src(%dma_wait3A_20 : memref<10000x256xf32, #tpu.memory_space<hbm>>) dst(%arg10 : memref<128x256xf32, #tpu.memory_space<vmem>>)
        %dma_wait3A_21 = arith.constant 0 : i32
        %dma_wait3A_22 = arith.constant 0 : i32
        %dma_wait3A_23 = tpu.memref_slice %arg3[%dma_wait3A_21, %dma_wait3A_22] : memref<160000x256xf32, #tpu.memory_space<hbm>> -> memref<160000x256xf32, #tpu.memory_space<hbm>>
        tpu.wait_indirect_dma semaphore(%arg13 : memref<!tpu.dma_semaphore, #tpu.memory_space<semaphore_mem>>) src(%dma_wait3A_23 : memref<160000x256xf32, #tpu.memory_space<hbm>>) dst(%arg11 : memref<128x256xf32, #tpu.memory_space<vmem>>)
        "tpu.region"() ({
          %run_scoped3A = tpu.sem_alloc : memref<!tpu.dma_semaphore, #tpu.memory_space<semaphore_mem>>
          %dma_start3A_24 = arith.constant 0 : i32
          %dma_start3A_25 = tpu.memref_slice %arg6[%mul3A_13, %dma_start3A_24] : memref<160000x256xf32, #tpu.memory_space<hbm>> -> memref<128x256xf32, #tpu.memory_space<hbm>>
          %dma_start3A_26 = arith.constant 0 : i32
          %dma_start3A_27 = tpu.memref_slice %arg6[%mul3A_13, %dma_start3A_26] : memref<160000x256xf32, #tpu.memory_space<hbm>> -> memref<128x256xf32, #tpu.memory_space<hbm>>
          tpu.enqueue_dma source(%arg10 : memref<128x256xf32, #tpu.memory_space<vmem>>) target(%dma_start3A_27 : memref<128x256xf32, #tpu.memory_space<hbm>>) target_semaphore(%run_scoped3A : memref<!tpu.dma_semaphore, #tpu.memory_space<semaphore_mem>>)
          %dma_wait3A_28 = arith.constant 0 : i32
          %dma_wait3A_29 = tpu.memref_slice %arg6[%mul3A_13, %dma_wait3A_28] : memref<160000x256xf32, #tpu.memory_space<hbm>> -> memref<128x256xf32, #tpu.memory_space<hbm>>
          %dma_wait3A_30 = arith.constant 0 : i32
          %dma_wait3A_31 = tpu.memref_slice %arg6[%mul3A_13, %dma_wait3A_30] : memref<160000x256xf32, #tpu.memory_space<hbm>> -> memref<128x256xf32, #tpu.memory_space<hbm>>
          tpu.wait_dma2 semaphore(%run_scoped3A : memref<!tpu.dma_semaphore, #tpu.memory_space<semaphore_mem>>) src(%arg10 : memref<128x256xf32, #tpu.memory_space<vmem>>) dst(%dma_wait3A_31 : memref<128x256xf32, #tpu.memory_space<hbm>>)
          tpu.yield
        }) : () -> ()
        "tpu.region"() ({
          %run_scoped3A = tpu.sem_alloc : memref<!tpu.dma_semaphore, #tpu.memory_space<semaphore_mem>>
          %dma_start3A_24 = arith.constant 0 : i32
          %dma_start3A_25 = tpu.memref_slice %arg7[%mul3A_13, %dma_start3A_24] : memref<160000x256xf32, #tpu.memory_space<hbm>> -> memref<128x256xf32, #tpu.memory_space<hbm>>
          %dma_start3A_26 = arith.constant 0 : i32
          %dma_start3A_27 = tpu.memref_slice %arg7[%mul3A_13, %dma_start3A_26] : memref<160000x256xf32, #tpu.memory_space<hbm>> -> memref<128x256xf32, #tpu.memory_space<hbm>>
          tpu.enqueue_dma source(%arg11 : memref<128x256xf32, #tpu.memory_space<vmem>>) target(%dma_start3A_27 : memref<128x256xf32, #tpu.memory_space<hbm>>) target_semaphore(%run_scoped3A : memref<!tpu.dma_semaphore, #tpu.memory_space<semaphore_mem>>)
          %dma_wait3A_28 = arith.constant 0 : i32
          %dma_wait3A_29 = tpu.memref_slice %arg7[%mul3A_13, %dma_wait3A_28] : memref<160000x256xf32, #tpu.memory_space<hbm>> -> memref<128x256xf32, #tpu.memory_space<hbm>>
          %dma_wait3A_30 = arith.constant 0 : i32
          %dma_wait3A_31 = tpu.memref_slice %arg7[%mul3A_13, %dma_wait3A_30] : memref<160000x256xf32, #tpu.memory_space<hbm>> -> memref<128x256xf32, #tpu.memory_space<hbm>>
          tpu.wait_dma2 semaphore(%run_scoped3A : memref<!tpu.dma_semaphore, #tpu.memory_space<semaphore_mem>>) src(%arg11 : memref<128x256xf32, #tpu.memory_space<vmem>>) dst(%dma_wait3A_31 : memref<128x256xf32, #tpu.memory_space<hbm>>)
          tpu.yield
        }) : () -> ()
      } else {
      }
    }
    %scan3A_5 = arith.constant 40 : i32
    return
  }
}

#map = affine_map<(d0, d1) -> (0, 0)>
#map1 = affine_map<(d0, d1) -> (0)>
module attributes {stable_mosaic.version = 14 : i64} {
  func.func @_scatter_body(%arg0: i32, %arg1: i32, %arg2: memref<160000x256xf32, #tpu.memory_space<hbm>>, %arg3: memref<160000xi32, #tpu.memory_space<hbm>>, %arg4: memref<10000x256xf32, #tpu.memory_space<hbm>>, %arg5: memref<128xi32, #tpu.memory_space<vmem>>, %arg6: memref<128x128xf32, #tpu.memory_space<vmem>>, %arg7: memref<80x128xf32, #tpu.memory_space<vmem>>, %arg8: memref<10000x128xf32, #tpu.memory_space<vmem_shared>>) attributes {dimension_semantics = [#tpu.dimension_semantics<core_parallel>, #tpu.dimension_semantics<subcore_parallel>], iteration_bounds = array<i64: 2, 16>, scalar_prefetch = 0 : i64, scratch_operands = 4 : i64, tpu.core_type = #tpu.core_type<sc_vector_subcore>, window_params = [{transform_indices = #map}, {transform_indices = #map1}, {transform_indices = #map}]} {
    %scan3A = arith.constant 0 : i32
    %scan3A_0 = arith.constant 0 : i32
    %scan3A_1 = arith.constant 640 : i32
    %scan3A_2 = arith.addi %scan3A_0, %scan3A_1 : i32
    %scan3A_3 = arith.constant 1 : i32
    scf.for %scan3A_24 = %scan3A_0 to %scan3A_2 step %scan3A_3  : i32 {
      %jit3A = arith.constant 8 : i32
      %div3A = arith.divsi %scan3A_24, %jit3A : i32
      %sign3A = arith.constant 0 : i32
      %sign3A_25 = arith.cmpi sgt, %scan3A_24, %sign3A : i32
      %sign3A_26 = arith.extui %sign3A_25 : i1 to i32
      %sign3A_27 = arith.constant 0 : i32
      %sign3A_28 = arith.cmpi slt, %scan3A_24, %sign3A_27 : i32
      %sign3A_29 = arith.extui %sign3A_28 : i1 to i32
      %sign3A_30 = arith.subi %sign3A_26, %sign3A_29 : i32
      %sign3A_31 = arith.constant 0 : i32
      %sign3A_32 = arith.cmpi sgt, %jit3A, %sign3A_31 : i32
      %sign3A_33 = arith.extui %sign3A_32 : i1 to i32
      %sign3A_34 = arith.constant 0 : i32
      %sign3A_35 = arith.cmpi slt, %jit3A, %sign3A_34 : i32
      %sign3A_36 = arith.extui %sign3A_35 : i1 to i32
      %sign3A_37 = arith.subi %sign3A_33, %sign3A_36 : i32
      %ne3A = arith.cmpi ne, %sign3A_30, %sign3A_37 : i32
      %rem3A = arith.remsi %scan3A_24, %jit3A : i32
      %ne3A_38 = arith.constant 0 : i32
      %ne3A_39 = arith.cmpi ne, %rem3A, %ne3A_38 : i32
      %and3A = arith.andi %ne3A, %ne3A_39 : i1
      %sub3A = arith.constant 1 : i32
      %sub3A_40 = arith.subi %div3A, %sub3A : i32
      %select_n3A = arith.select %and3A, %sub3A_40, %div3A : i32
      %jit3A_41 = arith.constant 8 : i32
      %eq3A = arith.constant 0 : i32
      %eq3A_42 = arith.cmpi eq, %jit3A_41, %eq3A : i32
      %jit3A_43 = arith.constant 1 : i32
      %select_n3A_44 = arith.select %eq3A_42, %jit3A_43, %jit3A_41 : i32
      %rem3A_45 = arith.remsi %scan3A_24, %select_n3A_44 : i32
      %ne3A_46 = arith.constant 0 : i32
      %ne3A_47 = arith.cmpi ne, %rem3A_45, %ne3A_46 : i32
      %lt3A = arith.constant 0 : i32
      %lt3A_48 = arith.cmpi slt, %rem3A_45, %lt3A : i32
      %lt3A_49 = arith.constant 0 : i32
      %lt3A_50 = arith.cmpi slt, %select_n3A_44, %lt3A_49 : i32
      %ne3A_51 = arith.xori %lt3A_48, %lt3A_50 : i1
      %and3A_52 = arith.andi %ne3A_51, %ne3A_47 : i1
      %add3A = arith.addi %rem3A_45, %select_n3A_44 : i32
      %select_n3A_53 = arith.select %and3A_52, %add3A, %rem3A_45 : i32
      %broadcast_in_dim3A = arith.constant 0.000000e+00 : f32
      %broadcast_in_dim3A_54 = vector.broadcast %broadcast_in_dim3A : f32 to vector<16xf32>
      %mul3A = arith.constant 16 : i32
      %mul3A_55 = arith.muli %select_n3A_53, %mul3A : i32
      %swap3A = arith.index_cast %select_n3A : i32 to index
      %swap3A_56 = arith.index_cast %mul3A_55 : i32 to index
      %swap3A_57 = tpu.vector_load %arg7[%swap3A, %swap3A_56] {strides = array<i32>} : memref<80x128xf32, #tpu.memory_space<vmem>>, vector<1x16xf32>,
      %swap3A_58 = vector.shape_cast %swap3A_57 : vector<1x16xf32> to vector<16xf32>
      %swap3A_59 = vector.shape_cast %broadcast_in_dim3A_54 : vector<16xf32> to vector<1x16xf32>
      tpu.vector_store %arg7[%swap3A, %swap3A_56], %swap3A_59 {strides = array<i32>} : memref<80x128xf32, #tpu.memory_space<vmem>>, vector<1x16xf32>,
    }
    %scan3A_4 = arith.constant 640 : i32
    %scan3A_5 = arith.constant 0 : i32
    %scan3A_6 = arith.constant 0 : i32
    %scan3A_7 = arith.constant 8 : i32
    %scan3A_8 = arith.addi %scan3A_6, %scan3A_7 : i32
    %scan3A_9 = arith.constant 1 : i32
    scf.for %scan3A_24 = %scan3A_6 to %scan3A_8 step %scan3A_9  : i32 {
      %mul3A = arith.constant 16 : i32
      %mul3A_25 = arith.muli %scan3A_24, %mul3A : i32
      %add3A = arith.addi %arg1, %mul3A_25 : i32
      %lt3A = arith.constant 125 : i32
      %lt3A_26 = arith.cmpi slt, %add3A, %lt3A : i32
      %convert_element_type3A = arith.extui %lt3A_26 : i1 to i32
      %cond3A = arith.constant 0 : i32
      %cond3A_27 = arith.cmpi ne, %convert_element_type3A, %cond3A : i32
      scf.if %cond3A_27 {
        %mul3A_28 = arith.constant 80 : i32
        %mul3A_29 = arith.muli %add3A, %mul3A_28 : i32
        "tpu.region"() ({
          %run_scoped3A = tpu.sem_alloc : memref<!tpu.dma_semaphore, #tpu.memory_space<semaphore_mem>>
          %dma_start3A = arith.constant 0 : i32
          %dma_start3A_30 = tpu.memref_slice %arg8[%mul3A_29, %dma_start3A] : memref<10000x128xf32, #tpu.memory_space<vmem_shared>> -> memref<80x128xf32, #tpu.memory_space<vmem_shared>>
          %dma_start3A_31 = arith.constant 0 : i32
          %dma_start3A_32 = tpu.memref_slice %arg8[%mul3A_29, %dma_start3A_31] : memref<10000x128xf32, #tpu.memory_space<vmem_shared>> -> memref<80x128xf32, #tpu.memory_space<vmem_shared>>
          tpu.enqueue_dma source(%arg7 : memref<80x128xf32, #tpu.memory_space<vmem>>) target(%dma_start3A_32 : memref<80x128xf32, #tpu.memory_space<vmem_shared>>) target_semaphore(%run_scoped3A : memref<!tpu.dma_semaphore, #tpu.memory_space<semaphore_mem>>)
          %dma_wait3A = arith.constant 0 : i32
          %dma_wait3A_33 = tpu.memref_slice %arg8[%mul3A_29, %dma_wait3A] : memref<10000x128xf32, #tpu.memory_space<vmem_shared>> -> memref<80x128xf32, #tpu.memory_space<vmem_shared>>
          %dma_wait3A_34 = arith.constant 0 : i32
          %dma_wait3A_35 = tpu.memref_slice %arg8[%mul3A_29, %dma_wait3A_34] : memref<10000x128xf32, #tpu.memory_space<vmem_shared>> -> memref<80x128xf32, #tpu.memory_space<vmem_shared>>
          tpu.wait_dma2 semaphore(%run_scoped3A : memref<!tpu.dma_semaphore, #tpu.memory_space<semaphore_mem>>) src(%arg7 : memref<80x128xf32, #tpu.memory_space<vmem>>) dst(%dma_wait3A_35 : memref<80x128xf32, #tpu.memory_space<vmem_shared>>)
          tpu.yield
        }) : () -> ()
      } else {
      }
    }
    %scan3A_10 = arith.constant 8 : i32
    %barrier3A = arith.constant 0 : index
    tpu.barrier barrier_id(%barrier3A)
    %scan3A_11 = arith.constant 0 : i32
    %scan3A_12 = arith.constant 0 : i32
    %scan3A_13 = arith.constant 79 : i32
    %scan3A_14 = arith.addi %scan3A_12, %scan3A_13 : i32
    %scan3A_15 = arith.constant 1 : i32
    scf.for %scan3A_24 = %scan3A_12 to %scan3A_14 step %scan3A_15  : i32 {
      %mul3A = arith.constant 16 : i32
      %mul3A_25 = arith.muli %scan3A_24, %mul3A : i32
      %add3A = arith.addi %arg1, %mul3A_25 : i32
      %lt3A = arith.constant 1250 : i32
      %lt3A_26 = arith.cmpi slt, %add3A, %lt3A : i32
      %convert_element_type3A = arith.extui %lt3A_26 : i1 to i32
      %cond3A = arith.constant 0 : i32
      %cond3A_27 = arith.cmpi ne, %convert_element_type3A, %cond3A : i32
      scf.if %cond3A_27 {
        %mul3A_28 = arith.constant 128 : i32
        %mul3A_29 = arith.muli %add3A, %mul3A_28 : i32
        "tpu.region"() ({
          %run_scoped3A = tpu.sem_alloc : memref<!tpu.dma_semaphore, #tpu.memory_space<semaphore_mem>>
          %dma_start3A = tpu.memref_slice %arg3[%mul3A_29] : memref<160000xi32, #tpu.memory_space<hbm>> -> memref<128xi32, #tpu.memory_space<hbm>>
          %dma_start3A_32 = tpu.memref_slice %arg3[%mul3A_29] : memref<160000xi32, #tpu.memory_space<hbm>> -> memref<128xi32, #tpu.memory_space<hbm>>
          tpu.enqueue_dma source(%dma_start3A_32 : memref<128xi32, #tpu.memory_space<hbm>>) target(%arg5 : memref<128xi32, #tpu.memory_space<vmem>>) target_semaphore(%run_scoped3A : memref<!tpu.dma_semaphore, #tpu.memory_space<semaphore_mem>>)
          %dma_wait3A = tpu.memref_slice %arg3[%mul3A_29] : memref<160000xi32, #tpu.memory_space<hbm>> -> memref<128xi32, #tpu.memory_space<hbm>>
          %dma_wait3A_33 = tpu.memref_slice %arg3[%mul3A_29] : memref<160000xi32, #tpu.memory_space<hbm>> -> memref<128xi32, #tpu.memory_space<hbm>>
          tpu.wait_dma2 semaphore(%run_scoped3A : memref<!tpu.dma_semaphore, #tpu.memory_space<semaphore_mem>>) src(%dma_wait3A_33 : memref<128xi32, #tpu.memory_space<hbm>>) dst(%arg5 : memref<128xi32, #tpu.memory_space<vmem>>)
          tpu.yield
        }) : () -> ()
        %mul3A_30 = arith.constant 128 : i32
        %mul3A_31 = arith.muli %arg0, %mul3A_30 : i32
        "tpu.region"() ({
          %run_scoped3A = tpu.sem_alloc : memref<!tpu.dma_semaphore, #tpu.memory_space<semaphore_mem>>
          %dma_start3A = tpu.memref_slice %arg2[%mul3A_29, %mul3A_31] : memref<160000x256xf32, #tpu.memory_space<hbm>> -> memref<128x128xf32, #tpu.memory_space<hbm>>
          %dma_start3A_32 = tpu.memref_slice %arg2[%mul3A_29, %mul3A_31] : memref<160000x256xf32, #tpu.memory_space<hbm>> -> memref<128x128xf32, #tpu.memory_space<hbm>>
          tpu.enqueue_dma source(%dma_start3A_32 : memref<128x128xf32, #tpu.memory_space<hbm>>) target(%arg6 : memref<128x128xf32, #tpu.memory_space<vmem>>) target_semaphore(%run_scoped3A : memref<!tpu.dma_semaphore, #tpu.memory_space<semaphore_mem>>)
          %dma_wait3A = tpu.memref_slice %arg2[%mul3A_29, %mul3A_31] : memref<160000x256xf32, #tpu.memory_space<hbm>> -> memref<128x128xf32, #tpu.memory_space<hbm>>
          %dma_wait3A_33 = tpu.memref_slice %arg2[%mul3A_29, %mul3A_31] : memref<160000x256xf32, #tpu.memory_space<hbm>> -> memref<128x128xf32, #tpu.memory_space<hbm>>
          tpu.wait_dma2 semaphore(%run_scoped3A : memref<!tpu.dma_semaphore, #tpu.memory_space<semaphore_mem>>) src(%dma_wait3A_33 : memref<128x128xf32, #tpu.memory_space<hbm>>) dst(%arg6 : memref<128x128xf32, #tpu.memory_space<vmem>>)
          tpu.yield
        }) : () -> ()
        "tpu.region"() ({
          %run_scoped3A = tpu.sem_alloc : memref<!tpu.dma_semaphore, #tpu.memory_space<semaphore_mem>>
          %dma_start3A = arith.constant 0 : i32
          %dma_start3A_32 = arith.constant 0 : i32
          %dma_start3A_33 = tpu.memref_slice %arg8[%dma_start3A, %dma_start3A_32] : memref<10000x128xf32, #tpu.memory_space<vmem_shared>> -> memref<10000x128xf32, #tpu.memory_space<vmem_shared>>
          tpu.enqueue_indirect_dma source(%arg6 : memref<128x128xf32, #tpu.memory_space<vmem>>) target(%dma_start3A_33 : memref<10000x128xf32, #tpu.memory_space<vmem_shared>>) offsets(%arg5 : memref<128xi32, #tpu.memory_space<vmem>>) semaphore(%run_scoped3A : memref<!tpu.dma_semaphore, #tpu.memory_space<semaphore_mem>>) {add = true}
          %dma_wait3A = arith.constant 0 : i32
          %dma_wait3A_34 = arith.constant 0 : i32
          %dma_wait3A_35 = tpu.memref_slice %arg8[%dma_wait3A, %dma_wait3A_34] : memref<10000x128xf32, #tpu.memory_space<vmem_shared>> -> memref<10000x128xf32, #tpu.memory_space<vmem_shared>>
          tpu.wait_indirect_dma semaphore(%run_scoped3A : memref<!tpu.dma_semaphore, #tpu.memory_space<semaphore_mem>>) src(%arg6 : memref<128x128xf32, #tpu.memory_space<vmem>>) dst(%dma_wait3A_35 : memref<10000x128xf32, #tpu.memory_space<vmem_shared>>)
          tpu.yield
        }) : () -> ()
      } else {
      }
    }
    %scan3A_16 = arith.constant 79 : i32
    %barrier3A_17 = arith.constant 0 : index
    tpu.barrier barrier_id(%barrier3A_17)
    %scan3A_18 = arith.constant 0 : i32
    %scan3A_19 = arith.constant 0 : i32
    %scan3A_20 = arith.constant 8 : i32
    %scan3A_21 = arith.addi %scan3A_19, %scan3A_20 : i32
    %scan3A_22 = arith.constant 1 : i32
    scf.for %scan3A_24 = %scan3A_19 to %scan3A_21 step %scan3A_22  : i32 {
      %mul3A = arith.constant 16 : i32
      %mul3A_25 = arith.muli %scan3A_24, %mul3A : i32
      %add3A = arith.addi %arg1, %mul3A_25 : i32
      %lt3A = arith.constant 125 : i32
      %lt3A_26 = arith.cmpi slt, %add3A, %lt3A : i32
      %convert_element_type3A = arith.extui %lt3A_26 : i1 to i32
      %cond3A = arith.constant 0 : i32
      %cond3A_27 = arith.cmpi ne, %convert_element_type3A, %cond3A : i32
      scf.if %cond3A_27 {
        %mul3A_28 = arith.constant 80 : i32
        %mul3A_29 = arith.muli %add3A, %mul3A_28 : i32
        %mul3A_30 = arith.constant 128 : i32
        %mul3A_31 = arith.muli %arg0, %mul3A_30 : i32
        "tpu.region"() ({
          %run_scoped3A = tpu.sem_alloc : memref<!tpu.dma_semaphore, #tpu.memory_space<semaphore_mem>>
          %dma_start3A = tpu.memref_slice %arg4[%mul3A_29, %mul3A_31] : memref<10000x256xf32, #tpu.memory_space<hbm>> -> memref<80x128xf32, #tpu.memory_space<hbm>>
          %dma_start3A_32 = arith.constant 0 : i32
          %dma_start3A_33 = tpu.memref_slice %arg8[%mul3A_29, %dma_start3A_32] : memref<10000x128xf32, #tpu.memory_space<vmem_shared>> -> memref<80x128xf32, #tpu.memory_space<vmem_shared>>
          tpu.enqueue_dma source(%dma_start3A_33 : memref<80x128xf32, #tpu.memory_space<vmem_shared>>) target(%dma_start3A : memref<80x128xf32, #tpu.memory_space<hbm>>) target_semaphore(%run_scoped3A : memref<!tpu.dma_semaphore, #tpu.memory_space<semaphore_mem>>)
          %dma_wait3A = tpu.memref_slice %arg4[%mul3A_29, %mul3A_31] : memref<10000x256xf32, #tpu.memory_space<hbm>> -> memref<80x128xf32, #tpu.memory_space<hbm>>
          %dma_wait3A_34 = arith.constant 0 : i32
          %dma_wait3A_35 = tpu.memref_slice %arg8[%mul3A_29, %dma_wait3A_34] : memref<10000x128xf32, #tpu.memory_space<vmem_shared>> -> memref<80x128xf32, #tpu.memory_space<vmem_shared>>
          tpu.wait_dma2 semaphore(%run_scoped3A : memref<!tpu.dma_semaphore, #tpu.memory_space<semaphore_mem>>) src(%dma_wait3A_35 : memref<80x128xf32, #tpu.memory_space<vmem_shared>>) dst(%dma_wait3A : memref<80x128xf32, #tpu.memory_space<hbm>>)
          tpu.yield
        }) : () -> ()
      } else {
      }
    }
    %scan3A_23 = arith.constant 8 : i32
    return
  }
}

#map = affine_map<(d0, d1) -> (0, 0)>
#map1 = affine_map<(d0, d1) -> (0)>
module attributes {stable_mosaic.version = 14 : i64} {
  func.func @_gather2_body(%arg0: i32, %arg1: i32, %arg2: memref<10000x256xf32, #tpu.memory_space<hbm>>, %arg3: memref<160000x256xf32, #tpu.memory_space<hbm>>, %arg4: memref<160000xi32, #tpu.memory_space<hbm>>, %arg5: memref<160000xi32, #tpu.memory_space<hbm>>, %arg6: memref<160000x256xf32, #tpu.memory_space<hbm>>, %arg7: memref<160000x256xf32, #tpu.memory_space<hbm>>, %arg8: memref<128xi32, #tpu.memory_space<vmem>>, %arg9: memref<128xi32, #tpu.memory_space<vmem>>, %arg10: memref<128x256xf32, #tpu.memory_space<vmem>>, %arg11: memref<128x256xf32, #tpu.memory_space<vmem>>, %arg12: memref<!tpu.dma_semaphore, #tpu.memory_space<semaphore_mem>>, %arg13: memref<!tpu.dma_semaphore, #tpu.memory_space<semaphore_mem>>) attributes {dimension_semantics = [#tpu.dimension_semantics<core_parallel>, #tpu.dimension_semantics<subcore_parallel>], iteration_bounds = array<i64: 2, 16>, scalar_prefetch = 0 : i64, scratch_operands = 6 : i64, tpu.core_type = #tpu.core_type<sc_vector_subcore>, window_params = [{transform_indices = #map}, {transform_indices = #map}, {transform_indices = #map1}, {transform_indices = #map1}, {transform_indices = #map}, {transform_indices = #map}]} {
    %mul3A = arith.constant 2 : i32
    %mul3A_0 = arith.muli %arg1, %mul3A : i32
    %add3A = arith.addi %mul3A_0, %arg0 : i32
    %scan3A = arith.constant 0 : i32
    %scan3A_1 = arith.constant 0 : i32
    %scan3A_2 = arith.constant 40 : i32
    %scan3A_3 = arith.addi %scan3A_1, %scan3A_2 : i32
    %scan3A_4 = arith.constant 1 : i32
    scf.for %scan3A_6 = %scan3A_1 to %scan3A_3 step %scan3A_4  : i32 {
      %mul3A_7 = arith.constant 32 : i32
      %mul3A_8 = arith.muli %scan3A_6, %mul3A_7 : i32
      %add3A_9 = arith.addi %add3A, %mul3A_8 : i32
      %lt3A = arith.constant 1250 : i32
      %lt3A_10 = arith.cmpi slt, %add3A_9, %lt3A : i32
      %convert_element_type3A = arith.extui %lt3A_10 : i1 to i32
      %cond3A = arith.constant 0 : i32
      %cond3A_11 = arith.cmpi ne, %convert_element_type3A, %cond3A : i32
      scf.if %cond3A_11 {
        %mul3A_12 = arith.constant 128 : i32
        %mul3A_13 = arith.muli %add3A_9, %mul3A_12 : i32
        "tpu.region"() ({
          %run_scoped3A = tpu.sem_alloc : memref<!tpu.dma_semaphore, #tpu.memory_space<semaphore_mem>>
          %dma_start3A_24 = tpu.memref_slice %arg4[%mul3A_13] : memref<160000xi32, #tpu.memory_space<hbm>> -> memref<128xi32, #tpu.memory_space<hbm>>
          %dma_start3A_25 = tpu.memref_slice %arg4[%mul3A_13] : memref<160000xi32, #tpu.memory_space<hbm>> -> memref<128xi32, #tpu.memory_space<hbm>>
          tpu.enqueue_dma source(%dma_start3A_25 : memref<128xi32, #tpu.memory_space<hbm>>) target(%arg8 : memref<128xi32, #tpu.memory_space<vmem>>) target_semaphore(%run_scoped3A : memref<!tpu.dma_semaphore, #tpu.memory_space<semaphore_mem>>)
          %dma_wait3A_26 = tpu.memref_slice %arg4[%mul3A_13] : memref<160000xi32, #tpu.memory_space<hbm>> -> memref<128xi32, #tpu.memory_space<hbm>>
          %dma_wait3A_27 = tpu.memref_slice %arg4[%mul3A_13] : memref<160000xi32, #tpu.memory_space<hbm>> -> memref<128xi32, #tpu.memory_space<hbm>>
          tpu.wait_dma2 semaphore(%run_scoped3A : memref<!tpu.dma_semaphore, #tpu.memory_space<semaphore_mem>>) src(%dma_wait3A_27 : memref<128xi32, #tpu.memory_space<hbm>>) dst(%arg8 : memref<128xi32, #tpu.memory_space<vmem>>)
          tpu.yield
        }) : () -> ()
        "tpu.region"() ({
          %run_scoped3A = tpu.sem_alloc : memref<!tpu.dma_semaphore, #tpu.memory_space<semaphore_mem>>
          %dma_start3A_24 = tpu.memref_slice %arg5[%mul3A_13] : memref<160000xi32, #tpu.memory_space<hbm>> -> memref<128xi32, #tpu.memory_space<hbm>>
          %dma_start3A_25 = tpu.memref_slice %arg5[%mul3A_13] : memref<160000xi32, #tpu.memory_space<hbm>> -> memref<128xi32, #tpu.memory_space<hbm>>
          tpu.enqueue_dma source(%dma_start3A_25 : memref<128xi32, #tpu.memory_space<hbm>>) target(%arg9 : memref<128xi32, #tpu.memory_space<vmem>>) target_semaphore(%run_scoped3A : memref<!tpu.dma_semaphore, #tpu.memory_space<semaphore_mem>>)
          %dma_wait3A_26 = tpu.memref_slice %arg5[%mul3A_13] : memref<160000xi32, #tpu.memory_space<hbm>> -> memref<128xi32, #tpu.memory_space<hbm>>
          %dma_wait3A_27 = tpu.memref_slice %arg5[%mul3A_13] : memref<160000xi32, #tpu.memory_space<hbm>> -> memref<128xi32, #tpu.memory_space<hbm>>
          tpu.wait_dma2 semaphore(%run_scoped3A : memref<!tpu.dma_semaphore, #tpu.memory_space<semaphore_mem>>) src(%dma_wait3A_27 : memref<128xi32, #tpu.memory_space<hbm>>) dst(%arg9 : memref<128xi32, #tpu.memory_space<vmem>>)
          tpu.yield
        }) : () -> ()
        %dma_start3A = arith.constant 0 : i32
        %dma_start3A_14 = arith.constant 0 : i32
        %dma_start3A_15 = tpu.memref_slice %arg2[%dma_start3A, %dma_start3A_14] : memref<10000x256xf32, #tpu.memory_space<hbm>> -> memref<10000x256xf32, #tpu.memory_space<hbm>>
        tpu.enqueue_indirect_dma source(%dma_start3A_15 : memref<10000x256xf32, #tpu.memory_space<hbm>>) target(%arg10 : memref<128x256xf32, #tpu.memory_space<vmem>>) offsets(%arg8 : memref<128xi32, #tpu.memory_space<vmem>>) semaphore(%arg12 : memref<!tpu.dma_semaphore, #tpu.memory_space<semaphore_mem>>)
        %dma_start3A_16 = arith.constant 0 : i32
        %dma_start3A_17 = arith.constant 0 : i32
        %dma_start3A_18 = tpu.memref_slice %arg3[%dma_start3A_16, %dma_start3A_17] : memref<160000x256xf32, #tpu.memory_space<hbm>> -> memref<160000x256xf32, #tpu.memory_space<hbm>>
        tpu.enqueue_indirect_dma source(%dma_start3A_18 : memref<160000x256xf32, #tpu.memory_space<hbm>>) target(%arg11 : memref<128x256xf32, #tpu.memory_space<vmem>>) offsets(%arg9 : memref<128xi32, #tpu.memory_space<vmem>>) semaphore(%arg13 : memref<!tpu.dma_semaphore, #tpu.memory_space<semaphore_mem>>)
        %dma_wait3A = arith.constant 0 : i32
        %dma_wait3A_19 = arith.constant 0 : i32
        %dma_wait3A_20 = tpu.memref_slice %arg2[%dma_wait3A, %dma_wait3A_19] : memref<10000x256xf32, #tpu.memory_space<hbm>> -> memref<10000x256xf32, #tpu.memory_space<hbm>>
        tpu.wait_indirect_dma semaphore(%arg12 : memref<!tpu.dma_semaphore, #tpu.memory_space<semaphore_mem>>) src(%dma_wait3A_20 : memref<10000x256xf32, #tpu.memory_space<hbm>>) dst(%arg10 : memref<128x256xf32, #tpu.memory_space<vmem>>)
        %dma_wait3A_21 = arith.constant 0 : i32
        %dma_wait3A_22 = arith.constant 0 : i32
        %dma_wait3A_23 = tpu.memref_slice %arg3[%dma_wait3A_21, %dma_wait3A_22] : memref<160000x256xf32, #tpu.memory_space<hbm>> -> memref<160000x256xf32, #tpu.memory_space<hbm>>
        tpu.wait_indirect_dma semaphore(%arg13 : memref<!tpu.dma_semaphore, #tpu.memory_space<semaphore_mem>>) src(%dma_wait3A_23 : memref<160000x256xf32, #tpu.memory_space<hbm>>) dst(%arg11 : memref<128x256xf32, #tpu.memory_space<vmem>>)
        "tpu.region"() ({
          %run_scoped3A = tpu.sem_alloc : memref<!tpu.dma_semaphore, #tpu.memory_space<semaphore_mem>>
          %dma_start3A_24 = arith.constant 0 : i32
          %dma_start3A_25 = tpu.memref_slice %arg6[%mul3A_13, %dma_start3A_24] : memref<160000x256xf32, #tpu.memory_space<hbm>> -> memref<128x256xf32, #tpu.memory_space<hbm>>
          %dma_start3A_26 = arith.constant 0 : i32
          %dma_start3A_27 = tpu.memref_slice %arg6[%mul3A_13, %dma_start3A_26] : memref<160000x256xf32, #tpu.memory_space<hbm>> -> memref<128x256xf32, #tpu.memory_space<hbm>>
          tpu.enqueue_dma source(%arg10 : memref<128x256xf32, #tpu.memory_space<vmem>>) target(%dma_start3A_27 : memref<128x256xf32, #tpu.memory_space<hbm>>) target_semaphore(%run_scoped3A : memref<!tpu.dma_semaphore, #tpu.memory_space<semaphore_mem>>)
          %dma_wait3A_28 = arith.constant 0 : i32
          %dma_wait3A_29 = tpu.memref_slice %arg6[%mul3A_13, %dma_wait3A_28] : memref<160000x256xf32, #tpu.memory_space<hbm>> -> memref<128x256xf32, #tpu.memory_space<hbm>>
          %dma_wait3A_30 = arith.constant 0 : i32
          %dma_wait3A_31 = tpu.memref_slice %arg6[%mul3A_13, %dma_wait3A_30] : memref<160000x256xf32, #tpu.memory_space<hbm>> -> memref<128x256xf32, #tpu.memory_space<hbm>>
          tpu.wait_dma2 semaphore(%run_scoped3A : memref<!tpu.dma_semaphore, #tpu.memory_space<semaphore_mem>>) src(%arg10 : memref<128x256xf32, #tpu.memory_space<vmem>>) dst(%dma_wait3A_31 : memref<128x256xf32, #tpu.memory_space<hbm>>)
          tpu.yield
        }) : () -> ()
        "tpu.region"() ({
          %run_scoped3A = tpu.sem_alloc : memref<!tpu.dma_semaphore, #tpu.memory_space<semaphore_mem>>
          %dma_start3A_24 = arith.constant 0 : i32
          %dma_start3A_25 = tpu.memref_slice %arg7[%mul3A_13, %dma_start3A_24] : memref<160000x256xf32, #tpu.memory_space<hbm>> -> memref<128x256xf32, #tpu.memory_space<hbm>>
          %dma_start3A_26 = arith.constant 0 : i32
          %dma_start3A_27 = tpu.memref_slice %arg7[%mul3A_13, %dma_start3A_26] : memref<160000x256xf32, #tpu.memory_space<hbm>> -> memref<128x256xf32, #tpu.memory_space<hbm>>
          tpu.enqueue_dma source(%arg11 : memref<128x256xf32, #tpu.memory_space<vmem>>) target(%dma_start3A_27 : memref<128x256xf32, #tpu.memory_space<hbm>>) target_semaphore(%run_scoped3A : memref<!tpu.dma_semaphore, #tpu.memory_space<semaphore_mem>>)
          %dma_wait3A_28 = arith.constant 0 : i32
          %dma_wait3A_29 = tpu.memref_slice %arg7[%mul3A_13, %dma_wait3A_28] : memref<160000x256xf32, #tpu.memory_space<hbm>> -> memref<128x256xf32, #tpu.memory_space<hbm>>
          %dma_wait3A_30 = arith.constant 0 : i32
          %dma_wait3A_31 = tpu.memref_slice %arg7[%mul3A_13, %dma_wait3A_30] : memref<160000x256xf32, #tpu.memory_space<hbm>> -> memref<128x256xf32, #tpu.memory_space<hbm>>
          tpu.wait_dma2 semaphore(%run_scoped3A : memref<!tpu.dma_semaphore, #tpu.memory_space<semaphore_mem>>) src(%arg11 : memref<128x256xf32, #tpu.memory_space<vmem>>) dst(%dma_wait3A_31 : memref<128x256xf32, #tpu.memory_space<hbm>>)
          tpu.yield
        }) : () -> ()
      } else {
      }
    }
    %scan3A_5 = arith.constant 40 : i32
    return
  }
}

#map = affine_map<(d0, d1) -> (0, 0)>
#map1 = affine_map<(d0, d1) -> (0)>
module attributes {stable_mosaic.version = 14 : i64} {
  func.func @_scatter_body(%arg0: i32, %arg1: i32, %arg2: memref<160000x256xf32, #tpu.memory_space<hbm>>, %arg3: memref<160000xi32, #tpu.memory_space<hbm>>, %arg4: memref<10000x256xf32, #tpu.memory_space<hbm>>, %arg5: memref<128xi32, #tpu.memory_space<vmem>>, %arg6: memref<128x128xf32, #tpu.memory_space<vmem>>, %arg7: memref<80x128xf32, #tpu.memory_space<vmem>>, %arg8: memref<10000x128xf32, #tpu.memory_space<vmem_shared>>) attributes {dimension_semantics = [#tpu.dimension_semantics<core_parallel>, #tpu.dimension_semantics<subcore_parallel>], iteration_bounds = array<i64: 2, 16>, scalar_prefetch = 0 : i64, scratch_operands = 4 : i64, tpu.core_type = #tpu.core_type<sc_vector_subcore>, window_params = [{transform_indices = #map}, {transform_indices = #map1}, {transform_indices = #map}]} {
    %scan3A = arith.constant 0 : i32
    %scan3A_0 = arith.constant 0 : i32
    %scan3A_1 = arith.constant 640 : i32
    %scan3A_2 = arith.addi %scan3A_0, %scan3A_1 : i32
    %scan3A_3 = arith.constant 1 : i32
    scf.for %scan3A_24 = %scan3A_0 to %scan3A_2 step %scan3A_3  : i32 {
      %jit3A = arith.constant 8 : i32
      %div3A = arith.divsi %scan3A_24, %jit3A : i32
      %sign3A = arith.constant 0 : i32
      %sign3A_25 = arith.cmpi sgt, %scan3A_24, %sign3A : i32
      %sign3A_26 = arith.extui %sign3A_25 : i1 to i32
      %sign3A_27 = arith.constant 0 : i32
      %sign3A_28 = arith.cmpi slt, %scan3A_24, %sign3A_27 : i32
      %sign3A_29 = arith.extui %sign3A_28 : i1 to i32
      %sign3A_30 = arith.subi %sign3A_26, %sign3A_29 : i32
      %sign3A_31 = arith.constant 0 : i32
      %sign3A_32 = arith.cmpi sgt, %jit3A, %sign3A_31 : i32
      %sign3A_33 = arith.extui %sign3A_32 : i1 to i32
      %sign3A_34 = arith.constant 0 : i32
      %sign3A_35 = arith.cmpi slt, %jit3A, %sign3A_34 : i32
      %sign3A_36 = arith.extui %sign3A_35 : i1 to i32
      %sign3A_37 = arith.subi %sign3A_33, %sign3A_36 : i32
      %ne3A = arith.cmpi ne, %sign3A_30, %sign3A_37 : i32
      %rem3A = arith.remsi %scan3A_24, %jit3A : i32
      %ne3A_38 = arith.constant 0 : i32
      %ne3A_39 = arith.cmpi ne, %rem3A, %ne3A_38 : i32
      %and3A = arith.andi %ne3A, %ne3A_39 : i1
      %sub3A = arith.constant 1 : i32
      %sub3A_40 = arith.subi %div3A, %sub3A : i32
      %select_n3A = arith.select %and3A, %sub3A_40, %div3A : i32
      %jit3A_41 = arith.constant 8 : i32
      %eq3A = arith.constant 0 : i32
      %eq3A_42 = arith.cmpi eq, %jit3A_41, %eq3A : i32
      %jit3A_43 = arith.constant 1 : i32
      %select_n3A_44 = arith.select %eq3A_42, %jit3A_43, %jit3A_41 : i32
      %rem3A_45 = arith.remsi %scan3A_24, %select_n3A_44 : i32
      %ne3A_46 = arith.constant 0 : i32
      %ne3A_47 = arith.cmpi ne, %rem3A_45, %ne3A_46 : i32
      %lt3A = arith.constant 0 : i32
      %lt3A_48 = arith.cmpi slt, %rem3A_45, %lt3A : i32
      %lt3A_49 = arith.constant 0 : i32
      %lt3A_50 = arith.cmpi slt, %select_n3A_44, %lt3A_49 : i32
      %ne3A_51 = arith.xori %lt3A_48, %lt3A_50 : i1
      %and3A_52 = arith.andi %ne3A_51, %ne3A_47 : i1
      %add3A = arith.addi %rem3A_45, %select_n3A_44 : i32
      %select_n3A_53 = arith.select %and3A_52, %add3A, %rem3A_45 : i32
      %broadcast_in_dim3A = arith.constant 0.000000e+00 : f32
      %broadcast_in_dim3A_54 = vector.broadcast %broadcast_in_dim3A : f32 to vector<16xf32>
      %mul3A = arith.constant 16 : i32
      %mul3A_55 = arith.muli %select_n3A_53, %mul3A : i32
      %swap3A = arith.index_cast %select_n3A : i32 to index
      %swap3A_56 = arith.index_cast %mul3A_55 : i32 to index
      %swap3A_57 = tpu.vector_load %arg7[%swap3A, %swap3A_56] {strides = array<i32>} : memref<80x128xf32, #tpu.memory_space<vmem>>, vector<1x16xf32>,
      %swap3A_58 = vector.shape_cast %swap3A_57 : vector<1x16xf32> to vector<16xf32>
      %swap3A_59 = vector.shape_cast %broadcast_in_dim3A_54 : vector<16xf32> to vector<1x16xf32>
      tpu.vector_store %arg7[%swap3A, %swap3A_56], %swap3A_59 {strides = array<i32>} : memref<80x128xf32, #tpu.memory_space<vmem>>, vector<1x16xf32>,
    }
    %scan3A_4 = arith.constant 640 : i32
    %scan3A_5 = arith.constant 0 : i32
    %scan3A_6 = arith.constant 0 : i32
    %scan3A_7 = arith.constant 8 : i32
    %scan3A_8 = arith.addi %scan3A_6, %scan3A_7 : i32
    %scan3A_9 = arith.constant 1 : i32
    scf.for %scan3A_24 = %scan3A_6 to %scan3A_8 step %scan3A_9  : i32 {
      %mul3A = arith.constant 16 : i32
      %mul3A_25 = arith.muli %scan3A_24, %mul3A : i32
      %add3A = arith.addi %arg1, %mul3A_25 : i32
      %lt3A = arith.constant 125 : i32
      %lt3A_26 = arith.cmpi slt, %add3A, %lt3A : i32
      %convert_element_type3A = arith.extui %lt3A_26 : i1 to i32
      %cond3A = arith.constant 0 : i32
      %cond3A_27 = arith.cmpi ne, %convert_element_type3A, %cond3A : i32
      scf.if %cond3A_27 {
        %mul3A_28 = arith.constant 80 : i32
        %mul3A_29 = arith.muli %add3A, %mul3A_28 : i32
        "tpu.region"() ({
          %run_scoped3A = tpu.sem_alloc : memref<!tpu.dma_semaphore, #tpu.memory_space<semaphore_mem>>
          %dma_start3A = arith.constant 0 : i32
          %dma_start3A_30 = tpu.memref_slice %arg8[%mul3A_29, %dma_start3A] : memref<10000x128xf32, #tpu.memory_space<vmem_shared>> -> memref<80x128xf32, #tpu.memory_space<vmem_shared>>
          %dma_start3A_31 = arith.constant 0 : i32
          %dma_start3A_32 = tpu.memref_slice %arg8[%mul3A_29, %dma_start3A_31] : memref<10000x128xf32, #tpu.memory_space<vmem_shared>> -> memref<80x128xf32, #tpu.memory_space<vmem_shared>>
          tpu.enqueue_dma source(%arg7 : memref<80x128xf32, #tpu.memory_space<vmem>>) target(%dma_start3A_32 : memref<80x128xf32, #tpu.memory_space<vmem_shared>>) target_semaphore(%run_scoped3A : memref<!tpu.dma_semaphore, #tpu.memory_space<semaphore_mem>>)
          %dma_wait3A = arith.constant 0 : i32
          %dma_wait3A_33 = tpu.memref_slice %arg8[%mul3A_29, %dma_wait3A] : memref<10000x128xf32, #tpu.memory_space<vmem_shared>> -> memref<80x128xf32, #tpu.memory_space<vmem_shared>>
          %dma_wait3A_34 = arith.constant 0 : i32
          %dma_wait3A_35 = tpu.memref_slice %arg8[%mul3A_29, %dma_wait3A_34] : memref<10000x128xf32, #tpu.memory_space<vmem_shared>> -> memref<80x128xf32, #tpu.memory_space<vmem_shared>>
          tpu.wait_dma2 semaphore(%run_scoped3A : memref<!tpu.dma_semaphore, #tpu.memory_space<semaphore_mem>>) src(%arg7 : memref<80x128xf32, #tpu.memory_space<vmem>>) dst(%dma_wait3A_35 : memref<80x128xf32, #tpu.memory_space<vmem_shared>>)
          tpu.yield
        }) : () -> ()
      } else {
      }
    }
    %scan3A_10 = arith.constant 8 : i32
    %barrier3A = arith.constant 0 : index
    tpu.barrier barrier_id(%barrier3A)
    %scan3A_11 = arith.constant 0 : i32
    %scan3A_12 = arith.constant 0 : i32
    %scan3A_13 = arith.constant 79 : i32
    %scan3A_14 = arith.addi %scan3A_12, %scan3A_13 : i32
    %scan3A_15 = arith.constant 1 : i32
    scf.for %scan3A_24 = %scan3A_12 to %scan3A_14 step %scan3A_15  : i32 {
      %mul3A = arith.constant 16 : i32
      %mul3A_25 = arith.muli %scan3A_24, %mul3A : i32
      %add3A = arith.addi %arg1, %mul3A_25 : i32
      %lt3A = arith.constant 1250 : i32
      %lt3A_26 = arith.cmpi slt, %add3A, %lt3A : i32
      %convert_element_type3A = arith.extui %lt3A_26 : i1 to i32
      %cond3A = arith.constant 0 : i32
      %cond3A_27 = arith.cmpi ne, %convert_element_type3A, %cond3A : i32
      scf.if %cond3A_27 {
        %mul3A_28 = arith.constant 128 : i32
        %mul3A_29 = arith.muli %add3A, %mul3A_28 : i32
        "tpu.region"() ({
          %run_scoped3A = tpu.sem_alloc : memref<!tpu.dma_semaphore, #tpu.memory_space<semaphore_mem>>
          %dma_start3A = tpu.memref_slice %arg3[%mul3A_29] : memref<160000xi32, #tpu.memory_space<hbm>> -> memref<128xi32, #tpu.memory_space<hbm>>
          %dma_start3A_32 = tpu.memref_slice %arg3[%mul3A_29] : memref<160000xi32, #tpu.memory_space<hbm>> -> memref<128xi32, #tpu.memory_space<hbm>>
          tpu.enqueue_dma source(%dma_start3A_32 : memref<128xi32, #tpu.memory_space<hbm>>) target(%arg5 : memref<128xi32, #tpu.memory_space<vmem>>) target_semaphore(%run_scoped3A : memref<!tpu.dma_semaphore, #tpu.memory_space<semaphore_mem>>)
          %dma_wait3A = tpu.memref_slice %arg3[%mul3A_29] : memref<160000xi32, #tpu.memory_space<hbm>> -> memref<128xi32, #tpu.memory_space<hbm>>
          %dma_wait3A_33 = tpu.memref_slice %arg3[%mul3A_29] : memref<160000xi32, #tpu.memory_space<hbm>> -> memref<128xi32, #tpu.memory_space<hbm>>
          tpu.wait_dma2 semaphore(%run_scoped3A : memref<!tpu.dma_semaphore, #tpu.memory_space<semaphore_mem>>) src(%dma_wait3A_33 : memref<128xi32, #tpu.memory_space<hbm>>) dst(%arg5 : memref<128xi32, #tpu.memory_space<vmem>>)
          tpu.yield
        }) : () -> ()
        %mul3A_30 = arith.constant 128 : i32
        %mul3A_31 = arith.muli %arg0, %mul3A_30 : i32
        "tpu.region"() ({
          %run_scoped3A = tpu.sem_alloc : memref<!tpu.dma_semaphore, #tpu.memory_space<semaphore_mem>>
          %dma_start3A = tpu.memref_slice %arg2[%mul3A_29, %mul3A_31] : memref<160000x256xf32, #tpu.memory_space<hbm>> -> memref<128x128xf32, #tpu.memory_space<hbm>>
          %dma_start3A_32 = tpu.memref_slice %arg2[%mul3A_29, %mul3A_31] : memref<160000x256xf32, #tpu.memory_space<hbm>> -> memref<128x128xf32, #tpu.memory_space<hbm>>
          tpu.enqueue_dma source(%dma_start3A_32 : memref<128x128xf32, #tpu.memory_space<hbm>>) target(%arg6 : memref<128x128xf32, #tpu.memory_space<vmem>>) target_semaphore(%run_scoped3A : memref<!tpu.dma_semaphore, #tpu.memory_space<semaphore_mem>>)
          %dma_wait3A = tpu.memref_slice %arg2[%mul3A_29, %mul3A_31] : memref<160000x256xf32, #tpu.memory_space<hbm>> -> memref<128x128xf32, #tpu.memory_space<hbm>>
          %dma_wait3A_33 = tpu.memref_slice %arg2[%mul3A_29, %mul3A_31] : memref<160000x256xf32, #tpu.memory_space<hbm>> -> memref<128x128xf32, #tpu.memory_space<hbm>>
          tpu.wait_dma2 semaphore(%run_scoped3A : memref<!tpu.dma_semaphore, #tpu.memory_space<semaphore_mem>>) src(%dma_wait3A_33 : memref<128x128xf32, #tpu.memory_space<hbm>>) dst(%arg6 : memref<128x128xf32, #tpu.memory_space<vmem>>)
          tpu.yield
        }) : () -> ()
        "tpu.region"() ({
          %run_scoped3A = tpu.sem_alloc : memref<!tpu.dma_semaphore, #tpu.memory_space<semaphore_mem>>
          %dma_start3A = arith.constant 0 : i32
          %dma_start3A_32 = arith.constant 0 : i32
          %dma_start3A_33 = tpu.memref_slice %arg8[%dma_start3A, %dma_start3A_32] : memref<10000x128xf32, #tpu.memory_space<vmem_shared>> -> memref<10000x128xf32, #tpu.memory_space<vmem_shared>>
          tpu.enqueue_indirect_dma source(%arg6 : memref<128x128xf32, #tpu.memory_space<vmem>>) target(%dma_start3A_33 : memref<10000x128xf32, #tpu.memory_space<vmem_shared>>) offsets(%arg5 : memref<128xi32, #tpu.memory_space<vmem>>) semaphore(%run_scoped3A : memref<!tpu.dma_semaphore, #tpu.memory_space<semaphore_mem>>) {add = true}
          %dma_wait3A = arith.constant 0 : i32
          %dma_wait3A_34 = arith.constant 0 : i32
          %dma_wait3A_35 = tpu.memref_slice %arg8[%dma_wait3A, %dma_wait3A_34] : memref<10000x128xf32, #tpu.memory_space<vmem_shared>> -> memref<10000x128xf32, #tpu.memory_space<vmem_shared>>
          tpu.wait_indirect_dma semaphore(%run_scoped3A : memref<!tpu.dma_semaphore, #tpu.memory_space<semaphore_mem>>) src(%arg6 : memref<128x128xf32, #tpu.memory_space<vmem>>) dst(%dma_wait3A_35 : memref<10000x128xf32, #tpu.memory_space<vmem_shared>>)
          tpu.yield
        }) : () -> ()
      } else {
      }
    }
    %scan3A_16 = arith.constant 79 : i32
    %barrier3A_17 = arith.constant 0 : index
    tpu.barrier barrier_id(%barrier3A_17)
    %scan3A_18 = arith.constant 0 : i32
    %scan3A_19 = arith.constant 0 : i32
    %scan3A_20 = arith.constant 8 : i32
    %scan3A_21 = arith.addi %scan3A_19, %scan3A_20 : i32
    %scan3A_22 = arith.constant 1 : i32
    scf.for %scan3A_24 = %scan3A_19 to %scan3A_21 step %scan3A_22  : i32 {
      %mul3A = arith.constant 16 : i32
      %mul3A_25 = arith.muli %scan3A_24, %mul3A : i32
      %add3A = arith.addi %arg1, %mul3A_25 : i32
      %lt3A = arith.constant 125 : i32
      %lt3A_26 = arith.cmpi slt, %add3A, %lt3A : i32
      %convert_element_type3A = arith.extui %lt3A_26 : i1 to i32
      %cond3A = arith.constant 0 : i32
      %cond3A_27 = arith.cmpi ne, %convert_element_type3A, %cond3A : i32
      scf.if %cond3A_27 {
        %mul3A_28 = arith.constant 80 : i32
        %mul3A_29 = arith.muli %add3A, %mul3A_28 : i32
        %mul3A_30 = arith.constant 128 : i32
        %mul3A_31 = arith.muli %arg0, %mul3A_30 : i32
        "tpu.region"() ({
          %run_scoped3A = tpu.sem_alloc : memref<!tpu.dma_semaphore, #tpu.memory_space<semaphore_mem>>
          %dma_start3A = tpu.memref_slice %arg4[%mul3A_29, %mul3A_31] : memref<10000x256xf32, #tpu.memory_space<hbm>> -> memref<80x128xf32, #tpu.memory_space<hbm>>
          %dma_start3A_32 = arith.constant 0 : i32
          %dma_start3A_33 = tpu.memref_slice %arg8[%mul3A_29, %dma_start3A_32] : memref<10000x128xf32, #tpu.memory_space<vmem_shared>> -> memref<80x128xf32, #tpu.memory_space<vmem_shared>>
          tpu.enqueue_dma source(%dma_start3A_33 : memref<80x128xf32, #tpu.memory_space<vmem_shared>>) target(%dma_start3A : memref<80x128xf32, #tpu.memory_space<hbm>>) target_semaphore(%run_scoped3A : memref<!tpu.dma_semaphore, #tpu.memory_space<semaphore_mem>>)
          %dma_wait3A = tpu.memref_slice %arg4[%mul3A_29, %mul3A_31] : memref<10000x256xf32, #tpu.memory_space<hbm>> -> memref<80x128xf32, #tpu.memory_space<hbm>>
          %dma_wait3A_34 = arith.constant 0 : i32
          %dma_wait3A_35 = tpu.memref_slice %arg8[%mul3A_29, %dma_wait3A_34] : memref<10000x128xf32, #tpu.memory_space<vmem_shared>> -> memref<80x128xf32, #tpu.memory_space<vmem_shared>>
          tpu.wait_dma2 semaphore(%run_scoped3A : memref<!tpu.dma_semaphore, #tpu.memory_space<semaphore_mem>>) src(%dma_wait3A_35 : memref<80x128xf32, #tpu.memory_space<vmem_shared>>) dst(%dma_wait3A : memref<80x128xf32, #tpu.memory_space<hbm>>)
          tpu.yield
        }) : () -> ()
      } else {
      }
    }
    %scan3A_23 = arith.constant 8 : i32
    return
  }
}

#map = affine_map<(d0, d1) -> (0, 0)>
#map1 = affine_map<(d0, d1) -> (0)>
module attributes {stable_mosaic.version = 14 : i64} {
  func.func @_gather2_body(%arg0: i32, %arg1: i32, %arg2: memref<10000x256xf32, #tpu.memory_space<hbm>>, %arg3: memref<160000x256xf32, #tpu.memory_space<hbm>>, %arg4: memref<160000xi32, #tpu.memory_space<hbm>>, %arg5: memref<160000xi32, #tpu.memory_space<hbm>>, %arg6: memref<160000x256xf32, #tpu.memory_space<hbm>>, %arg7: memref<160000x256xf32, #tpu.memory_space<hbm>>, %arg8: memref<128xi32, #tpu.memory_space<vmem>>, %arg9: memref<128xi32, #tpu.memory_space<vmem>>, %arg10: memref<128x256xf32, #tpu.memory_space<vmem>>, %arg11: memref<128x256xf32, #tpu.memory_space<vmem>>, %arg12: memref<!tpu.dma_semaphore, #tpu.memory_space<semaphore_mem>>, %arg13: memref<!tpu.dma_semaphore, #tpu.memory_space<semaphore_mem>>) attributes {dimension_semantics = [#tpu.dimension_semantics<core_parallel>, #tpu.dimension_semantics<subcore_parallel>], iteration_bounds = array<i64: 2, 16>, scalar_prefetch = 0 : i64, scratch_operands = 6 : i64, tpu.core_type = #tpu.core_type<sc_vector_subcore>, window_params = [{transform_indices = #map}, {transform_indices = #map}, {transform_indices = #map1}, {transform_indices = #map1}, {transform_indices = #map}, {transform_indices = #map}]} {
    %mul3A = arith.constant 2 : i32
    %mul3A_0 = arith.muli %arg1, %mul3A : i32
    %add3A = arith.addi %mul3A_0, %arg0 : i32
    %scan3A = arith.constant 0 : i32
    %scan3A_1 = arith.constant 0 : i32
    %scan3A_2 = arith.constant 40 : i32
    %scan3A_3 = arith.addi %scan3A_1, %scan3A_2 : i32
    %scan3A_4 = arith.constant 1 : i32
    scf.for %scan3A_6 = %scan3A_1 to %scan3A_3 step %scan3A_4  : i32 {
      %mul3A_7 = arith.constant 32 : i32
      %mul3A_8 = arith.muli %scan3A_6, %mul3A_7 : i32
      %add3A_9 = arith.addi %add3A, %mul3A_8 : i32
      %lt3A = arith.constant 1250 : i32
      %lt3A_10 = arith.cmpi slt, %add3A_9, %lt3A : i32
      %convert_element_type3A = arith.extui %lt3A_10 : i1 to i32
      %cond3A = arith.constant 0 : i32
      %cond3A_11 = arith.cmpi ne, %convert_element_type3A, %cond3A : i32
      scf.if %cond3A_11 {
        %mul3A_12 = arith.constant 128 : i32
        %mul3A_13 = arith.muli %add3A_9, %mul3A_12 : i32
        "tpu.region"() ({
          %run_scoped3A = tpu.sem_alloc : memref<!tpu.dma_semaphore, #tpu.memory_space<semaphore_mem>>
          %dma_start3A_24 = tpu.memref_slice %arg4[%mul3A_13] : memref<160000xi32, #tpu.memory_space<hbm>> -> memref<128xi32, #tpu.memory_space<hbm>>
          %dma_start3A_25 = tpu.memref_slice %arg4[%mul3A_13] : memref<160000xi32, #tpu.memory_space<hbm>> -> memref<128xi32, #tpu.memory_space<hbm>>
          tpu.enqueue_dma source(%dma_start3A_25 : memref<128xi32, #tpu.memory_space<hbm>>) target(%arg8 : memref<128xi32, #tpu.memory_space<vmem>>) target_semaphore(%run_scoped3A : memref<!tpu.dma_semaphore, #tpu.memory_space<semaphore_mem>>)
          %dma_wait3A_26 = tpu.memref_slice %arg4[%mul3A_13] : memref<160000xi32, #tpu.memory_space<hbm>> -> memref<128xi32, #tpu.memory_space<hbm>>
          %dma_wait3A_27 = tpu.memref_slice %arg4[%mul3A_13] : memref<160000xi32, #tpu.memory_space<hbm>> -> memref<128xi32, #tpu.memory_space<hbm>>
          tpu.wait_dma2 semaphore(%run_scoped3A : memref<!tpu.dma_semaphore, #tpu.memory_space<semaphore_mem>>) src(%dma_wait3A_27 : memref<128xi32, #tpu.memory_space<hbm>>) dst(%arg8 : memref<128xi32, #tpu.memory_space<vmem>>)
          tpu.yield
        }) : () -> ()
        "tpu.region"() ({
          %run_scoped3A = tpu.sem_alloc : memref<!tpu.dma_semaphore, #tpu.memory_space<semaphore_mem>>
          %dma_start3A_24 = tpu.memref_slice %arg5[%mul3A_13] : memref<160000xi32, #tpu.memory_space<hbm>> -> memref<128xi32, #tpu.memory_space<hbm>>
          %dma_start3A_25 = tpu.memref_slice %arg5[%mul3A_13] : memref<160000xi32, #tpu.memory_space<hbm>> -> memref<128xi32, #tpu.memory_space<hbm>>
          tpu.enqueue_dma source(%dma_start3A_25 : memref<128xi32, #tpu.memory_space<hbm>>) target(%arg9 : memref<128xi32, #tpu.memory_space<vmem>>) target_semaphore(%run_scoped3A : memref<!tpu.dma_semaphore, #tpu.memory_space<semaphore_mem>>)
          %dma_wait3A_26 = tpu.memref_slice %arg5[%mul3A_13] : memref<160000xi32, #tpu.memory_space<hbm>> -> memref<128xi32, #tpu.memory_space<hbm>>
          %dma_wait3A_27 = tpu.memref_slice %arg5[%mul3A_13] : memref<160000xi32, #tpu.memory_space<hbm>> -> memref<128xi32, #tpu.memory_space<hbm>>
          tpu.wait_dma2 semaphore(%run_scoped3A : memref<!tpu.dma_semaphore, #tpu.memory_space<semaphore_mem>>) src(%dma_wait3A_27 : memref<128xi32, #tpu.memory_space<hbm>>) dst(%arg9 : memref<128xi32, #tpu.memory_space<vmem>>)
          tpu.yield
        }) : () -> ()
        %dma_start3A = arith.constant 0 : i32
        %dma_start3A_14 = arith.constant 0 : i32
        %dma_start3A_15 = tpu.memref_slice %arg2[%dma_start3A, %dma_start3A_14] : memref<10000x256xf32, #tpu.memory_space<hbm>> -> memref<10000x256xf32, #tpu.memory_space<hbm>>
        tpu.enqueue_indirect_dma source(%dma_start3A_15 : memref<10000x256xf32, #tpu.memory_space<hbm>>) target(%arg10 : memref<128x256xf32, #tpu.memory_space<vmem>>) offsets(%arg8 : memref<128xi32, #tpu.memory_space<vmem>>) semaphore(%arg12 : memref<!tpu.dma_semaphore, #tpu.memory_space<semaphore_mem>>)
        %dma_start3A_16 = arith.constant 0 : i32
        %dma_start3A_17 = arith.constant 0 : i32
        %dma_start3A_18 = tpu.memref_slice %arg3[%dma_start3A_16, %dma_start3A_17] : memref<160000x256xf32, #tpu.memory_space<hbm>> -> memref<160000x256xf32, #tpu.memory_space<hbm>>
        tpu.enqueue_indirect_dma source(%dma_start3A_18 : memref<160000x256xf32, #tpu.memory_space<hbm>>) target(%arg11 : memref<128x256xf32, #tpu.memory_space<vmem>>) offsets(%arg9 : memref<128xi32, #tpu.memory_space<vmem>>) semaphore(%arg13 : memref<!tpu.dma_semaphore, #tpu.memory_space<semaphore_mem>>)
        %dma_wait3A = arith.constant 0 : i32
        %dma_wait3A_19 = arith.constant 0 : i32
        %dma_wait3A_20 = tpu.memref_slice %arg2[%dma_wait3A, %dma_wait3A_19] : memref<10000x256xf32, #tpu.memory_space<hbm>> -> memref<10000x256xf32, #tpu.memory_space<hbm>>
        tpu.wait_indirect_dma semaphore(%arg12 : memref<!tpu.dma_semaphore, #tpu.memory_space<semaphore_mem>>) src(%dma_wait3A_20 : memref<10000x256xf32, #tpu.memory_space<hbm>>) dst(%arg10 : memref<128x256xf32, #tpu.memory_space<vmem>>)
        %dma_wait3A_21 = arith.constant 0 : i32
        %dma_wait3A_22 = arith.constant 0 : i32
        %dma_wait3A_23 = tpu.memref_slice %arg3[%dma_wait3A_21, %dma_wait3A_22] : memref<160000x256xf32, #tpu.memory_space<hbm>> -> memref<160000x256xf32, #tpu.memory_space<hbm>>
        tpu.wait_indirect_dma semaphore(%arg13 : memref<!tpu.dma_semaphore, #tpu.memory_space<semaphore_mem>>) src(%dma_wait3A_23 : memref<160000x256xf32, #tpu.memory_space<hbm>>) dst(%arg11 : memref<128x256xf32, #tpu.memory_space<vmem>>)
        "tpu.region"() ({
          %run_scoped3A = tpu.sem_alloc : memref<!tpu.dma_semaphore, #tpu.memory_space<semaphore_mem>>
          %dma_start3A_24 = arith.constant 0 : i32
          %dma_start3A_25 = tpu.memref_slice %arg6[%mul3A_13, %dma_start3A_24] : memref<160000x256xf32, #tpu.memory_space<hbm>> -> memref<128x256xf32, #tpu.memory_space<hbm>>
          %dma_start3A_26 = arith.constant 0 : i32
          %dma_start3A_27 = tpu.memref_slice %arg6[%mul3A_13, %dma_start3A_26] : memref<160000x256xf32, #tpu.memory_space<hbm>> -> memref<128x256xf32, #tpu.memory_space<hbm>>
          tpu.enqueue_dma source(%arg10 : memref<128x256xf32, #tpu.memory_space<vmem>>) target(%dma_start3A_27 : memref<128x256xf32, #tpu.memory_space<hbm>>) target_semaphore(%run_scoped3A : memref<!tpu.dma_semaphore, #tpu.memory_space<semaphore_mem>>)
          %dma_wait3A_28 = arith.constant 0 : i32
          %dma_wait3A_29 = tpu.memref_slice %arg6[%mul3A_13, %dma_wait3A_28] : memref<160000x256xf32, #tpu.memory_space<hbm>> -> memref<128x256xf32, #tpu.memory_space<hbm>>
          %dma_wait3A_30 = arith.constant 0 : i32
          %dma_wait3A_31 = tpu.memref_slice %arg6[%mul3A_13, %dma_wait3A_30] : memref<160000x256xf32, #tpu.memory_space<hbm>> -> memref<128x256xf32, #tpu.memory_space<hbm>>
          tpu.wait_dma2 semaphore(%run_scoped3A : memref<!tpu.dma_semaphore, #tpu.memory_space<semaphore_mem>>) src(%arg10 : memref<128x256xf32, #tpu.memory_space<vmem>>) dst(%dma_wait3A_31 : memref<128x256xf32, #tpu.memory_space<hbm>>)
          tpu.yield
        }) : () -> ()
        "tpu.region"() ({
          %run_scoped3A = tpu.sem_alloc : memref<!tpu.dma_semaphore, #tpu.memory_space<semaphore_mem>>
          %dma_start3A_24 = arith.constant 0 : i32
          %dma_start3A_25 = tpu.memref_slice %arg7[%mul3A_13, %dma_start3A_24] : memref<160000x256xf32, #tpu.memory_space<hbm>> -> memref<128x256xf32, #tpu.memory_space<hbm>>
          %dma_start3A_26 = arith.constant 0 : i32
          %dma_start3A_27 = tpu.memref_slice %arg7[%mul3A_13, %dma_start3A_26] : memref<160000x256xf32, #tpu.memory_space<hbm>> -> memref<128x256xf32, #tpu.memory_space<hbm>>
          tpu.enqueue_dma source(%arg11 : memref<128x256xf32, #tpu.memory_space<vmem>>) target(%dma_start3A_27 : memref<128x256xf32, #tpu.memory_space<hbm>>) target_semaphore(%run_scoped3A : memref<!tpu.dma_semaphore, #tpu.memory_space<semaphore_mem>>)
          %dma_wait3A_28 = arith.constant 0 : i32
          %dma_wait3A_29 = tpu.memref_slice %arg7[%mul3A_13, %dma_wait3A_28] : memref<160000x256xf32, #tpu.memory_space<hbm>> -> memref<128x256xf32, #tpu.memory_space<hbm>>
          %dma_wait3A_30 = arith.constant 0 : i32
          %dma_wait3A_31 = tpu.memref_slice %arg7[%mul3A_13, %dma_wait3A_30] : memref<160000x256xf32, #tpu.memory_space<hbm>> -> memref<128x256xf32, #tpu.memory_space<hbm>>
          tpu.wait_dma2 semaphore(%run_scoped3A : memref<!tpu.dma_semaphore, #tpu.memory_space<semaphore_mem>>) src(%arg11 : memref<128x256xf32, #tpu.memory_space<vmem>>) dst(%dma_wait3A_31 : memref<128x256xf32, #tpu.memory_space<hbm>>)
          tpu.yield
        }) : () -> ()
      } else {
      }
    }
    %scan3A_5 = arith.constant 40 : i32
    return
  }
}

#map = affine_map<(d0, d1) -> (0, 0)>
#map1 = affine_map<(d0, d1) -> (0)>
module attributes {stable_mosaic.version = 14 : i64} {
  func.func @_scatter_body(%arg0: i32, %arg1: i32, %arg2: memref<160000x256xf32, #tpu.memory_space<hbm>>, %arg3: memref<160000xi32, #tpu.memory_space<hbm>>, %arg4: memref<10000x256xf32, #tpu.memory_space<hbm>>, %arg5: memref<128xi32, #tpu.memory_space<vmem>>, %arg6: memref<128x128xf32, #tpu.memory_space<vmem>>, %arg7: memref<80x128xf32, #tpu.memory_space<vmem>>, %arg8: memref<10000x128xf32, #tpu.memory_space<vmem_shared>>) attributes {dimension_semantics = [#tpu.dimension_semantics<core_parallel>, #tpu.dimension_semantics<subcore_parallel>], iteration_bounds = array<i64: 2, 16>, scalar_prefetch = 0 : i64, scratch_operands = 4 : i64, tpu.core_type = #tpu.core_type<sc_vector_subcore>, window_params = [{transform_indices = #map}, {transform_indices = #map1}, {transform_indices = #map}]} {
    %scan3A = arith.constant 0 : i32
    %scan3A_0 = arith.constant 0 : i32
    %scan3A_1 = arith.constant 640 : i32
    %scan3A_2 = arith.addi %scan3A_0, %scan3A_1 : i32
    %scan3A_3 = arith.constant 1 : i32
    scf.for %scan3A_24 = %scan3A_0 to %scan3A_2 step %scan3A_3  : i32 {
      %jit3A = arith.constant 8 : i32
      %div3A = arith.divsi %scan3A_24, %jit3A : i32
      %sign3A = arith.constant 0 : i32
      %sign3A_25 = arith.cmpi sgt, %scan3A_24, %sign3A : i32
      %sign3A_26 = arith.extui %sign3A_25 : i1 to i32
      %sign3A_27 = arith.constant 0 : i32
      %sign3A_28 = arith.cmpi slt, %scan3A_24, %sign3A_27 : i32
      %sign3A_29 = arith.extui %sign3A_28 : i1 to i32
      %sign3A_30 = arith.subi %sign3A_26, %sign3A_29 : i32
      %sign3A_31 = arith.constant 0 : i32
      %sign3A_32 = arith.cmpi sgt, %jit3A, %sign3A_31 : i32
      %sign3A_33 = arith.extui %sign3A_32 : i1 to i32
      %sign3A_34 = arith.constant 0 : i32
      %sign3A_35 = arith.cmpi slt, %jit3A, %sign3A_34 : i32
      %sign3A_36 = arith.extui %sign3A_35 : i1 to i32
      %sign3A_37 = arith.subi %sign3A_33, %sign3A_36 : i32
      %ne3A = arith.cmpi ne, %sign3A_30, %sign3A_37 : i32
      %rem3A = arith.remsi %scan3A_24, %jit3A : i32
      %ne3A_38 = arith.constant 0 : i32
      %ne3A_39 = arith.cmpi ne, %rem3A, %ne3A_38 : i32
      %and3A = arith.andi %ne3A, %ne3A_39 : i1
      %sub3A = arith.constant 1 : i32
      %sub3A_40 = arith.subi %div3A, %sub3A : i32
      %select_n3A = arith.select %and3A, %sub3A_40, %div3A : i32
      %jit3A_41 = arith.constant 8 : i32
      %eq3A = arith.constant 0 : i32
      %eq3A_42 = arith.cmpi eq, %jit3A_41, %eq3A : i32
      %jit3A_43 = arith.constant 1 : i32
      %select_n3A_44 = arith.select %eq3A_42, %jit3A_43, %jit3A_41 : i32
      %rem3A_45 = arith.remsi %scan3A_24, %select_n3A_44 : i32
      %ne3A_46 = arith.constant 0 : i32
      %ne3A_47 = arith.cmpi ne, %rem3A_45, %ne3A_46 : i32
      %lt3A = arith.constant 0 : i32
      %lt3A_48 = arith.cmpi slt, %rem3A_45, %lt3A : i32
      %lt3A_49 = arith.constant 0 : i32
      %lt3A_50 = arith.cmpi slt, %select_n3A_44, %lt3A_49 : i32
      %ne3A_51 = arith.xori %lt3A_48, %lt3A_50 : i1
      %and3A_52 = arith.andi %ne3A_51, %ne3A_47 : i1
      %add3A = arith.addi %rem3A_45, %select_n3A_44 : i32
      %select_n3A_53 = arith.select %and3A_52, %add3A, %rem3A_45 : i32
      %broadcast_in_dim3A = arith.constant 0.000000e+00 : f32
      %broadcast_in_dim3A_54 = vector.broadcast %broadcast_in_dim3A : f32 to vector<16xf32>
      %mul3A = arith.constant 16 : i32
      %mul3A_55 = arith.muli %select_n3A_53, %mul3A : i32
      %swap3A = arith.index_cast %select_n3A : i32 to index
      %swap3A_56 = arith.index_cast %mul3A_55 : i32 to index
      %swap3A_57 = tpu.vector_load %arg7[%swap3A, %swap3A_56] {strides = array<i32>} : memref<80x128xf32, #tpu.memory_space<vmem>>, vector<1x16xf32>,
      %swap3A_58 = vector.shape_cast %swap3A_57 : vector<1x16xf32> to vector<16xf32>
      %swap3A_59 = vector.shape_cast %broadcast_in_dim3A_54 : vector<16xf32> to vector<1x16xf32>
      tpu.vector_store %arg7[%swap3A, %swap3A_56], %swap3A_59 {strides = array<i32>} : memref<80x128xf32, #tpu.memory_space<vmem>>, vector<1x16xf32>,
    }
    %scan3A_4 = arith.constant 640 : i32
    %scan3A_5 = arith.constant 0 : i32
    %scan3A_6 = arith.constant 0 : i32
    %scan3A_7 = arith.constant 8 : i32
    %scan3A_8 = arith.addi %scan3A_6, %scan3A_7 : i32
    %scan3A_9 = arith.constant 1 : i32
    scf.for %scan3A_24 = %scan3A_6 to %scan3A_8 step %scan3A_9  : i32 {
      %mul3A = arith.constant 16 : i32
      %mul3A_25 = arith.muli %scan3A_24, %mul3A : i32
      %add3A = arith.addi %arg1, %mul3A_25 : i32
      %lt3A = arith.constant 125 : i32
      %lt3A_26 = arith.cmpi slt, %add3A, %lt3A : i32
      %convert_element_type3A = arith.extui %lt3A_26 : i1 to i32
      %cond3A = arith.constant 0 : i32
      %cond3A_27 = arith.cmpi ne, %convert_element_type3A, %cond3A : i32
      scf.if %cond3A_27 {
        %mul3A_28 = arith.constant 80 : i32
        %mul3A_29 = arith.muli %add3A, %mul3A_28 : i32
        "tpu.region"() ({
          %run_scoped3A = tpu.sem_alloc : memref<!tpu.dma_semaphore, #tpu.memory_space<semaphore_mem>>
          %dma_start3A = arith.constant 0 : i32
          %dma_start3A_30 = tpu.memref_slice %arg8[%mul3A_29, %dma_start3A] : memref<10000x128xf32, #tpu.memory_space<vmem_shared>> -> memref<80x128xf32, #tpu.memory_space<vmem_shared>>
          %dma_start3A_31 = arith.constant 0 : i32
          %dma_start3A_32 = tpu.memref_slice %arg8[%mul3A_29, %dma_start3A_31] : memref<10000x128xf32, #tpu.memory_space<vmem_shared>> -> memref<80x128xf32, #tpu.memory_space<vmem_shared>>
          tpu.enqueue_dma source(%arg7 : memref<80x128xf32, #tpu.memory_space<vmem>>) target(%dma_start3A_32 : memref<80x128xf32, #tpu.memory_space<vmem_shared>>) target_semaphore(%run_scoped3A : memref<!tpu.dma_semaphore, #tpu.memory_space<semaphore_mem>>)
          %dma_wait3A = arith.constant 0 : i32
          %dma_wait3A_33 = tpu.memref_slice %arg8[%mul3A_29, %dma_wait3A] : memref<10000x128xf32, #tpu.memory_space<vmem_shared>> -> memref<80x128xf32, #tpu.memory_space<vmem_shared>>
          %dma_wait3A_34 = arith.constant 0 : i32
          %dma_wait3A_35 = tpu.memref_slice %arg8[%mul3A_29, %dma_wait3A_34] : memref<10000x128xf32, #tpu.memory_space<vmem_shared>> -> memref<80x128xf32, #tpu.memory_space<vmem_shared>>
          tpu.wait_dma2 semaphore(%run_scoped3A : memref<!tpu.dma_semaphore, #tpu.memory_space<semaphore_mem>>) src(%arg7 : memref<80x128xf32, #tpu.memory_space<vmem>>) dst(%dma_wait3A_35 : memref<80x128xf32, #tpu.memory_space<vmem_shared>>)
          tpu.yield
        }) : () -> ()
      } else {
      }
    }
    %scan3A_10 = arith.constant 8 : i32
    %barrier3A = arith.constant 0 : index
    tpu.barrier barrier_id(%barrier3A)
    %scan3A_11 = arith.constant 0 : i32
    %scan3A_12 = arith.constant 0 : i32
    %scan3A_13 = arith.constant 79 : i32
    %scan3A_14 = arith.addi %scan3A_12, %scan3A_13 : i32
    %scan3A_15 = arith.constant 1 : i32
    scf.for %scan3A_24 = %scan3A_12 to %scan3A_14 step %scan3A_15  : i32 {
      %mul3A = arith.constant 16 : i32
      %mul3A_25 = arith.muli %scan3A_24, %mul3A : i32
      %add3A = arith.addi %arg1, %mul3A_25 : i32
      %lt3A = arith.constant 1250 : i32
      %lt3A_26 = arith.cmpi slt, %add3A, %lt3A : i32
      %convert_element_type3A = arith.extui %lt3A_26 : i1 to i32
      %cond3A = arith.constant 0 : i32
      %cond3A_27 = arith.cmpi ne, %convert_element_type3A, %cond3A : i32
      scf.if %cond3A_27 {
        %mul3A_28 = arith.constant 128 : i32
        %mul3A_29 = arith.muli %add3A, %mul3A_28 : i32
        "tpu.region"() ({
          %run_scoped3A = tpu.sem_alloc : memref<!tpu.dma_semaphore, #tpu.memory_space<semaphore_mem>>
          %dma_start3A = tpu.memref_slice %arg3[%mul3A_29] : memref<160000xi32, #tpu.memory_space<hbm>> -> memref<128xi32, #tpu.memory_space<hbm>>
          %dma_start3A_32 = tpu.memref_slice %arg3[%mul3A_29] : memref<160000xi32, #tpu.memory_space<hbm>> -> memref<128xi32, #tpu.memory_space<hbm>>
          tpu.enqueue_dma source(%dma_start3A_32 : memref<128xi32, #tpu.memory_space<hbm>>) target(%arg5 : memref<128xi32, #tpu.memory_space<vmem>>) target_semaphore(%run_scoped3A : memref<!tpu.dma_semaphore, #tpu.memory_space<semaphore_mem>>)
          %dma_wait3A = tpu.memref_slice %arg3[%mul3A_29] : memref<160000xi32, #tpu.memory_space<hbm>> -> memref<128xi32, #tpu.memory_space<hbm>>
          %dma_wait3A_33 = tpu.memref_slice %arg3[%mul3A_29] : memref<160000xi32, #tpu.memory_space<hbm>> -> memref<128xi32, #tpu.memory_space<hbm>>
          tpu.wait_dma2 semaphore(%run_scoped3A : memref<!tpu.dma_semaphore, #tpu.memory_space<semaphore_mem>>) src(%dma_wait3A_33 : memref<128xi32, #tpu.memory_space<hbm>>) dst(%arg5 : memref<128xi32, #tpu.memory_space<vmem>>)
          tpu.yield
        }) : () -> ()
        %mul3A_30 = arith.constant 128 : i32
        %mul3A_31 = arith.muli %arg0, %mul3A_30 : i32
        "tpu.region"() ({
          %run_scoped3A = tpu.sem_alloc : memref<!tpu.dma_semaphore, #tpu.memory_space<semaphore_mem>>
          %dma_start3A = tpu.memref_slice %arg2[%mul3A_29, %mul3A_31] : memref<160000x256xf32, #tpu.memory_space<hbm>> -> memref<128x128xf32, #tpu.memory_space<hbm>>
          %dma_start3A_32 = tpu.memref_slice %arg2[%mul3A_29, %mul3A_31] : memref<160000x256xf32, #tpu.memory_space<hbm>> -> memref<128x128xf32, #tpu.memory_space<hbm>>
          tpu.enqueue_dma source(%dma_start3A_32 : memref<128x128xf32, #tpu.memory_space<hbm>>) target(%arg6 : memref<128x128xf32, #tpu.memory_space<vmem>>) target_semaphore(%run_scoped3A : memref<!tpu.dma_semaphore, #tpu.memory_space<semaphore_mem>>)
          %dma_wait3A = tpu.memref_slice %arg2[%mul3A_29, %mul3A_31] : memref<160000x256xf32, #tpu.memory_space<hbm>> -> memref<128x128xf32, #tpu.memory_space<hbm>>
          %dma_wait3A_33 = tpu.memref_slice %arg2[%mul3A_29, %mul3A_31] : memref<160000x256xf32, #tpu.memory_space<hbm>> -> memref<128x128xf32, #tpu.memory_space<hbm>>
          tpu.wait_dma2 semaphore(%run_scoped3A : memref<!tpu.dma_semaphore, #tpu.memory_space<semaphore_mem>>) src(%dma_wait3A_33 : memref<128x128xf32, #tpu.memory_space<hbm>>) dst(%arg6 : memref<128x128xf32, #tpu.memory_space<vmem>>)
          tpu.yield
        }) : () -> ()
        "tpu.region"() ({
          %run_scoped3A = tpu.sem_alloc : memref<!tpu.dma_semaphore, #tpu.memory_space<semaphore_mem>>
          %dma_start3A = arith.constant 0 : i32
          %dma_start3A_32 = arith.constant 0 : i32
          %dma_start3A_33 = tpu.memref_slice %arg8[%dma_start3A, %dma_start3A_32] : memref<10000x128xf32, #tpu.memory_space<vmem_shared>> -> memref<10000x128xf32, #tpu.memory_space<vmem_shared>>
          tpu.enqueue_indirect_dma source(%arg6 : memref<128x128xf32, #tpu.memory_space<vmem>>) target(%dma_start3A_33 : memref<10000x128xf32, #tpu.memory_space<vmem_shared>>) offsets(%arg5 : memref<128xi32, #tpu.memory_space<vmem>>) semaphore(%run_scoped3A : memref<!tpu.dma_semaphore, #tpu.memory_space<semaphore_mem>>) {add = true}
          %dma_wait3A = arith.constant 0 : i32
          %dma_wait3A_34 = arith.constant 0 : i32
          %dma_wait3A_35 = tpu.memref_slice %arg8[%dma_wait3A, %dma_wait3A_34] : memref<10000x128xf32, #tpu.memory_space<vmem_shared>> -> memref<10000x128xf32, #tpu.memory_space<vmem_shared>>
          tpu.wait_indirect_dma semaphore(%run_scoped3A : memref<!tpu.dma_semaphore, #tpu.memory_space<semaphore_mem>>) src(%arg6 : memref<128x128xf32, #tpu.memory_space<vmem>>) dst(%dma_wait3A_35 : memref<10000x128xf32, #tpu.memory_space<vmem_shared>>)
          tpu.yield
        }) : () -> ()
      } else {
      }
    }
    %scan3A_16 = arith.constant 79 : i32
    %barrier3A_17 = arith.constant 0 : index
    tpu.barrier barrier_id(%barrier3A_17)
    %scan3A_18 = arith.constant 0 : i32
    %scan3A_19 = arith.constant 0 : i32
    %scan3A_20 = arith.constant 8 : i32
    %scan3A_21 = arith.addi %scan3A_19, %scan3A_20 : i32
    %scan3A_22 = arith.constant 1 : i32
    scf.for %scan3A_24 = %scan3A_19 to %scan3A_21 step %scan3A_22  : i32 {
      %mul3A = arith.constant 16 : i32
      %mul3A_25 = arith.muli %scan3A_24, %mul3A : i32
      %add3A = arith.addi %arg1, %mul3A_25 : i32
      %lt3A = arith.constant 125 : i32
      %lt3A_26 = arith.cmpi slt, %add3A, %lt3A : i32
      %convert_element_type3A = arith.extui %lt3A_26 : i1 to i32
      %cond3A = arith.constant 0 : i32
      %cond3A_27 = arith.cmpi ne, %convert_element_type3A, %cond3A : i32
      scf.if %cond3A_27 {
        %mul3A_28 = arith.constant 80 : i32
        %mul3A_29 = arith.muli %add3A, %mul3A_28 : i32
        %mul3A_30 = arith.constant 128 : i32
        %mul3A_31 = arith.muli %arg0, %mul3A_30 : i32
        "tpu.region"() ({
          %run_scoped3A = tpu.sem_alloc : memref<!tpu.dma_semaphore, #tpu.memory_space<semaphore_mem>>
          %dma_start3A = tpu.memref_slice %arg4[%mul3A_29, %mul3A_31] : memref<10000x256xf32, #tpu.memory_space<hbm>> -> memref<80x128xf32, #tpu.memory_space<hbm>>
          %dma_start3A_32 = arith.constant 0 : i32
          %dma_start3A_33 = tpu.memref_slice %arg8[%mul3A_29, %dma_start3A_32] : memref<10000x128xf32, #tpu.memory_space<vmem_shared>> -> memref<80x128xf32, #tpu.memory_space<vmem_shared>>
          tpu.enqueue_dma source(%dma_start3A_33 : memref<80x128xf32, #tpu.memory_space<vmem_shared>>) target(%dma_start3A : memref<80x128xf32, #tpu.memory_space<hbm>>) target_semaphore(%run_scoped3A : memref<!tpu.dma_semaphore, #tpu.memory_space<semaphore_mem>>)
          %dma_wait3A = tpu.memref_slice %arg4[%mul3A_29, %mul3A_31] : memref<10000x256xf32, #tpu.memory_space<hbm>> -> memref<80x128xf32, #tpu.memory_space<hbm>>
          %dma_wait3A_34 = arith.constant 0 : i32
          %dma_wait3A_35 = tpu.memref_slice %arg8[%mul3A_29, %dma_wait3A_34] : memref<10000x128xf32, #tpu.memory_space<vmem_shared>> -> memref<80x128xf32, #tpu.memory_space<vmem_shared>>
          tpu.wait_dma2 semaphore(%run_scoped3A : memref<!tpu.dma_semaphore, #tpu.memory_space<semaphore_mem>>) src(%dma_wait3A_35 : memref<80x128xf32, #tpu.memory_space<vmem_shared>>) dst(%dma_wait3A : memref<80x128xf32, #tpu.memory_space<hbm>>)
          tpu.yield
        }) : () -> ()
      } else {
      }
    }
    %scan3A_23 = arith.constant 8 : i32
    return
  }
}

module attributes {stable_mosaic.version = 14 : i64} {
  func.func @_pre_body(%arg0: i32, %arg1: memref<2000x256xf32, #tpu.memory_space<vmem>>, %arg2: memref<256x256xf32, #tpu.memory_space<vmem>>, %arg3: memref<256x256xf32, #tpu.memory_space<vmem>>, %arg4: memref<1x256xf32, #tpu.memory_space<vmem>>, %arg5: memref<2000x256xf32, #tpu.memory_space<vmem>>, %arg6: memref<2000x256xf32, #tpu.memory_space<vmem>>) attributes {dimension_semantics = [#tpu.dimension_semantics<arbitrary>], iteration_bounds = array<i64: 5>, scalar_prefetch = 0 : i64, scratch_operands = 0 : i64, tpu.core_type = #tpu.core_type<tc>, window_params = [{transform_indices = @transform_0, window_bounds = array<i64: 2000, 256>}, {pipeline_mode = #tpu.pipeline_mode<synchronous>, transform_indices = @transform_1, window_bounds = array<i64: 256, 256>}, {pipeline_mode = #tpu.pipeline_mode<synchronous>, transform_indices = @transform_2, window_bounds = array<i64: 256, 256>}, {pipeline_mode = #tpu.pipeline_mode<synchronous>, transform_indices = @transform_3, window_bounds = array<i64: 1, 256>}, {transform_indices = @transform_4, window_bounds = array<i64: 2000, 256>}, {transform_indices = @transform_5, window_bounds = array<i64: 2000, 256>}]} {
    %get3A = arith.constant 0 : index
    %get3A_0 = arith.constant 0 : index
    %get3A_1 = vector.load %arg1[%get3A, %get3A_0] : memref<2000x256xf32, #tpu.memory_space<vmem>>, vector<2000x256xf32>
    %get3A_2 = arith.constant 0 : index
    %get3A_3 = arith.constant 0 : index
    %get3A_4 = vector.load %arg2[%get3A_2, %get3A_3] : memref<256x256xf32, #tpu.memory_space<vmem>>, vector<256x256xf32>
    %dot_general3A = arith.constant dense<0.000000e+00> : vector<2000x256xf32>
    %dot_general3A_5 = tpu.matmul %get3A_1, %get3A_4, %dot_general3A {dimension_numbers = #tpu.dot_dimension_numbers<[1], [0], [0], [1], [0, 0, 1, 1], [], []>, transpose_lhs_hint = false} : vector<2000x256xf32>, vector<256x256xf32>, vector<2000x256xf32> -> vector<2000x256xf32>
    %swap3A = arith.constant 0 : index
    %swap3A_6 = arith.constant 0 : index
    %swap3A_7 = vector.load %arg5[%swap3A, %swap3A_6] : memref<2000x256xf32, #tpu.memory_space<vmem>>, vector<2000x256xf32>
    tpu.vector_store %arg5[%swap3A, %swap3A_6], %dot_general3A_5 {strides = array<i32>} : memref<2000x256xf32, #tpu.memory_space<vmem>>, vector<2000x256xf32>,
    %get3A_8 = arith.constant 0 : index
    %get3A_9 = arith.constant 0 : index
    %get3A_10 = vector.load %arg3[%get3A_8, %get3A_9] : memref<256x256xf32, #tpu.memory_space<vmem>>, vector<256x256xf32>
    %dot_general3A_11 = arith.constant dense<0.000000e+00> : vector<2000x256xf32>
    %dot_general3A_12 = tpu.matmul %get3A_1, %get3A_10, %dot_general3A_11 {dimension_numbers = #tpu.dot_dimension_numbers<[1], [0], [0], [1], [0, 0, 1, 1], [], []>, transpose_lhs_hint = false} : vector<2000x256xf32>, vector<256x256xf32>, vector<2000x256xf32> -> vector<2000x256xf32>
    %get3A_13 = arith.constant 0 : index
    %get3A_14 = arith.constant 0 : index
    %get3A_15 = vector.load %arg4[%get3A_13, %get3A_14] : memref<1x256xf32, #tpu.memory_space<vmem>>, vector<1x256xf32>
    %add3A = vector.broadcast %get3A_15 : vector<1x256xf32> to vector<2000x256xf32>
    %add3A_16 = arith.addf %dot_general3A_12, %add3A : vector<2000x256xf32>
    %swap3A_17 = arith.constant 0 : index
    %swap3A_18 = arith.constant 0 : index
    %swap3A_19 = vector.load %arg6[%swap3A_17, %swap3A_18] : memref<2000x256xf32, #tpu.memory_space<vmem>>, vector<2000x256xf32>
    tpu.vector_store %arg6[%swap3A_17, %swap3A_18], %add3A_16 {strides = array<i32>} : memref<2000x256xf32, #tpu.memory_space<vmem>>, vector<2000x256xf32>,
    return
  }
  func.func @transform_0(%arg0: i32) -> (i32, i32) {
    %c0_i32 = arith.constant 0 : i32
    %c0_i32_0 = arith.constant 0 : i32
    return %arg0, %c0_i32 : i32, i32
  }
  func.func @transform_1(%arg0: i32) -> (i32, i32) {
    %c0_i32 = arith.constant 0 : i32
    %c0_i32_0 = arith.constant 0 : i32
    %c0_i32_1 = arith.constant 0 : i32
    return %c0_i32, %c0_i32_0 : i32, i32
  }
  func.func @transform_2(%arg0: i32) -> (i32, i32) {
    %c0_i32 = arith.constant 0 : i32
    %c0_i32_0 = arith.constant 0 : i32
    %c0_i32_1 = arith.constant 0 : i32
    return %c0_i32, %c0_i32_0 : i32, i32
  }
  func.func @transform_3(%arg0: i32) -> (i32, i32) {
    %c0_i32 = arith.constant 0 : i32
    %c0_i32_0 = arith.constant 0 : i32
    %c0_i32_1 = arith.constant 0 : i32
    return %c0_i32, %c0_i32_0 : i32, i32
  }
  func.func @transform_4(%arg0: i32) -> (i32, i32) {
    %c0_i32 = arith.constant 0 : i32
    %c0_i32_0 = arith.constant 0 : i32
    return %arg0, %c0_i32 : i32, i32
  }
  func.func @transform_5(%arg0: i32) -> (i32, i32) {
    %c0_i32 = arith.constant 0 : i32
    %c0_i32_0 = arith.constant 0 : i32
    return %arg0, %c0_i32 : i32, i32
  }
}

module attributes {stable_mosaic.version = 14 : i64} {
  func.func @_mm0_body(%arg0: i32, %arg1: memref<2000x256xf32, #tpu.memory_space<vmem>>, %arg2: memref<2000x16xf32, #tpu.memory_space<vmem>>, %arg3: memref<16x256xf32, #tpu.memory_space<vmem>>, %arg4: memref<1x256xf32, #tpu.memory_space<vmem>>, %arg5: memref<256x256xf32, #tpu.memory_space<vmem>>, %arg6: memref<2000x256xf32, #tpu.memory_space<vmem>>, %arg7: memref<2000x256xf32, #tpu.memory_space<vmem>>) attributes {dimension_semantics = [#tpu.dimension_semantics<arbitrary>], iteration_bounds = array<i64: 80>, scalar_prefetch = 0 : i64, scratch_operands = 0 : i64, tpu.core_type = #tpu.core_type<tc>, window_params = [{transform_indices = @transform_0, window_bounds = array<i64: 2000, 256>}, {transform_indices = @transform_1, window_bounds = array<i64: 2000, 16>}, {pipeline_mode = #tpu.pipeline_mode<synchronous>, transform_indices = @transform_2, window_bounds = array<i64: 16, 256>}, {pipeline_mode = #tpu.pipeline_mode<synchronous>, transform_indices = @transform_3, window_bounds = array<i64: 1, 256>}, {pipeline_mode = #tpu.pipeline_mode<synchronous>, transform_indices = @transform_4, window_bounds = array<i64: 256, 256>}, {transform_indices = @transform_5, window_bounds = array<i64: 2000, 256>}, {transform_indices = @transform_6, window_bounds = array<i64: 2000, 256>}]} {
    %get3A = arith.constant 0 : index
    %get3A_0 = arith.constant 0 : index
    %get3A_1 = vector.load %arg1[%get3A, %get3A_0] : memref<2000x256xf32, #tpu.memory_space<vmem>>, vector<2000x256xf32>
    %get3A_2 = arith.constant 0 : index
    %get3A_3 = arith.constant 0 : index
    %get3A_4 = vector.load %arg2[%get3A_2, %get3A_3] : memref<2000x16xf32, #tpu.memory_space<vmem>>, vector<2000x16xf32>
    %get3A_5 = arith.constant 0 : index
    %get3A_6 = arith.constant 0 : index
    %get3A_7 = vector.load %arg3[%get3A_5, %get3A_6] : memref<16x256xf32, #tpu.memory_space<vmem>>, vector<16x256xf32>
    %dot_general3A = arith.constant dense<0.000000e+00> : vector<2000x256xf32>
    %dot_general3A_8 = tpu.matmul %get3A_4, %get3A_7, %dot_general3A {dimension_numbers = #tpu.dot_dimension_numbers<[1], [0], [0], [1], [0, 0, 1, 1], [], []>, transpose_lhs_hint = false} : vector<2000x16xf32>, vector<16x256xf32>, vector<2000x256xf32> -> vector<2000x256xf32>
    %add3A = arith.addf %get3A_1, %dot_general3A_8 : vector<2000x256xf32>
    %get3A_9 = arith.constant 0 : index
    %get3A_10 = arith.constant 0 : index
    %get3A_11 = vector.load %arg4[%get3A_9, %get3A_10] : memref<1x256xf32, #tpu.memory_space<vmem>>, vector<1x256xf32>
    %add3A_12 = vector.broadcast %get3A_11 : vector<1x256xf32> to vector<2000x256xf32>
    %add3A_13 = arith.addf %add3A, %add3A_12 : vector<2000x256xf32>
    %swap3A = arith.constant 0 : index
    %swap3A_14 = arith.constant 0 : index
    %swap3A_15 = vector.load %arg6[%swap3A, %swap3A_14] : memref<2000x256xf32, #tpu.memory_space<vmem>>, vector<2000x256xf32>
    tpu.vector_store %arg6[%swap3A, %swap3A_14], %add3A_13 {strides = array<i32>} : memref<2000x256xf32, #tpu.memory_space<vmem>>, vector<2000x256xf32>,
    %max3A = arith.constant 0.000000e+00 : f32
    %max3A_16 = vector.broadcast %max3A : f32 to vector<2000x256xf32>
    %max3A_17 = arith.maximumf %add3A_13, %max3A_16 : vector<2000x256xf32>
    %get3A_18 = arith.constant 0 : index
    %get3A_19 = arith.constant 0 : index
    %get3A_20 = vector.load %arg5[%get3A_18, %get3A_19] : memref<256x256xf32, #tpu.memory_space<vmem>>, vector<256x256xf32>
    %dot_general3A_21 = arith.constant dense<0.000000e+00> : vector<2000x256xf32>
    %dot_general3A_22 = tpu.matmul %max3A_17, %get3A_20, %dot_general3A_21 {dimension_numbers = #tpu.dot_dimension_numbers<[1], [0], [0], [1], [0, 0, 1, 1], [], []>, transpose_lhs_hint = false} : vector<2000x256xf32>, vector<256x256xf32>, vector<2000x256xf32> -> vector<2000x256xf32>
    %swap3A_23 = arith.constant 0 : index
    %swap3A_24 = arith.constant 0 : index
    %swap3A_25 = vector.load %arg7[%swap3A_23, %swap3A_24] : memref<2000x256xf32, #tpu.memory_space<vmem>>, vector<2000x256xf32>
    tpu.vector_store %arg7[%swap3A_23, %swap3A_24], %dot_general3A_22 {strides = array<i32>} : memref<2000x256xf32, #tpu.memory_space<vmem>>, vector<2000x256xf32>,
    return
  }
  func.func @transform_0(%arg0: i32) -> (i32, i32) {
    %c0_i32 = arith.constant 0 : i32
    %c0_i32_0 = arith.constant 0 : i32
    return %arg0, %c0_i32 : i32, i32
  }
  func.func @transform_1(%arg0: i32) -> (i32, i32) {
    %c0_i32 = arith.constant 0 : i32
    %c0_i32_0 = arith.constant 0 : i32
    return %arg0, %c0_i32 : i32, i32
  }
  func.func @transform_2(%arg0: i32) -> (i32, i32) {
    %c0_i32 = arith.constant 0 : i32
    %c0_i32_0 = arith.constant 0 : i32
    %c0_i32_1 = arith.constant 0 : i32
    return %c0_i32, %c0_i32_0 : i32, i32
  }
  func.func @transform_3(%arg0: i32) -> (i32, i32) {
    %c0_i32 = arith.constant 0 : i32
    %c0_i32_0 = arith.constant 0 : i32
    %c0_i32_1 = arith.constant 0 : i32
    return %c0_i32, %c0_i32_0 : i32, i32
  }
  func.func @transform_4(%arg0: i32) -> (i32, i32) {
    %c0_i32 = arith.constant 0 : i32
    %c0_i32_0 = arith.constant 0 : i32
    %c0_i32_1 = arith.constant 0 : i32
    return %c0_i32, %c0_i32_0 : i32, i32
  }
  func.func @transform_5(%arg0: i32) -> (i32, i32) {
    %c0_i32 = arith.constant 0 : i32
    %c0_i32_0 = arith.constant 0 : i32
    return %arg0, %c0_i32 : i32, i32
  }
  func.func @transform_6(%arg0: i32) -> (i32, i32) {
    %c0_i32 = arith.constant 0 : i32
    %c0_i32_0 = arith.constant 0 : i32
    return %arg0, %c0_i32 : i32, i32
  }
}

module attributes {stable_mosaic.version = 14 : i64} {
  func.func @_mm_body(%arg0: i32, %arg1: memref<2000x256xf32, #tpu.memory_space<vmem>>, %arg2: memref<2000x256xf32, #tpu.memory_space<vmem>>, %arg3: memref<2000x256xf32, #tpu.memory_space<vmem>>, %arg4: memref<1x256xf32, #tpu.memory_space<vmem>>, %arg5: memref<256x256xf32, #tpu.memory_space<vmem>>, %arg6: memref<2000x256xf32, #tpu.memory_space<vmem>>) attributes {dimension_semantics = [#tpu.dimension_semantics<arbitrary>], iteration_bounds = array<i64: 80>, scalar_prefetch = 0 : i64, scratch_operands = 0 : i64, tpu.core_type = #tpu.core_type<tc>, window_params = [{transform_indices = @transform_0, window_bounds = array<i64: 2000, 256>}, {transform_indices = @transform_1, window_bounds = array<i64: 2000, 256>}, {transform_indices = @transform_2, window_bounds = array<i64: 2000, 256>}, {pipeline_mode = #tpu.pipeline_mode<synchronous>, transform_indices = @transform_3, window_bounds = array<i64: 1, 256>}, {pipeline_mode = #tpu.pipeline_mode<synchronous>, transform_indices = @transform_4, window_bounds = array<i64: 256, 256>}, {transform_indices = @transform_5, window_bounds = array<i64: 2000, 256>}]} {
    %get3A = arith.constant 0 : index
    %get3A_0 = arith.constant 0 : index
    %get3A_1 = vector.load %arg1[%get3A, %get3A_0] : memref<2000x256xf32, #tpu.memory_space<vmem>>, vector<2000x256xf32>
    %get3A_2 = arith.constant 0 : index
    %get3A_3 = arith.constant 0 : index
    %get3A_4 = vector.load %arg2[%get3A_2, %get3A_3] : memref<2000x256xf32, #tpu.memory_space<vmem>>, vector<2000x256xf32>
    %add3A = arith.addf %get3A_1, %get3A_4 : vector<2000x256xf32>
    %get3A_5 = arith.constant 0 : index
    %get3A_6 = arith.constant 0 : index
    %get3A_7 = vector.load %arg3[%get3A_5, %get3A_6] : memref<2000x256xf32, #tpu.memory_space<vmem>>, vector<2000x256xf32>
    %sub3A = arith.subf %add3A, %get3A_7 : vector<2000x256xf32>
    %get3A_8 = arith.constant 0 : index
    %get3A_9 = arith.constant 0 : index
    %get3A_10 = vector.load %arg4[%get3A_8, %get3A_9] : memref<1x256xf32, #tpu.memory_space<vmem>>, vector<1x256xf32>
    %add3A_11 = vector.broadcast %get3A_10 : vector<1x256xf32> to vector<2000x256xf32>
    %add3A_12 = arith.addf %sub3A, %add3A_11 : vector<2000x256xf32>
    %max3A = arith.constant 0.000000e+00 : f32
    %max3A_13 = vector.broadcast %max3A : f32 to vector<2000x256xf32>
    %max3A_14 = arith.maximumf %add3A_12, %max3A_13 : vector<2000x256xf32>
    %get3A_15 = arith.constant 0 : index
    %get3A_16 = arith.constant 0 : index
    %get3A_17 = vector.load %arg5[%get3A_15, %get3A_16] : memref<256x256xf32, #tpu.memory_space<vmem>>, vector<256x256xf32>
    %dot_general3A = arith.constant dense<0.000000e+00> : vector<2000x256xf32>
    %dot_general3A_18 = tpu.matmul %max3A_14, %get3A_17, %dot_general3A {dimension_numbers = #tpu.dot_dimension_numbers<[1], [0], [0], [1], [0, 0, 1, 1], [], []>, transpose_lhs_hint = false} : vector<2000x256xf32>, vector<256x256xf32>, vector<2000x256xf32> -> vector<2000x256xf32>
    %swap3A = arith.constant 0 : index
    %swap3A_19 = arith.constant 0 : index
    %swap3A_20 = vector.load %arg6[%swap3A, %swap3A_19] : memref<2000x256xf32, #tpu.memory_space<vmem>>, vector<2000x256xf32>
    tpu.vector_store %arg6[%swap3A, %swap3A_19], %dot_general3A_18 {strides = array<i32>} : memref<2000x256xf32, #tpu.memory_space<vmem>>, vector<2000x256xf32>,
    return
  }
  func.func @transform_0(%arg0: i32) -> (i32, i32) {
    %c0_i32 = arith.constant 0 : i32
    %c0_i32_0 = arith.constant 0 : i32
    return %arg0, %c0_i32 : i32, i32
  }
  func.func @transform_1(%arg0: i32) -> (i32, i32) {
    %c0_i32 = arith.constant 0 : i32
    %c0_i32_0 = arith.constant 0 : i32
    return %arg0, %c0_i32 : i32, i32
  }
  func.func @transform_2(%arg0: i32) -> (i32, i32) {
    %c0_i32 = arith.constant 0 : i32
    %c0_i32_0 = arith.constant 0 : i32
    return %arg0, %c0_i32 : i32, i32
  }
  func.func @transform_3(%arg0: i32) -> (i32, i32) {
    %c0_i32 = arith.constant 0 : i32
    %c0_i32_0 = arith.constant 0 : i32
    %c0_i32_1 = arith.constant 0 : i32
    return %c0_i32, %c0_i32_0 : i32, i32
  }
  func.func @transform_4(%arg0: i32) -> (i32, i32) {
    %c0_i32 = arith.constant 0 : i32
    %c0_i32_0 = arith.constant 0 : i32
    %c0_i32_1 = arith.constant 0 : i32
    return %c0_i32, %c0_i32_0 : i32, i32
  }
  func.func @transform_5(%arg0: i32) -> (i32, i32) {
    %c0_i32 = arith.constant 0 : i32
    %c0_i32_0 = arith.constant 0 : i32
    return %arg0, %c0_i32 : i32, i32
  }
}

module attributes {stable_mosaic.version = 14 : i64} {
  func.func @_ew_body(%arg0: i32, %arg1: memref<2000x256xf32, #tpu.memory_space<vmem>>, %arg2: memref<2000x256xf32, #tpu.memory_space<vmem>>, %arg3: memref<2000x256xf32, #tpu.memory_space<vmem>>, %arg4: memref<1x256xf32, #tpu.memory_space<vmem>>, %arg5: memref<2000x256xf32, #tpu.memory_space<vmem>>) attributes {dimension_semantics = [#tpu.dimension_semantics<arbitrary>], iteration_bounds = array<i64: 80>, scalar_prefetch = 0 : i64, scratch_operands = 0 : i64, tpu.core_type = #tpu.core_type<tc>, window_params = [{transform_indices = @transform_0, window_bounds = array<i64: 2000, 256>}, {transform_indices = @transform_1, window_bounds = array<i64: 2000, 256>}, {transform_indices = @transform_2, window_bounds = array<i64: 2000, 256>}, {pipeline_mode = #tpu.pipeline_mode<synchronous>, transform_indices = @transform_3, window_bounds = array<i64: 1, 256>}, {transform_indices = @transform_4, window_bounds = array<i64: 2000, 256>}]} {
    %get3A = arith.constant 0 : index
    %get3A_0 = arith.constant 0 : index
    %get3A_1 = vector.load %arg1[%get3A, %get3A_0] : memref<2000x256xf32, #tpu.memory_space<vmem>>, vector<2000x256xf32>
    %get3A_2 = arith.constant 0 : index
    %get3A_3 = arith.constant 0 : index
    %get3A_4 = vector.load %arg2[%get3A_2, %get3A_3] : memref<2000x256xf32, #tpu.memory_space<vmem>>, vector<2000x256xf32>
    %add3A = arith.addf %get3A_1, %get3A_4 : vector<2000x256xf32>
    %get3A_5 = arith.constant 0 : index
    %get3A_6 = arith.constant 0 : index
    %get3A_7 = vector.load %arg3[%get3A_5, %get3A_6] : memref<2000x256xf32, #tpu.memory_space<vmem>>, vector<2000x256xf32>
    %sub3A = arith.subf %add3A, %get3A_7 : vector<2000x256xf32>
    %get3A_8 = arith.constant 0 : index
    %get3A_9 = arith.constant 0 : index
    %get3A_10 = vector.load %arg4[%get3A_8, %get3A_9] : memref<1x256xf32, #tpu.memory_space<vmem>>, vector<1x256xf32>
    %add3A_11 = vector.broadcast %get3A_10 : vector<1x256xf32> to vector<2000x256xf32>
    %add3A_12 = arith.addf %sub3A, %add3A_11 : vector<2000x256xf32>
    %max3A = arith.constant 0.000000e+00 : f32
    %max3A_13 = vector.broadcast %max3A : f32 to vector<2000x256xf32>
    %max3A_14 = arith.maximumf %add3A_12, %max3A_13 : vector<2000x256xf32>
    %swap3A = arith.constant 0 : index
    %swap3A_15 = arith.constant 0 : index
    %swap3A_16 = vector.load %arg5[%swap3A, %swap3A_15] : memref<2000x256xf32, #tpu.memory_space<vmem>>, vector<2000x256xf32>
    tpu.vector_store %arg5[%swap3A, %swap3A_15], %max3A_14 {strides = array<i32>} : memref<2000x256xf32, #tpu.memory_space<vmem>>, vector<2000x256xf32>,
    return
  }
  func.func @transform_0(%arg0: i32) -> (i32, i32) {
    %c0_i32 = arith.constant 0 : i32
    %c0_i32_0 = arith.constant 0 : i32
    return %arg0, %c0_i32 : i32, i32
  }
  func.func @transform_1(%arg0: i32) -> (i32, i32) {
    %c0_i32 = arith.constant 0 : i32
    %c0_i32_0 = arith.constant 0 : i32
    return %arg0, %c0_i32 : i32, i32
  }
  func.func @transform_2(%arg0: i32) -> (i32, i32) {
    %c0_i32 = arith.constant 0 : i32
    %c0_i32_0 = arith.constant 0 : i32
    return %arg0, %c0_i32 : i32, i32
  }
  func.func @transform_3(%arg0: i32) -> (i32, i32) {
    %c0_i32 = arith.constant 0 : i32
    %c0_i32_0 = arith.constant 0 : i32
    %c0_i32_1 = arith.constant 0 : i32
    return %c0_i32, %c0_i32_0 : i32, i32
  }
  func.func @transform_4(%arg0: i32) -> (i32, i32) {
    %c0_i32 = arith.constant 0 : i32
    %c0_i32_0 = arith.constant 0 : i32
    return %arg0, %c0_i32 : i32, i32
  }
}

module attributes {stable_mosaic.version = 14 : i64} {
  func.func @_final_body(%arg0: i32, %arg1: memref<2000x256xf32, #tpu.memory_space<vmem>>, %arg2: memref<2000x256xf32, #tpu.memory_space<vmem>>, %arg3: memref<2000x256xf32, #tpu.memory_space<vmem>>, %arg4: memref<256x256xf32, #tpu.memory_space<vmem>>, %arg5: memref<256x256xf32, #tpu.memory_space<vmem>>, %arg6: memref<1x256xf32, #tpu.memory_space<vmem>>, %arg7: memref<2000x256xf32, #tpu.memory_space<vmem>>) attributes {dimension_semantics = [#tpu.dimension_semantics<arbitrary>], iteration_bounds = array<i64: 5>, scalar_prefetch = 0 : i64, scratch_operands = 0 : i64, tpu.core_type = #tpu.core_type<tc>, window_params = [{transform_indices = @transform_0, window_bounds = array<i64: 2000, 256>}, {transform_indices = @transform_1, window_bounds = array<i64: 2000, 256>}, {transform_indices = @transform_2, window_bounds = array<i64: 2000, 256>}, {pipeline_mode = #tpu.pipeline_mode<synchronous>, transform_indices = @transform_3, window_bounds = array<i64: 256, 256>}, {pipeline_mode = #tpu.pipeline_mode<synchronous>, transform_indices = @transform_4, window_bounds = array<i64: 256, 256>}, {pipeline_mode = #tpu.pipeline_mode<synchronous>, transform_indices = @transform_5, window_bounds = array<i64: 1, 256>}, {transform_indices = @transform_6, window_bounds = array<i64: 2000, 256>}]} {
    %get3A = arith.constant 0 : index
    %get3A_0 = arith.constant 0 : index
    %get3A_1 = vector.load %arg2[%get3A, %get3A_0] : memref<2000x256xf32, #tpu.memory_space<vmem>>, vector<2000x256xf32>
    %reduce_sum3A = arith.constant dense<0.000000e+00> : vector<2000xf32>
    %reduce_sum3A_2 = vector.multi_reduction <add>, %get3A_1, %reduce_sum3A [1] : vector<2000x256xf32> to vector<2000xf32>
    %broadcast_in_dim3A = vector.shape_cast %reduce_sum3A_2 : vector<2000xf32> to vector<2000x1xf32>
    %eq3A = arith.constant 0.000000e+00 : f32
    %eq3A_3 = vector.broadcast %eq3A : f32 to vector<2000x1xf32>
    %eq3A_4 = arith.cmpf oeq, %broadcast_in_dim3A, %eq3A_3 : vector<2000x1xf32>
    %get3A_5 = arith.constant 0 : index
    %get3A_6 = arith.constant 0 : index
    %get3A_7 = vector.load %arg3[%get3A_5, %get3A_6] : memref<2000x256xf32, #tpu.memory_space<vmem>>, vector<2000x256xf32>
    %broadcast_in_dim3A_8 = vector.shape_cast %eq3A_4 : vector<2000x1xi1> to vector<2000x1xi1>
    %broadcast_in_dim3A_9 = vector.broadcast %broadcast_in_dim3A_8 : vector<2000x1xi1> to vector<2000x256xi1>
    %select_n3A = arith.select %broadcast_in_dim3A_9, %get3A_7, %get3A_1 : vector<2000x256xi1>, vector<2000x256xf32>
    %get3A_10 = arith.constant 0 : index
    %get3A_11 = arith.constant 0 : index
    %get3A_12 = vector.load %arg1[%get3A_10, %get3A_11] : memref<2000x256xf32, #tpu.memory_space<vmem>>, vector<2000x256xf32>
    %get3A_13 = arith.constant 0 : index
    %get3A_14 = arith.constant 0 : index
    %get3A_15 = vector.load %arg4[%get3A_13, %get3A_14] : memref<256x256xf32, #tpu.memory_space<vmem>>, vector<256x256xf32>
    %dot_general3A = arith.constant dense<0.000000e+00> : vector<2000x256xf32>
    %dot_general3A_16 = tpu.matmul %get3A_12, %get3A_15, %dot_general3A {dimension_numbers = #tpu.dot_dimension_numbers<[1], [0], [0], [1], [0, 0, 1, 1], [], []>, transpose_lhs_hint = false} : vector<2000x256xf32>, vector<256x256xf32>, vector<2000x256xf32> -> vector<2000x256xf32>
    %get3A_17 = arith.constant 0 : index
    %get3A_18 = arith.constant 0 : index
    %get3A_19 = vector.load %arg5[%get3A_17, %get3A_18] : memref<256x256xf32, #tpu.memory_space<vmem>>, vector<256x256xf32>
    %dot_general3A_20 = arith.constant dense<0.000000e+00> : vector<2000x256xf32>
    %dot_general3A_21 = tpu.matmul %select_n3A, %get3A_19, %dot_general3A_20 {dimension_numbers = #tpu.dot_dimension_numbers<[1], [0], [0], [1], [0, 0, 1, 1], [], []>, transpose_lhs_hint = false} : vector<2000x256xf32>, vector<256x256xf32>, vector<2000x256xf32> -> vector<2000x256xf32>
    %add3A = arith.addf %dot_general3A_16, %dot_general3A_21 : vector<2000x256xf32>
    %get3A_22 = arith.constant 0 : index
    %get3A_23 = arith.constant 0 : index
    %get3A_24 = vector.load %arg6[%get3A_22, %get3A_23] : memref<1x256xf32, #tpu.memory_space<vmem>>, vector<1x256xf32>
    %add3A_25 = vector.broadcast %get3A_24 : vector<1x256xf32> to vector<2000x256xf32>
    %add3A_26 = arith.addf %add3A, %add3A_25 : vector<2000x256xf32>
    %max3A = arith.constant 0.000000e+00 : f32
    %max3A_27 = vector.broadcast %max3A : f32 to vector<2000x256xf32>
    %max3A_28 = arith.maximumf %add3A_26, %max3A_27 : vector<2000x256xf32>
    %swap3A = arith.constant 0 : index
    %swap3A_29 = arith.constant 0 : index
    %swap3A_30 = vector.load %arg7[%swap3A, %swap3A_29] : memref<2000x256xf32, #tpu.memory_space<vmem>>, vector<2000x256xf32>
    tpu.vector_store %arg7[%swap3A, %swap3A_29], %max3A_28 {strides = array<i32>} : memref<2000x256xf32, #tpu.memory_space<vmem>>, vector<2000x256xf32>,
    return
  }
  func.func @transform_0(%arg0: i32) -> (i32, i32) {
    %c0_i32 = arith.constant 0 : i32
    %c0_i32_0 = arith.constant 0 : i32
    return %arg0, %c0_i32 : i32, i32
  }
  func.func @transform_1(%arg0: i32) -> (i32, i32) {
    %c0_i32 = arith.constant 0 : i32
    %c0_i32_0 = arith.constant 0 : i32
    return %arg0, %c0_i32 : i32, i32
  }
  func.func @transform_2(%arg0: i32) -> (i32, i32) {
    %c0_i32 = arith.constant 0 : i32
    %c0_i32_0 = arith.constant 0 : i32
    return %arg0, %c0_i32 : i32, i32
  }
  func.func @transform_3(%arg0: i32) -> (i32, i32) {
    %c0_i32 = arith.constant 0 : i32
    %c0_i32_0 = arith.constant 0 : i32
    %c0_i32_1 = arith.constant 0 : i32
    return %c0_i32, %c0_i32_0 : i32, i32
  }
  func.func @transform_4(%arg0: i32) -> (i32, i32) {
    %c0_i32 = arith.constant 0 : i32
    %c0_i32_0 = arith.constant 0 : i32
    %c0_i32_1 = arith.constant 0 : i32
    return %c0_i32, %c0_i32_0 : i32, i32
  }
  func.func @transform_5(%arg0: i32) -> (i32, i32) {
    %c0_i32 = arith.constant 0 : i32
    %c0_i32_0 = arith.constant 0 : i32
    %c0_i32_1 = arith.constant 0 : i32
    return %c0_i32, %c0_i32_0 : i32, i32
  }
  func.func @transform_6(%arg0: i32) -> (i32, i32) {
    %c0_i32 = arith.constant 0 : i32
    %c0_i32_0 = arith.constant 0 : i32
    return %arg0, %c0_i32 : i32, i32
  }
}

</mosaic_0001>

<sc_bundles>
// kernel: kernel.19.cloned.1.call-start
scs
__scs_entry_jumppad:
0x0: {  	(pc) =	sbr.rel $0x88, $3  }
0x1: {  	(tag) =	ssettag $0x0;
	lr =	simm.s32 $0x1  }
0x2: {  	[smem:$0x3F95] =	sst lr;
	_ =	strace $0xD0000000  }
0x3: {  	_ = 	snop  }
0x4: {  	_ = 	snop  }
0x5: {  	_ = 	snop  }
0x6: {  	_ = 	snop  }
0x7: {  	_ = 	snop  }
__scs_overlays_trampoline_lowered:
0x8: {  	[smem:$0x3FA4] =	sst s0  }
0x9: {  	[smem:$0x3FA5] =	sst s1  }
0xa: {  	[smem:$0x3FA6] =	sst s2  }
0xb: {  	[smem:$0x3FA7] =	sst s3  }
0xc: {  	[smem:$0x3FA8] =	sst s4  }
0xd: {  	[smem:$0x3FA9] =	sst s5  }
0xe: {  	[smem:$0x3FAA] =	sst s6  }
0xf: {  	[smem:$0x3FAB] =	sst s7  }
0x10: {  	[smem:$0x3FAC] =	sst s8  }
0x11: {  	[smem:$0x3FAD] =	sst s9;
	s0 =	simm.s32 @!p0 $0x0  }
0x12: {  	s1 =	sld [smem:$0x3F93];
	s0 =	simm.s32 @p0 $0x1  }
0x13: {  	[smem:$0x3FAE] =	sst s0;
	s0 =	simm.s32 @!p1 $0x0  }
0x14: {  	s2 =	sld [smem:$0x3F92];
	s0 =	simm.s32 @p1 $0x1  }
0x15: {  	[smem:$0x3FAF] =	sst s0;
	s0 =	simm.s32 @!p2 $0x0  }
0x16: {  	s3 =	sld [smem:$0x3FDB];
	s0 =	simm.s32 @p2 $0x1  }
0x17: {  	s4 =	simm.s32 $0x1BF5;
	[smem:$0x3FB1] =	sst s0  }
0x18: {  	s0 =	sld [smem:$0x3F94];
	_ =	swait.ge [sflag:s4], $0x0  }
0x19: {  	s7 =	sld [smem:$0x3F95]  }
0x1a: {  	s8 =	sadd.s32 $0xFFFFE003, lr  }
0x1b: {  	s9 =	sadd.s32 $0xFFFFFEF7, lr;
	s5 =	simm.s32 $0xFFFFFFFF;
	p2 =	slt.u32 s8, $0xFFFFF086  }
0x1c: {  	p1 =	slt.u32 s9, $0xF7A;
	s5 =	simm.s32 @!p2 $0x0  }
0x1d: {  	s5 =	simm.s32 @p1 $0x1;
	p0 =	seq.s32 s7, s2  }
0x1e: {  	s7 =	smul.u32 @!p0 $0xF7A, s2;
	p2 =	seq.s32 @!p0 s5, $0x0  }
0x1f: {  	s9 =	smul.u32 $0xF7A, s1;
	s8 =	simm.s32 @!p0 $0x1BF5;
	p2 =	por !p2, p0  }
0x20: {  	[sflag:s8] =	ssyncset.s32 @!p0 $0xFFFFF086;
	s6 =	sadd.s32 @!p0 s3, s7;
	s7 =	simm.s32 @!p0 $0x108  }
0x21: {  	s3 =	sadd.s32 s3, s9;
	s6 =	sadd.s32 @!p0 $0x88, s6;
	s7 =	simm.s32 @p2 $0x1082  }
0x22: {  	[simem:s7], [sflag:s8] =	dma.local @!p0 [hbm:s6], $0xF7A  }
0x23: {  	s9 =	sor.u32 $0xD0000000, s2;
	s6 =	simm.s32 $0x108;
	_ =	swait.ge @!p0 [sflag:s8], $0x0  }
0x24: {  	s3 =	sadd.s32 $0x88, s3;
	s6 =	simm.s32 @!p1 $0x1082;
	[sflag:s4] =	ssyncset.s32 $0xFFFFF086  }
0x25: {  	[simem:s6], [sflag:s4] =	dma.local [hbm:s3], $0xF7A  }
0x26: {  	[smem:$0x3F95] =	sst s1;
	(tag) =	ssettag s2;
	_ =	strace s9  }
0x27: {  	s1 =	sld [smem:$0x3FA5]  }
0x28: {  	s2 =	sld [smem:$0x3FA6]  }
0x29: {  	s4 =	sld [smem:$0x3FA8]  }
0x2a: {  	p0 =	seq.s32 s5, $0x0;
	s5 =	sld [smem:$0x3FA9]  }
0x2b: {  	s6 =	sld [smem:$0x3FAA]  }
0x2c: {  	s7 =	sld [smem:$0x3FAB]  }
0x2d: {  	s3 =	simm.s32 $0x108;
	s8 =	sld [smem:$0x3FAC]  }
0x2e: {  	s3 =	simm.s32 @!p0 $0x1082;
	s9 =	sld [smem:$0x3FAD]  }
0x2f: {  	lr =	sadd.s32 s0, s3;
	s0 =	sld [smem:$0x3FA4]  }
0x30: {  	s3 =	sld [smem:$0x3FA7]  }
0x31: {  	[smem:$0x3FB0] =	sst s10  }
0x32: {  	s10 =	sld [smem:$0x3FAE];
	_ =	sdelay $0x3  }
0x33: {  	p0 =	seq.s32 s10, $0x1;
	s10 =	sld [smem:$0x3FB0];
	_ =	sdelay $0x3  }
0x34: {  	[smem:$0x3FB0] =	sst s10  }
0x35: {  	s10 =	sld [smem:$0x3FAF];
	_ =	sdelay $0x3  }
0x36: {  	p1 =	seq.s32 s10, $0x1;
	s10 =	sld [smem:$0x3FB0];
	_ =	sdelay $0x3  }
0x37: {  	[smem:$0x3FB0] =	sst s10  }
0x38: {  	s10 =	sld [smem:$0x3FB1]  }
0x39: {  	_ = 	snop;
	(pc) =	sbr.ind lr, $3  }
0x3a: {  	_ = 	snop  }
0x3b: {  	_ = 	snop  }
0x3c: {  	p2 =	seq.s32 s10, $0x1;
	s10 =	sld [smem:$0x3FB0]  }
0x3d: {  	_ =	shalt  }
0x3e: {  	_ =	shalt  }
0x3f: {  	_ =	shalt  }
0x40: {  	_ =	shalt  }
0x41: {  	_ =	shalt  }
0x42: {  	_ =	shalt  }
0x43: {  	_ =	shalt  }
0x44: {  	_ =	shalt  }
0x45: {  	_ =	shalt  }
0x46: {  	_ =	shalt  }
0x47: {  	_ =	shalt  }
0x48: {  	_ =	shalt  }
0x49: {  	_ =	shalt  }
0x4a: {  	_ =	shalt  }
0x4b: {  	_ =	shalt  }
0x4c: {  	_ =	shalt  }
0x4d: {  	_ =	shalt  }
0x4e: {  	_ =	shalt  }
0x4f: {  	_ =	shalt  }
0x50: {  	_ =	shalt  }
0x51: {  	_ =	shalt  }
0x52: {  	_ =	shalt  }
0x53: {  	_ =	shalt  }
0x54: {  	_ =	shalt  }
0x55: {  	_ =	shalt  }
0x56: {  	_ =	shalt  }
0x57: {  	_ =	shalt  }
0x58: {  	_ =	shalt  }
0x59: {  	_ =	shalt  }
0x5a: {  	_ =	shalt  }
0x5b: {  	_ =	shalt  }
0x5c: {  	_ =	shalt  }
0x5d: {  	_ =	shalt  }
0x5e: {  	_ =	shalt  }
0x5f: {  	_ =	shalt  }
0x60: {  	_ =	shalt  }
0x61: {  	_ =	shalt  }
0x62: {  	_ =	shalt  }
0x63: {  	_ =	shalt  }
0x64: {  	_ =	shalt  }
0x65: {  	_ =	shalt  }
0x66: {  	_ =	shalt  }
0x67: {  	_ =	shalt  }
0x68: {  	_ =	shalt  }
0x69: {  	_ =	shalt  }
0x6a: {  	_ =	shalt  }
0x6b: {  	_ =	shalt  }
0x6c: {  	_ =	shalt  }
0x6d: {  	_ =	shalt  }
0x6e: {  	_ =	shalt  }
0x6f: {  	_ =	shalt  }
0x70: {  	_ =	shalt  }
0x71: {  	_ =	shalt  }
0x72: {  	_ =	shalt  }
0x73: {  	_ =	shalt  }
0x74: {  	_ =	shalt  }
0x75: {  	_ =	shalt  }
0x76: {  	_ =	shalt  }
0x77: {  	_ =	shalt  }
0x78: {  	_ =	shalt  }
0x79: {  	_ =	shalt  }
0x7a: {  	_ =	shalt  }
0x7b: {  	_ =	shalt  }
0x7c: {  	_ =	shalt  }
0x7d: {  	_ =	shalt  }
0x7e: {  	_ =	shalt  }
0x7f: {  	_ =	shalt  }
0x80: {  	_ =	shalt  }
0x81: {  	_ =	shalt  }
0x82: {  	_ =	shalt  }
0x83: {  	_ =	shalt  }
0x84: {  	_ =	shalt  }
0x85: {  	_ =	shalt  }
0x86: {  	_ =	shalt  }
0x87: {  	_ =	shalt  }
.Lfunc_end0:
.L_simem_size_0:
called_computation_lowered:
.L_overlay_start_0:
0x88: {  	s2 =	sld [smem:$0x3FD9]  }
0x89: {  	s3 =	sld [smem:$0x3FFE];
	_ =	sdelay $0x1  }
0x8a: {  	s1 =	srdreg.scid  }
0x8b: {  	s0 =	sand.u32 $0x1, s1  }
0x8c: {  	s17 =	sshll.u32 s0, $0xA;
	s2 =	sadd.s32 s3, s2  }
0x8d: {  	s2 =	sadd.s32 s2, s17  }
0x8e: {  	[smem:$0x3FBC] =	sst s2  }
0x8f: {  	_ = 	snop  }
0x90: {  	s2 =	sld [smem:$0x3FD0];
	(tm) =	ssettm $0x1  }
0x91: {  	s18 =	sld [smem:$0x3FFB];
	_ =	sdelay $0x3  }
0x92: {  	_ =	strace s18  }
0x93: {  	s3 =	sld [smem:$0x3FFC];
	_ =	sdelay $0x3  }
0x94: {  	_ =	strace s3  }
0x95: {  	s3 =	sld [smem:$0x3FFD];
	_ =	sdelay $0x3  }
0x96: {  	_ =	strace s3  }
0x97: {  	_ =	strace $0x8FFFFFFF  }
0x98: {  	s19 =	sld [smem:$0x3FDB];
	_ =	sdelay $0x1  }
0x99: {  	s4 =	simm.s32 $_scs_section_size  }
0x9a: {  	s5 =	simm.s32 $_size__tile_overlayer_lowered;
	s6 =	simm.s32 $_tile_overlayer_lowered  }
0x9b: {  	s22 =	simm.s32 $0x1BFF;
	s21 =	sshll.u32 s6, $0x1;
	s3 =	sadd.s32 s4, s19  }
0x9c: {  	s7 =	simm.s32 $0x0;
	s20 =	sshll.u32 s5, $0x1;
	s5 =	sadd.s32 s21, s3  }
0x9d: {  	[timem:s7], [sflag:s22] =	dma.local [hbm:s5], s20  }
0x9e: {  	_ =	swait.ge [sflag:s22], s20  }
0x9f: {  	s4 =	ssub.s32 $0x0, s20;
	[sflag:s22] =	ssyncset.done $0x0  }
0xa0: {  	[sflag:s22] =	ssyncadd.s32 s4;
	_ =	sdelay $0x1  }
0xa1: {  	s23 =	simm.s32 $0x1B8B  }
0xa2: {  	_ =	swait.ge [sflag:s23], $0x1  }
0xa3: {  	[sflag:s23] =	ssyncset.done $0x0  }
0xa4: {  	s25 =	simm.s32 $0x1B8E;
	s24 =	sld [smem:$0x3FFE];
	[sflag:s23] =	ssyncadd.s32 $0xFFFFFFFF  }
0xa5: {  	s26 =	simm.s32 $execute0_lowered;
	[smem:$0x3FD2] =	sst s25  }
0xa6: {  	s5 =	sshll.u32 s26, $0x1;
	_ =	strace $0x80000046;
	[dreg:$0x1] =	wrdreg $0xFFFFFFFF  }
0xa7: {  	s28 =	simm.s32 $_size_execute0_lowered;
	s3 =	sadd.s32 s3, s5;
	[dreg:$0x0] =	wrdreg $0x0  }
0xa8: {  	s5 =	sshll.u32 s28, $0x1;
	[dreg:$0x2] =	wrdreg s3  }
0xa9: {  	[dreg:$0x3] =	wrdreg s5  }
0xaa: {  	[dreg:$0x4] =	wrdreg $0xC0  }
0xab: {  	_ =	task [dreg:s7], $0x5FFFF  }
0xac: {  	[dreg:$0x1] =	wrdreg $0xFFFFFFFF  }
0xad: {  	[dreg:$0x0] =	wrdreg $0x60  }
0xae: {  	[dreg:$0x2] =	wrdreg s2  }
0xaf: {  	[dreg:$0x3] =	wrdreg s24  }
0xb0: {  	[dreg:$0x4] =	wrdreg $0x9  }
0xb1: {  	_ =	task.clear_ibuf [dreg:s7], $0x5FFFF;
	_ =	strace $0x90000046  }
0xb2: {  	s29 =	simm.s32 $0x9;
	_ =	strace $0x80000048  }
0xb3: {  	_ =	swait.ge [sflag:s29], $0x1  }
0xb4: {  	[sflag:s29] =	ssyncadd.s32 $0xFFFFFFFF  }
0xb5: {  	_ =	strace $0x90000048  }
0xb6: {  	_ =	sfence  }
0xb7: {  	s30 =	sld [smem:$0x0];
	_ =	sdelay $0x2  }
0xb8: {  	s31 =	sshll.u32 s1, $0xD;
	s1 =	sshrl.u32 s1, $0x2  }
0xb9: {  	s3 =	sand.u32 $0x4000, s31;
	s1 =	sadd.s32 s1, s30  }
0xba: {  	s0 =	sor.u32 s3, s0;
	s1 =	sshll.u32 s1, $0x11  }
0xbb: {  	s0 =	sor.u32 s1, s0  }
0xbc: {  	s0 =	sadd.s32 $0x8F2B, s0  }
0xbd: {  	[sflag:s0] =	ssyncadd.remote.s32 $0x1  }
0xbe: {  	_ =	sfence.sel $0xFFFF  }
0xbf: {  	[dreg:$0x0] =	wrdreg $0xFFFFFFFF;
	(pc) =	sbr.abs _section_cstart, $3  }
0xc0: {  	[dreg:$0x1] =	wrdreg $0xFFFFFFFF  }
0xc1: {  	_ =	task.clear_ibuf [dreg:s7], $0x2FFFF;
	_ =	strace $0x9FFFFFFF  }
0xc2: {  	(tm) =	ssettm $0x7FFFFFFF  }
0xc3: {  	_ =	shalt  }
tec
execute0_lowered:
.L_overlay_start_1:
0x0: {  	(tag) =	ssettag $0x1  }
0x1: {  	s1 =	rddreg [dreg:$0x0]  }
0x2: {  	s4 =	rddreg [dreg:$0x1]  }
0x3: {  	s3 =	simm.s32 $0x0;
	s5 =	srdreg.scid;
	s2 =	stileid.u32  }
0x4: {  	s10 =	simm.s32 $0x880;
	s11 =	simm.s32 $0x1080;
	s12 =	simm.s32 $0x1880  }
0x5: {  	s13 =	simm.s32 $0x2080;
	s14 =	simm.s32 $0x2880;
	s15 =	simm.s32 $0x3080  }
0x6: {  	s16 =	simm.s32 $0x3880;
	s17 =	simm.s32 $0x4080;
	s18 =	simm.s32 $0x4880  }
0x7: {  	s19 =	simm.s32 $0x5080;
	s20 =	simm.s32 $0x5880;
	s21 =	simm.s32 $0x6080  }
0x8: {  	s22 =	simm.s32 $0x6880;
	s23 =	simm.s32 $0x7080;
	s24 =	simm.s32 $0x7880  }
0x9: {  	s25 =	simm.s32 $0x1;
	s28 =	simm.s32 $0x0;
	[smem:$0x7FF] =	sst s3  }
0xa: {  	s5 =	sand.u32 $0x1, s5;
	s6 =	sshll.u32 s2, $0x5;
	s26 =	sshll.u32 s2, $0xD  }
0xb: {  	_ =	strace $0x80000047;
	s7 =	ssub.s32 $0x2, s5;
	s8 =	sadd.s32 s6, s4  }
.Ltmp0:
0xc: {  	s6 =	sadd.s32 s26, s4;
	s29 =	sshll.u32 s5, $0xC;
	(pc) =	sbr.rel .LBB2_1-.Ltmp0, $4  }
0xd: {  	s4 =	sshll.u32 s2, $0x1;
	s30 =	sshll.u32 s5, $0x4;
	s26 =	simm.s32 $0x2  }
0xe: {  	v2 =	vlaneseq.u32;
	s9 =	sshrl.u32 s7, $0x1;
	s6 =	sadd.s32 s29, s6;
	s31 =	sadd.s32 s30, s8  }
0xf: {  	vm0 =	vmmov $0xffff;
	v1 =	vshrl.u32 v2, $0x3;
	s8 =	simm.s32 $0x3;
	s7 =	ssub.s32 s7, s9;
	s6 =	sadd.s32 $0x5DC00, s6  }
0x10: {  	v0 =	vand.u32 $0x7, v2;
	v2 =	vor.u32 $0x8, v2;
	v1 =	vmul.u32 $0x8, v1;
	s9 =	simm.s32 $0x80;
	s5 =	smax.u32 s7, $0x1;
	s7 =	sadd.s32 $0x5A00, s31  }
.LBB2_5:
0x11: {  	s28 =	sadd.s32 $0x1, s28  }
0x12: {  	p0 =	sne.s32 s28, s5  }
.Ltmp1:
0x13: {  	_ = 	snop;
	(pc) =	sbr.rel @!p0 .LBB2_6-.Ltmp1, $1  }
0x14: {  	_ =	sdelay $0x3  }
.LBB2_1:
.Ltmp2:
0x15: {  	(pc) =	sbr.rel .LBB2_2-.Ltmp2, $2  }
0x16: {  	_ =	sdelay $0x2  }
0x17: {  	s29 =	smov.u32 s7;
	s30 =	smov.u32 s6;
	s31 =	simm.s32 $0x0  }
.LBB2_4:
0x18: {  	s31 =	sadd.s32 $0x20, s31  }
0x19: {  	p0 =	sne.s32 s31, $0x500  }
.Ltmp3:
0x1a: {  	_ = 	snop;
	(pc) =	sbr.rel @!p0 .LBB2_5-.Ltmp3, $2  }
0x1b: {  	_ =	sdelay $0x2  }
0x1c: {  	s30 =	sadd.s32 $0x20000, s30;
	s29 =	sadd.s32 $0x200, s29  }
.LBB2_2:
0x1d: {  	s0 =	sadd.s32 s31, s4  }
0x1e: {  	p0 =	sgt.u32 s0, $0x4E1  }
.Ltmp4:
0x1f: {  	_ = 	snop;
	(pc) =	sbr.rel @p0 .LBB2_4-.Ltmp4, $1  }
0x20: {  	_ =	sdelay $0x3  }
0x21: {  	[tilespmem:s3], [sflag:$0x3] =	stream.linear.gather [hbm4b:s29+s3], $0x80, $0x38;
	[tilespmem:$0x8080] =	vst v63  }
0x22: {  	_ =	swait.ge [sflag:s8], $0x80  }
0x23: {  	[sflag:s8] =	ssyncset.done $0x0  }
0x24: {  	[sflag:s8] =	ssyncadd.s32 $0xFFFFFF80  }
0x25: {  	v3 =	vld [tilespmem:$0x0];
	_ =	sdelay $0x4  }
0x26: {  	v4 =	vshll.u32 v3, $0x1  }
0x27: {  	v3 =	vand.u32 $0x7, v3;
	v4 =	vand.u32 $0xFFFFFFF0, v4  }
0x28: {  	v3 =	vor.u32 v3, v4  }
0x29: {  	v4 =	vperm.xlane v3, v0;
	_ =	sdelay $0x1  }
0x2a: {  	v3 =	vperm.xlane v3, v2;
	v4 =	vadd.s32 v1, v4;
	_ =	sdelay $0x1  }
0x2b: {  	v3 =	vadd.s32 v1, v3;
	_ =	sdelay $0x2  }
0x2c: {  	[tilespmem:s9], [sflag:$0x1] =	stream.indirect_vreg.gather [hbm4b:s1+s3], $0x80, v4, vm0, $0xb8;
	[tilespmem:$0x8080] =	vst v63  }
0x2d: {  	_ = 	snop  }
0x2e: {  	[tilespmem:s10], [sflag:$0x1] =	stream.indirect_vreg.gather [hbm4b:s1+s3], $0x80, v3, vm0, $0xb8;
	[tilespmem:$0x8080] =	vst v63  }
0x2f: {  	v3 =	vld [tilespmem:$0x10];
	_ =	sdelay $0x4  }
0x30: {  	v57 =	vshll.u32 v3, $0x1  }
0x31: {  	v3 =	vand.u32 $0x7, v3;
	v4 =	vand.u32 $0xFFFFFFF0, v57  }
0x32: {  	v3 =	vor.u32 v3, v4  }
0x33: {  	v4 =	vperm.xlane v3, v0;
	_ =	sdelay $0x1  }
0x34: {  	v3 =	vperm.xlane v3, v2;
	v4 =	vadd.s32 v1, v4;
	_ =	sdelay $0x1  }
0x35: {  	v3 =	vadd.s32 v1, v3;
	_ =	sdelay $0x2  }
0x36: {  	[tilespmem:s11], [sflag:$0x1] =	stream.indirect_vreg.gather [hbm4b:s1+s3], $0x80, v4, vm0, $0xb8;
	[tilespmem:$0x8080] =	vst v63  }
0x37: {  	_ = 	snop  }
0x38: {  	[tilespmem:s12], [sflag:$0x1] =	stream.indirect_vreg.gather [hbm4b:s1+s3], $0x80, v3, vm0, $0xb8;
	[tilespmem:$0x8080] =	vst v63  }
0x39: {  	v3 =	vld [tilespmem:$0x20];
	_ =	sdelay $0x4  }
0x3a: {  	v58 =	vshll.u32 v3, $0x1  }
0x3b: {  	v3 =	vand.u32 $0x7, v3;
	v4 =	vand.u32 $0xFFFFFFF0, v58  }
0x3c: {  	v3 =	vor.u32 v3, v4  }
0x3d: {  	v4 =	vperm.xlane v3, v0;
	_ =	sdelay $0x1  }
0x3e: {  	v3 =	vperm.xlane v3, v2;
	v4 =	vadd.s32 v1, v4;
	_ =	sdelay $0x1  }
0x3f: {  	v3 =	vadd.s32 v1, v3;
	_ =	sdelay $0x2  }
0x40: {  	[tilespmem:s13], [sflag:$0x1] =	stream.indirect_vreg.gather [hbm4b:s1+s3], $0x80, v4, vm0, $0xb8;
	[tilespmem:$0x8080] =	vst v63  }
0x41: {  	_ = 	snop  }
0x42: {  	[tilespmem:s14], [sflag:$0x1] =	stream.indirect_vreg.gather [hbm4b:s1+s3], $0x80, v3, vm0, $0xb8;
	[tilespmem:$0x8080] =	vst v63  }
0x43: {  	v3 =	vld [tilespmem:$0x30];
	_ =	sdelay $0x4  }
0x44: {  	v59 =	vshll.u32 v3, $0x1  }
0x45: {  	v3 =	vand.u32 $0x7, v3;
	v4 =	vand.u32 $0xFFFFFFF0, v59  }
0x46: {  	v3 =	vor.u32 v3, v4  }
0x47: {  	v4 =	vperm.xlane v3, v0;
	_ =	sdelay $0x1  }
0x48: {  	v3 =	vperm.xlane v3, v2;
	v4 =	vadd.s32 v1, v4;
	_ =	sdelay $0x1  }
0x49: {  	v3 =	vadd.s32 v1, v3;
	_ =	sdelay $0x2  }
0x4a: {  	[tilespmem:s15], [sflag:$0x1] =	stream.indirect_vreg.gather [hbm4b:s1+s3], $0x80, v4, vm0, $0xb8;
	[tilespmem:$0x8080] =	vst v63  }
0x4b: {  	_ = 	snop  }
0x4c: {  	[tilespmem:s16], [sflag:$0x1] =	stream.indirect_vreg.gather [hbm4b:s1+s3], $0x80, v3, vm0, $0xb8;
	[tilespmem:$0x8080] =	vst v63  }
0x4d: {  	v3 =	vld [tilespmem:$0x40];
	_ =	sdelay $0x4  }
0x4e: {  	v60 =	vshll.u32 v3, $0x1  }
0x4f: {  	v3 =	vand.u32 $0x7, v3;
	v4 =	vand.u32 $0xFFFFFFF0, v60  }
0x50: {  	v3 =	vor.u32 v3, v4  }
0x51: {  	v4 =	vperm.xlane v3, v0;
	_ =	sdelay $0x1  }
0x52: {  	v3 =	vperm.xlane v3, v2;
	v4 =	vadd.s32 v1, v4;
	_ =	sdelay $0x1  }
0x53: {  	v3 =	vadd.s32 v1, v3;
	_ =	sdelay $0x2  }
0x54: {  	[tilespmem:s17], [sflag:$0x1] =	stream.indirect_vreg.gather [hbm4b:s1+s3], $0x80, v4, vm0, $0xb8;
	[tilespmem:$0x8080] =	vst v63  }
0x55: {  	_ = 	snop  }
0x56: {  	[tilespmem:s18], [sflag:$0x1] =	stream.indirect_vreg.gather [hbm4b:s1+s3], $0x80, v3, vm0, $0xb8;
	[tilespmem:$0x8080] =	vst v63  }
0x57: {  	v3 =	vld [tilespmem:$0x50];
	_ =	sdelay $0x4  }
0x58: {  	v61 =	vshll.u32 v3, $0x1  }
0x59: {  	v3 =	vand.u32 $0x7, v3;
	v4 =	vand.u32 $0xFFFFFFF0, v61  }
0x5a: {  	v3 =	vor.u32 v3, v4  }
0x5b: {  	v4 =	vperm.xlane v3, v0;
	_ =	sdelay $0x1  }
0x5c: {  	v3 =	vperm.xlane v3, v2;
	v4 =	vadd.s32 v1, v4;
	_ =	sdelay $0x1  }
0x5d: {  	v3 =	vadd.s32 v1, v3;
	_ =	sdelay $0x2  }
0x5e: {  	[tilespmem:s19], [sflag:$0x1] =	stream.indirect_vreg.gather [hbm4b:s1+s3], $0x80, v4, vm0, $0xb8;
	[tilespmem:$0x8080] =	vst v63  }
0x5f: {  	_ = 	snop  }
0x60: {  	[tilespmem:s20], [sflag:$0x1] =	stream.indirect_vreg.gather [hbm4b:s1+s3], $0x80, v3, vm0, $0xb8;
	[tilespmem:$0x8080] =	vst v63  }
0x61: {  	v3 =	vld [tilespmem:$0x60];
	_ =	sdelay $0x4  }
0x62: {  	v62 =	vshll.u32 v3, $0x1  }
0x63: {  	v3 =	vand.u32 $0x7, v3;
	v4 =	vand.u32 $0xFFFFFFF0, v62  }
0x64: {  	v3 =	vor.u32 v3, v4  }
0x65: {  	v4 =	vperm.xlane v3, v0;
	_ =	sdelay $0x1  }
0x66: {  	v3 =	vperm.xlane v3, v2;
	v4 =	vadd.s32 v1, v4;
	_ =	sdelay $0x1  }
0x67: {  	v3 =	vadd.s32 v1, v3;
	_ =	sdelay $0x2  }
0x68: {  	[tilespmem:s21], [sflag:$0x1] =	stream.indirect_vreg.gather [hbm4b:s1+s3], $0x80, v4, vm0, $0xb8;
	[tilespmem:$0x8080] =	vst v63  }
0x69: {  	_ = 	snop  }
0x6a: {  	[tilespmem:s22], [sflag:$0x1] =	stream.indirect_vreg.gather [hbm4b:s1+s3], $0x80, v3, vm0, $0xb8;
	[tilespmem:$0x8080] =	vst v63  }
0x6b: {  	v3 =	vld [tilespmem:$0x70];
	_ =	sdelay $0x4  }
0x6c: {  	v63 =	vshll.u32 v3, $0x1  }
0x6d: {  	v3 =	vand.u32 $0x7, v3;
	v4 =	vand.u32 $0xFFFFFFF0, v63  }
0x6e: {  	v3 =	vor.u32 v3, v4  }
0x6f: {  	v4 =	vperm.xlane v3, v0;
	_ =	sdelay $0x1  }
0x70: {  	v3 =	vperm.xlane v3, v2;
	v4 =	vadd.s32 v1, v4;
	_ =	sdelay $0x1  }
0x71: {  	v3 =	vadd.s32 v1, v3;
	_ =	sdelay $0x2  }
0x72: {  	[tilespmem:s23], [sflag:$0x1] =	stream.indirect_vreg.gather [hbm4b:s1+s3], $0x80, v4, vm0, $0xb8;
	[tilespmem:$0x8080] =	vst v63  }
0x73: {  	_ = 	snop  }
0x74: {  	[tilespmem:s24], [sflag:$0x1] =	stream.indirect_vreg.gather [hbm4b:s1+s3], $0x80, v3, vm0, $0xb8;
	[tilespmem:$0x8080] =	vst v63  }
0x75: {  	_ =	swait.ge [sflag:s25], $0x8000  }
0x76: {  	[sflag:s25] =	ssyncset.done $0x0  }
.Ltmp5:
0x77: {  	[sflag:s25] =	ssyncadd.s32 $0xFFFF8000;
	(pc) =	sbr.rel .LBB2_4-.Ltmp5, $4  }
0x78: {  	[hbm4b:s30+s3] =	stream.linear.scatter [tilespmem:s9], [sflag:$0x2], $0x8000, $0x38;
	[tilespmem:$0x8080] =	vst v63  }
0x79: {  	_ =	swait.ge [sflag:s26], $0x8000  }
0x7a: {  	[sflag:s26] =	ssyncset.done $0x0  }
0x7b: {  	[sflag:s26] =	ssyncadd.s32 $0xFFFF8000  }
.LBB2_6:
0x7c: {  	_ =	sfence.sel $0x180000  }
0x7d: {  	[bflag:$0x0] =	sbarrier.arrive $0xFFFF  }
0x7e: {  	_ =	strace $0x90000047  }
0x7f: {  	[bflag:$0x2] =	sbarrier.arrive $0xFFFF  }
0x80: {  	p0 =	sne.s32 s2, $0x0;
	s0 =	rddreg [dreg:$0x2]  }
0x81: {  	s0 =	sadd.s32 @!p0 $0x100000, s0  }
0x82: {  	[sflag:s0] =	ssyncadd.tile.s32 @!p0 $0x1;
	_ =	shalt  }
.Lfunc_end2:
_tile_overlayer_lowered:
.L_overlay_start_2:
0x83: {  	(tag) =	ssettag $0x2  }
0x84: {  	s0 =	rddreg [dreg:$0x0];
	s2 =	stileid.u32  }
0x85: {  	s1 =	rddreg [dreg:$0x1];
	p0 =	sne.s32 s2, $0x0  }
0x86: {  	s3 =	rddreg [dreg:$0x2];
	[bflag:$0x3] =	sbarrier.arrive $0xFFFF;
	s2 =	simm.s32 @!p0 $0x1C02  }
0x87: {  	[timem:s3], [sflag:s2] =	dma.local @!p0 [hbm:s0], s1  }
0x88: {  	s0 =	simm.s32 @!p0 $0x2  }
0x89: {  	_ =	swait.ge @!p0 [sflag:s0], s1  }
0x8a: {  	s1 =	ssub.s32 @!p0 $0x0, s1;
	[sflag:s0] =	ssyncset.done @!p0 $0x0  }
0x8b: {  	[sflag:s0] =	ssyncadd.s32 @!p0 s1  }
0x8c: {  	[bflag:$0x3] =	sbarrier.arrive $0xFFFF  }
0x8d: {  	_ =	shalt  }

// kernel: kernel.22.cloned.1.call-start
scs
__scs_entry_jumppad:
0x0: {  	(pc) =	sbr.rel $0x88, $3  }
0x1: {  	(tag) =	ssettag $0x0;
	lr =	simm.s32 $0x1  }
0x2: {  	[smem:$0x3F95] =	sst lr;
	_ =	strace $0xD0000000  }
0x3: {  	_ = 	snop  }
0x4: {  	_ = 	snop  }
0x5: {  	_ = 	snop  }
0x6: {  	_ = 	snop  }
0x7: {  	_ = 	snop  }
__scs_overlays_trampoline_lowered:
0x8: {  	[smem:$0x3FA4] =	sst s0  }
0x9: {  	[smem:$0x3FA5] =	sst s1  }
0xa: {  	[smem:$0x3FA6] =	sst s2  }
0xb: {  	[smem:$0x3FA7] =	sst s3  }
0xc: {  	[smem:$0x3FA8] =	sst s4  }
0xd: {  	[smem:$0x3FA9] =	sst s5  }
0xe: {  	[smem:$0x3FAA] =	sst s6  }
0xf: {  	[smem:$0x3FAB] =	sst s7  }
0x10: {  	[smem:$0x3FAC] =	sst s8  }
0x11: {  	[smem:$0x3FAD] =	sst s9;
	s0 =	simm.s32 @!p0 $0x0  }
0x12: {  	s1 =	sld [smem:$0x3F93];
	s0 =	simm.s32 @p0 $0x1  }
0x13: {  	[smem:$0x3FAE] =	sst s0;
	s0 =	simm.s32 @!p1 $0x0  }
0x14: {  	s2 =	sld [smem:$0x3F92];
	s0 =	simm.s32 @p1 $0x1  }
0x15: {  	[smem:$0x3FAF] =	sst s0;
	s0 =	simm.s32 @!p2 $0x0  }
0x16: {  	s3 =	sld [smem:$0x3FDB];
	s0 =	simm.s32 @p2 $0x1  }
0x17: {  	s4 =	simm.s32 $0x1BF5;
	[smem:$0x3FB1] =	sst s0  }
0x18: {  	s0 =	sld [smem:$0x3F94];
	_ =	swait.ge [sflag:s4], $0x0  }
0x19: {  	s7 =	sld [smem:$0x3F95]  }
0x1a: {  	s8 =	sadd.s32 $0xFFFFE003, lr  }
0x1b: {  	s9 =	sadd.s32 $0xFFFFFEF7, lr;
	s5 =	simm.s32 $0xFFFFFFFF;
	p2 =	slt.u32 s8, $0xFFFFF086  }
0x1c: {  	p1 =	slt.u32 s9, $0xF7A;
	s5 =	simm.s32 @!p2 $0x0  }
0x1d: {  	s5 =	simm.s32 @p1 $0x1;
	p0 =	seq.s32 s7, s2  }
0x1e: {  	s7 =	smul.u32 @!p0 $0xF7A, s2;
	p2 =	seq.s32 @!p0 s5, $0x0  }
0x1f: {  	s9 =	smul.u32 $0xF7A, s1;
	s8 =	simm.s32 @!p0 $0x1BF5;
	p2 =	por !p2, p0  }
0x20: {  	[sflag:s8] =	ssyncset.s32 @!p0 $0xFFFFF086;
	s6 =	sadd.s32 @!p0 s3, s7;
	s7 =	simm.s32 @!p0 $0x108  }
0x21: {  	s3 =	sadd.s32 s3, s9;
	s6 =	sadd.s32 @!p0 $0x88, s6;
	s7 =	simm.s32 @p2 $0x1082  }
0x22: {  	[simem:s7], [sflag:s8] =	dma.local @!p0 [hbm:s6], $0xF7A  }
0x23: {  	s9 =	sor.u32 $0xD0000000, s2;
	s6 =	simm.s32 $0x108;
	_ =	swait.ge @!p0 [sflag:s8], $0x0  }
0x24: {  	s3 =	sadd.s32 $0x88, s3;
	s6 =	simm.s32 @!p1 $0x1082;
	[sflag:s4] =	ssyncset.s32 $0xFFFFF086  }
0x25: {  	[simem:s6], [sflag:s4] =	dma.local [hbm:s3], $0xF7A  }
0x26: {  	[smem:$0x3F95] =	sst s1;
	(tag) =	ssettag s2;
	_ =	strace s9  }
0x27: {  	s1 =	sld [smem:$0x3FA5]  }
0x28: {  	s2 =	sld [smem:$0x3FA6]  }
0x29: {  	s4 =	sld [smem:$0x3FA8]  }
0x2a: {  	p0 =	seq.s32 s5, $0x0;
	s5 =	sld [smem:$0x3FA9]  }
0x2b: {  	s6 =	sld [smem:$0x3FAA]  }
0x2c: {  	s7 =	sld [smem:$0x3FAB]  }
0x2d: {  	s3 =	simm.s32 $0x108;
	s8 =	sld [smem:$0x3FAC]  }
0x2e: {  	s3 =	simm.s32 @!p0 $0x1082;
	s9 =	sld [smem:$0x3FAD]  }
0x2f: {  	lr =	sadd.s32 s0, s3;
	s0 =	sld [smem:$0x3FA4]  }
0x30: {  	s3 =	sld [smem:$0x3FA7]  }
0x31: {  	[smem:$0x3FB0] =	sst s10  }
0x32: {  	s10 =	sld [smem:$0x3FAE];
	_ =	sdelay $0x3  }
0x33: {  	p0 =	seq.s32 s10, $0x1;
	s10 =	sld [smem:$0x3FB0];
	_ =	sdelay $0x3  }
0x34: {  	[smem:$0x3FB0] =	sst s10  }
0x35: {  	s10 =	sld [smem:$0x3FAF];
	_ =	sdelay $0x3  }
0x36: {  	p1 =	seq.s32 s10, $0x1;
	s10 =	sld [smem:$0x3FB0];
	_ =	sdelay $0x3  }
0x37: {  	[smem:$0x3FB0] =	sst s10  }
0x38: {  	s10 =	sld [smem:$0x3FB1]  }
0x39: {  	_ = 	snop;
	(pc) =	sbr.ind lr, $3  }
0x3a: {  	_ = 	snop  }
0x3b: {  	_ = 	snop  }
0x3c: {  	p2 =	seq.s32 s10, $0x1;
	s10 =	sld [smem:$0x3FB0]  }
0x3d: {  	_ =	shalt  }
0x3e: {  	_ =	shalt  }
0x3f: {  	_ =	shalt  }
0x40: {  	_ =	shalt  }
0x41: {  	_ =	shalt  }
0x42: {  	_ =	shalt  }
0x43: {  	_ =	shalt  }
0x44: {  	_ =	shalt  }
0x45: {  	_ =	shalt  }
0x46: {  	_ =	shalt  }
0x47: {  	_ =	shalt  }
0x48: {  	_ =	shalt  }
0x49: {  	_ =	shalt  }
0x4a: {  	_ =	shalt  }
0x4b: {  	_ =	shalt  }
0x4c: {  	_ =	shalt  }
0x4d: {  	_ =	shalt  }
0x4e: {  	_ =	shalt  }
0x4f: {  	_ =	shalt  }
0x50: {  	_ =	shalt  }
0x51: {  	_ =	shalt  }
0x52: {  	_ =	shalt  }
0x53: {  	_ =	shalt  }
0x54: {  	_ =	shalt  }
0x55: {  	_ =	shalt  }
0x56: {  	_ =	shalt  }
0x57: {  	_ =	shalt  }
0x58: {  	_ =	shalt  }
0x59: {  	_ =	shalt  }
0x5a: {  	_ =	shalt  }
0x5b: {  	_ =	shalt  }
0x5c: {  	_ =	shalt  }
0x5d: {  	_ =	shalt  }
0x5e: {  	_ =	shalt  }
0x5f: {  	_ =	shalt  }
0x60: {  	_ =	shalt  }
0x61: {  	_ =	shalt  }
0x62: {  	_ =	shalt  }
0x63: {  	_ =	shalt  }
0x64: {  	_ =	shalt  }
0x65: {  	_ =	shalt  }
0x66: {  	_ =	shalt  }
0x67: {  	_ =	shalt  }
0x68: {  	_ =	shalt  }
0x69: {  	_ =	shalt  }
0x6a: {  	_ =	shalt  }
0x6b: {  	_ =	shalt  }
0x6c: {  	_ =	shalt  }
0x6d: {  	_ =	shalt  }
0x6e: {  	_ =	shalt  }
0x6f: {  	_ =	shalt  }
0x70: {  	_ =	shalt  }
0x71: {  	_ =	shalt  }
0x72: {  	_ =	shalt  }
0x73: {  	_ =	shalt  }
0x74: {  	_ =	shalt  }
0x75: {  	_ =	shalt  }
0x76: {  	_ =	shalt  }
0x77: {  	_ =	shalt  }
0x78: {  	_ =	shalt  }
0x79: {  	_ =	shalt  }
0x7a: {  	_ =	shalt  }
0x7b: {  	_ =	shalt  }
0x7c: {  	_ =	shalt  }
0x7d: {  	_ =	shalt  }
0x7e: {  	_ =	shalt  }
0x7f: {  	_ =	shalt  }
0x80: {  	_ =	shalt  }
0x81: {  	_ =	shalt  }
0x82: {  	_ =	shalt  }
0x83: {  	_ =	shalt  }
0x84: {  	_ =	shalt  }
0x85: {  	_ =	shalt  }
0x86: {  	_ =	shalt  }
0x87: {  	_ =	shalt  }
.Lfunc_end0:
.L_simem_size_0:
called_computation.1_lowered:
.L_overlay_start_0:
0x88: {  	s2 =	sld [smem:$0x3FD9]  }
0x89: {  	s3 =	sld [smem:$0x3FFE];
	_ =	sdelay $0x1  }
0x8a: {  	s1 =	srdreg.scid  }
0x8b: {  	s0 =	sand.u32 $0x1, s1  }
0x8c: {  	s17 =	sshll.u32 s0, $0xA;
	s2 =	sadd.s32 s3, s2  }
0x8d: {  	s2 =	sadd.s32 s2, s17  }
0x8e: {  	[smem:$0x3FBC] =	sst s2  }
0x8f: {  	_ = 	snop  }
0x90: {  	s2 =	sld [smem:$0x3FD0];
	(tm) =	ssettm $0x1  }
0x91: {  	s18 =	sld [smem:$0x3FFB];
	_ =	sdelay $0x3  }
0x92: {  	_ =	strace s18  }
0x93: {  	s3 =	sld [smem:$0x3FFC];
	_ =	sdelay $0x3  }
0x94: {  	_ =	strace s3  }
0x95: {  	s3 =	sld [smem:$0x3FFD];
	_ =	sdelay $0x3  }
0x96: {  	_ =	strace s3  }
0x97: {  	_ =	strace $0x8FFFFFFF  }
0x98: {  	s19 =	sld [smem:$0x3FDB];
	_ =	sdelay $0x1  }
0x99: {  	s4 =	simm.s32 $_scs_section_size  }
0x9a: {  	s5 =	simm.s32 $_size__tile_overlayer_lowered;
	s6 =	simm.s32 $_tile_overlayer_lowered  }
0x9b: {  	s22 =	simm.s32 $0x1BFF;
	s21 =	sshll.u32 s6, $0x1;
	s3 =	sadd.s32 s4, s19  }
0x9c: {  	s7 =	simm.s32 $0x0;
	s20 =	sshll.u32 s5, $0x1;
	s5 =	sadd.s32 s21, s3  }
0x9d: {  	[timem:s7], [sflag:s22] =	dma.local [hbm:s5], s20  }
0x9e: {  	_ =	swait.ge [sflag:s22], s20  }
0x9f: {  	s4 =	ssub.s32 $0x0, s20;
	[sflag:s22] =	ssyncset.done $0x0  }
0xa0: {  	[sflag:s22] =	ssyncadd.s32 s4;
	_ =	sdelay $0x1  }
0xa1: {  	s23 =	simm.s32 $0x1B8B  }
0xa2: {  	_ =	swait.ge [sflag:s23], $0x1  }
0xa3: {  	[sflag:s23] =	ssyncset.done $0x0  }
0xa4: {  	s25 =	simm.s32 $0x1B8E;
	s24 =	sld [smem:$0x3FFE];
	[sflag:s23] =	ssyncadd.s32 $0xFFFFFFFF  }
0xa5: {  	s26 =	simm.s32 $execute0_lowered;
	[smem:$0x3FD2] =	sst s25  }
0xa6: {  	s5 =	sshll.u32 s26, $0x1;
	_ =	strace $0x80000049;
	[dreg:$0x1] =	wrdreg $0xFFFFFFFF  }
0xa7: {  	s28 =	simm.s32 $_size_execute0_lowered;
	s3 =	sadd.s32 s3, s5;
	[dreg:$0x0] =	wrdreg $0x0  }
0xa8: {  	s5 =	sshll.u32 s28, $0x1;
	[dreg:$0x2] =	wrdreg s3  }
0xa9: {  	[dreg:$0x3] =	wrdreg s5  }
0xaa: {  	[dreg:$0x4] =	wrdreg $0xC0  }
0xab: {  	_ =	task [dreg:s7], $0x5FFFF  }
0xac: {  	[dreg:$0x1] =	wrdreg $0xFFFFFFFF  }
0xad: {  	[dreg:$0x0] =	wrdreg $0x60  }
0xae: {  	[dreg:$0x2] =	wrdreg s24  }
0xaf: {  	[dreg:$0x3] =	wrdreg s2  }
0xb0: {  	[dreg:$0x4] =	wrdreg $0x68800  }
0xb1: {  	[dreg:$0x5] =	wrdreg $0x9  }
0xb2: {  	_ =	task.clear_ibuf [dreg:s7], $0x6FFFF;
	_ =	strace $0x90000049  }
0xb3: {  	s29 =	simm.s32 $0x9;
	_ =	strace $0x8000004B  }
0xb4: {  	_ =	swait.ge [sflag:s29], $0x1  }
0xb5: {  	[sflag:s29] =	ssyncadd.s32 $0xFFFFFFFF  }
0xb6: {  	_ =	strace $0x9000004B  }
0xb7: {  	_ =	sfence  }
0xb8: {  	s30 =	sld [smem:$0x0];
	_ =	sdelay $0x2  }
0xb9: {  	s31 =	sshll.u32 s1, $0xD;
	s1 =	sshrl.u32 s1, $0x2  }
0xba: {  	s3 =	sand.u32 $0x4000, s31;
	s1 =	sadd.s32 s1, s30  }
0xbb: {  	s0 =	sor.u32 s3, s0;
	s1 =	sshll.u32 s1, $0x11  }
0xbc: {  	s0 =	sor.u32 s1, s0  }
0xbd: {  	s0 =	sadd.s32 $0x8F2B, s0  }
0xbe: {  	[sflag:s0] =	ssyncadd.remote.s32 $0x1  }
0xbf: {  	_ =	sfence.sel $0xFFFF  }
0xc0: {  	[dreg:$0x0] =	wrdreg $0xFFFFFFFF;
	(pc) =	sbr.abs _section_cstart, $3  }
0xc1: {  	[dreg:$0x1] =	wrdreg $0xFFFFFFFF  }
0xc2: {  	_ =	task.clear_ibuf [dreg:s7], $0x2FFFF;
	_ =	strace $0x9FFFFFFF  }
0xc3: {  	(tm) =	ssettm $0x7FFFFFFF  }
tec
execute0_lowered:
.L_overlay_start_1:
0x0: {  	(tag) =	ssettag $0x1  }
0x1: {  	s1 =	simm.s32 $0x0  }
0x2: {  	[smem:$0x7FF] =	sst s1;
	s1 =	stileid.u32  }
0x3: {  	s30 =	smul.u32 $0xA000, s1  }
0x4: {  	s0 =	rddreg [dreg:$0x0];
	s5 =	sor.u32 $0x10, s1;
	s19 =	smul.u32 $0x5000, s1  }
0x5: {  	s20 =	rddreg [dreg:$0x1];
	s7 =	sor.u32 $0x20, s1;
	s6 =	smul.u32 $0xA000, s5  }
0x6: {  	s2 =	rddreg [dreg:$0x2];
	s10 =	sor.u32 $0x30, s1;
	s9 =	smul.u32 $0xA000, s7  }
0x7: {  	s8 =	srdreg.scid;
	s12 =	sor.u32 $0x40, s1;
	s11 =	smul.u32 $0xA000, s10  }
0x8: {  	s29 =	simm.s32 $0x0;
	s15 =	sor.u32 $0x50, s1;
	s14 =	smul.u32 $0xA000, s12  }
0x9: {  	s8 =	sand.u32 $0x1, s8;
	_ =	strace $0x8000004A;
	s17 =	smul.u32 $0xA000, s15  }
0xa: {  	s3 =	sshll.u32 s1, $0xC;
	s4 =	sshll.u32 s1, $0x4;
	s23 =	smul.u32 $0x5000, s5  }
0xb: {  	s13 =	ssub.s32 $0x2, s8;
	s18 =	sor.u32 $0x60, s1;
	s24 =	smul.u32 $0x5000, s7  }
0xc: {  	s22 =	sshll.u32 s8, $0x7;
	s21 =	sadd.s32 s3, s0;
	s10 =	smul.u32 $0x5000, s10  }
0xd: {  	s16 =	sshrl.u32 s13, $0x1;
	s0 =	sadd.s32 s4, s0;
	s26 =	smul.u32 $0x5000, s12  }
0xe: {  	s31 =	ssub.s32 s13, s16;
	s13 =	smul.u32 $0xA000, s18;
	s16 =	sshll.u32 s8, $0xA  }
0xf: {  	s3 =	sshrl.u32 s30, $0x2;
	s30 =	smul.u32 $0x5000, s15;
	s4 =	smax.u32 s31, $0x1  }
0x10: {  	s5 =	sadd.s32 s3, s2;
	s8 =	sshrl.u32 s6, $0x2;
	s9 =	sshrl.u32 s9, $0x2  }
0x11: {  	s25 =	sshrl.u32 s11, $0x2;
	s3 =	sshrl.u32 s14, $0x2;
	s14 =	sor.u32 s16, s19  }
0x12: {  	s31 =	smul.u32 $0x5000, s18;
	s15 =	sor.u32 s16, s23;
	s18 =	sor.u32 s16, s24  }
0x13: {  	s23 =	sor.u32 s16, s10;
	s24 =	sor.u32 s16, s26;
	[dreg:$0x4] =	wrdreg s4  }
0x14: {  	s6 =	sadd.s32 s8, s2;
	s7 =	sadd.s32 s9, s2;
	s8 =	sadd.s32 s25, s2  }
0x15: {  	s25 =	sor.u32 $0x70, s1;
	s26 =	sor.u32 s16, s30;
	s9 =	sadd.s32 s3, s2  }
0x16: {  	s14 =	sshrl.u32 s14, $0x3;
	s15 =	sshrl.u32 s15, $0x3;
	s4 =	smul.u32 $0x5000, s25  }
0x17: {  	s28 =	sor.u32 s16, s31;
	s30 =	smul.u32 $0xA000, s25;
	s31 =	sshrl.u32 s17, $0x2  }
0x18: {  	s3 =	sadd.s32 s20, s14;
	s17 =	sshrl.u32 s18, $0x3;
	s18 =	sshrl.u32 s23, $0x3  }
0x19: {  	s23 =	sshrl.u32 s24, $0x3;
	s24 =	sshrl.u32 s26, $0x3;
	p0 =	sgt.u32 s25, $0x7C  }
0x1a: {  	s25 =	simm.s32 $0x8;
	s10 =	sadd.s32 s31, s2;
	[dreg:$0x5] =	wrdreg s3  }
0x1b: {  	s3 =	sadd.s32 s20, s17;
	s17 =	sadd.s32 s20, s23;
	s26 =	sshrl.u32 s28, $0x3  }
0x1c: {  	s31 =	sadd.s32 s22, s21;
	s21 =	sadd.s32 $0xAA00, s0;
	s23 =	simm.s32 $0x4080  }
0x1d: {  	s28 =	simm.s32 $0x80;
	s19 =	sor.u32 s16, s4;
	s4 =	sshrl.u32 s13, $0x2  }
0x1e: {  	s13 =	sshrl.u32 s30, $0x2;
	s16 =	sadd.s32 s20, s15;
	[dreg:$0x7] =	wrdreg s3  }
0x1f: {  	s3 =	sadd.s32 s20, s18;
	s18 =	sadd.s32 s20, s24;
	s22 =	sadd.s32 $0x7B2C00, s31  }
0x20: {  	s24 =	simm.s32 $0x1;
	s11 =	sadd.s32 s4, s2;
	[dreg:$0x6] =	wrdreg s16  }
0x21: {  	s12 =	sadd.s32 s13, s2;
	[dreg:$0x8] =	wrdreg s3;
	s30 =	sshrl.u32 s19, $0x3  }
0x22: {  	v0 =	vimm.f32 $0.0e+00;
	s19 =	sadd.s32 s20, s26;
	s26 =	simm.s32 $0x100;
	s20 =	sadd.s32 s20, s30  }
.LBB2_1:
0x23: {  	s3 =	simm.s32 $0x0  }
0x24: {  	s0 =	sand.u32 $0xFE00, s3  }
0x25: {  	s3 =	sand.u32 $0x70, s3;
	s30 =	sshrl.u32 s0, $0x2  }
0x26: {  	s0 =	simm.s32 $0x40;
	s30 =	sor.u32 s3, s30;
	s3 =	simm.s32 $0x0  }
.LBB2_2:
0x27: {  	p1 =	sne.s32 s0, $0x9FC0  }
0x28: {  	[tilespmem:s30+$0x4080] =	vst v0;
	s3 =	sadd.s32 $0x10, s3;
	s30 =	smov.u32 s0;
	s0 =	sadd.s32 $0x40, s0  }
.Ltmp0:
0x29: {  	(pc) =	sbr.rel @p1 .LBB2_2-.Ltmp0, $4  }
0x2a: {  	_ = 	snop  }
0x2b: {  	s30 =	sand.u32 $0xFE00, s30  }
0x2c: {  	s31 =	sand.u32 $0x70, s3;
	s30 =	sshrl.u32 s30, $0x2  }
0x2d: {  	s30 =	sor.u32 s31, s30  }
0x2e: {  	[tilespmem:s30+$0x4080] =	vst v0  }
0x2f: {  	[spmem:s5] =	stream.linear.scatter [tilespmem:s23], [sflag:$0x1], $0x2800, $0x38;
	[tilespmem:$0x1A100] =	vst v63  }
0x30: {  	_ =	swait.ge [sflag:s24], $0x2800  }
0x31: {  	[sflag:s24] =	ssyncset.done $0x0  }
0x32: {  	[sflag:s24] =	ssyncadd.s32 $0xFFFFD800  }
0x33: {  	[spmem:s6] =	stream.linear.scatter [tilespmem:s23], [sflag:$0x1], $0x2800, $0x38;
	[tilespmem:$0x1A100] =	vst v63  }
0x34: {  	_ =	swait.ge [sflag:s24], $0x2800  }
0x35: {  	[sflag:s24] =	ssyncset.done $0x0  }
0x36: {  	[sflag:s24] =	ssyncadd.s32 $0xFFFFD800  }
0x37: {  	[spmem:s7] =	stream.linear.scatter [tilespmem:s23], [sflag:$0x1], $0x2800, $0x38;
	[tilespmem:$0x1A100] =	vst v63  }
0x38: {  	_ =	swait.ge [sflag:s24], $0x2800  }
0x39: {  	[sflag:s24] =	ssyncset.done $0x0  }
0x3a: {  	[sflag:s24] =	ssyncadd.s32 $0xFFFFD800  }
0x3b: {  	[spmem:s8] =	stream.linear.scatter [tilespmem:s23], [sflag:$0x1], $0x2800, $0x38;
	[tilespmem:$0x1A100] =	vst v63  }
0x3c: {  	_ =	swait.ge [sflag:s24], $0x2800  }
0x3d: {  	[sflag:s24] =	ssyncset.done $0x0  }
0x3e: {  	[sflag:s24] =	ssyncadd.s32 $0xFFFFD800  }
0x3f: {  	[spmem:s9] =	stream.linear.scatter [tilespmem:s23], [sflag:$0x1], $0x2800, $0x38;
	[tilespmem:$0x1A100] =	vst v63  }
0x40: {  	_ =	swait.ge [sflag:s24], $0x2800  }
0x41: {  	[sflag:s24] =	ssyncset.done $0x0  }
0x42: {  	[sflag:s24] =	ssyncadd.s32 $0xFFFFD800  }
0x43: {  	[spmem:s10] =	stream.linear.scatter [tilespmem:s23], [sflag:$0x1], $0x2800, $0x38;
	[tilespmem:$0x1A100] =	vst v63  }
0x44: {  	_ =	swait.ge [sflag:s24], $0x2800  }
0x45: {  	[sflag:s24] =	ssyncset.done $0x0  }
0x46: {  	[sflag:s24] =	ssyncadd.s32 $0xFFFFD800  }
0x47: {  	[spmem:s11] =	stream.linear.scatter [tilespmem:s23], [sflag:$0x1], $0x2800, $0x38;
	[tilespmem:$0x1A100] =	vst v63  }
0x48: {  	_ =	swait.ge [sflag:s24], $0x2800  }
0x49: {  	[sflag:s24] =	ssyncset.done $0x0  }
0x4a: {  	s0 =	simm.s32 @!p0 $0x4080;
	[sflag:s24] =	ssyncadd.s32 $0xFFFFD800  }
0x4b: {  	[spmem:s12] =	stream.linear.scatter @!p0 [tilespmem:s0], [sflag:$0x1], $0x2800, $0x38;
	[tilespmem:$0x1A100] =	vst v63  }
0x4c: {  	s0 =	simm.s32 @!p0 $0x1  }
0x4d: {  	_ =	swait.ge @!p0 [sflag:s0], $0x2800  }
0x4e: {  	s3 =	sadd.s32 $0x0, s1;
	[sflag:s0] =	ssyncset.done @!p0 $0x0  }
0x4f: {  	p1 =	sgt.u32 s3, $0x4E1;
	[sflag:s0] =	ssyncadd.s32 @!p0 $0xFFFFD800  }
0x50: {  	s3 =	simm.s32 @!p1 $0x2;
	s0 =	simm.s32 @!p1 $0x0;
	[bflag:$0x0] =	sbarrier.arrive $0xFFFF  }
0x51: {  	[tilespmem:s0], [sflag:$0x2] =	stream.linear.gather @!p1 [hbm4b:s21+s0], $0x80, $0x38;
	[tilespmem:$0x1A100] =	vst v63  }
0x52: {  	_ =	swait.ge @!p1 [sflag:s3], $0x80  }
0x53: {  	s30 =	simm.s32 @!p1 $0x80;
	[sflag:s3] =	ssyncset.done @!p1 $0x0  }
0x54: {  	s31 =	simm.s32 @!p1 $0x400;
	s4 =	simm.s32 @!p1 $0x800;
	[sflag:s3] =	ssyncadd.s32 @!p1 $0xFFFFFF80  }
0x55: {  	[tilespmem:s30], [sflag:$0x2] =	stream.strided.gather @!p1 [hbm4b:s22+s31], $0x4000, s4, s31, $0x38;
	[tilespmem:$0x1A100] =	vst v63  }
0x56: {  	p2 =	por p1, p1;
	_ =	swait.ge @!p1 [sflag:s3], $0x4000  }
0x57: {  	[sflag:s3] =	ssyncset.done @!p2 $0x0  }
0x58: {  	s16 =	sadd.s32 $0x10, s1;
	[sflag:s3] =	ssyncadd.s32 @!p2 $0xFFFFC000;
	s3 =	simm.s32 @!p2 $0x1  }
0x59: {  	[spmem:s2] =	stream.indirect.scatter.add.f32 @!p2 [tilespmem:s30], [sflag:$0x1], $0x80, s0, s30, $0xb8;
	[tilespmem:$0x1A100] =	vst v63  }
0x5a: {  	s31 =	simm.s32 $0x20;
	p1 =	sgt.u32 s16, $0x4E1;
	_ =	swait.ge @!p2 [sflag:s3], $0x4000  }
0x5b: {  	s30 =	sadd.s32 $0x10000, s22;
	s0 =	sadd.s32 $0x100, s21;
	[sflag:s3] =	ssyncset.done @!p2 $0x0  }
.LBB2_4:
0x5c: {  	s4 =	simm.s32 @!p1 $0x0;
	s13 =	simm.s32 @!p1 $0x2;
	[sflag:s3] =	ssyncadd.s32 @!p2 $0xFFFFC000  }
0x5d: {  	[tilespmem:s4], [sflag:$0x2] =	stream.linear.gather @!p1 [hbm4b:s0+s4], $0x80, $0x38;
	[tilespmem:$0x1A100] =	vst v63  }
0x5e: {  	s14 =	smov.u32 s31;
	s31 =	sadd.s32 $0x10, s31;
	_ =	swait.ge @!p1 [sflag:s13], $0x80  }
0x5f: {  	s15 =	simm.s32 @!p1 $0x80;
	p3 =	sne.s32 s31, $0x4F0;
	[sflag:s13] =	ssyncset.done @!p1 $0x0  }
0x60: {  	s3 =	simm.s32 @!p1 $0x400;
	s16 =	simm.s32 @!p1 $0x800;
	[sflag:s13] =	ssyncadd.s32 @!p1 $0xFFFFFF80  }
0x61: {  	[tilespmem:s15], [sflag:$0x2] =	stream.strided.gather @!p1 [hbm4b:s30+s3], $0x4000, s16, s3, $0x38;
	[tilespmem:$0x1A100] =	vst v63  }
0x62: {  	p2 =	por p1, p1;
	_ =	swait.ge @!p1 [sflag:s13], $0x4000  }
.Ltmp1:
0x63: {  	[sflag:s13] =	ssyncset.done @!p2 $0x0;
	(pc) =	sbr.rel @p3 .LBB2_4-.Ltmp1, $4  }
0x64: {  	s3 =	simm.s32 @!p2 $0x1;
	[sflag:s13] =	ssyncadd.s32 @!p2 $0xFFFFC000  }
0x65: {  	[spmem:s2] =	stream.indirect.scatter.add.f32 @!p2 [tilespmem:s15], [sflag:$0x1], $0x80, s4, s15, $0xb8;
	[tilespmem:$0x1A100] =	vst v63  }
0x66: {  	s30 =	sadd.s32 $0x10000, s30;
	s4 =	sadd.s32 s14, s1;
	_ =	swait.ge @!p2 [sflag:s3], $0x4000  }
0x67: {  	s0 =	sadd.s32 $0x100, s0;
	p1 =	sgt.u32 s4, $0x4E1;
	[sflag:s3] =	ssyncset.done @!p2 $0x0  }
0x68: {  	s4 =	simm.s32 @!p1 $0x0;
	s13 =	simm.s32 @!p1 $0x2;
	[sflag:s3] =	ssyncadd.s32 @!p2 $0xFFFFC000  }
0x69: {  	[tilespmem:s4], [sflag:$0x2] =	stream.linear.gather @!p1 [hbm4b:s0+s4], $0x80, $0x38;
	[tilespmem:$0x1A100] =	vst v63  }
0x6a: {  	_ =	swait.ge @!p1 [sflag:s13], $0x80  }
0x6b: {  	s3 =	simm.s32 @!p1 $0x400;
	[sflag:s13] =	ssyncset.done @!p1 $0x0  }
0x6c: {  	s14 =	simm.s32 @!p1 $0x800;
	s0 =	simm.s32 @!p1 $0x80;
	[sflag:s13] =	ssyncadd.s32 @!p1 $0xFFFFFF80  }
0x6d: {  	[tilespmem:s0], [sflag:$0x2] =	stream.strided.gather @!p1 [hbm4b:s30+s3], $0x4000, s14, s3, $0x38;
	[tilespmem:$0x1A100] =	vst v63  }
0x6e: {  	_ =	swait.ge @!p1 [sflag:s13], $0x4000;
	p1 =	por p1, p1  }
0x6f: {  	[sflag:s13] =	ssyncset.done @!p1 $0x0  }
0x70: {  	s3 =	simm.s32 @!p1 $0x1;
	[sflag:s13] =	ssyncadd.s32 @!p1 $0xFFFFC000  }
0x71: {  	[spmem:s2] =	stream.indirect.scatter.add.f32 @!p1 [tilespmem:s0], [sflag:$0x1], $0x80, s4, s0, $0xb8;
	[tilespmem:$0x1A100] =	vst v63  }
0x72: {  	_ =	swait.ge @!p1 [sflag:s3], $0x4000  }
0x73: {  	[sflag:s3] =	ssyncset.done @!p1 $0x0  }
0x74: {  	[sflag:s3] =	ssyncadd.s32 @!p1 $0xFFFFC000  }
0x75: {  	s4 =	sshll.u32 s1, $0x6;
	[bflag:$0x0] =	sbarrier.arrive $0xFFFF  }
0x76: {  	s13 =	sshrl.u32 s5, $0x3;
	s0 =	sor.u32 $0x1C01, s4;
	s14 =	rddreg [dreg:$0x5]  }
0x77: {  	[hbm:s14@s26], [sflag:s0] =	dma.strided [spmem:s13@s28], $0x500, s25, $0x10   }
0x78: {  	_ =	swait.ge [sflag:s24], $0x500  }
0x79: {  	[sflag:s24] =	ssyncset.done $0x0  }
0x7a: {  	s15 =	sshrl.u32 s6, $0x3;
	s16 =	rddreg [dreg:$0x6];
	[sflag:s24] =	ssyncadd.s32 $0xFFFFFB00  }
0x7b: {  	[hbm:s16@s26], [sflag:s0] =	dma.strided [spmem:s15@s28], $0x500, s25, $0x10   }
0x7c: {  	_ =	swait.ge [sflag:s24], $0x500  }
0x7d: {  	[sflag:s24] =	ssyncset.done $0x0  }
0x7e: {  	s30 =	sshrl.u32 s7, $0x3;
	s31 =	rddreg [dreg:$0x7];
	[sflag:s24] =	ssyncadd.s32 $0xFFFFFB00  }
0x7f: {  	[hbm:s31@s26], [sflag:s0] =	dma.strided [spmem:s30@s28], $0x500, s25, $0x10   }
0x80: {  	_ =	swait.ge [sflag:s24], $0x500  }
0x81: {  	[sflag:s24] =	ssyncset.done $0x0  }
0x82: {  	s13 =	sshrl.u32 s8, $0x3;
	s14 =	rddreg [dreg:$0x8];
	[sflag:s24] =	ssyncadd.s32 $0xFFFFFB00  }
0x83: {  	[hbm:s14@s26], [sflag:s0] =	dma.strided [spmem:s13@s28], $0x500, s25, $0x10   }
0x84: {  	_ =	swait.ge [sflag:s24], $0x500  }
0x85: {  	[sflag:s24] =	ssyncset.done $0x0  }
0x86: {  	s15 =	sshrl.u32 s9, $0x3;
	[sflag:s24] =	ssyncadd.s32 $0xFFFFFB00  }
0x87: {  	[hbm:s17@s26], [sflag:s0] =	dma.strided [spmem:s15@s28], $0x500, s25, $0x10   }
0x88: {  	_ =	swait.ge [sflag:s24], $0x500  }
0x89: {  	[sflag:s24] =	ssyncset.done $0x0  }
0x8a: {  	s16 =	sshrl.u32 s10, $0x3;
	[sflag:s24] =	ssyncadd.s32 $0xFFFFFB00  }
0x8b: {  	[hbm:s18@s26], [sflag:s0] =	dma.strided [spmem:s16@s28], $0x500, s25, $0x10   }
0x8c: {  	_ =	swait.ge [sflag:s24], $0x500  }
0x8d: {  	[sflag:s24] =	ssyncset.done $0x0  }
0x8e: {  	s30 =	sshrl.u32 s11, $0x3;
	[sflag:s24] =	ssyncadd.s32 $0xFFFFFB00  }
0x8f: {  	[hbm:s19@s26], [sflag:s0] =	dma.strided [spmem:s30@s28], $0x500, s25, $0x10   }
0x90: {  	_ =	swait.ge [sflag:s24], $0x500  }
0x91: {  	s4 =	simm.s32 @!p0 $0x8;
	s3 =	sshrl.u32 @!p0 s12, $0x3;
	[sflag:s24] =	ssyncset.done $0x0  }
0x92: {  	s13 =	simm.s32 @!p0 $0x100;
	s14 =	simm.s32 @!p0 $0x80;
	[sflag:s24] =	ssyncadd.s32 $0xFFFFFB00  }
0x93: {  	[hbm:s20@s13], [sflag:s0] =	dma.strided @!p0 [spmem:s3@s14], $0x500, s4, $0x10   }
0x94: {  	s0 =	simm.s32 @!p0 $0x1  }
0x95: {  	_ =	swait.ge @!p0 [sflag:s0], $0x500  }
0x96: {  	s29 =	sadd.s32 $0x1, s29;
	s31 =	rddreg [dreg:$0x4]  }
0x97: {  	p1 =	sne.s32 s29, s31  }
.Ltmp2:
0x98: {  	_ = 	snop;
	(pc) =	sbr.rel @p1 .LBB2_1-.Ltmp2, $3  }
0x99: {  	_ =	sdelay $0x1  }
0x9a: {  	[sflag:s0] =	ssyncset.done @!p0 $0x0  }
0x9b: {  	[sflag:s0] =	ssyncadd.s32 @!p0 $0xFFFFFB00  }
0x9c: {  	_ =	sfence.sel $0x180000  }
0x9d: {  	[bflag:$0x0] =	sbarrier.arrive $0xFFFF  }
0x9e: {  	_ =	strace $0x9000004A  }
0x9f: {  	[bflag:$0x2] =	sbarrier.arrive $0xFFFF  }
0xa0: {  	p0 =	sne.s32 s1, $0x0;
	s0 =	rddreg [dreg:$0x3]  }
0xa1: {  	s0 =	sadd.s32 @!p0 $0x100000, s0  }
0xa2: {  	[sflag:s0] =	ssyncadd.tile.s32 @!p0 $0x1;
	_ =	shalt  }
.Lfunc_end2:
_tile_overlayer_lowered:
.L_overlay_start_2:
0xa3: {  	(tag) =	ssettag $0x2  }
0xa4: {  	s0 =	rddreg [dreg:$0x0];
	s2 =	stileid.u32  }
0xa5: {  	s1 =	rddreg [dreg:$0x1];
	p0 =	sne.s32 s2, $0x0  }
0xa6: {  	s3 =	rddreg [dreg:$0x2];
	[bflag:$0x3] =	sbarrier.arrive $0xFFFF;
	s2 =	simm.s32 @!p0 $0x1C01  }
0xa7: {  	[timem:s3], [sflag:s2] =	dma.local @!p0 [hbm:s0], s1  }
0xa8: {  	s0 =	simm.s32 @!p0 $0x1  }
0xa9: {  	_ =	swait.ge @!p0 [sflag:s0], s1  }
0xaa: {  	s1 =	ssub.s32 @!p0 $0x0, s1;
	[sflag:s0] =	ssyncset.done @!p0 $0x0  }
0xab: {  	[sflag:s0] =	ssyncadd.s32 @!p0 s1  }
0xac: {  	[bflag:$0x3] =	sbarrier.arrive $0xFFFF  }
0xad: {  	_ =	shalt  }

// kernel: kernel.25.cloned.1.call-start
scs
__scs_entry_jumppad:
0x0: {  	(pc) =	sbr.rel $0x88, $3  }
0x1: {  	(tag) =	ssettag $0x0;
	lr =	simm.s32 $0x1  }
0x2: {  	[smem:$0x3F95] =	sst lr;
	_ =	strace $0xD0000000  }
0x3: {  	_ = 	snop  }
0x4: {  	_ = 	snop  }
0x5: {  	_ = 	snop  }
0x6: {  	_ = 	snop  }
0x7: {  	_ = 	snop  }
__scs_overlays_trampoline_lowered:
0x8: {  	[smem:$0x3FA4] =	sst s0  }
0x9: {  	[smem:$0x3FA5] =	sst s1  }
0xa: {  	[smem:$0x3FA6] =	sst s2  }
0xb: {  	[smem:$0x3FA7] =	sst s3  }
0xc: {  	[smem:$0x3FA8] =	sst s4  }
0xd: {  	[smem:$0x3FA9] =	sst s5  }
0xe: {  	[smem:$0x3FAA] =	sst s6  }
0xf: {  	[smem:$0x3FAB] =	sst s7  }
0x10: {  	[smem:$0x3FAC] =	sst s8  }
0x11: {  	[smem:$0x3FAD] =	sst s9;
	s0 =	simm.s32 @!p0 $0x0  }
0x12: {  	s1 =	sld [smem:$0x3F93];
	s0 =	simm.s32 @p0 $0x1  }
0x13: {  	[smem:$0x3FAE] =	sst s0;
	s0 =	simm.s32 @!p1 $0x0  }
0x14: {  	s2 =	sld [smem:$0x3F92];
	s0 =	simm.s32 @p1 $0x1  }
0x15: {  	[smem:$0x3FAF] =	sst s0;
	s0 =	simm.s32 @!p2 $0x0  }
0x16: {  	s3 =	sld [smem:$0x3FDB];
	s0 =	simm.s32 @p2 $0x1  }
0x17: {  	s4 =	simm.s32 $0x1BF5;
	[smem:$0x3FB1] =	sst s0  }
0x18: {  	s0 =	sld [smem:$0x3F94];
	_ =	swait.ge [sflag:s4], $0x0  }
0x19: {  	s7 =	sld [smem:$0x3F95]  }
0x1a: {  	s8 =	sadd.s32 $0xFFFFE003, lr  }
0x1b: {  	s9 =	sadd.s32 $0xFFFFFEF7, lr;
	s5 =	simm.s32 $0xFFFFFFFF;
	p2 =	slt.u32 s8, $0xFFFFF086  }
0x1c: {  	p1 =	slt.u32 s9, $0xF7A;
	s5 =	simm.s32 @!p2 $0x0  }
0x1d: {  	s5 =	simm.s32 @p1 $0x1;
	p0 =	seq.s32 s7, s2  }
0x1e: {  	s7 =	smul.u32 @!p0 $0xF7A, s2;
	p2 =	seq.s32 @!p0 s5, $0x0  }
0x1f: {  	s9 =	smul.u32 $0xF7A, s1;
	s8 =	simm.s32 @!p0 $0x1BF5;
	p2 =	por !p2, p0  }
0x20: {  	[sflag:s8] =	ssyncset.s32 @!p0 $0xFFFFF086;
	s6 =	sadd.s32 @!p0 s3, s7;
	s7 =	simm.s32 @!p0 $0x108  }
0x21: {  	s3 =	sadd.s32 s3, s9;
	s6 =	sadd.s32 @!p0 $0x88, s6;
	s7 =	simm.s32 @p2 $0x1082  }
0x22: {  	[simem:s7], [sflag:s8] =	dma.local @!p0 [hbm:s6], $0xF7A  }
0x23: {  	s9 =	sor.u32 $0xD0000000, s2;
	s6 =	simm.s32 $0x108;
	_ =	swait.ge @!p0 [sflag:s8], $0x0  }
0x24: {  	s3 =	sadd.s32 $0x88, s3;
	s6 =	simm.s32 @!p1 $0x1082;
	[sflag:s4] =	ssyncset.s32 $0xFFFFF086  }
0x25: {  	[simem:s6], [sflag:s4] =	dma.local [hbm:s3], $0xF7A  }
0x26: {  	[smem:$0x3F95] =	sst s1;
	(tag) =	ssettag s2;
	_ =	strace s9  }
0x27: {  	s1 =	sld [smem:$0x3FA5]  }
0x28: {  	s2 =	sld [smem:$0x3FA6]  }
0x29: {  	s4 =	sld [smem:$0x3FA8]  }
0x2a: {  	p0 =	seq.s32 s5, $0x0;
	s5 =	sld [smem:$0x3FA9]  }
0x2b: {  	s6 =	sld [smem:$0x3FAA]  }
0x2c: {  	s7 =	sld [smem:$0x3FAB]  }
0x2d: {  	s3 =	simm.s32 $0x108;
	s8 =	sld [smem:$0x3FAC]  }
0x2e: {  	s3 =	simm.s32 @!p0 $0x1082;
	s9 =	sld [smem:$0x3FAD]  }
0x2f: {  	lr =	sadd.s32 s0, s3;
	s0 =	sld [smem:$0x3FA4]  }
0x30: {  	s3 =	sld [smem:$0x3FA7]  }
0x31: {  	[smem:$0x3FB0] =	sst s10  }
0x32: {  	s10 =	sld [smem:$0x3FAE];
	_ =	sdelay $0x3  }
0x33: {  	p0 =	seq.s32 s10, $0x1;
	s10 =	sld [smem:$0x3FB0];
	_ =	sdelay $0x3  }
0x34: {  	[smem:$0x3FB0] =	sst s10  }
0x35: {  	s10 =	sld [smem:$0x3FAF];
	_ =	sdelay $0x3  }
0x36: {  	p1 =	seq.s32 s10, $0x1;
	s10 =	sld [smem:$0x3FB0];
	_ =	sdelay $0x3  }
0x37: {  	[smem:$0x3FB0] =	sst s10  }
0x38: {  	s10 =	sld [smem:$0x3FB1]  }
0x39: {  	_ = 	snop;
	(pc) =	sbr.ind lr, $3  }
0x3a: {  	_ = 	snop  }
0x3b: {  	_ = 	snop  }
0x3c: {  	p2 =	seq.s32 s10, $0x1;
	s10 =	sld [smem:$0x3FB0]  }
0x3d: {  	_ =	shalt  }
0x3e: {  	_ =	shalt  }
0x3f: {  	_ =	shalt  }
0x40: {  	_ =	shalt  }
0x41: {  	_ =	shalt  }
0x42: {  	_ =	shalt  }
0x43: {  	_ =	shalt  }
0x44: {  	_ =	shalt  }
0x45: {  	_ =	shalt  }
0x46: {  	_ =	shalt  }
0x47: {  	_ =	shalt  }
0x48: {  	_ =	shalt  }
0x49: {  	_ =	shalt  }
0x4a: {  	_ =	shalt  }
0x4b: {  	_ =	shalt  }
0x4c: {  	_ =	shalt  }
0x4d: {  	_ =	shalt  }
0x4e: {  	_ =	shalt  }
0x4f: {  	_ =	shalt  }
0x50: {  	_ =	shalt  }
0x51: {  	_ =	shalt  }
0x52: {  	_ =	shalt  }
0x53: {  	_ =	shalt  }
0x54: {  	_ =	shalt  }
0x55: {  	_ =	shalt  }
0x56: {  	_ =	shalt  }
0x57: {  	_ =	shalt  }
0x58: {  	_ =	shalt  }
0x59: {  	_ =	shalt  }
0x5a: {  	_ =	shalt  }
0x5b: {  	_ =	shalt  }
0x5c: {  	_ =	shalt  }
0x5d: {  	_ =	shalt  }
0x5e: {  	_ =	shalt  }
0x5f: {  	_ =	shalt  }
0x60: {  	_ =	shalt  }
0x61: {  	_ =	shalt  }
0x62: {  	_ =	shalt  }
0x63: {  	_ =	shalt  }
0x64: {  	_ =	shalt  }
0x65: {  	_ =	shalt  }
0x66: {  	_ =	shalt  }
0x67: {  	_ =	shalt  }
0x68: {  	_ =	shalt  }
0x69: {  	_ =	shalt  }
0x6a: {  	_ =	shalt  }
0x6b: {  	_ =	shalt  }
0x6c: {  	_ =	shalt  }
0x6d: {  	_ =	shalt  }
0x6e: {  	_ =	shalt  }
0x6f: {  	_ =	shalt  }
0x70: {  	_ =	shalt  }
0x71: {  	_ =	shalt  }
0x72: {  	_ =	shalt  }
0x73: {  	_ =	shalt  }
0x74: {  	_ =	shalt  }
0x75: {  	_ =	shalt  }
0x76: {  	_ =	shalt  }
0x77: {  	_ =	shalt  }
0x78: {  	_ =	shalt  }
0x79: {  	_ =	shalt  }
0x7a: {  	_ =	shalt  }
0x7b: {  	_ =	shalt  }
0x7c: {  	_ =	shalt  }
0x7d: {  	_ =	shalt  }
0x7e: {  	_ =	shalt  }
0x7f: {  	_ =	shalt  }
0x80: {  	_ =	shalt  }
0x81: {  	_ =	shalt  }
0x82: {  	_ =	shalt  }
0x83: {  	_ =	shalt  }
0x84: {  	_ =	shalt  }
0x85: {  	_ =	shalt  }
0x86: {  	_ =	shalt  }
0x87: {  	_ =	shalt  }
.Lfunc_end0:
.L_simem_size_0:
called_computation.2_lowered:
.L_overlay_start_0:
0x88: {  	s2 =	sld [smem:$0x3FD9]  }
0x89: {  	s3 =	sld [smem:$0x3FFE];
	_ =	sdelay $0x1  }
0x8a: {  	s1 =	srdreg.scid  }
0x8b: {  	s0 =	sand.u32 $0x1, s1  }
0x8c: {  	s17 =	sshll.u32 s0, $0xA;
	s2 =	sadd.s32 s3, s2  }
0x8d: {  	s2 =	sadd.s32 s2, s17  }
0x8e: {  	[smem:$0x3FBC] =	sst s2  }
0x8f: {  	_ = 	snop  }
0x90: {  	s2 =	sld [smem:$0x3FC6]  }
0x91: {  	s18 =	sld [smem:$0x3FD0];
	(tm) =	ssettm $0x1  }
0x92: {  	s4 =	sld [smem:$0x3FFB];
	_ =	sdelay $0x3  }
0x93: {  	_ =	strace s4  }
0x94: {  	s4 =	sld [smem:$0x3FFC];
	_ =	sdelay $0x3  }
0x95: {  	_ =	strace s4  }
0x96: {  	s4 =	sld [smem:$0x3FFD];
	_ =	sdelay $0x3  }
0x97: {  	_ =	strace s4  }
0x98: {  	_ =	strace $0x8FFFFFFF  }
0x99: {  	s19 =	sld [smem:$0x3FDB];
	_ =	sdelay $0x1  }
0x9a: {  	s5 =	simm.s32 $_scs_section_size  }
0x9b: {  	s6 =	simm.s32 $_size__tile_overlayer_lowered;
	s7 =	simm.s32 $_tile_overlayer_lowered  }
0x9c: {  	s22 =	simm.s32 $0x1BFF;
	s21 =	sshll.u32 s7, $0x1;
	s4 =	sadd.s32 s5, s19  }
0x9d: {  	s8 =	simm.s32 $0x0;
	s20 =	sshll.u32 s6, $0x1;
	s6 =	sadd.s32 s21, s4  }
0x9e: {  	[timem:s8], [sflag:s22] =	dma.local [hbm:s6], s20  }
0x9f: {  	_ =	swait.ge [sflag:s22], s20  }
0xa0: {  	s5 =	ssub.s32 $0x0, s20;
	[sflag:s22] =	ssyncset.done $0x0  }
0xa1: {  	[sflag:s22] =	ssyncadd.s32 s5;
	_ =	sdelay $0x1  }
0xa2: {  	s23 =	simm.s32 $0x1B8B  }
0xa3: {  	_ =	swait.ge [sflag:s23], $0x1  }
0xa4: {  	[sflag:s23] =	ssyncset.done $0x0  }
0xa5: {  	s25 =	simm.s32 $0x1B8E;
	s24 =	sld [smem:$0x3FFE];
	[sflag:s23] =	ssyncadd.s32 $0xFFFFFFFF  }
0xa6: {  	s26 =	simm.s32 $execute0_lowered;
	[smem:$0x3FD2] =	sst s25  }
0xa7: {  	s6 =	sshll.u32 s26, $0x1;
	_ =	strace $0x8000004C;
	[dreg:$0x1] =	wrdreg $0xFFFFFFFF  }
0xa8: {  	s28 =	simm.s32 $_size_execute0_lowered;
	s4 =	sadd.s32 s4, s6;
	[dreg:$0x0] =	wrdreg $0x0  }
0xa9: {  	s6 =	sshll.u32 s28, $0x1;
	[dreg:$0x2] =	wrdreg s4  }
0xaa: {  	[dreg:$0x3] =	wrdreg s6  }
0xab: {  	[dreg:$0x4] =	wrdreg $0xC0  }
0xac: {  	_ =	task [dreg:s8], $0x5FFFF  }
0xad: {  	[dreg:$0x1] =	wrdreg $0xFFFFFFFF  }
0xae: {  	[dreg:$0x0] =	wrdreg $0x60  }
0xaf: {  	[dreg:$0x2] =	wrdreg s18  }
0xb0: {  	[dreg:$0x3] =	wrdreg s24  }
0xb1: {  	[dreg:$0x4] =	wrdreg s2  }
0xb2: {  	[dreg:$0x5] =	wrdreg $0x9  }
0xb3: {  	_ =	task.clear_ibuf [dreg:s8], $0x6FFFF;
	_ =	strace $0x9000004C  }
0xb4: {  	s29 =	simm.s32 $0x9;
	_ =	strace $0x8000004E  }
0xb5: {  	_ =	swait.ge [sflag:s29], $0x1  }
0xb6: {  	[sflag:s29] =	ssyncadd.s32 $0xFFFFFFFF  }
0xb7: {  	_ =	strace $0x9000004E  }
0xb8: {  	_ =	sfence  }
0xb9: {  	s30 =	sld [smem:$0x0];
	_ =	sdelay $0x2  }
0xba: {  	s31 =	sshll.u32 s1, $0xD;
	s1 =	sshrl.u32 s1, $0x2  }
0xbb: {  	s3 =	sand.u32 $0x4000, s31;
	s1 =	sadd.s32 s1, s30  }
0xbc: {  	s0 =	sor.u32 s3, s0;
	s1 =	sshll.u32 s1, $0x11  }
0xbd: {  	s0 =	sor.u32 s1, s0  }
0xbe: {  	s0 =	sadd.s32 $0x8F2B, s0  }
0xbf: {  	[sflag:s0] =	ssyncadd.remote.s32 $0x1  }
0xc0: {  	_ =	sfence.sel $0xFFFF  }
0xc1: {  	[dreg:$0x0] =	wrdreg $0xFFFFFFFF;
	(pc) =	sbr.abs _section_cstart, $3  }
0xc2: {  	[dreg:$0x1] =	wrdreg $0xFFFFFFFF  }
0xc3: {  	_ =	task.clear_ibuf [dreg:s8], $0x2FFFF;
	_ =	strace $0x9FFFFFFF  }
0xc4: {  	(tm) =	ssettm $0x7FFFFFFF  }
0xc5: {  	_ =	shalt  }
tec
execute0_lowered:
.L_overlay_start_1:
0x0: {  	(tag) =	ssettag $0x1  }
0x1: {  	s1 =	rddreg [dreg:$0x0]  }
0x2: {  	s0 =	rddreg [dreg:$0x1]  }
0x3: {  	s2 =	rddreg [dreg:$0x2];
	s3 =	simm.s32 $0x0  }
0x4: {  	s4 =	srdreg.scid;
	s11 =	stileid.u32;
	s13 =	simm.s32 $0x100  }
0x5: {  	s30 =	simm.s32 $0x8100;
	s12 =	simm.s32 $0xC100;
	s14 =	simm.s32 $0xC900  }
0x6: {  	s15 =	simm.s32 $0xD100;
	s16 =	simm.s32 $0xD900;
	s17 =	simm.s32 $0xE100  }
0x7: {  	s18 =	simm.s32 $0xE900;
	s19 =	simm.s32 $0xF100;
	s20 =	simm.s32 $0xF900  }
0x8: {  	s21 =	simm.s32 $0x1;
	s22 =	simm.s32 $0x2;
	s23 =	simm.s32 $0x3  }
0x9: {  	s31 =	simm.s32 $0x80;
	[smem:$0x7FF] =	sst s3;
	s5 =	sand.u32 $0x1, s4  }
0xa: {  	s4 =	sadd.s32 $0x7B2C00, s0;
	s6 =	sshll.u32 s11, $0x5;
	s9 =	sshll.u32 s11, $0xD  }
0xb: {  	s25 =	sshll.u32 s11, $0x1;
	s11 =	simm.s32 $0x4;
	_ =	strace $0x8000004D  }
0xc: {  	s7 =	ssub.s32 $0x2, s5;
	s8 =	sadd.s32 s6, s0;
	s0 =	sadd.s32 s9, s0  }
0xd: {  	[dreg:$0x4] =	wrdreg s25;
	s26 =	sshll.u32 s5, $0x4;
	s5 =	sshll.u32 s5, $0xC  }
0xe: {  	s2 =	sadd.s32 s6, s2;
	s6 =	simm.s32 $0xA100;
	s9 =	simm.s32 $0xB100  }
0xf: {  	s25 =	simm.s32 $0x0;
	s10 =	sshrl.u32 s7, $0x1;
	s28 =	sadd.s32 s26, s8  }
.Ltmp0:
0x10: {  	s0 =	sadd.s32 s5, s0;
	s5 =	simm.s32 $0xA900;
	(pc) =	sbr.rel .LBB2_1-.Ltmp0, $4  }
0x11: {  	s7 =	ssub.s32 s7, s10;
	s8 =	sadd.s32 $0x5A00, s28;
	s29 =	sadd.s32 $0x1176C00, s0  }
0x12: {  	v2 =	vlaneseq.u32;
	s0 =	sadd.s32 $0x5DC00, s0;
	s10 =	simm.s32 $0xB900;
	[dreg:$0x6] =	wrdreg s29  }
0x13: {  	vm0 =	vmmov $0xffff;
	v1 =	vshrl.u32 v2, $0x3;
	s7 =	smax.u32 s7, $0x1;
	[dreg:$0x7] =	wrdreg s0;
	s0 =	simm.s32 $0x9100  }
0x14: {  	v0 =	vand.u32 $0x7, v2;
	v2 =	vor.u32 $0x8, v2;
	v1 =	vmul.u32 $0x8, v1;
	[dreg:$0x5] =	wrdreg s7;
	s7 =	sadd.s32 s26, s2;
	s2 =	simm.s32 $0x9900  }
.LBB2_5:
0x15: {  	s25 =	rddreg [dreg:$0x8]  }
0x16: {  	s24 =	rddreg [dreg:$0x5];
	s25 =	sadd.s32 $0x1, s25  }
0x17: {  	p0 =	sne.s32 s25, s24  }
.Ltmp1:
0x18: {  	_ = 	snop;
	(pc) =	sbr.rel @!p0 .LBB2_6-.Ltmp1, $1  }
0x19: {  	_ =	sdelay $0x3  }
.LBB2_1:
.Ltmp2:
0x1a: {  	(pc) =	sbr.rel .LBB2_2-.Ltmp2, $4  }
0x1b: {  	[dreg:$0x8] =	wrdreg s25  }
0x1c: {  	s24 =	rddreg [dreg:$0x4]  }
0x1d: {  	s25 =	rddreg [dreg:$0x7]  }
0x1e: {  	s26 =	rddreg [dreg:$0x6];
	s28 =	simm.s32 $0x0  }
.LBB2_4:
0x1f: {  	s28 =	sadd.s32 $0x200, s28  }
0x20: {  	p0 =	sne.s32 s28, $0x5000  }
.Ltmp3:
0x21: {  	_ = 	snop;
	(pc) =	sbr.rel @!p0 .LBB2_5-.Ltmp3, $2  }
0x22: {  	_ =	sdelay $0x2  }
0x23: {  	s26 =	sadd.s32 $0x20000, s26;
	s25 =	sadd.s32 $0x20000, s25;
	s24 =	sadd.s32 $0x20, s24  }
.LBB2_2:
0x24: {  	p0 =	sgt.u32 s24, $0x4E1  }
.Ltmp4:
0x25: {  	_ = 	snop;
	(pc) =	sbr.rel @p0 .LBB2_4-.Ltmp4, $1  }
0x26: {  	_ =	sdelay $0x3  }
0x27: {  	s29 =	sadd.s32 s28, s8  }
0x28: {  	[tilespmem:s3], [sflag:$0x4] =	stream.linear.gather [hbm4b:s29+s3], $0x80, $0x38;
	[tilespmem:$0x10100] =	vst v63  }
0x29: {  	_ =	swait.ge [sflag:s11], $0x80  }
0x2a: {  	[sflag:s11] =	ssyncset.done $0x0  }
0x2b: {  	s29 =	sadd.s32 s28, s7;
	[sflag:s11] =	ssyncadd.s32 $0xFFFFFF80  }
0x2c: {  	[tilespmem:s31], [sflag:$0x4] =	stream.linear.gather [hbm4b:s29+s3], $0x80, $0x38;
	[tilespmem:$0x10100] =	vst v63  }
0x2d: {  	_ =	swait.ge [sflag:s11], $0x80  }
0x2e: {  	[sflag:s11] =	ssyncset.done $0x0  }
0x2f: {  	[sflag:s11] =	ssyncadd.s32 $0xFFFFFF80  }
0x30: {  	v3 =	vld [tilespmem:$0x0];
	_ =	sdelay $0x4  }
0x31: {  	v4 =	vshll.u32 v3, $0x1  }
0x32: {  	v3 =	vand.u32 $0x7, v3;
	v4 =	vand.u32 $0xFFFFFFF0, v4  }
0x33: {  	v3 =	vor.u32 v3, v4  }
0x34: {  	v4 =	vperm.xlane v3, v0;
	_ =	sdelay $0x1  }
0x35: {  	v3 =	vperm.xlane v3, v2;
	v4 =	vadd.s32 v1, v4;
	_ =	sdelay $0x1  }
0x36: {  	v3 =	vadd.s32 v1, v3;
	_ =	sdelay $0x2  }
0x37: {  	[tilespmem:s13], [sflag:$0x1] =	stream.indirect_vreg.gather [hbm4b:s1+s3], $0x80, v4, vm0, $0xb8;
	[tilespmem:$0x10100] =	vst v63  }
0x38: {  	s29 =	simm.s32 $0x900  }
0x39: {  	[tilespmem:s29], [sflag:$0x1] =	stream.indirect_vreg.gather [hbm4b:s1+s3], $0x80, v3, vm0, $0xb8;
	[tilespmem:$0x10100] =	vst v63  }
0x3a: {  	v3 =	vld [tilespmem:$0x10];
	_ =	sdelay $0x4  }
0x3b: {  	v49 =	vshll.u32 v3, $0x1  }
0x3c: {  	v3 =	vand.u32 $0x7, v3;
	v4 =	vand.u32 $0xFFFFFFF0, v49  }
0x3d: {  	v3 =	vor.u32 v3, v4  }
0x3e: {  	v4 =	vperm.xlane v3, v0;
	_ =	sdelay $0x1  }
0x3f: {  	v3 =	vperm.xlane v3, v2;
	v4 =	vadd.s32 v1, v4;
	_ =	sdelay $0x1  }
0x40: {  	v3 =	vadd.s32 v1, v3;
	_ =	sdelay $0x1  }
0x41: {  	s29 =	simm.s32 $0x1100  }
0x42: {  	[tilespmem:s29], [sflag:$0x1] =	stream.indirect_vreg.gather [hbm4b:s1+s3], $0x80, v4, vm0, $0xb8;
	[tilespmem:$0x10100] =	vst v63  }
0x43: {  	s29 =	simm.s32 $0x1900  }
0x44: {  	[tilespmem:s29], [sflag:$0x1] =	stream.indirect_vreg.gather [hbm4b:s1+s3], $0x80, v3, vm0, $0xb8;
	[tilespmem:$0x10100] =	vst v63  }
0x45: {  	v3 =	vld [tilespmem:$0x20];
	_ =	sdelay $0x4  }
0x46: {  	v50 =	vshll.u32 v3, $0x1  }
0x47: {  	v3 =	vand.u32 $0x7, v3;
	v4 =	vand.u32 $0xFFFFFFF0, v50  }
0x48: {  	v3 =	vor.u32 v3, v4  }
0x49: {  	v4 =	vperm.xlane v3, v0;
	_ =	sdelay $0x1  }
0x4a: {  	v3 =	vperm.xlane v3, v2;
	v4 =	vadd.s32 v1, v4;
	_ =	sdelay $0x1  }
0x4b: {  	v3 =	vadd.s32 v1, v3;
	_ =	sdelay $0x1  }
0x4c: {  	s29 =	simm.s32 $0x2100  }
0x4d: {  	[tilespmem:s29], [sflag:$0x1] =	stream.indirect_vreg.gather [hbm4b:s1+s3], $0x80, v4, vm0, $0xb8;
	[tilespmem:$0x10100] =	vst v63  }
0x4e: {  	s29 =	simm.s32 $0x2900  }
0x4f: {  	[tilespmem:s29], [sflag:$0x1] =	stream.indirect_vreg.gather [hbm4b:s1+s3], $0x80, v3, vm0, $0xb8;
	[tilespmem:$0x10100] =	vst v63  }
0x50: {  	v3 =	vld [tilespmem:$0x30];
	_ =	sdelay $0x4  }
0x51: {  	v51 =	vshll.u32 v3, $0x1  }
0x52: {  	v3 =	vand.u32 $0x7, v3;
	v4 =	vand.u32 $0xFFFFFFF0, v51  }
0x53: {  	v3 =	vor.u32 v3, v4  }
0x54: {  	v4 =	vperm.xlane v3, v0;
	_ =	sdelay $0x1  }
0x55: {  	v3 =	vperm.xlane v3, v2;
	v4 =	vadd.s32 v1, v4;
	_ =	sdelay $0x1  }
0x56: {  	v3 =	vadd.s32 v1, v3;
	_ =	sdelay $0x1  }
0x57: {  	s29 =	simm.s32 $0x3100  }
0x58: {  	[tilespmem:s29], [sflag:$0x1] =	stream.indirect_vreg.gather [hbm4b:s1+s3], $0x80, v4, vm0, $0xb8;
	[tilespmem:$0x10100] =	vst v63  }
0x59: {  	s29 =	simm.s32 $0x3900  }
0x5a: {  	[tilespmem:s29], [sflag:$0x1] =	stream.indirect_vreg.gather [hbm4b:s1+s3], $0x80, v3, vm0, $0xb8;
	[tilespmem:$0x10100] =	vst v63  }
0x5b: {  	v3 =	vld [tilespmem:$0x40];
	_ =	sdelay $0x4  }
0x5c: {  	v52 =	vshll.u32 v3, $0x1  }
0x5d: {  	v3 =	vand.u32 $0x7, v3;
	v4 =	vand.u32 $0xFFFFFFF0, v52  }
0x5e: {  	v3 =	vor.u32 v3, v4  }
0x5f: {  	v4 =	vperm.xlane v3, v0;
	_ =	sdelay $0x1  }
0x60: {  	v3 =	vperm.xlane v3, v2;
	v4 =	vadd.s32 v1, v4;
	_ =	sdelay $0x1  }
0x61: {  	v3 =	vadd.s32 v1, v3;
	_ =	sdelay $0x1  }
0x62: {  	s29 =	simm.s32 $0x4100  }
0x63: {  	[tilespmem:s29], [sflag:$0x1] =	stream.indirect_vreg.gather [hbm4b:s1+s3], $0x80, v4, vm0, $0xb8;
	[tilespmem:$0x10100] =	vst v63  }
0x64: {  	s29 =	simm.s32 $0x4900  }
0x65: {  	[tilespmem:s29], [sflag:$0x1] =	stream.indirect_vreg.gather [hbm4b:s1+s3], $0x80, v3, vm0, $0xb8;
	[tilespmem:$0x10100] =	vst v63  }
0x66: {  	v3 =	vld [tilespmem:$0x50];
	_ =	sdelay $0x4  }
0x67: {  	v53 =	vshll.u32 v3, $0x1  }
0x68: {  	v3 =	vand.u32 $0x7, v3;
	v4 =	vand.u32 $0xFFFFFFF0, v53  }
0x69: {  	v3 =	vor.u32 v3, v4  }
0x6a: {  	v4 =	vperm.xlane v3, v0;
	_ =	sdelay $0x1  }
0x6b: {  	v3 =	vperm.xlane v3, v2;
	v4 =	vadd.s32 v1, v4;
	_ =	sdelay $0x1  }
0x6c: {  	v3 =	vadd.s32 v1, v3;
	_ =	sdelay $0x1  }
0x6d: {  	s29 =	simm.s32 $0x5100  }
0x6e: {  	[tilespmem:s29], [sflag:$0x1] =	stream.indirect_vreg.gather [hbm4b:s1+s3], $0x80, v4, vm0, $0xb8;
	[tilespmem:$0x10100] =	vst v63  }
0x6f: {  	s29 =	simm.s32 $0x5900  }
0x70: {  	[tilespmem:s29], [sflag:$0x1] =	stream.indirect_vreg.gather [hbm4b:s1+s3], $0x80, v3, vm0, $0xb8;
	[tilespmem:$0x10100] =	vst v63  }
0x71: {  	v3 =	vld [tilespmem:$0x60];
	_ =	sdelay $0x4  }
0x72: {  	v54 =	vshll.u32 v3, $0x1  }
0x73: {  	v3 =	vand.u32 $0x7, v3;
	v4 =	vand.u32 $0xFFFFFFF0, v54  }
0x74: {  	v3 =	vor.u32 v3, v4  }
0x75: {  	v4 =	vperm.xlane v3, v0;
	_ =	sdelay $0x1  }
0x76: {  	v3 =	vperm.xlane v3, v2;
	v4 =	vadd.s32 v1, v4;
	_ =	sdelay $0x1  }
0x77: {  	v3 =	vadd.s32 v1, v3;
	_ =	sdelay $0x1  }
0x78: {  	s29 =	simm.s32 $0x6100  }
0x79: {  	[tilespmem:s29], [sflag:$0x1] =	stream.indirect_vreg.gather [hbm4b:s1+s3], $0x80, v4, vm0, $0xb8;
	[tilespmem:$0x10100] =	vst v63  }
0x7a: {  	s29 =	simm.s32 $0x6900  }
0x7b: {  	[tilespmem:s29], [sflag:$0x1] =	stream.indirect_vreg.gather [hbm4b:s1+s3], $0x80, v3, vm0, $0xb8;
	[tilespmem:$0x10100] =	vst v63  }
0x7c: {  	v3 =	vld [tilespmem:$0x70];
	_ =	sdelay $0x4  }
0x7d: {  	v55 =	vshll.u32 v3, $0x1  }
0x7e: {  	v3 =	vand.u32 $0x7, v3;
	v4 =	vand.u32 $0xFFFFFFF0, v55  }
0x7f: {  	v3 =	vor.u32 v3, v4  }
0x80: {  	v4 =	vperm.xlane v3, v0;
	_ =	sdelay $0x1  }
0x81: {  	v3 =	vperm.xlane v3, v2;
	v4 =	vadd.s32 v1, v4;
	_ =	sdelay $0x1  }
0x82: {  	v3 =	vadd.s32 v1, v3;
	_ =	sdelay $0x1  }
0x83: {  	s29 =	simm.s32 $0x7100  }
0x84: {  	[tilespmem:s29], [sflag:$0x1] =	stream.indirect_vreg.gather [hbm4b:s1+s3], $0x80, v4, vm0, $0xb8;
	[tilespmem:$0x10100] =	vst v63  }
0x85: {  	s29 =	simm.s32 $0x7900  }
0x86: {  	[tilespmem:s29], [sflag:$0x1] =	stream.indirect_vreg.gather [hbm4b:s1+s3], $0x80, v3, vm0, $0xb8;
	[tilespmem:$0x10100] =	vst v63  }
0x87: {  	v3 =	vld [tilespmem:$0x80];
	_ =	sdelay $0x4  }
0x88: {  	v56 =	vshll.u32 v3, $0x1  }
0x89: {  	v3 =	vand.u32 $0x7, v3;
	v4 =	vand.u32 $0xFFFFFFF0, v56  }
0x8a: {  	v3 =	vor.u32 v3, v4  }
0x8b: {  	v4 =	vperm.xlane v3, v0;
	_ =	sdelay $0x1  }
0x8c: {  	v3 =	vperm.xlane v3, v2;
	v4 =	vadd.s32 v1, v4;
	_ =	sdelay $0x1  }
0x8d: {  	v3 =	vadd.s32 v1, v3;
	_ =	sdelay $0x2  }
0x8e: {  	[tilespmem:s30], [sflag:$0x2] =	stream.indirect_vreg.gather [hbm4b:s4+s3], $0x80, v4, vm0, $0xb8;
	[tilespmem:$0x10100] =	vst v63  }
0x8f: {  	s29 =	simm.s32 $0x8900  }
0x90: {  	[tilespmem:s29], [sflag:$0x2] =	stream.indirect_vreg.gather [hbm4b:s4+s3], $0x80, v3, vm0, $0xb8;
	[tilespmem:$0x10100] =	vst v63  }
0x91: {  	v3 =	vld [tilespmem:$0x90];
	_ =	sdelay $0x4  }
0x92: {  	v57 =	vshll.u32 v3, $0x1  }
0x93: {  	v3 =	vand.u32 $0x7, v3;
	v4 =	vand.u32 $0xFFFFFFF0, v57  }
0x94: {  	v3 =	vor.u32 v3, v4  }
0x95: {  	v4 =	vperm.xlane v3, v0;
	_ =	sdelay $0x1  }
0x96: {  	v3 =	vperm.xlane v3, v2;
	v4 =	vadd.s32 v1, v4;
	_ =	sdelay $0x1  }
0x97: {  	v3 =	vadd.s32 v1, v3;
	_ =	sdelay $0x2  }
0x98: {  	[tilespmem:s0], [sflag:$0x2] =	stream.indirect_vreg.gather [hbm4b:s4+s3], $0x80, v4, vm0, $0xb8;
	[tilespmem:$0x10100] =	vst v63  }
0x99: {  	_ = 	snop  }
0x9a: {  	[tilespmem:s2], [sflag:$0x2] =	stream.indirect_vreg.gather [hbm4b:s4+s3], $0x80, v3, vm0, $0xb8;
	[tilespmem:$0x10100] =	vst v63  }
0x9b: {  	v3 =	vld [tilespmem:$0xA0];
	_ =	sdelay $0x4  }
0x9c: {  	v58 =	vshll.u32 v3, $0x1  }
0x9d: {  	v3 =	vand.u32 $0x7, v3;
	v4 =	vand.u32 $0xFFFFFFF0, v58  }
0x9e: {  	v3 =	vor.u32 v3, v4  }
0x9f: {  	v4 =	vperm.xlane v3, v0;
	_ =	sdelay $0x1  }
0xa0: {  	v3 =	vperm.xlane v3, v2;
	v4 =	vadd.s32 v1, v4;
	_ =	sdelay $0x1  }
0xa1: {  	v3 =	vadd.s32 v1, v3;
	_ =	sdelay $0x2  }
0xa2: {  	[tilespmem:s6], [sflag:$0x2] =	stream.indirect_vreg.gather [hbm4b:s4+s3], $0x80, v4, vm0, $0xb8;
	[tilespmem:$0x10100] =	vst v63  }
0xa3: {  	_ = 	snop  }
0xa4: {  	[tilespmem:s5], [sflag:$0x2] =	stream.indirect_vreg.gather [hbm4b:s4+s3], $0x80, v3, vm0, $0xb8;
	[tilespmem:$0x10100] =	vst v63  }
0xa5: {  	v3 =	vld [tilespmem:$0xB0];
	_ =	sdelay $0x4  }
0xa6: {  	v59 =	vshll.u32 v3, $0x1  }
0xa7: {  	v3 =	vand.u32 $0x7, v3;
	v4 =	vand.u32 $0xFFFFFFF0, v59  }
0xa8: {  	v3 =	vor.u32 v3, v4  }
0xa9: {  	v4 =	vperm.xlane v3, v0;
	_ =	sdelay $0x1  }
0xaa: {  	v3 =	vperm.xlane v3, v2;
	v4 =	vadd.s32 v1, v4;
	_ =	sdelay $0x1  }
0xab: {  	v3 =	vadd.s32 v1, v3;
	_ =	sdelay $0x2  }
0xac: {  	[tilespmem:s9], [sflag:$0x2] =	stream.indirect_vreg.gather [hbm4b:s4+s3], $0x80, v4, vm0, $0xb8;
	[tilespmem:$0x10100] =	vst v63  }
0xad: {  	_ = 	snop  }
0xae: {  	[tilespmem:s10], [sflag:$0x2] =	stream.indirect_vreg.gather [hbm4b:s4+s3], $0x80, v3, vm0, $0xb8;
	[tilespmem:$0x10100] =	vst v63  }
0xaf: {  	v3 =	vld [tilespmem:$0xC0];
	_ =	sdelay $0x4  }
0xb0: {  	v60 =	vshll.u32 v3, $0x1  }
0xb1: {  	v3 =	vand.u32 $0x7, v3;
	v4 =	vand.u32 $0xFFFFFFF0, v60  }
0xb2: {  	v3 =	vor.u32 v3, v4  }
0xb3: {  	v4 =	vperm.xlane v3, v0;
	_ =	sdelay $0x1  }
0xb4: {  	v3 =	vperm.xlane v3, v2;
	v4 =	vadd.s32 v1, v4;
	_ =	sdelay $0x1  }
0xb5: {  	v3 =	vadd.s32 v1, v3;
	_ =	sdelay $0x2  }
0xb6: {  	[tilespmem:s12], [sflag:$0x2] =	stream.indirect_vreg.gather [hbm4b:s4+s3], $0x80, v4, vm0, $0xb8;
	[tilespmem:$0x10100] =	vst v63  }
0xb7: {  	_ = 	snop  }
0xb8: {  	[tilespmem:s14], [sflag:$0x2] =	stream.indirect_vreg.gather [hbm4b:s4+s3], $0x80, v3, vm0, $0xb8;
	[tilespmem:$0x10100] =	vst v63  }
0xb9: {  	v3 =	vld [tilespmem:$0xD0];
	_ =	sdelay $0x4  }
0xba: {  	v61 =	vshll.u32 v3, $0x1  }
0xbb: {  	v3 =	vand.u32 $0x7, v3;
	v4 =	vand.u32 $0xFFFFFFF0, v61  }
0xbc: {  	v3 =	vor.u32 v3, v4  }
0xbd: {  	v4 =	vperm.xlane v3, v0;
	_ =	sdelay $0x1  }
0xbe: {  	v3 =	vperm.xlane v3, v2;
	v4 =	vadd.s32 v1, v4;
	_ =	sdelay $0x1  }
0xbf: {  	v3 =	vadd.s32 v1, v3;
	_ =	sdelay $0x2  }
0xc0: {  	[tilespmem:s15], [sflag:$0x2] =	stream.indirect_vreg.gather [hbm4b:s4+s3], $0x80, v4, vm0, $0xb8;
	[tilespmem:$0x10100] =	vst v63  }
0xc1: {  	_ = 	snop  }
0xc2: {  	[tilespmem:s16], [sflag:$0x2] =	stream.indirect_vreg.gather [hbm4b:s4+s3], $0x80, v3, vm0, $0xb8;
	[tilespmem:$0x10100] =	vst v63  }
0xc3: {  	v3 =	vld [tilespmem:$0xE0];
	_ =	sdelay $0x4  }
0xc4: {  	v62 =	vshll.u32 v3, $0x1  }
0xc5: {  	v3 =	vand.u32 $0x7, v3;
	v4 =	vand.u32 $0xFFFFFFF0, v62  }
0xc6: {  	v3 =	vor.u32 v3, v4  }
0xc7: {  	v4 =	vperm.xlane v3, v0;
	_ =	sdelay $0x1  }
0xc8: {  	v3 =	vperm.xlane v3, v2;
	v4 =	vadd.s32 v1, v4;
	_ =	sdelay $0x1  }
0xc9: {  	v3 =	vadd.s32 v1, v3;
	_ =	sdelay $0x2  }
0xca: {  	[tilespmem:s17], [sflag:$0x2] =	stream.indirect_vreg.gather [hbm4b:s4+s3], $0x80, v4, vm0, $0xb8;
	[tilespmem:$0x10100] =	vst v63  }
0xcb: {  	_ = 	snop  }
0xcc: {  	[tilespmem:s18], [sflag:$0x2] =	stream.indirect_vreg.gather [hbm4b:s4+s3], $0x80, v3, vm0, $0xb8;
	[tilespmem:$0x10100] =	vst v63  }
0xcd: {  	v3 =	vld [tilespmem:$0xF0];
	_ =	sdelay $0x4  }
0xce: {  	v63 =	vshll.u32 v3, $0x1  }
0xcf: {  	v3 =	vand.u32 $0x7, v3;
	v4 =	vand.u32 $0xFFFFFFF0, v63  }
0xd0: {  	v3 =	vor.u32 v3, v4  }
0xd1: {  	v4 =	vperm.xlane v3, v0;
	_ =	sdelay $0x1  }
0xd2: {  	v3 =	vperm.xlane v3, v2;
	v4 =	vadd.s32 v1, v4;
	_ =	sdelay $0x1  }
0xd3: {  	v3 =	vadd.s32 v1, v3;
	_ =	sdelay $0x2  }
0xd4: {  	[tilespmem:s19], [sflag:$0x2] =	stream.indirect_vreg.gather [hbm4b:s4+s3], $0x80, v4, vm0, $0xb8;
	[tilespmem:$0x10100] =	vst v63  }
0xd5: {  	_ = 	snop  }
0xd6: {  	[tilespmem:s20], [sflag:$0x2] =	stream.indirect_vreg.gather [hbm4b:s4+s3], $0x80, v3, vm0, $0xb8;
	[tilespmem:$0x10100] =	vst v63  }
0xd7: {  	_ =	swait.ge [sflag:s21], $0x8000  }
0xd8: {  	[sflag:s21] =	ssyncset.done $0x0  }
0xd9: {  	[sflag:s21] =	ssyncadd.s32 $0xFFFF8000  }
0xda: {  	_ =	swait.ge [sflag:s22], $0x8000  }
0xdb: {  	[sflag:s22] =	ssyncset.done $0x0  }
0xdc: {  	[sflag:s22] =	ssyncadd.s32 $0xFFFF8000  }
0xdd: {  	[hbm4b:s25+s3] =	stream.linear.scatter [tilespmem:s13], [sflag:$0x4], $0x8000, $0x38;
	[tilespmem:$0x10100] =	vst v63  }
0xde: {  	_ =	swait.ge [sflag:s11], $0x8000  }
0xdf: {  	[sflag:s11] =	ssyncset.done $0x0  }
.Ltmp5:
0xe0: {  	[sflag:s11] =	ssyncadd.s32 $0xFFFF8000;
	(pc) =	sbr.rel .LBB2_4-.Ltmp5, $4  }
0xe1: {  	[hbm4b:s26+s3] =	stream.linear.scatter [tilespmem:s30], [sflag:$0x3], $0x8000, $0x38;
	[tilespmem:$0x10100] =	vst v63  }
0xe2: {  	_ =	swait.ge [sflag:s23], $0x8000  }
0xe3: {  	[sflag:s23] =	ssyncset.done $0x0  }
0xe4: {  	[sflag:s23] =	ssyncadd.s32 $0xFFFF8000  }
.LBB2_6:
0xe5: {  	_ =	sfence.sel $0x180000  }
0xe6: {  	[bflag:$0x0] =	sbarrier.arrive $0xFFFF  }
0xe7: {  	_ =	strace $0x9000004D  }
0xe8: {  	s0 =	stileid.u32;
	[bflag:$0x2] =	sbarrier.arrive $0xFFFF  }
0xe9: {  	p0 =	sne.s32 s0, $0x0;
	s0 =	rddreg [dreg:$0x3]  }
0xea: {  	s0 =	sadd.s32 @!p0 $0x100000, s0  }
0xeb: {  	[sflag:s0] =	ssyncadd.tile.s32 @!p0 $0x1;
	_ =	shalt  }
.Lfunc_end2:
_tile_overlayer_lowered:
.L_overlay_start_2:
0xec: {  	(tag) =	ssettag $0x2  }
0xed: {  	s0 =	rddreg [dreg:$0x0];
	s2 =	stileid.u32  }
0xee: {  	s1 =	rddreg [dreg:$0x1];
	p0 =	sne.s32 s2, $0x0  }
0xef: {  	s3 =	rddreg [dreg:$0x2];
	[bflag:$0x3] =	sbarrier.arrive $0xFFFF;
	s2 =	simm.s32 @!p0 $0x1C03  }
0xf0: {  	[timem:s3], [sflag:s2] =	dma.local @!p0 [hbm:s0], s1  }
0xf1: {  	s0 =	simm.s32 @!p0 $0x3  }
0xf2: {  	_ =	swait.ge @!p0 [sflag:s0], s1  }
0xf3: {  	s1 =	ssub.s32 @!p0 $0x0, s1;
	[sflag:s0] =	ssyncset.done @!p0 $0x0  }
0xf4: {  	[sflag:s0] =	ssyncadd.s32 @!p0 s1  }
0xf5: {  	[bflag:$0x3] =	sbarrier.arrive $0xFFFF  }
0xf6: {  	_ =	shalt  }

// kernel: kernel.28.cloned.1.call-start
scs
__scs_entry_jumppad:
0x0: {  	(pc) =	sbr.rel $0x88, $3  }
0x1: {  	(tag) =	ssettag $0x0;
	lr =	simm.s32 $0x1  }
0x2: {  	[smem:$0x3F95] =	sst lr;
	_ =	strace $0xD0000000  }
0x3: {  	_ = 	snop  }
0x4: {  	_ = 	snop  }
0x5: {  	_ = 	snop  }
0x6: {  	_ = 	snop  }
0x7: {  	_ = 	snop  }
__scs_overlays_trampoline_lowered:
0x8: {  	[smem:$0x3FA4] =	sst s0  }
0x9: {  	[smem:$0x3FA5] =	sst s1  }
0xa: {  	[smem:$0x3FA6] =	sst s2  }
0xb: {  	[smem:$0x3FA7] =	sst s3  }
0xc: {  	[smem:$0x3FA8] =	sst s4  }
0xd: {  	[smem:$0x3FA9] =	sst s5  }
0xe: {  	[smem:$0x3FAA] =	sst s6  }
0xf: {  	[smem:$0x3FAB] =	sst s7  }
0x10: {  	[smem:$0x3FAC] =	sst s8  }
0x11: {  	[smem:$0x3FAD] =	sst s9;
	s0 =	simm.s32 @!p0 $0x0  }
0x12: {  	s1 =	sld [smem:$0x3F93];
	s0 =	simm.s32 @p0 $0x1  }
0x13: {  	[smem:$0x3FAE] =	sst s0;
	s0 =	simm.s32 @!p1 $0x0  }
0x14: {  	s2 =	sld [smem:$0x3F92];
	s0 =	simm.s32 @p1 $0x1  }
0x15: {  	[smem:$0x3FAF] =	sst s0;
	s0 =	simm.s32 @!p2 $0x0  }
0x16: {  	s3 =	sld [smem:$0x3FDB];
	s0 =	simm.s32 @p2 $0x1  }
0x17: {  	s4 =	simm.s32 $0x1BF5;
	[smem:$0x3FB1] =	sst s0  }
0x18: {  	s0 =	sld [smem:$0x3F94];
	_ =	swait.ge [sflag:s4], $0x0  }
0x19: {  	s7 =	sld [smem:$0x3F95]  }
0x1a: {  	s8 =	sadd.s32 $0xFFFFE003, lr  }
0x1b: {  	s9 =	sadd.s32 $0xFFFFFEF7, lr;
	s5 =	simm.s32 $0xFFFFFFFF;
	p2 =	slt.u32 s8, $0xFFFFF086  }
0x1c: {  	p1 =	slt.u32 s9, $0xF7A;
	s5 =	simm.s32 @!p2 $0x0  }
0x1d: {  	s5 =	simm.s32 @p1 $0x1;
	p0 =	seq.s32 s7, s2  }
0x1e: {  	s7 =	smul.u32 @!p0 $0xF7A, s2;
	p2 =	seq.s32 @!p0 s5, $0x0  }
0x1f: {  	s9 =	smul.u32 $0xF7A, s1;
	s8 =	simm.s32 @!p0 $0x1BF5;
	p2 =	por !p2, p0  }
0x20: {  	[sflag:s8] =	ssyncset.s32 @!p0 $0xFFFFF086;
	s6 =	sadd.s32 @!p0 s3, s7;
	s7 =	simm.s32 @!p0 $0x108  }
0x21: {  	s3 =	sadd.s32 s3, s9;
	s6 =	sadd.s32 @!p0 $0x88, s6;
	s7 =	simm.s32 @p2 $0x1082  }
0x22: {  	[simem:s7], [sflag:s8] =	dma.local @!p0 [hbm:s6], $0xF7A  }
0x23: {  	s9 =	sor.u32 $0xD0000000, s2;
	s6 =	simm.s32 $0x108;
	_ =	swait.ge @!p0 [sflag:s8], $0x0  }
0x24: {  	s3 =	sadd.s32 $0x88, s3;
	s6 =	simm.s32 @!p1 $0x1082;
	[sflag:s4] =	ssyncset.s32 $0xFFFFF086  }
0x25: {  	[simem:s6], [sflag:s4] =	dma.local [hbm:s3], $0xF7A  }
0x26: {  	[smem:$0x3F95] =	sst s1;
	(tag) =	ssettag s2;
	_ =	strace s9  }
0x27: {  	s1 =	sld [smem:$0x3FA5]  }
0x28: {  	s2 =	sld [smem:$0x3FA6]  }
0x29: {  	s4 =	sld [smem:$0x3FA8]  }
0x2a: {  	p0 =	seq.s32 s5, $0x0;
	s5 =	sld [smem:$0x3FA9]  }
0x2b: {  	s6 =	sld [smem:$0x3FAA]  }
0x2c: {  	s7 =	sld [smem:$0x3FAB]  }
0x2d: {  	s3 =	simm.s32 $0x108;
	s8 =	sld [smem:$0x3FAC]  }
0x2e: {  	s3 =	simm.s32 @!p0 $0x1082;
	s9 =	sld [smem:$0x3FAD]  }
0x2f: {  	lr =	sadd.s32 s0, s3;
	s0 =	sld [smem:$0x3FA4]  }
0x30: {  	s3 =	sld [smem:$0x3FA7]  }
0x31: {  	[smem:$0x3FB0] =	sst s10  }
0x32: {  	s10 =	sld [smem:$0x3FAE];
	_ =	sdelay $0x3  }
0x33: {  	p0 =	seq.s32 s10, $0x1;
	s10 =	sld [smem:$0x3FB0];
	_ =	sdelay $0x3  }
0x34: {  	[smem:$0x3FB0] =	sst s10  }
0x35: {  	s10 =	sld [smem:$0x3FAF];
	_ =	sdelay $0x3  }
0x36: {  	p1 =	seq.s32 s10, $0x1;
	s10 =	sld [smem:$0x3FB0];
	_ =	sdelay $0x3  }
0x37: {  	[smem:$0x3FB0] =	sst s10  }
0x38: {  	s10 =	sld [smem:$0x3FB1]  }
0x39: {  	_ = 	snop;
	(pc) =	sbr.ind lr, $3  }
0x3a: {  	_ = 	snop  }
0x3b: {  	_ = 	snop  }
0x3c: {  	p2 =	seq.s32 s10, $0x1;
	s10 =	sld [smem:$0x3FB0]  }
0x3d: {  	_ =	shalt  }
0x3e: {  	_ =	shalt  }
0x3f: {  	_ =	shalt  }
0x40: {  	_ =	shalt  }
0x41: {  	_ =	shalt  }
0x42: {  	_ =	shalt  }
0x43: {  	_ =	shalt  }
0x44: {  	_ =	shalt  }
0x45: {  	_ =	shalt  }
0x46: {  	_ =	shalt  }
0x47: {  	_ =	shalt  }
0x48: {  	_ =	shalt  }
0x49: {  	_ =	shalt  }
0x4a: {  	_ =	shalt  }
0x4b: {  	_ =	shalt  }
0x4c: {  	_ =	shalt  }
0x4d: {  	_ =	shalt  }
0x4e: {  	_ =	shalt  }
0x4f: {  	_ =	shalt  }
0x50: {  	_ =	shalt  }
0x51: {  	_ =	shalt  }
0x52: {  	_ =	shalt  }
0x53: {  	_ =	shalt  }
0x54: {  	_ =	shalt  }
0x55: {  	_ =	shalt  }
0x56: {  	_ =	shalt  }
0x57: {  	_ =	shalt  }
0x58: {  	_ =	shalt  }
0x59: {  	_ =	shalt  }
0x5a: {  	_ =	shalt  }
0x5b: {  	_ =	shalt  }
0x5c: {  	_ =	shalt  }
0x5d: {  	_ =	shalt  }
0x5e: {  	_ =	shalt  }
0x5f: {  	_ =	shalt  }
0x60: {  	_ =	shalt  }
0x61: {  	_ =	shalt  }
0x62: {  	_ =	shalt  }
0x63: {  	_ =	shalt  }
0x64: {  	_ =	shalt  }
0x65: {  	_ =	shalt  }
0x66: {  	_ =	shalt  }
0x67: {  	_ =	shalt  }
0x68: {  	_ =	shalt  }
0x69: {  	_ =	shalt  }
0x6a: {  	_ =	shalt  }
0x6b: {  	_ =	shalt  }
0x6c: {  	_ =	shalt  }
0x6d: {  	_ =	shalt  }
0x6e: {  	_ =	shalt  }
0x6f: {  	_ =	shalt  }
0x70: {  	_ =	shalt  }
0x71: {  	_ =	shalt  }
0x72: {  	_ =	shalt  }
0x73: {  	_ =	shalt  }
0x74: {  	_ =	shalt  }
0x75: {  	_ =	shalt  }
0x76: {  	_ =	shalt  }
0x77: {  	_ =	shalt  }
0x78: {  	_ =	shalt  }
0x79: {  	_ =	shalt  }
0x7a: {  	_ =	shalt  }
0x7b: {  	_ =	shalt  }
0x7c: {  	_ =	shalt  }
0x7d: {  	_ =	shalt  }
0x7e: {  	_ =	shalt  }
0x7f: {  	_ =	shalt  }
0x80: {  	_ =	shalt  }
0x81: {  	_ =	shalt  }
0x82: {  	_ =	shalt  }
0x83: {  	_ =	shalt  }
0x84: {  	_ =	shalt  }
0x85: {  	_ =	shalt  }
0x86: {  	_ =	shalt  }
0x87: {  	_ =	shalt  }
.Lfunc_end0:
.L_simem_size_0:
called_computation.3_lowered:
.L_overlay_start_0:
0x88: {  	s2 =	sld [smem:$0x3FD9]  }
0x89: {  	s3 =	sld [smem:$0x3FFE];
	_ =	sdelay $0x1  }
0x8a: {  	s1 =	srdreg.scid  }
0x8b: {  	s0 =	sand.u32 $0x1, s1  }
0x8c: {  	s17 =	sshll.u32 s0, $0xA;
	s2 =	sadd.s32 s3, s2  }
0x8d: {  	s2 =	sadd.s32 s2, s17  }
0x8e: {  	[smem:$0x3FBC] =	sst s2  }
0x8f: {  	_ = 	snop  }
0x90: {  	s2 =	sld [smem:$0x3FD0];
	(tm) =	ssettm $0x1  }
0x91: {  	s18 =	sld [smem:$0x3FFB];
	_ =	sdelay $0x3  }
0x92: {  	_ =	strace s18  }
0x93: {  	s3 =	sld [smem:$0x3FFC];
	_ =	sdelay $0x3  }
0x94: {  	_ =	strace s3  }
0x95: {  	s3 =	sld [smem:$0x3FFD];
	_ =	sdelay $0x3  }
0x96: {  	_ =	strace s3  }
0x97: {  	_ =	strace $0x8FFFFFFF  }
0x98: {  	s19 =	sld [smem:$0x3FDB];
	_ =	sdelay $0x1  }
0x99: {  	s4 =	simm.s32 $_scs_section_size  }
0x9a: {  	s5 =	simm.s32 $_size__tile_overlayer_lowered;
	s6 =	simm.s32 $_tile_overlayer_lowered  }
0x9b: {  	s22 =	simm.s32 $0x1BFF;
	s21 =	sshll.u32 s6, $0x1;
	s3 =	sadd.s32 s4, s19  }
0x9c: {  	s7 =	simm.s32 $0x0;
	s20 =	sshll.u32 s5, $0x1;
	s5 =	sadd.s32 s21, s3  }
0x9d: {  	[timem:s7], [sflag:s22] =	dma.local [hbm:s5], s20  }
0x9e: {  	_ =	swait.ge [sflag:s22], s20  }
0x9f: {  	s4 =	ssub.s32 $0x0, s20;
	[sflag:s22] =	ssyncset.done $0x0  }
0xa0: {  	[sflag:s22] =	ssyncadd.s32 s4;
	_ =	sdelay $0x1  }
0xa1: {  	s23 =	simm.s32 $0x1B8B  }
0xa2: {  	_ =	swait.ge [sflag:s23], $0x1  }
0xa3: {  	[sflag:s23] =	ssyncset.done $0x0  }
0xa4: {  	s25 =	simm.s32 $0x1B8E;
	s24 =	sld [smem:$0x3FFE];
	[sflag:s23] =	ssyncadd.s32 $0xFFFFFFFF  }
0xa5: {  	s26 =	simm.s32 $execute0_lowered;
	[smem:$0x3FD2] =	sst s25  }
0xa6: {  	s5 =	sshll.u32 s26, $0x1;
	_ =	strace $0x8000004F;
	[dreg:$0x1] =	wrdreg $0xFFFFFFFF  }
0xa7: {  	s28 =	simm.s32 $_size_execute0_lowered;
	s3 =	sadd.s32 s3, s5;
	[dreg:$0x0] =	wrdreg $0x0  }
0xa8: {  	s5 =	sshll.u32 s28, $0x1;
	[dreg:$0x2] =	wrdreg s3  }
0xa9: {  	[dreg:$0x3] =	wrdreg s5  }
0xaa: {  	[dreg:$0x4] =	wrdreg $0xC0  }
0xab: {  	_ =	task [dreg:s7], $0x5FFFF  }
0xac: {  	[dreg:$0x1] =	wrdreg $0xFFFFFFFF  }
0xad: {  	[dreg:$0x0] =	wrdreg $0x60  }
0xae: {  	[dreg:$0x2] =	wrdreg s24  }
0xaf: {  	[dreg:$0x3] =	wrdreg s2  }
0xb0: {  	[dreg:$0x4] =	wrdreg $0x68800  }
0xb1: {  	[dreg:$0x5] =	wrdreg $0x9  }
0xb2: {  	_ =	task.clear_ibuf [dreg:s7], $0x6FFFF;
	_ =	strace $0x9000004F  }
0xb3: {  	s29 =	simm.s32 $0x9;
	_ =	strace $0x80000051  }
0xb4: {  	_ =	swait.ge [sflag:s29], $0x1  }
0xb5: {  	[sflag:s29] =	ssyncadd.s32 $0xFFFFFFFF  }
0xb6: {  	_ =	strace $0x90000051  }
0xb7: {  	_ =	sfence  }
0xb8: {  	s30 =	sld [smem:$0x0];
	_ =	sdelay $0x2  }
0xb9: {  	s31 =	sshll.u32 s1, $0xD;
	s1 =	sshrl.u32 s1, $0x2  }
0xba: {  	s3 =	sand.u32 $0x4000, s31;
	s1 =	sadd.s32 s1, s30  }
0xbb: {  	s0 =	sor.u32 s3, s0;
	s1 =	sshll.u32 s1, $0x11  }
0xbc: {  	s0 =	sor.u32 s1, s0  }
0xbd: {  	s0 =	sadd.s32 $0x8F2B, s0  }
0xbe: {  	[sflag:s0] =	ssyncadd.remote.s32 $0x1  }
0xbf: {  	_ =	sfence.sel $0xFFFF  }
0xc0: {  	[dreg:$0x0] =	wrdreg $0xFFFFFFFF;
	(pc) =	sbr.abs _section_cstart, $3  }
0xc1: {  	[dreg:$0x1] =	wrdreg $0xFFFFFFFF  }
0xc2: {  	_ =	task.clear_ibuf [dreg:s7], $0x2FFFF;
	_ =	strace $0x9FFFFFFF  }
0xc3: {  	(tm) =	ssettm $0x7FFFFFFF  }
tec
execute0_lowered:
.L_overlay_start_1:
0x0: {  	(tag) =	ssettag $0x1  }
0x1: {  	s1 =	simm.s32 $0x0  }
0x2: {  	[smem:$0x7FF] =	sst s1;
	s1 =	stileid.u32  }
0x3: {  	s30 =	smul.u32 $0xA000, s1  }
0x4: {  	s0 =	rddreg [dreg:$0x0];
	s5 =	sor.u32 $0x10, s1;
	s19 =	smul.u32 $0x5000, s1  }
0x5: {  	s20 =	rddreg [dreg:$0x1];
	s7 =	sor.u32 $0x20, s1;
	s6 =	smul.u32 $0xA000, s5  }
0x6: {  	s2 =	rddreg [dreg:$0x2];
	s10 =	sor.u32 $0x30, s1;
	s9 =	smul.u32 $0xA000, s7  }
0x7: {  	s8 =	srdreg.scid;
	s12 =	sor.u32 $0x40, s1;
	s11 =	smul.u32 $0xA000, s10  }
0x8: {  	s29 =	simm.s32 $0x0;
	s15 =	sor.u32 $0x50, s1;
	s14 =	smul.u32 $0xA000, s12  }
0x9: {  	s8 =	sand.u32 $0x1, s8;
	_ =	strace $0x80000050;
	s17 =	smul.u32 $0xA000, s15  }
0xa: {  	s3 =	sshll.u32 s1, $0xC;
	s4 =	sshll.u32 s1, $0x4;
	s23 =	smul.u32 $0x5000, s5  }
0xb: {  	s13 =	ssub.s32 $0x2, s8;
	s18 =	sor.u32 $0x60, s1;
	s24 =	smul.u32 $0x5000, s7  }
0xc: {  	s22 =	sshll.u32 s8, $0x7;
	s21 =	sadd.s32 s3, s0;
	s10 =	smul.u32 $0x5000, s10  }
0xd: {  	s16 =	sshrl.u32 s13, $0x1;
	s0 =	sadd.s32 s4, s0;
	s26 =	smul.u32 $0x5000, s12  }
0xe: {  	s31 =	ssub.s32 s13, s16;
	s13 =	smul.u32 $0xA000, s18;
	s16 =	sshll.u32 s8, $0xA  }
0xf: {  	s3 =	sshrl.u32 s30, $0x2;
	s30 =	smul.u32 $0x5000, s15;
	s4 =	smax.u32 s31, $0x1  }
0x10: {  	s5 =	sadd.s32 s3, s2;
	s8 =	sshrl.u32 s6, $0x2;
	s9 =	sshrl.u32 s9, $0x2  }
0x11: {  	s25 =	sshrl.u32 s11, $0x2;
	s3 =	sshrl.u32 s14, $0x2;
	s14 =	sor.u32 s16, s19  }
0x12: {  	s31 =	smul.u32 $0x5000, s18;
	s15 =	sor.u32 s16, s23;
	s18 =	sor.u32 s16, s24  }
0x13: {  	s23 =	sor.u32 s16, s10;
	s24 =	sor.u32 s16, s26;
	[dreg:$0x4] =	wrdreg s4  }
0x14: {  	s6 =	sadd.s32 s8, s2;
	s7 =	sadd.s32 s9, s2;
	s8 =	sadd.s32 s25, s2  }
0x15: {  	s25 =	sor.u32 $0x70, s1;
	s26 =	sor.u32 s16, s30;
	s9 =	sadd.s32 s3, s2  }
0x16: {  	s14 =	sshrl.u32 s14, $0x3;
	s15 =	sshrl.u32 s15, $0x3;
	s4 =	smul.u32 $0x5000, s25  }
0x17: {  	s28 =	sor.u32 s16, s31;
	s30 =	smul.u32 $0xA000, s25;
	s31 =	sshrl.u32 s17, $0x2  }
0x18: {  	s3 =	sadd.s32 s20, s14;
	s17 =	sshrl.u32 s18, $0x3;
	s18 =	sshrl.u32 s23, $0x3  }
0x19: {  	s23 =	sshrl.u32 s24, $0x3;
	s24 =	sshrl.u32 s26, $0x3;
	p0 =	sgt.u32 s25, $0x7C  }
0x1a: {  	s25 =	simm.s32 $0x8;
	s10 =	sadd.s32 s31, s2;
	[dreg:$0x5] =	wrdreg s3  }
0x1b: {  	s3 =	sadd.s32 s20, s17;
	s17 =	sadd.s32 s20, s23;
	s26 =	sshrl.u32 s28, $0x3  }
0x1c: {  	s31 =	sadd.s32 s22, s21;
	s21 =	sadd.s32 $0xAA00, s0;
	s23 =	simm.s32 $0x4080  }
0x1d: {  	s28 =	simm.s32 $0x80;
	s19 =	sor.u32 s16, s4;
	s4 =	sshrl.u32 s13, $0x2  }
0x1e: {  	s13 =	sshrl.u32 s30, $0x2;
	s16 =	sadd.s32 s20, s15;
	[dreg:$0x7] =	wrdreg s3  }
0x1f: {  	s3 =	sadd.s32 s20, s18;
	s18 =	sadd.s32 s20, s24;
	s22 =	sadd.s32 $0x7B2C00, s31  }
0x20: {  	s24 =	simm.s32 $0x1;
	s11 =	sadd.s32 s4, s2;
	[dreg:$0x6] =	wrdreg s16  }
0x21: {  	s12 =	sadd.s32 s13, s2;
	[dreg:$0x8] =	wrdreg s3;
	s30 =	sshrl.u32 s19, $0x3  }
0x22: {  	v0 =	vimm.f32 $0.0e+00;
	s19 =	sadd.s32 s20, s26;
	s26 =	simm.s32 $0x100;
	s20 =	sadd.s32 s20, s30  }
.LBB2_1:
0x23: {  	s3 =	simm.s32 $0x0  }
0x24: {  	s0 =	sand.u32 $0xFE00, s3  }
0x25: {  	s3 =	sand.u32 $0x70, s3;
	s30 =	sshrl.u32 s0, $0x2  }
0x26: {  	s0 =	simm.s32 $0x40;
	s30 =	sor.u32 s3, s30;
	s3 =	simm.s32 $0x0  }
.LBB2_2:
0x27: {  	p1 =	sne.s32 s0, $0x9FC0  }
0x28: {  	[tilespmem:s30+$0x4080] =	vst v0;
	s3 =	sadd.s32 $0x10, s3;
	s30 =	smov.u32 s0;
	s0 =	sadd.s32 $0x40, s0  }
.Ltmp0:
0x29: {  	(pc) =	sbr.rel @p1 .LBB2_2-.Ltmp0, $4  }
0x2a: {  	_ = 	snop  }
0x2b: {  	s30 =	sand.u32 $0xFE00, s30  }
0x2c: {  	s31 =	sand.u32 $0x70, s3;
	s30 =	sshrl.u32 s30, $0x2  }
0x2d: {  	s30 =	sor.u32 s31, s30  }
0x2e: {  	[tilespmem:s30+$0x4080] =	vst v0  }
0x2f: {  	[spmem:s5] =	stream.linear.scatter [tilespmem:s23], [sflag:$0x1], $0x2800, $0x38;
	[tilespmem:$0x1A100] =	vst v63  }
0x30: {  	_ =	swait.ge [sflag:s24], $0x2800  }
0x31: {  	[sflag:s24] =	ssyncset.done $0x0  }
0x32: {  	[sflag:s24] =	ssyncadd.s32 $0xFFFFD800  }
0x33: {  	[spmem:s6] =	stream.linear.scatter [tilespmem:s23], [sflag:$0x1], $0x2800, $0x38;
	[tilespmem:$0x1A100] =	vst v63  }
0x34: {  	_ =	swait.ge [sflag:s24], $0x2800  }
0x35: {  	[sflag:s24] =	ssyncset.done $0x0  }
0x36: {  	[sflag:s24] =	ssyncadd.s32 $0xFFFFD800  }
0x37: {  	[spmem:s7] =	stream.linear.scatter [tilespmem:s23], [sflag:$0x1], $0x2800, $0x38;
	[tilespmem:$0x1A100] =	vst v63  }
0x38: {  	_ =	swait.ge [sflag:s24], $0x2800  }
0x39: {  	[sflag:s24] =	ssyncset.done $0x0  }
0x3a: {  	[sflag:s24] =	ssyncadd.s32 $0xFFFFD800  }
0x3b: {  	[spmem:s8] =	stream.linear.scatter [tilespmem:s23], [sflag:$0x1], $0x2800, $0x38;
	[tilespmem:$0x1A100] =	vst v63  }
0x3c: {  	_ =	swait.ge [sflag:s24], $0x2800  }
0x3d: {  	[sflag:s24] =	ssyncset.done $0x0  }
0x3e: {  	[sflag:s24] =	ssyncadd.s32 $0xFFFFD800  }
0x3f: {  	[spmem:s9] =	stream.linear.scatter [tilespmem:s23], [sflag:$0x1], $0x2800, $0x38;
	[tilespmem:$0x1A100] =	vst v63  }
0x40: {  	_ =	swait.ge [sflag:s24], $0x2800  }
0x41: {  	[sflag:s24] =	ssyncset.done $0x0  }
0x42: {  	[sflag:s24] =	ssyncadd.s32 $0xFFFFD800  }
0x43: {  	[spmem:s10] =	stream.linear.scatter [tilespmem:s23], [sflag:$0x1], $0x2800, $0x38;
	[tilespmem:$0x1A100] =	vst v63  }
0x44: {  	_ =	swait.ge [sflag:s24], $0x2800  }
0x45: {  	[sflag:s24] =	ssyncset.done $0x0  }
0x46: {  	[sflag:s24] =	ssyncadd.s32 $0xFFFFD800  }
0x47: {  	[spmem:s11] =	stream.linear.scatter [tilespmem:s23], [sflag:$0x1], $0x2800, $0x38;
	[tilespmem:$0x1A100] =	vst v63  }
0x48: {  	_ =	swait.ge [sflag:s24], $0x2800  }
0x49: {  	[sflag:s24] =	ssyncset.done $0x0  }
0x4a: {  	s0 =	simm.s32 @!p0 $0x4080;
	[sflag:s24] =	ssyncadd.s32 $0xFFFFD800  }
0x4b: {  	[spmem:s12] =	stream.linear.scatter @!p0 [tilespmem:s0], [sflag:$0x1], $0x2800, $0x38;
	[tilespmem:$0x1A100] =	vst v63  }
0x4c: {  	s0 =	simm.s32 @!p0 $0x1  }
0x4d: {  	_ =	swait.ge @!p0 [sflag:s0], $0x2800  }
0x4e: {  	s3 =	sadd.s32 $0x0, s1;
	[sflag:s0] =	ssyncset.done @!p0 $0x0  }
0x4f: {  	p1 =	sgt.u32 s3, $0x4E1;
	[sflag:s0] =	ssyncadd.s32 @!p0 $0xFFFFD800  }
0x50: {  	s3 =	simm.s32 @!p1 $0x2;
	s0 =	simm.s32 @!p1 $0x0;
	[bflag:$0x0] =	sbarrier.arrive $0xFFFF  }
0x51: {  	[tilespmem:s0], [sflag:$0x2] =	stream.linear.gather @!p1 [hbm4b:s21+s0], $0x80, $0x38;
	[tilespmem:$0x1A100] =	vst v63  }
0x52: {  	_ =	swait.ge @!p1 [sflag:s3], $0x80  }
0x53: {  	s30 =	simm.s32 @!p1 $0x80;
	[sflag:s3] =	ssyncset.done @!p1 $0x0  }
0x54: {  	s31 =	simm.s32 @!p1 $0x400;
	s4 =	simm.s32 @!p1 $0x800;
	[sflag:s3] =	ssyncadd.s32 @!p1 $0xFFFFFF80  }
0x55: {  	[tilespmem:s30], [sflag:$0x2] =	stream.strided.gather @!p1 [hbm4b:s22+s31], $0x4000, s4, s31, $0x38;
	[tilespmem:$0x1A100] =	vst v63  }
0x56: {  	p2 =	por p1, p1;
	_ =	swait.ge @!p1 [sflag:s3], $0x4000  }
0x57: {  	[sflag:s3] =	ssyncset.done @!p2 $0x0  }
0x58: {  	s16 =	sadd.s32 $0x10, s1;
	[sflag:s3] =	ssyncadd.s32 @!p2 $0xFFFFC000;
	s3 =	simm.s32 @!p2 $0x1  }
0x59: {  	[spmem:s2] =	stream.indirect.scatter.add.f32 @!p2 [tilespmem:s30], [sflag:$0x1], $0x80, s0, s30, $0xb8;
	[tilespmem:$0x1A100] =	vst v63  }
0x5a: {  	s31 =	simm.s32 $0x20;
	p1 =	sgt.u32 s16, $0x4E1;
	_ =	swait.ge @!p2 [sflag:s3], $0x4000  }
0x5b: {  	s30 =	sadd.s32 $0x10000, s22;
	s0 =	sadd.s32 $0x100, s21;
	[sflag:s3] =	ssyncset.done @!p2 $0x0  }
.LBB2_4:
0x5c: {  	s4 =	simm.s32 @!p1 $0x0;
	s13 =	simm.s32 @!p1 $0x2;
	[sflag:s3] =	ssyncadd.s32 @!p2 $0xFFFFC000  }
0x5d: {  	[tilespmem:s4], [sflag:$0x2] =	stream.linear.gather @!p1 [hbm4b:s0+s4], $0x80, $0x38;
	[tilespmem:$0x1A100] =	vst v63  }
0x5e: {  	s14 =	smov.u32 s31;
	s31 =	sadd.s32 $0x10, s31;
	_ =	swait.ge @!p1 [sflag:s13], $0x80  }
0x5f: {  	s15 =	simm.s32 @!p1 $0x80;
	p3 =	sne.s32 s31, $0x4F0;
	[sflag:s13] =	ssyncset.done @!p1 $0x0  }
0x60: {  	s3 =	simm.s32 @!p1 $0x400;
	s16 =	simm.s32 @!p1 $0x800;
	[sflag:s13] =	ssyncadd.s32 @!p1 $0xFFFFFF80  }
0x61: {  	[tilespmem:s15], [sflag:$0x2] =	stream.strided.gather @!p1 [hbm4b:s30+s3], $0x4000, s16, s3, $0x38;
	[tilespmem:$0x1A100] =	vst v63  }
0x62: {  	p2 =	por p1, p1;
	_ =	swait.ge @!p1 [sflag:s13], $0x4000  }
.Ltmp1:
0x63: {  	[sflag:s13] =	ssyncset.done @!p2 $0x0;
	(pc) =	sbr.rel @p3 .LBB2_4-.Ltmp1, $4  }
0x64: {  	s3 =	simm.s32 @!p2 $0x1;
	[sflag:s13] =	ssyncadd.s32 @!p2 $0xFFFFC000  }
0x65: {  	[spmem:s2] =	stream.indirect.scatter.add.f32 @!p2 [tilespmem:s15], [sflag:$0x1], $0x80, s4, s15, $0xb8;
	[tilespmem:$0x1A100] =	vst v63  }
0x66: {  	s30 =	sadd.s32 $0x10000, s30;
	s4 =	sadd.s32 s14, s1;
	_ =	swait.ge @!p2 [sflag:s3], $0x4000  }
0x67: {  	s0 =	sadd.s32 $0x100, s0;
	p1 =	sgt.u32 s4, $0x4E1;
	[sflag:s3] =	ssyncset.done @!p2 $0x0  }
0x68: {  	s4 =	simm.s32 @!p1 $0x0;
	s13 =	simm.s32 @!p1 $0x2;
	[sflag:s3] =	ssyncadd.s32 @!p2 $0xFFFFC000  }
0x69: {  	[tilespmem:s4], [sflag:$0x2] =	stream.linear.gather @!p1 [hbm4b:s0+s4], $0x80, $0x38;
	[tilespmem:$0x1A100] =	vst v63  }
0x6a: {  	_ =	swait.ge @!p1 [sflag:s13], $0x80  }
0x6b: {  	s3 =	simm.s32 @!p1 $0x400;
	[sflag:s13] =	ssyncset.done @!p1 $0x0  }
0x6c: {  	s14 =	simm.s32 @!p1 $0x800;
	s0 =	simm.s32 @!p1 $0x80;
	[sflag:s13] =	ssyncadd.s32 @!p1 $0xFFFFFF80  }
0x6d: {  	[tilespmem:s0], [sflag:$0x2] =	stream.strided.gather @!p1 [hbm4b:s30+s3], $0x4000, s14, s3, $0x38;
	[tilespmem:$0x1A100] =	vst v63  }
0x6e: {  	_ =	swait.ge @!p1 [sflag:s13], $0x4000;
	p1 =	por p1, p1  }
0x6f: {  	[sflag:s13] =	ssyncset.done @!p1 $0x0  }
0x70: {  	s3 =	simm.s32 @!p1 $0x1;
	[sflag:s13] =	ssyncadd.s32 @!p1 $0xFFFFC000  }
0x71: {  	[spmem:s2] =	stream.indirect.scatter.add.f32 @!p1 [tilespmem:s0], [sflag:$0x1], $0x80, s4, s0, $0xb8;
	[tilespmem:$0x1A100] =	vst v63  }
0x72: {  	_ =	swait.ge @!p1 [sflag:s3], $0x4000  }
0x73: {  	[sflag:s3] =	ssyncset.done @!p1 $0x0  }
0x74: {  	[sflag:s3] =	ssyncadd.s32 @!p1 $0xFFFFC000  }
0x75: {  	s4 =	sshll.u32 s1, $0x6;
	[bflag:$0x0] =	sbarrier.arrive $0xFFFF  }
0x76: {  	s13 =	sshrl.u32 s5, $0x3;
	s0 =	sor.u32 $0x1C01, s4;
	s14 =	rddreg [dreg:$0x5]  }
0x77: {  	[hbm:s14@s26], [sflag:s0] =	dma.strided [spmem:s13@s28], $0x500, s25, $0x10   }
0x78: {  	_ =	swait.ge [sflag:s24], $0x500  }
0x79: {  	[sflag:s24] =	ssyncset.done $0x0  }
0x7a: {  	s15 =	sshrl.u32 s6, $0x3;
	s16 =	rddreg [dreg:$0x6];
	[sflag:s24] =	ssyncadd.s32 $0xFFFFFB00  }
0x7b: {  	[hbm:s16@s26], [sflag:s0] =	dma.strided [spmem:s15@s28], $0x500, s25, $0x10   }
0x7c: {  	_ =	swait.ge [sflag:s24], $0x500  }
0x7d: {  	[sflag:s24] =	ssyncset.done $0x0  }
0x7e: {  	s30 =	sshrl.u32 s7, $0x3;
	s31 =	rddreg [dreg:$0x7];
	[sflag:s24] =	ssyncadd.s32 $0xFFFFFB00  }
0x7f: {  	[hbm:s31@s26], [sflag:s0] =	dma.strided [spmem:s30@s28], $0x500, s25, $0x10   }
0x80: {  	_ =	swait.ge [sflag:s24], $0x500  }
0x81: {  	[sflag:s24] =	ssyncset.done $0x0  }
0x82: {  	s13 =	sshrl.u32 s8, $0x3;
	s14 =	rddreg [dreg:$0x8];
	[sflag:s24] =	ssyncadd.s32 $0xFFFFFB00  }
0x83: {  	[hbm:s14@s26], [sflag:s0] =	dma.strided [spmem:s13@s28], $0x500, s25, $0x10   }
0x84: {  	_ =	swait.ge [sflag:s24], $0x500  }
0x85: {  	[sflag:s24] =	ssyncset.done $0x0  }
0x86: {  	s15 =	sshrl.u32 s9, $0x3;
	[sflag:s24] =	ssyncadd.s32 $0xFFFFFB00  }
0x87: {  	[hbm:s17@s26], [sflag:s0] =	dma.strided [spmem:s15@s28], $0x500, s25, $0x10   }
0x88: {  	_ =	swait.ge [sflag:s24], $0x500  }
0x89: {  	[sflag:s24] =	ssyncset.done $0x0  }
0x8a: {  	s16 =	sshrl.u32 s10, $0x3;
	[sflag:s24] =	ssyncadd.s32 $0xFFFFFB00  }
0x8b: {  	[hbm:s18@s26], [sflag:s0] =	dma.strided [spmem:s16@s28], $0x500, s25, $0x10   }
0x8c: {  	_ =	swait.ge [sflag:s24], $0x500  }
0x8d: {  	[sflag:s24] =	ssyncset.done $0x0  }
0x8e: {  	s30 =	sshrl.u32 s11, $0x3;
	[sflag:s24] =	ssyncadd.s32 $0xFFFFFB00  }
0x8f: {  	[hbm:s19@s26], [sflag:s0] =	dma.strided [spmem:s30@s28], $0x500, s25, $0x10   }
0x90: {  	_ =	swait.ge [sflag:s24], $0x500  }
0x91: {  	s4 =	simm.s32 @!p0 $0x8;
	s3 =	sshrl.u32 @!p0 s12, $0x3;
	[sflag:s24] =	ssyncset.done $0x0  }
0x92: {  	s13 =	simm.s32 @!p0 $0x100;
	s14 =	simm.s32 @!p0 $0x80;
	[sflag:s24] =	ssyncadd.s32 $0xFFFFFB00  }
0x93: {  	[hbm:s20@s13], [sflag:s0] =	dma.strided @!p0 [spmem:s3@s14], $0x500, s4, $0x10   }
0x94: {  	s0 =	simm.s32 @!p0 $0x1  }
0x95: {  	_ =	swait.ge @!p0 [sflag:s0], $0x500  }
0x96: {  	s29 =	sadd.s32 $0x1, s29;
	s31 =	rddreg [dreg:$0x4]  }
0x97: {  	p1 =	sne.s32 s29, s31  }
.Ltmp2:
0x98: {  	_ = 	snop;
	(pc) =	sbr.rel @p1 .LBB2_1-.Ltmp2, $3  }
0x99: {  	_ =	sdelay $0x1  }
0x9a: {  	[sflag:s0] =	ssyncset.done @!p0 $0x0  }
0x9b: {  	[sflag:s0] =	ssyncadd.s32 @!p0 $0xFFFFFB00  }
0x9c: {  	_ =	sfence.sel $0x180000  }
0x9d: {  	[bflag:$0x0] =	sbarrier.arrive $0xFFFF  }
0x9e: {  	_ =	strace $0x90000050  }
0x9f: {  	[bflag:$0x2] =	sbarrier.arrive $0xFFFF  }
0xa0: {  	p0 =	sne.s32 s1, $0x0;
	s0 =	rddreg [dreg:$0x3]  }
0xa1: {  	s0 =	sadd.s32 @!p0 $0x100000, s0  }
0xa2: {  	[sflag:s0] =	ssyncadd.tile.s32 @!p0 $0x1;
	_ =	shalt  }
.Lfunc_end2:
_tile_overlayer_lowered:
.L_overlay_start_2:
0xa3: {  	(tag) =	ssettag $0x2  }
0xa4: {  	s0 =	rddreg [dreg:$0x0];
	s2 =	stileid.u32  }
0xa5: {  	s1 =	rddreg [dreg:$0x1];
	p0 =	sne.s32 s2, $0x0  }
0xa6: {  	s3 =	rddreg [dreg:$0x2];
	[bflag:$0x3] =	sbarrier.arrive $0xFFFF;
	s2 =	simm.s32 @!p0 $0x1C01  }
0xa7: {  	[timem:s3], [sflag:s2] =	dma.local @!p0 [hbm:s0], s1  }
0xa8: {  	s0 =	simm.s32 @!p0 $0x1  }
0xa9: {  	_ =	swait.ge @!p0 [sflag:s0], s1  }
0xaa: {  	s1 =	ssub.s32 @!p0 $0x0, s1;
	[sflag:s0] =	ssyncset.done @!p0 $0x0  }
0xab: {  	[sflag:s0] =	ssyncadd.s32 @!p0 s1  }
0xac: {  	[bflag:$0x3] =	sbarrier.arrive $0xFFFF  }
0xad: {  	_ =	shalt  }

// kernel: kernel.31.cloned.1.call-start
scs
__scs_entry_jumppad:
0x0: {  	(pc) =	sbr.rel $0x88, $3  }
0x1: {  	(tag) =	ssettag $0x0;
	lr =	simm.s32 $0x1  }
0x2: {  	[smem:$0x3F95] =	sst lr;
	_ =	strace $0xD0000000  }
0x3: {  	_ = 	snop  }
0x4: {  	_ = 	snop  }
0x5: {  	_ = 	snop  }
0x6: {  	_ = 	snop  }
0x7: {  	_ = 	snop  }
__scs_overlays_trampoline_lowered:
0x8: {  	[smem:$0x3FA4] =	sst s0  }
0x9: {  	[smem:$0x3FA5] =	sst s1  }
0xa: {  	[smem:$0x3FA6] =	sst s2  }
0xb: {  	[smem:$0x3FA7] =	sst s3  }
0xc: {  	[smem:$0x3FA8] =	sst s4  }
0xd: {  	[smem:$0x3FA9] =	sst s5  }
0xe: {  	[smem:$0x3FAA] =	sst s6  }
0xf: {  	[smem:$0x3FAB] =	sst s7  }
0x10: {  	[smem:$0x3FAC] =	sst s8  }
0x11: {  	[smem:$0x3FAD] =	sst s9;
	s0 =	simm.s32 @!p0 $0x0  }
0x12: {  	s1 =	sld [smem:$0x3F93];
	s0 =	simm.s32 @p0 $0x1  }
0x13: {  	[smem:$0x3FAE] =	sst s0;
	s0 =	simm.s32 @!p1 $0x0  }
0x14: {  	s2 =	sld [smem:$0x3F92];
	s0 =	simm.s32 @p1 $0x1  }
0x15: {  	[smem:$0x3FAF] =	sst s0;
	s0 =	simm.s32 @!p2 $0x0  }
0x16: {  	s3 =	sld [smem:$0x3FDB];
	s0 =	simm.s32 @p2 $0x1  }
0x17: {  	s4 =	simm.s32 $0x1BF5;
	[smem:$0x3FB1] =	sst s0  }
0x18: {  	s0 =	sld [smem:$0x3F94];
	_ =	swait.ge [sflag:s4], $0x0  }
0x19: {  	s7 =	sld [smem:$0x3F95]  }
0x1a: {  	s8 =	sadd.s32 $0xFFFFE003, lr  }
0x1b: {  	s9 =	sadd.s32 $0xFFFFFEF7, lr;
	s5 =	simm.s32 $0xFFFFFFFF;
	p2 =	slt.u32 s8, $0xFFFFF086  }
0x1c: {  	p1 =	slt.u32 s9, $0xF7A;
	s5 =	simm.s32 @!p2 $0x0  }
0x1d: {  	s5 =	simm.s32 @p1 $0x1;
	p0 =	seq.s32 s7, s2  }
0x1e: {  	s7 =	smul.u32 @!p0 $0xF7A, s2;
	p2 =	seq.s32 @!p0 s5, $0x0  }
0x1f: {  	s9 =	smul.u32 $0xF7A, s1;
	s8 =	simm.s32 @!p0 $0x1BF5;
	p2 =	por !p2, p0  }
0x20: {  	[sflag:s8] =	ssyncset.s32 @!p0 $0xFFFFF086;
	s6 =	sadd.s32 @!p0 s3, s7;
	s7 =	simm.s32 @!p0 $0x108  }
0x21: {  	s3 =	sadd.s32 s3, s9;
	s6 =	sadd.s32 @!p0 $0x88, s6;
	s7 =	simm.s32 @p2 $0x1082  }
0x22: {  	[simem:s7], [sflag:s8] =	dma.local @!p0 [hbm:s6], $0xF7A  }
0x23: {  	s9 =	sor.u32 $0xD0000000, s2;
	s6 =	simm.s32 $0x108;
	_ =	swait.ge @!p0 [sflag:s8], $0x0  }
0x24: {  	s3 =	sadd.s32 $0x88, s3;
	s6 =	simm.s32 @!p1 $0x1082;
	[sflag:s4] =	ssyncset.s32 $0xFFFFF086  }
0x25: {  	[simem:s6], [sflag:s4] =	dma.local [hbm:s3], $0xF7A  }
0x26: {  	[smem:$0x3F95] =	sst s1;
	(tag) =	ssettag s2;
	_ =	strace s9  }
0x27: {  	s1 =	sld [smem:$0x3FA5]  }
0x28: {  	s2 =	sld [smem:$0x3FA6]  }
0x29: {  	s4 =	sld [smem:$0x3FA8]  }
0x2a: {  	p0 =	seq.s32 s5, $0x0;
	s5 =	sld [smem:$0x3FA9]  }
0x2b: {  	s6 =	sld [smem:$0x3FAA]  }
0x2c: {  	s7 =	sld [smem:$0x3FAB]  }
0x2d: {  	s3 =	simm.s32 $0x108;
	s8 =	sld [smem:$0x3FAC]  }
0x2e: {  	s3 =	simm.s32 @!p0 $0x1082;
	s9 =	sld [smem:$0x3FAD]  }
0x2f: {  	lr =	sadd.s32 s0, s3;
	s0 =	sld [smem:$0x3FA4]  }
0x30: {  	s3 =	sld [smem:$0x3FA7]  }
0x31: {  	[smem:$0x3FB0] =	sst s10  }
0x32: {  	s10 =	sld [smem:$0x3FAE];
	_ =	sdelay $0x3  }
0x33: {  	p0 =	seq.s32 s10, $0x1;
	s10 =	sld [smem:$0x3FB0];
	_ =	sdelay $0x3  }
0x34: {  	[smem:$0x3FB0] =	sst s10  }
0x35: {  	s10 =	sld [smem:$0x3FAF];
	_ =	sdelay $0x3  }
0x36: {  	p1 =	seq.s32 s10, $0x1;
	s10 =	sld [smem:$0x3FB0];
	_ =	sdelay $0x3  }
0x37: {  	[smem:$0x3FB0] =	sst s10  }
0x38: {  	s10 =	sld [smem:$0x3FB1]  }
0x39: {  	_ = 	snop;
	(pc) =	sbr.ind lr, $3  }
0x3a: {  	_ = 	snop  }
0x3b: {  	_ = 	snop  }
0x3c: {  	p2 =	seq.s32 s10, $0x1;
	s10 =	sld [smem:$0x3FB0]  }
0x3d: {  	_ =	shalt  }
0x3e: {  	_ =	shalt  }
0x3f: {  	_ =	shalt  }
0x40: {  	_ =	shalt  }
0x41: {  	_ =	shalt  }
0x42: {  	_ =	shalt  }
0x43: {  	_ =	shalt  }
0x44: {  	_ =	shalt  }
0x45: {  	_ =	shalt  }
0x46: {  	_ =	shalt  }
0x47: {  	_ =	shalt  }
0x48: {  	_ =	shalt  }
0x49: {  	_ =	shalt  }
0x4a: {  	_ =	shalt  }
0x4b: {  	_ =	shalt  }
0x4c: {  	_ =	shalt  }
0x4d: {  	_ =	shalt  }
0x4e: {  	_ =	shalt  }
0x4f: {  	_ =	shalt  }
0x50: {  	_ =	shalt  }
0x51: {  	_ =	shalt  }
0x52: {  	_ =	shalt  }
0x53: {  	_ =	shalt  }
0x54: {  	_ =	shalt  }
0x55: {  	_ =	shalt  }
0x56: {  	_ =	shalt  }
0x57: {  	_ =	shalt  }
0x58: {  	_ =	shalt  }
0x59: {  	_ =	shalt  }
0x5a: {  	_ =	shalt  }
0x5b: {  	_ =	shalt  }
0x5c: {  	_ =	shalt  }
0x5d: {  	_ =	shalt  }
0x5e: {  	_ =	shalt  }
0x5f: {  	_ =	shalt  }
0x60: {  	_ =	shalt  }
0x61: {  	_ =	shalt  }
0x62: {  	_ =	shalt  }
0x63: {  	_ =	shalt  }
0x64: {  	_ =	shalt  }
0x65: {  	_ =	shalt  }
0x66: {  	_ =	shalt  }
0x67: {  	_ =	shalt  }
0x68: {  	_ =	shalt  }
0x69: {  	_ =	shalt  }
0x6a: {  	_ =	shalt  }
0x6b: {  	_ =	shalt  }
0x6c: {  	_ =	shalt  }
0x6d: {  	_ =	shalt  }
0x6e: {  	_ =	shalt  }
0x6f: {  	_ =	shalt  }
0x70: {  	_ =	shalt  }
0x71: {  	_ =	shalt  }
0x72: {  	_ =	shalt  }
0x73: {  	_ =	shalt  }
0x74: {  	_ =	shalt  }
0x75: {  	_ =	shalt  }
0x76: {  	_ =	shalt  }
0x77: {  	_ =	shalt  }
0x78: {  	_ =	shalt  }
0x79: {  	_ =	shalt  }
0x7a: {  	_ =	shalt  }
0x7b: {  	_ =	shalt  }
0x7c: {  	_ =	shalt  }
0x7d: {  	_ =	shalt  }
0x7e: {  	_ =	shalt  }
0x7f: {  	_ =	shalt  }
0x80: {  	_ =	shalt  }
0x81: {  	_ =	shalt  }
0x82: {  	_ =	shalt  }
0x83: {  	_ =	shalt  }
0x84: {  	_ =	shalt  }
0x85: {  	_ =	shalt  }
0x86: {  	_ =	shalt  }
0x87: {  	_ =	shalt  }
.Lfunc_end0:
.L_simem_size_0:
called_computation.4_lowered:
.L_overlay_start_0:
0x88: {  	s2 =	sld [smem:$0x3FD9]  }
0x89: {  	s3 =	sld [smem:$0x3FFE];
	_ =	sdelay $0x1  }
0x8a: {  	s1 =	srdreg.scid  }
0x8b: {  	s0 =	sand.u32 $0x1, s1  }
0x8c: {  	s17 =	sshll.u32 s0, $0xA;
	s2 =	sadd.s32 s3, s2  }
0x8d: {  	s2 =	sadd.s32 s2, s17  }
0x8e: {  	[smem:$0x3FBC] =	sst s2  }
0x8f: {  	_ = 	snop  }
0x90: {  	s2 =	sld [smem:$0x3FC6]  }
0x91: {  	s18 =	sld [smem:$0x3FD0];
	(tm) =	ssettm $0x1  }
0x92: {  	s4 =	sld [smem:$0x3FFB];
	_ =	sdelay $0x3  }
0x93: {  	_ =	strace s4  }
0x94: {  	s4 =	sld [smem:$0x3FFC];
	_ =	sdelay $0x3  }
0x95: {  	_ =	strace s4  }
0x96: {  	s4 =	sld [smem:$0x3FFD];
	_ =	sdelay $0x3  }
0x97: {  	_ =	strace s4  }
0x98: {  	_ =	strace $0x8FFFFFFF  }
0x99: {  	s19 =	sld [smem:$0x3FDB];
	_ =	sdelay $0x1  }
0x9a: {  	s5 =	simm.s32 $_scs_section_size  }
0x9b: {  	s6 =	simm.s32 $_size__tile_overlayer_lowered;
	s7 =	simm.s32 $_tile_overlayer_lowered  }
0x9c: {  	s22 =	simm.s32 $0x1BFF;
	s21 =	sshll.u32 s7, $0x1;
	s4 =	sadd.s32 s5, s19  }
0x9d: {  	s8 =	simm.s32 $0x0;
	s20 =	sshll.u32 s6, $0x1;
	s6 =	sadd.s32 s21, s4  }
0x9e: {  	[timem:s8], [sflag:s22] =	dma.local [hbm:s6], s20  }
0x9f: {  	_ =	swait.ge [sflag:s22], s20  }
0xa0: {  	s5 =	ssub.s32 $0x0, s20;
	[sflag:s22] =	ssyncset.done $0x0  }
0xa1: {  	[sflag:s22] =	ssyncadd.s32 s5;
	_ =	sdelay $0x1  }
0xa2: {  	s23 =	simm.s32 $0x1B8B  }
0xa3: {  	_ =	swait.ge [sflag:s23], $0x1  }
0xa4: {  	[sflag:s23] =	ssyncset.done $0x0  }
0xa5: {  	s25 =	simm.s32 $0x1B8E;
	s24 =	sld [smem:$0x3FFE];
	[sflag:s23] =	ssyncadd.s32 $0xFFFFFFFF  }
0xa6: {  	s26 =	simm.s32 $execute0_lowered;
	[smem:$0x3FD2] =	sst s25  }
0xa7: {  	s6 =	sshll.u32 s26, $0x1;
	_ =	strace $0x80000052;
	[dreg:$0x1] =	wrdreg $0xFFFFFFFF  }
0xa8: {  	s28 =	simm.s32 $_size_execute0_lowered;
	s4 =	sadd.s32 s4, s6;
	[dreg:$0x0] =	wrdreg $0x0  }
0xa9: {  	s6 =	sshll.u32 s28, $0x1;
	[dreg:$0x2] =	wrdreg s4  }
0xaa: {  	[dreg:$0x3] =	wrdreg s6  }
0xab: {  	[dreg:$0x4] =	wrdreg $0xC0  }
0xac: {  	_ =	task [dreg:s8], $0x5FFFF  }
0xad: {  	[dreg:$0x1] =	wrdreg $0xFFFFFFFF  }
0xae: {  	[dreg:$0x0] =	wrdreg $0x60  }
0xaf: {  	[dreg:$0x2] =	wrdreg s18  }
0xb0: {  	[dreg:$0x3] =	wrdreg s24  }
0xb1: {  	[dreg:$0x4] =	wrdreg s2  }
0xb2: {  	[dreg:$0x5] =	wrdreg $0x9  }
0xb3: {  	_ =	task.clear_ibuf [dreg:s8], $0x6FFFF;
	_ =	strace $0x90000052  }
0xb4: {  	s29 =	simm.s32 $0x9;
	_ =	strace $0x80000054  }
0xb5: {  	_ =	swait.ge [sflag:s29], $0x1  }
0xb6: {  	[sflag:s29] =	ssyncadd.s32 $0xFFFFFFFF  }
0xb7: {  	_ =	strace $0x90000054  }
0xb8: {  	_ =	sfence  }
0xb9: {  	s30 =	sld [smem:$0x0];
	_ =	sdelay $0x2  }
0xba: {  	s31 =	sshll.u32 s1, $0xD;
	s1 =	sshrl.u32 s1, $0x2  }
0xbb: {  	s3 =	sand.u32 $0x4000, s31;
	s1 =	sadd.s32 s1, s30  }
0xbc: {  	s0 =	sor.u32 s3, s0;
	s1 =	sshll.u32 s1, $0x11  }
0xbd: {  	s0 =	sor.u32 s1, s0  }
0xbe: {  	s0 =	sadd.s32 $0x8F2B, s0  }
0xbf: {  	[sflag:s0] =	ssyncadd.remote.s32 $0x1  }
0xc0: {  	_ =	sfence.sel $0xFFFF  }
0xc1: {  	[dreg:$0x0] =	wrdreg $0xFFFFFFFF;
	(pc) =	sbr.abs _section_cstart, $3  }
0xc2: {  	[dreg:$0x1] =	wrdreg $0xFFFFFFFF  }
0xc3: {  	_ =	task.clear_ibuf [dreg:s8], $0x2FFFF;
	_ =	strace $0x9FFFFFFF  }
0xc4: {  	(tm) =	ssettm $0x7FFFFFFF  }
0xc5: {  	_ =	shalt  }
tec
execute0_lowered:
.L_overlay_start_1:
0x0: {  	(tag) =	ssettag $0x1  }
0x1: {  	s1 =	rddreg [dreg:$0x0]  }
0x2: {  	s0 =	rddreg [dreg:$0x1]  }
0x3: {  	s2 =	rddreg [dreg:$0x2];
	s3 =	simm.s32 $0x0  }
0x4: {  	s4 =	srdreg.scid;
	s11 =	stileid.u32;
	s13 =	simm.s32 $0x100  }
0x5: {  	s30 =	simm.s32 $0x8100;
	s12 =	simm.s32 $0xC100;
	s14 =	simm.s32 $0xC900  }
0x6: {  	s15 =	simm.s32 $0xD100;
	s16 =	simm.s32 $0xD900;
	s17 =	simm.s32 $0xE100  }
0x7: {  	s18 =	simm.s32 $0xE900;
	s19 =	simm.s32 $0xF100;
	s20 =	simm.s32 $0xF900  }
0x8: {  	s21 =	simm.s32 $0x1;
	s22 =	simm.s32 $0x2;
	s23 =	simm.s32 $0x3  }
0x9: {  	s31 =	simm.s32 $0x80;
	[smem:$0x7FF] =	sst s3;
	s5 =	sand.u32 $0x1, s4  }
0xa: {  	s4 =	sadd.s32 $0x7B2C00, s0;
	s6 =	sshll.u32 s11, $0x5;
	s9 =	sshll.u32 s11, $0xD  }
0xb: {  	s25 =	sshll.u32 s11, $0x1;
	s11 =	simm.s32 $0x4;
	_ =	strace $0x80000053  }
0xc: {  	s7 =	ssub.s32 $0x2, s5;
	s8 =	sadd.s32 s6, s0;
	s0 =	sadd.s32 s9, s0  }
0xd: {  	[dreg:$0x4] =	wrdreg s25;
	s26 =	sshll.u32 s5, $0x4;
	s5 =	sshll.u32 s5, $0xC  }
0xe: {  	s2 =	sadd.s32 s6, s2;
	s6 =	simm.s32 $0xA100;
	s9 =	simm.s32 $0xB100  }
0xf: {  	s25 =	simm.s32 $0x0;
	s10 =	sshrl.u32 s7, $0x1;
	s28 =	sadd.s32 s26, s8  }
.Ltmp0:
0x10: {  	s0 =	sadd.s32 s5, s0;
	s5 =	simm.s32 $0xA900;
	(pc) =	sbr.rel .LBB2_1-.Ltmp0, $4  }
0x11: {  	s7 =	ssub.s32 s7, s10;
	s8 =	sadd.s32 $0x5A00, s28;
	s29 =	sadd.s32 $0x1176C00, s0  }
0x12: {  	v2 =	vlaneseq.u32;
	s0 =	sadd.s32 $0x5DC00, s0;
	s10 =	simm.s32 $0xB900;
	[dreg:$0x6] =	wrdreg s29  }
0x13: {  	vm0 =	vmmov $0xffff;
	v1 =	vshrl.u32 v2, $0x3;
	s7 =	smax.u32 s7, $0x1;
	[dreg:$0x7] =	wrdreg s0;
	s0 =	simm.s32 $0x9100  }
0x14: {  	v0 =	vand.u32 $0x7, v2;
	v2 =	vor.u32 $0x8, v2;
	v1 =	vmul.u32 $0x8, v1;
	[dreg:$0x5] =	wrdreg s7;
	s7 =	sadd.s32 s26, s2;
	s2 =	simm.s32 $0x9900  }
.LBB2_5:
0x15: {  	s25 =	rddreg [dreg:$0x8]  }
0x16: {  	s24 =	rddreg [dreg:$0x5];
	s25 =	sadd.s32 $0x1, s25  }
0x17: {  	p0 =	sne.s32 s25, s24  }
.Ltmp1:
0x18: {  	_ = 	snop;
	(pc) =	sbr.rel @!p0 .LBB2_6-.Ltmp1, $1  }
0x19: {  	_ =	sdelay $0x3  }
.LBB2_1:
.Ltmp2:
0x1a: {  	(pc) =	sbr.rel .LBB2_2-.Ltmp2, $4  }
0x1b: {  	[dreg:$0x8] =	wrdreg s25  }
0x1c: {  	s24 =	rddreg [dreg:$0x4]  }
0x1d: {  	s25 =	rddreg [dreg:$0x7]  }
0x1e: {  	s26 =	rddreg [dreg:$0x6];
	s28 =	simm.s32 $0x0  }
.LBB2_4:
0x1f: {  	s28 =	sadd.s32 $0x200, s28  }
0x20: {  	p0 =	sne.s32 s28, $0x5000  }
.Ltmp3:
0x21: {  	_ = 	snop;
	(pc) =	sbr.rel @!p0 .LBB2_5-.Ltmp3, $2  }
0x22: {  	_ =	sdelay $0x2  }
0x23: {  	s26 =	sadd.s32 $0x20000, s26;
	s25 =	sadd.s32 $0x20000, s25;
	s24 =	sadd.s32 $0x20, s24  }
.LBB2_2:
0x24: {  	p0 =	sgt.u32 s24, $0x4E1  }
.Ltmp4:
0x25: {  	_ = 	snop;
	(pc) =	sbr.rel @p0 .LBB2_4-.Ltmp4, $1  }
0x26: {  	_ =	sdelay $0x3  }
0x27: {  	s29 =	sadd.s32 s28, s8  }
0x28: {  	[tilespmem:s3], [sflag:$0x4] =	stream.linear.gather [hbm4b:s29+s3], $0x80, $0x38;
	[tilespmem:$0x10100] =	vst v63  }
0x29: {  	_ =	swait.ge [sflag:s11], $0x80  }
0x2a: {  	[sflag:s11] =	ssyncset.done $0x0  }
0x2b: {  	s29 =	sadd.s32 s28, s7;
	[sflag:s11] =	ssyncadd.s32 $0xFFFFFF80  }
0x2c: {  	[tilespmem:s31], [sflag:$0x4] =	stream.linear.gather [hbm4b:s29+s3], $0x80, $0x38;
	[tilespmem:$0x10100] =	vst v63  }
0x2d: {  	_ =	swait.ge [sflag:s11], $0x80  }
0x2e: {  	[sflag:s11] =	ssyncset.done $0x0  }
0x2f: {  	[sflag:s11] =	ssyncadd.s32 $0xFFFFFF80  }
0x30: {  	v3 =	vld [tilespmem:$0x0];
	_ =	sdelay $0x4  }
0x31: {  	v4 =	vshll.u32 v3, $0x1  }
0x32: {  	v3 =	vand.u32 $0x7, v3;
	v4 =	vand.u32 $0xFFFFFFF0, v4  }
0x33: {  	v3 =	vor.u32 v3, v4  }
0x34: {  	v4 =	vperm.xlane v3, v0;
	_ =	sdelay $0x1  }
0x35: {  	v3 =	vperm.xlane v3, v2;
	v4 =	vadd.s32 v1, v4;
	_ =	sdelay $0x1  }
0x36: {  	v3 =	vadd.s32 v1, v3;
	_ =	sdelay $0x2  }
0x37: {  	[tilespmem:s13], [sflag:$0x1] =	stream.indirect_vreg.gather [hbm4b:s1+s3], $0x80, v4, vm0, $0xb8;
	[tilespmem:$0x10100] =	vst v63  }
0x38: {  	s29 =	simm.s32 $0x900  }
0x39: {  	[tilespmem:s29], [sflag:$0x1] =	stream.indirect_vreg.gather [hbm4b:s1+s3], $0x80, v3, vm0, $0xb8;
	[tilespmem:$0x10100] =	vst v63  }
0x3a: {  	v3 =	vld [tilespmem:$0x10];
	_ =	sdelay $0x4  }
0x3b: {  	v49 =	vshll.u32 v3, $0x1  }
0x3c: {  	v3 =	vand.u32 $0x7, v3;
	v4 =	vand.u32 $0xFFFFFFF0, v49  }
0x3d: {  	v3 =	vor.u32 v3, v4  }
0x3e: {  	v4 =	vperm.xlane v3, v0;
	_ =	sdelay $0x1  }
0x3f: {  	v3 =	vperm.xlane v3, v2;
	v4 =	vadd.s32 v1, v4;
	_ =	sdelay $0x1  }
0x40: {  	v3 =	vadd.s32 v1, v3;
	_ =	sdelay $0x1  }
0x41: {  	s29 =	simm.s32 $0x1100  }
0x42: {  	[tilespmem:s29], [sflag:$0x1] =	stream.indirect_vreg.gather [hbm4b:s1+s3], $0x80, v4, vm0, $0xb8;
	[tilespmem:$0x10100] =	vst v63  }
0x43: {  	s29 =	simm.s32 $0x1900  }
0x44: {  	[tilespmem:s29], [sflag:$0x1] =	stream.indirect_vreg.gather [hbm4b:s1+s3], $0x80, v3, vm0, $0xb8;
	[tilespmem:$0x10100] =	vst v63  }
0x45: {  	v3 =	vld [tilespmem:$0x20];
	_ =	sdelay $0x4  }
0x46: {  	v50 =	vshll.u32 v3, $0x1  }
0x47: {  	v3 =	vand.u32 $0x7, v3;
	v4 =	vand.u32 $0xFFFFFFF0, v50  }
0x48: {  	v3 =	vor.u32 v3, v4  }
0x49: {  	v4 =	vperm.xlane v3, v0;
	_ =	sdelay $0x1  }
0x4a: {  	v3 =	vperm.xlane v3, v2;
	v4 =	vadd.s32 v1, v4;
	_ =	sdelay $0x1  }
0x4b: {  	v3 =	vadd.s32 v1, v3;
	_ =	sdelay $0x1  }
0x4c: {  	s29 =	simm.s32 $0x2100  }
0x4d: {  	[tilespmem:s29], [sflag:$0x1] =	stream.indirect_vreg.gather [hbm4b:s1+s3], $0x80, v4, vm0, $0xb8;
	[tilespmem:$0x10100] =	vst v63  }
0x4e: {  	s29 =	simm.s32 $0x2900  }
0x4f: {  	[tilespmem:s29], [sflag:$0x1] =	stream.indirect_vreg.gather [hbm4b:s1+s3], $0x80, v3, vm0, $0xb8;
	[tilespmem:$0x10100] =	vst v63  }
0x50: {  	v3 =	vld [tilespmem:$0x30];
	_ =	sdelay $0x4  }
0x51: {  	v51 =	vshll.u32 v3, $0x1  }
0x52: {  	v3 =	vand.u32 $0x7, v3;
	v4 =	vand.u32 $0xFFFFFFF0, v51  }
0x53: {  	v3 =	vor.u32 v3, v4  }
0x54: {  	v4 =	vperm.xlane v3, v0;
	_ =	sdelay $0x1  }
0x55: {  	v3 =	vperm.xlane v3, v2;
	v4 =	vadd.s32 v1, v4;
	_ =	sdelay $0x1  }
0x56: {  	v3 =	vadd.s32 v1, v3;
	_ =	sdelay $0x1  }
0x57: {  	s29 =	simm.s32 $0x3100  }
0x58: {  	[tilespmem:s29], [sflag:$0x1] =	stream.indirect_vreg.gather [hbm4b:s1+s3], $0x80, v4, vm0, $0xb8;
	[tilespmem:$0x10100] =	vst v63  }
0x59: {  	s29 =	simm.s32 $0x3900  }
0x5a: {  	[tilespmem:s29], [sflag:$0x1] =	stream.indirect_vreg.gather [hbm4b:s1+s3], $0x80, v3, vm0, $0xb8;
	[tilespmem:$0x10100] =	vst v63  }
0x5b: {  	v3 =	vld [tilespmem:$0x40];
	_ =	sdelay $0x4  }
0x5c: {  	v52 =	vshll.u32 v3, $0x1  }
0x5d: {  	v3 =	vand.u32 $0x7, v3;
	v4 =	vand.u32 $0xFFFFFFF0, v52  }
0x5e: {  	v3 =	vor.u32 v3, v4  }
0x5f: {  	v4 =	vperm.xlane v3, v0;
	_ =	sdelay $0x1  }
0x60: {  	v3 =	vperm.xlane v3, v2;
	v4 =	vadd.s32 v1, v4;
	_ =	sdelay $0x1  }
0x61: {  	v3 =	vadd.s32 v1, v3;
	_ =	sdelay $0x1  }
0x62: {  	s29 =	simm.s32 $0x4100  }
0x63: {  	[tilespmem:s29], [sflag:$0x1] =	stream.indirect_vreg.gather [hbm4b:s1+s3], $0x80, v4, vm0, $0xb8;
	[tilespmem:$0x10100] =	vst v63  }
0x64: {  	s29 =	simm.s32 $0x4900  }
0x65: {  	[tilespmem:s29], [sflag:$0x1] =	stream.indirect_vreg.gather [hbm4b:s1+s3], $0x80, v3, vm0, $0xb8;
	[tilespmem:$0x10100] =	vst v63  }
0x66: {  	v3 =	vld [tilespmem:$0x50];
	_ =	sdelay $0x4  }
0x67: {  	v53 =	vshll.u32 v3, $0x1  }
0x68: {  	v3 =	vand.u32 $0x7, v3;
	v4 =	vand.u32 $0xFFFFFFF0, v53  }
0x69: {  	v3 =	vor.u32 v3, v4  }
0x6a: {  	v4 =	vperm.xlane v3, v0;
	_ =	sdelay $0x1  }
0x6b: {  	v3 =	vperm.xlane v3, v2;
	v4 =	vadd.s32 v1, v4;
	_ =	sdelay $0x1  }
0x6c: {  	v3 =	vadd.s32 v1, v3;
	_ =	sdelay $0x1  }
0x6d: {  	s29 =	simm.s32 $0x5100  }
0x6e: {  	[tilespmem:s29], [sflag:$0x1] =	stream.indirect_vreg.gather [hbm4b:s1+s3], $0x80, v4, vm0, $0xb8;
	[tilespmem:$0x10100] =	vst v63  }
0x6f: {  	s29 =	simm.s32 $0x5900  }
0x70: {  	[tilespmem:s29], [sflag:$0x1] =	stream.indirect_vreg.gather [hbm4b:s1+s3], $0x80, v3, vm0, $0xb8;
	[tilespmem:$0x10100] =	vst v63  }
0x71: {  	v3 =	vld [tilespmem:$0x60];
	_ =	sdelay $0x4  }
0x72: {  	v54 =	vshll.u32 v3, $0x1  }
0x73: {  	v3 =	vand.u32 $0x7, v3;
	v4 =	vand.u32 $0xFFFFFFF0, v54  }
0x74: {  	v3 =	vor.u32 v3, v4  }
0x75: {  	v4 =	vperm.xlane v3, v0;
	_ =	sdelay $0x1  }
0x76: {  	v3 =	vperm.xlane v3, v2;
	v4 =	vadd.s32 v1, v4;
	_ =	sdelay $0x1  }
0x77: {  	v3 =	vadd.s32 v1, v3;
	_ =	sdelay $0x1  }
0x78: {  	s29 =	simm.s32 $0x6100  }
0x79: {  	[tilespmem:s29], [sflag:$0x1] =	stream.indirect_vreg.gather [hbm4b:s1+s3], $0x80, v4, vm0, $0xb8;
	[tilespmem:$0x10100] =	vst v63  }
0x7a: {  	s29 =	simm.s32 $0x6900  }
0x7b: {  	[tilespmem:s29], [sflag:$0x1] =	stream.indirect_vreg.gather [hbm4b:s1+s3], $0x80, v3, vm0, $0xb8;
	[tilespmem:$0x10100] =	vst v63  }
0x7c: {  	v3 =	vld [tilespmem:$0x70];
	_ =	sdelay $0x4  }
0x7d: {  	v55 =	vshll.u32 v3, $0x1  }
0x7e: {  	v3 =	vand.u32 $0x7, v3;
	v4 =	vand.u32 $0xFFFFFFF0, v55  }
0x7f: {  	v3 =	vor.u32 v3, v4  }
0x80: {  	v4 =	vperm.xlane v3, v0;
	_ =	sdelay $0x1  }
0x81: {  	v3 =	vperm.xlane v3, v2;
	v4 =	vadd.s32 v1, v4;
	_ =	sdelay $0x1  }
0x82: {  	v3 =	vadd.s32 v1, v3;
	_ =	sdelay $0x1  }
0x83: {  	s29 =	simm.s32 $0x7100  }
0x84: {  	[tilespmem:s29], [sflag:$0x1] =	stream.indirect_vreg.gather [hbm4b:s1+s3], $0x80, v4, vm0, $0xb8;
	[tilespmem:$0x10100] =	vst v63  }
0x85: {  	s29 =	simm.s32 $0x7900  }
0x86: {  	[tilespmem:s29], [sflag:$0x1] =	stream.indirect_vreg.gather [hbm4b:s1+s3], $0x80, v3, vm0, $0xb8;
	[tilespmem:$0x10100] =	vst v63  }
0x87: {  	v3 =	vld [tilespmem:$0x80];
	_ =	sdelay $0x4  }
0x88: {  	v56 =	vshll.u32 v3, $0x1  }
0x89: {  	v3 =	vand.u32 $0x7, v3;
	v4 =	vand.u32 $0xFFFFFFF0, v56  }
0x8a: {  	v3 =	vor.u32 v3, v4  }
0x8b: {  	v4 =	vperm.xlane v3, v0;
	_ =	sdelay $0x1  }
0x8c: {  	v3 =	vperm.xlane v3, v2;
	v4 =	vadd.s32 v1, v4;
	_ =	sdelay $0x1  }
0x8d: {  	v3 =	vadd.s32 v1, v3;
	_ =	sdelay $0x2  }
0x8e: {  	[tilespmem:s30], [sflag:$0x2] =	stream.indirect_vreg.gather [hbm4b:s4+s3], $0x80, v4, vm0, $0xb8;
	[tilespmem:$0x10100] =	vst v63  }
0x8f: {  	s29 =	simm.s32 $0x8900  }
0x90: {  	[tilespmem:s29], [sflag:$0x2] =	stream.indirect_vreg.gather [hbm4b:s4+s3], $0x80, v3, vm0, $0xb8;
	[tilespmem:$0x10100] =	vst v63  }
0x91: {  	v3 =	vld [tilespmem:$0x90];
	_ =	sdelay $0x4  }
0x92: {  	v57 =	vshll.u32 v3, $0x1  }
0x93: {  	v3 =	vand.u32 $0x7, v3;
	v4 =	vand.u32 $0xFFFFFFF0, v57  }
0x94: {  	v3 =	vor.u32 v3, v4  }
0x95: {  	v4 =	vperm.xlane v3, v0;
	_ =	sdelay $0x1  }
0x96: {  	v3 =	vperm.xlane v3, v2;
	v4 =	vadd.s32 v1, v4;
	_ =	sdelay $0x1  }
0x97: {  	v3 =	vadd.s32 v1, v3;
	_ =	sdelay $0x2  }
0x98: {  	[tilespmem:s0], [sflag:$0x2] =	stream.indirect_vreg.gather [hbm4b:s4+s3], $0x80, v4, vm0, $0xb8;
	[tilespmem:$0x10100] =	vst v63  }
0x99: {  	_ = 	snop  }
0x9a: {  	[tilespmem:s2], [sflag:$0x2] =	stream.indirect_vreg.gather [hbm4b:s4+s3], $0x80, v3, vm0, $0xb8;
	[tilespmem:$0x10100] =	vst v63  }
0x9b: {  	v3 =	vld [tilespmem:$0xA0];
	_ =	sdelay $0x4  }
0x9c: {  	v58 =	vshll.u32 v3, $0x1  }
0x9d: {  	v3 =	vand.u32 $0x7, v3;
	v4 =	vand.u32 $0xFFFFFFF0, v58  }
0x9e: {  	v3 =	vor.u32 v3, v4  }
0x9f: {  	v4 =	vperm.xlane v3, v0;
	_ =	sdelay $0x1  }
0xa0: {  	v3 =	vperm.xlane v3, v2;
	v4 =	vadd.s32 v1, v4;
	_ =	sdelay $0x1  }
0xa1: {  	v3 =	vadd.s32 v1, v3;
	_ =	sdelay $0x2  }
0xa2: {  	[tilespmem:s6], [sflag:$0x2] =	stream.indirect_vreg.gather [hbm4b:s4+s3], $0x80, v4, vm0, $0xb8;
	[tilespmem:$0x10100] =	vst v63  }
0xa3: {  	_ = 	snop  }
0xa4: {  	[tilespmem:s5], [sflag:$0x2] =	stream.indirect_vreg.gather [hbm4b:s4+s3], $0x80, v3, vm0, $0xb8;
	[tilespmem:$0x10100] =	vst v63  }
0xa5: {  	v3 =	vld [tilespmem:$0xB0];
	_ =	sdelay $0x4  }
0xa6: {  	v59 =	vshll.u32 v3, $0x1  }
0xa7: {  	v3 =	vand.u32 $0x7, v3;
	v4 =	vand.u32 $0xFFFFFFF0, v59  }
0xa8: {  	v3 =	vor.u32 v3, v4  }
0xa9: {  	v4 =	vperm.xlane v3, v0;
	_ =	sdelay $0x1  }
0xaa: {  	v3 =	vperm.xlane v3, v2;
	v4 =	vadd.s32 v1, v4;
	_ =	sdelay $0x1  }
0xab: {  	v3 =	vadd.s32 v1, v3;
	_ =	sdelay $0x2  }
0xac: {  	[tilespmem:s9], [sflag:$0x2] =	stream.indirect_vreg.gather [hbm4b:s4+s3], $0x80, v4, vm0, $0xb8;
	[tilespmem:$0x10100] =	vst v63  }
0xad: {  	_ = 	snop  }
0xae: {  	[tilespmem:s10], [sflag:$0x2] =	stream.indirect_vreg.gather [hbm4b:s4+s3], $0x80, v3, vm0, $0xb8;
	[tilespmem:$0x10100] =	vst v63  }
0xaf: {  	v3 =	vld [tilespmem:$0xC0];
	_ =	sdelay $0x4  }
0xb0: {  	v60 =	vshll.u32 v3, $0x1  }
0xb1: {  	v3 =	vand.u32 $0x7, v3;
	v4 =	vand.u32 $0xFFFFFFF0, v60  }
0xb2: {  	v3 =	vor.u32 v3, v4  }
0xb3: {  	v4 =	vperm.xlane v3, v0;
	_ =	sdelay $0x1  }
0xb4: {  	v3 =	vperm.xlane v3, v2;
	v4 =	vadd.s32 v1, v4;
	_ =	sdelay $0x1  }
0xb5: {  	v3 =	vadd.s32 v1, v3;
	_ =	sdelay $0x2  }
0xb6: {  	[tilespmem:s12], [sflag:$0x2] =	stream.indirect_vreg.gather [hbm4b:s4+s3], $0x80, v4, vm0, $0xb8;
	[tilespmem:$0x10100] =	vst v63  }
0xb7: {  	_ = 	snop  }
0xb8: {  	[tilespmem:s14], [sflag:$0x2] =	stream.indirect_vreg.gather [hbm4b:s4+s3], $0x80, v3, vm0, $0xb8;
	[tilespmem:$0x10100] =	vst v63  }
0xb9: {  	v3 =	vld [tilespmem:$0xD0];
	_ =	sdelay $0x4  }
0xba: {  	v61 =	vshll.u32 v3, $0x1  }
0xbb: {  	v3 =	vand.u32 $0x7, v3;
	v4 =	vand.u32 $0xFFFFFFF0, v61  }
0xbc: {  	v3 =	vor.u32 v3, v4  }
0xbd: {  	v4 =	vperm.xlane v3, v0;
	_ =	sdelay $0x1  }
0xbe: {  	v3 =	vperm.xlane v3, v2;
	v4 =	vadd.s32 v1, v4;
	_ =	sdelay $0x1  }
0xbf: {  	v3 =	vadd.s32 v1, v3;
	_ =	sdelay $0x2  }
0xc0: {  	[tilespmem:s15], [sflag:$0x2] =	stream.indirect_vreg.gather [hbm4b:s4+s3], $0x80, v4, vm0, $0xb8;
	[tilespmem:$0x10100] =	vst v63  }
0xc1: {  	_ = 	snop  }
0xc2: {  	[tilespmem:s16], [sflag:$0x2] =	stream.indirect_vreg.gather [hbm4b:s4+s3], $0x80, v3, vm0, $0xb8;
	[tilespmem:$0x10100] =	vst v63  }
0xc3: {  	v3 =	vld [tilespmem:$0xE0];
	_ =	sdelay $0x4  }
0xc4: {  	v62 =	vshll.u32 v3, $0x1  }
0xc5: {  	v3 =	vand.u32 $0x7, v3;
	v4 =	vand.u32 $0xFFFFFFF0, v62  }
0xc6: {  	v3 =	vor.u32 v3, v4  }
0xc7: {  	v4 =	vperm.xlane v3, v0;
	_ =	sdelay $0x1  }
0xc8: {  	v3 =	vperm.xlane v3, v2;
	v4 =	vadd.s32 v1, v4;
	_ =	sdelay $0x1  }
0xc9: {  	v3 =	vadd.s32 v1, v3;
	_ =	sdelay $0x2  }
0xca: {  	[tilespmem:s17], [sflag:$0x2] =	stream.indirect_vreg.gather [hbm4b:s4+s3], $0x80, v4, vm0, $0xb8;
	[tilespmem:$0x10100] =	vst v63  }
0xcb: {  	_ = 	snop  }
0xcc: {  	[tilespmem:s18], [sflag:$0x2] =	stream.indirect_vreg.gather [hbm4b:s4+s3], $0x80, v3, vm0, $0xb8;
	[tilespmem:$0x10100] =	vst v63  }
0xcd: {  	v3 =	vld [tilespmem:$0xF0];
	_ =	sdelay $0x4  }
0xce: {  	v63 =	vshll.u32 v3, $0x1  }
0xcf: {  	v3 =	vand.u32 $0x7, v3;
	v4 =	vand.u32 $0xFFFFFFF0, v63  }
0xd0: {  	v3 =	vor.u32 v3, v4  }
0xd1: {  	v4 =	vperm.xlane v3, v0;
	_ =	sdelay $0x1  }
0xd2: {  	v3 =	vperm.xlane v3, v2;
	v4 =	vadd.s32 v1, v4;
	_ =	sdelay $0x1  }
0xd3: {  	v3 =	vadd.s32 v1, v3;
	_ =	sdelay $0x2  }
0xd4: {  	[tilespmem:s19], [sflag:$0x2] =	stream.indirect_vreg.gather [hbm4b:s4+s3], $0x80, v4, vm0, $0xb8;
	[tilespmem:$0x10100] =	vst v63  }
0xd5: {  	_ = 	snop  }
0xd6: {  	[tilespmem:s20], [sflag:$0x2] =	stream.indirect_vreg.gather [hbm4b:s4+s3], $0x80, v3, vm0, $0xb8;
	[tilespmem:$0x10100] =	vst v63  }
0xd7: {  	_ =	swait.ge [sflag:s21], $0x8000  }
0xd8: {  	[sflag:s21] =	ssyncset.done $0x0  }
0xd9: {  	[sflag:s21] =	ssyncadd.s32 $0xFFFF8000  }
0xda: {  	_ =	swait.ge [sflag:s22], $0x8000  }
0xdb: {  	[sflag:s22] =	ssyncset.done $0x0  }
0xdc: {  	[sflag:s22] =	ssyncadd.s32 $0xFFFF8000  }
0xdd: {  	[hbm4b:s25+s3] =	stream.linear.scatter [tilespmem:s13], [sflag:$0x4], $0x8000, $0x38;
	[tilespmem:$0x10100] =	vst v63  }
0xde: {  	_ =	swait.ge [sflag:s11], $0x8000  }
0xdf: {  	[sflag:s11] =	ssyncset.done $0x0  }
.Ltmp5:
0xe0: {  	[sflag:s11] =	ssyncadd.s32 $0xFFFF8000;
	(pc) =	sbr.rel .LBB2_4-.Ltmp5, $4  }
0xe1: {  	[hbm4b:s26+s3] =	stream.linear.scatter [tilespmem:s30], [sflag:$0x3], $0x8000, $0x38;
	[tilespmem:$0x10100] =	vst v63  }
0xe2: {  	_ =	swait.ge [sflag:s23], $0x8000  }
0xe3: {  	[sflag:s23] =	ssyncset.done $0x0  }
0xe4: {  	[sflag:s23] =	ssyncadd.s32 $0xFFFF8000  }
.LBB2_6:
0xe5: {  	_ =	sfence.sel $0x180000  }
0xe6: {  	[bflag:$0x0] =	sbarrier.arrive $0xFFFF  }
0xe7: {  	_ =	strace $0x90000053  }
0xe8: {  	s0 =	stileid.u32;
	[bflag:$0x2] =	sbarrier.arrive $0xFFFF  }
0xe9: {  	p0 =	sne.s32 s0, $0x0;
	s0 =	rddreg [dreg:$0x3]  }
0xea: {  	s0 =	sadd.s32 @!p0 $0x100000, s0  }
0xeb: {  	[sflag:s0] =	ssyncadd.tile.s32 @!p0 $0x1;
	_ =	shalt  }
.Lfunc_end2:
_tile_overlayer_lowered:
.L_overlay_start_2:
0xec: {  	(tag) =	ssettag $0x2  }
0xed: {  	s0 =	rddreg [dreg:$0x0];
	s2 =	stileid.u32  }
0xee: {  	s1 =	rddreg [dreg:$0x1];
	p0 =	sne.s32 s2, $0x0  }
0xef: {  	s3 =	rddreg [dreg:$0x2];
	[bflag:$0x3] =	sbarrier.arrive $0xFFFF;
	s2 =	simm.s32 @!p0 $0x1C03  }
0xf0: {  	[timem:s3], [sflag:s2] =	dma.local @!p0 [hbm:s0], s1  }
0xf1: {  	s0 =	simm.s32 @!p0 $0x3  }
0xf2: {  	_ =	swait.ge @!p0 [sflag:s0], s1  }
0xf3: {  	s1 =	ssub.s32 @!p0 $0x0, s1;
	[sflag:s0] =	ssyncset.done @!p0 $0x0  }
0xf4: {  	[sflag:s0] =	ssyncadd.s32 @!p0 s1  }
0xf5: {  	[bflag:$0x3] =	sbarrier.arrive $0xFFFF  }
0xf6: {  	_ =	shalt  }

// kernel: kernel.34.cloned.1.call-start
scs
__scs_entry_jumppad:
0x0: {  	(pc) =	sbr.rel $0x88, $3  }
0x1: {  	(tag) =	ssettag $0x0;
	lr =	simm.s32 $0x1  }
0x2: {  	[smem:$0x3F95] =	sst lr;
	_ =	strace $0xD0000000  }
0x3: {  	_ = 	snop  }
0x4: {  	_ = 	snop  }
0x5: {  	_ = 	snop  }
0x6: {  	_ = 	snop  }
0x7: {  	_ = 	snop  }
__scs_overlays_trampoline_lowered:
0x8: {  	[smem:$0x3FA4] =	sst s0  }
0x9: {  	[smem:$0x3FA5] =	sst s1  }
0xa: {  	[smem:$0x3FA6] =	sst s2  }
0xb: {  	[smem:$0x3FA7] =	sst s3  }
0xc: {  	[smem:$0x3FA8] =	sst s4  }
0xd: {  	[smem:$0x3FA9] =	sst s5  }
0xe: {  	[smem:$0x3FAA] =	sst s6  }
0xf: {  	[smem:$0x3FAB] =	sst s7  }
0x10: {  	[smem:$0x3FAC] =	sst s8  }
0x11: {  	[smem:$0x3FAD] =	sst s9;
	s0 =	simm.s32 @!p0 $0x0  }
0x12: {  	s1 =	sld [smem:$0x3F93];
	s0 =	simm.s32 @p0 $0x1  }
0x13: {  	[smem:$0x3FAE] =	sst s0;
	s0 =	simm.s32 @!p1 $0x0  }
0x14: {  	s2 =	sld [smem:$0x3F92];
	s0 =	simm.s32 @p1 $0x1  }
0x15: {  	[smem:$0x3FAF] =	sst s0;
	s0 =	simm.s32 @!p2 $0x0  }
0x16: {  	s3 =	sld [smem:$0x3FDB];
	s0 =	simm.s32 @p2 $0x1  }
0x17: {  	s4 =	simm.s32 $0x1BF5;
	[smem:$0x3FB1] =	sst s0  }
0x18: {  	s0 =	sld [smem:$0x3F94];
	_ =	swait.ge [sflag:s4], $0x0  }
0x19: {  	s7 =	sld [smem:$0x3F95]  }
0x1a: {  	s8 =	sadd.s32 $0xFFFFE003, lr  }
0x1b: {  	s9 =	sadd.s32 $0xFFFFFEF7, lr;
	s5 =	simm.s32 $0xFFFFFFFF;
	p2 =	slt.u32 s8, $0xFFFFF086  }
0x1c: {  	p1 =	slt.u32 s9, $0xF7A;
	s5 =	simm.s32 @!p2 $0x0  }
0x1d: {  	s5 =	simm.s32 @p1 $0x1;
	p0 =	seq.s32 s7, s2  }
0x1e: {  	s7 =	smul.u32 @!p0 $0xF7A, s2;
	p2 =	seq.s32 @!p0 s5, $0x0  }
0x1f: {  	s9 =	smul.u32 $0xF7A, s1;
	s8 =	simm.s32 @!p0 $0x1BF5;
	p2 =	por !p2, p0  }
0x20: {  	[sflag:s8] =	ssyncset.s32 @!p0 $0xFFFFF086;
	s6 =	sadd.s32 @!p0 s3, s7;
	s7 =	simm.s32 @!p0 $0x108  }
0x21: {  	s3 =	sadd.s32 s3, s9;
	s6 =	sadd.s32 @!p0 $0x88, s6;
	s7 =	simm.s32 @p2 $0x1082  }
0x22: {  	[simem:s7], [sflag:s8] =	dma.local @!p0 [hbm:s6], $0xF7A  }
0x23: {  	s9 =	sor.u32 $0xD0000000, s2;
	s6 =	simm.s32 $0x108;
	_ =	swait.ge @!p0 [sflag:s8], $0x0  }
0x24: {  	s3 =	sadd.s32 $0x88, s3;
	s6 =	simm.s32 @!p1 $0x1082;
	[sflag:s4] =	ssyncset.s32 $0xFFFFF086  }
0x25: {  	[simem:s6], [sflag:s4] =	dma.local [hbm:s3], $0xF7A  }
0x26: {  	[smem:$0x3F95] =	sst s1;
	(tag) =	ssettag s2;
	_ =	strace s9  }
0x27: {  	s1 =	sld [smem:$0x3FA5]  }
0x28: {  	s2 =	sld [smem:$0x3FA6]  }
0x29: {  	s4 =	sld [smem:$0x3FA8]  }
0x2a: {  	p0 =	seq.s32 s5, $0x0;
	s5 =	sld [smem:$0x3FA9]  }
0x2b: {  	s6 =	sld [smem:$0x3FAA]  }
0x2c: {  	s7 =	sld [smem:$0x3FAB]  }
0x2d: {  	s3 =	simm.s32 $0x108;
	s8 =	sld [smem:$0x3FAC]  }
0x2e: {  	s3 =	simm.s32 @!p0 $0x1082;
	s9 =	sld [smem:$0x3FAD]  }
0x2f: {  	lr =	sadd.s32 s0, s3;
	s0 =	sld [smem:$0x3FA4]  }
0x30: {  	s3 =	sld [smem:$0x3FA7]  }
0x31: {  	[smem:$0x3FB0] =	sst s10  }
0x32: {  	s10 =	sld [smem:$0x3FAE];
	_ =	sdelay $0x3  }
0x33: {  	p0 =	seq.s32 s10, $0x1;
	s10 =	sld [smem:$0x3FB0];
	_ =	sdelay $0x3  }
0x34: {  	[smem:$0x3FB0] =	sst s10  }
0x35: {  	s10 =	sld [smem:$0x3FAF];
	_ =	sdelay $0x3  }
0x36: {  	p1 =	seq.s32 s10, $0x1;
	s10 =	sld [smem:$0x3FB0];
	_ =	sdelay $0x3  }
0x37: {  	[smem:$0x3FB0] =	sst s10  }
0x38: {  	s10 =	sld [smem:$0x3FB1]  }
0x39: {  	_ = 	snop;
	(pc) =	sbr.ind lr, $3  }
0x3a: {  	_ = 	snop  }
0x3b: {  	_ = 	snop  }
0x3c: {  	p2 =	seq.s32 s10, $0x1;
	s10 =	sld [smem:$0x3FB0]  }
0x3d: {  	_ =	shalt  }
0x3e: {  	_ =	shalt  }
0x3f: {  	_ =	shalt  }
0x40: {  	_ =	shalt  }
0x41: {  	_ =	shalt  }
0x42: {  	_ =	shalt  }
0x43: {  	_ =	shalt  }
0x44: {  	_ =	shalt  }
0x45: {  	_ =	shalt  }
0x46: {  	_ =	shalt  }
0x47: {  	_ =	shalt  }
0x48: {  	_ =	shalt  }
0x49: {  	_ =	shalt  }
0x4a: {  	_ =	shalt  }
0x4b: {  	_ =	shalt  }
0x4c: {  	_ =	shalt  }
0x4d: {  	_ =	shalt  }
0x4e: {  	_ =	shalt  }
0x4f: {  	_ =	shalt  }
0x50: {  	_ =	shalt  }
0x51: {  	_ =	shalt  }
0x52: {  	_ =	shalt  }
0x53: {  	_ =	shalt  }
0x54: {  	_ =	shalt  }
0x55: {  	_ =	shalt  }
0x56: {  	_ =	shalt  }
0x57: {  	_ =	shalt  }
0x58: {  	_ =	shalt  }
0x59: {  	_ =	shalt  }
0x5a: {  	_ =	shalt  }
0x5b: {  	_ =	shalt  }
0x5c: {  	_ =	shalt  }
0x5d: {  	_ =	shalt  }
0x5e: {  	_ =	shalt  }
0x5f: {  	_ =	shalt  }
0x60: {  	_ =	shalt  }
0x61: {  	_ =	shalt  }
0x62: {  	_ =	shalt  }
0x63: {  	_ =	shalt  }
0x64: {  	_ =	shalt  }
0x65: {  	_ =	shalt  }
0x66: {  	_ =	shalt  }
0x67: {  	_ =	shalt  }
0x68: {  	_ =	shalt  }
0x69: {  	_ =	shalt  }
0x6a: {  	_ =	shalt  }
0x6b: {  	_ =	shalt  }
0x6c: {  	_ =	shalt  }
0x6d: {  	_ =	shalt  }
0x6e: {  	_ =	shalt  }
0x6f: {  	_ =	shalt  }
0x70: {  	_ =	shalt  }
0x71: {  	_ =	shalt  }
0x72: {  	_ =	shalt  }
0x73: {  	_ =	shalt  }
0x74: {  	_ =	shalt  }
0x75: {  	_ =	shalt  }
0x76: {  	_ =	shalt  }
0x77: {  	_ =	shalt  }
0x78: {  	_ =	shalt  }
0x79: {  	_ =	shalt  }
0x7a: {  	_ =	shalt  }
0x7b: {  	_ =	shalt  }
0x7c: {  	_ =	shalt  }
0x7d: {  	_ =	shalt  }
0x7e: {  	_ =	shalt  }
0x7f: {  	_ =	shalt  }
0x80: {  	_ =	shalt  }
0x81: {  	_ =	shalt  }
0x82: {  	_ =	shalt  }
0x83: {  	_ =	shalt  }
0x84: {  	_ =	shalt  }
0x85: {  	_ =	shalt  }
0x86: {  	_ =	shalt  }
0x87: {  	_ =	shalt  }
.Lfunc_end0:
.L_simem_size_0:
called_computation.5_lowered:
.L_overlay_start_0:
0x88: {  	s2 =	sld [smem:$0x3FD9]  }
0x89: {  	s3 =	sld [smem:$0x3FFE];
	_ =	sdelay $0x1  }
0x8a: {  	s1 =	srdreg.scid  }
0x8b: {  	s0 =	sand.u32 $0x1, s1  }
0x8c: {  	s17 =	sshll.u32 s0, $0xA;
	s2 =	sadd.s32 s3, s2  }
0x8d: {  	s2 =	sadd.s32 s2, s17  }
0x8e: {  	[smem:$0x3FBC] =	sst s2  }
0x8f: {  	_ = 	snop  }
0x90: {  	s2 =	sld [smem:$0x3FD0];
	(tm) =	ssettm $0x1  }
0x91: {  	s18 =	sld [smem:$0x3FFB];
	_ =	sdelay $0x3  }
0x92: {  	_ =	strace s18  }
0x93: {  	s3 =	sld [smem:$0x3FFC];
	_ =	sdelay $0x3  }
0x94: {  	_ =	strace s3  }
0x95: {  	s3 =	sld [smem:$0x3FFD];
	_ =	sdelay $0x3  }
0x96: {  	_ =	strace s3  }
0x97: {  	_ =	strace $0x8FFFFFFF  }
0x98: {  	s19 =	sld [smem:$0x3FDB];
	_ =	sdelay $0x1  }
0x99: {  	s4 =	simm.s32 $_scs_section_size  }
0x9a: {  	s5 =	simm.s32 $_size__tile_overlayer_lowered;
	s6 =	simm.s32 $_tile_overlayer_lowered  }
0x9b: {  	s22 =	simm.s32 $0x1BFF;
	s21 =	sshll.u32 s6, $0x1;
	s3 =	sadd.s32 s4, s19  }
0x9c: {  	s7 =	simm.s32 $0x0;
	s20 =	sshll.u32 s5, $0x1;
	s5 =	sadd.s32 s21, s3  }
0x9d: {  	[timem:s7], [sflag:s22] =	dma.local [hbm:s5], s20  }
0x9e: {  	_ =	swait.ge [sflag:s22], s20  }
0x9f: {  	s4 =	ssub.s32 $0x0, s20;
	[sflag:s22] =	ssyncset.done $0x0  }
0xa0: {  	[sflag:s22] =	ssyncadd.s32 s4;
	_ =	sdelay $0x1  }
0xa1: {  	s23 =	simm.s32 $0x1B8B  }
0xa2: {  	_ =	swait.ge [sflag:s23], $0x1  }
0xa3: {  	[sflag:s23] =	ssyncset.done $0x0  }
0xa4: {  	s25 =	simm.s32 $0x1B8E;
	s24 =	sld [smem:$0x3FFE];
	[sflag:s23] =	ssyncadd.s32 $0xFFFFFFFF  }
0xa5: {  	s26 =	simm.s32 $execute0_lowered;
	[smem:$0x3FD2] =	sst s25  }
0xa6: {  	s5 =	sshll.u32 s26, $0x1;
	_ =	strace $0x80000055;
	[dreg:$0x1] =	wrdreg $0xFFFFFFFF  }
0xa7: {  	s28 =	simm.s32 $_size_execute0_lowered;
	s3 =	sadd.s32 s3, s5;
	[dreg:$0x0] =	wrdreg $0x0  }
0xa8: {  	s5 =	sshll.u32 s28, $0x1;
	[dreg:$0x2] =	wrdreg s3  }
0xa9: {  	[dreg:$0x3] =	wrdreg s5  }
0xaa: {  	[dreg:$0x4] =	wrdreg $0xC0  }
0xab: {  	_ =	task [dreg:s7], $0x5FFFF  }
0xac: {  	[dreg:$0x1] =	wrdreg $0xFFFFFFFF  }
0xad: {  	[dreg:$0x0] =	wrdreg $0x60  }
0xae: {  	[dreg:$0x2] =	wrdreg s24  }
0xaf: {  	[dreg:$0x3] =	wrdreg s2  }
0xb0: {  	[dreg:$0x4] =	wrdreg $0x68800  }
0xb1: {  	[dreg:$0x5] =	wrdreg $0x9  }
0xb2: {  	_ =	task.clear_ibuf [dreg:s7], $0x6FFFF;
	_ =	strace $0x90000055  }
0xb3: {  	s29 =	simm.s32 $0x9;
	_ =	strace $0x80000057  }
0xb4: {  	_ =	swait.ge [sflag:s29], $0x1  }
0xb5: {  	[sflag:s29] =	ssyncadd.s32 $0xFFFFFFFF  }
0xb6: {  	_ =	strace $0x90000057  }
0xb7: {  	_ =	sfence  }
0xb8: {  	s30 =	sld [smem:$0x0];
	_ =	sdelay $0x2  }
0xb9: {  	s31 =	sshll.u32 s1, $0xD;
	s1 =	sshrl.u32 s1, $0x2  }
0xba: {  	s3 =	sand.u32 $0x4000, s31;
	s1 =	sadd.s32 s1, s30  }
0xbb: {  	s0 =	sor.u32 s3, s0;
	s1 =	sshll.u32 s1, $0x11  }
0xbc: {  	s0 =	sor.u32 s1, s0  }
0xbd: {  	s0 =	sadd.s32 $0x8F2B, s0  }
0xbe: {  	[sflag:s0] =	ssyncadd.remote.s32 $0x1  }
0xbf: {  	_ =	sfence.sel $0xFFFF  }
0xc0: {  	[dreg:$0x0] =	wrdreg $0xFFFFFFFF;
	(pc) =	sbr.abs _section_cstart, $3  }
0xc1: {  	[dreg:$0x1] =	wrdreg $0xFFFFFFFF  }
0xc2: {  	_ =	task.clear_ibuf [dreg:s7], $0x2FFFF;
	_ =	strace $0x9FFFFFFF  }
0xc3: {  	(tm) =	ssettm $0x7FFFFFFF  }
tec
execute0_lowered:
.L_overlay_start_1:
0x0: {  	(tag) =	ssettag $0x1  }
0x1: {  	s1 =	simm.s32 $0x0  }
0x2: {  	[smem:$0x7FF] =	sst s1;
	s1 =	stileid.u32  }
0x3: {  	s30 =	smul.u32 $0xA000, s1  }
0x4: {  	s0 =	rddreg [dreg:$0x0];
	s5 =	sor.u32 $0x10, s1;
	s19 =	smul.u32 $0x5000, s1  }
0x5: {  	s20 =	rddreg [dreg:$0x1];
	s7 =	sor.u32 $0x20, s1;
	s6 =	smul.u32 $0xA000, s5  }
0x6: {  	s2 =	rddreg [dreg:$0x2];
	s10 =	sor.u32 $0x30, s1;
	s9 =	smul.u32 $0xA000, s7  }
0x7: {  	s8 =	srdreg.scid;
	s12 =	sor.u32 $0x40, s1;
	s11 =	smul.u32 $0xA000, s10  }
0x8: {  	s29 =	simm.s32 $0x0;
	s15 =	sor.u32 $0x50, s1;
	s14 =	smul.u32 $0xA000, s12  }
0x9: {  	s8 =	sand.u32 $0x1, s8;
	_ =	strace $0x80000056;
	s17 =	smul.u32 $0xA000, s15  }
0xa: {  	s3 =	sshll.u32 s1, $0xC;
	s4 =	sshll.u32 s1, $0x4;
	s23 =	smul.u32 $0x5000, s5  }
0xb: {  	s13 =	ssub.s32 $0x2, s8;
	s18 =	sor.u32 $0x60, s1;
	s24 =	smul.u32 $0x5000, s7  }
0xc: {  	s22 =	sshll.u32 s8, $0x7;
	s21 =	sadd.s32 s3, s0;
	s10 =	smul.u32 $0x5000, s10  }
0xd: {  	s16 =	sshrl.u32 s13, $0x1;
	s0 =	sadd.s32 s4, s0;
	s26 =	smul.u32 $0x5000, s12  }
0xe: {  	s31 =	ssub.s32 s13, s16;
	s13 =	smul.u32 $0xA000, s18;
	s16 =	sshll.u32 s8, $0xA  }
0xf: {  	s3 =	sshrl.u32 s30, $0x2;
	s30 =	smul.u32 $0x5000, s15;
	s4 =	smax.u32 s31, $0x1  }
0x10: {  	s5 =	sadd.s32 s3, s2;
	s8 =	sshrl.u32 s6, $0x2;
	s9 =	sshrl.u32 s9, $0x2  }
0x11: {  	s25 =	sshrl.u32 s11, $0x2;
	s3 =	sshrl.u32 s14, $0x2;
	s14 =	sor.u32 s16, s19  }
0x12: {  	s31 =	smul.u32 $0x5000, s18;
	s15 =	sor.u32 s16, s23;
	s18 =	sor.u32 s16, s24  }
0x13: {  	s23 =	sor.u32 s16, s10;
	s24 =	sor.u32 s16, s26;
	[dreg:$0x4] =	wrdreg s4  }
0x14: {  	s6 =	sadd.s32 s8, s2;
	s7 =	sadd.s32 s9, s2;
	s8 =	sadd.s32 s25, s2  }
0x15: {  	s25 =	sor.u32 $0x70, s1;
	s26 =	sor.u32 s16, s30;
	s9 =	sadd.s32 s3, s2  }
0x16: {  	s14 =	sshrl.u32 s14, $0x3;
	s15 =	sshrl.u32 s15, $0x3;
	s4 =	smul.u32 $0x5000, s25  }
0x17: {  	s28 =	sor.u32 s16, s31;
	s30 =	smul.u32 $0xA000, s25;
	s31 =	sshrl.u32 s17, $0x2  }
0x18: {  	s3 =	sadd.s32 s20, s14;
	s17 =	sshrl.u32 s18, $0x3;
	s18 =	sshrl.u32 s23, $0x3  }
0x19: {  	s23 =	sshrl.u32 s24, $0x3;
	s24 =	sshrl.u32 s26, $0x3;
	p0 =	sgt.u32 s25, $0x7C  }
0x1a: {  	s25 =	simm.s32 $0x8;
	s10 =	sadd.s32 s31, s2;
	[dreg:$0x5] =	wrdreg s3  }
0x1b: {  	s3 =	sadd.s32 s20, s17;
	s17 =	sadd.s32 s20, s23;
	s26 =	sshrl.u32 s28, $0x3  }
0x1c: {  	s31 =	sadd.s32 s22, s21;
	s21 =	sadd.s32 $0xAA00, s0;
	s23 =	simm.s32 $0x4080  }
0x1d: {  	s28 =	simm.s32 $0x80;
	s19 =	sor.u32 s16, s4;
	s4 =	sshrl.u32 s13, $0x2  }
0x1e: {  	s13 =	sshrl.u32 s30, $0x2;
	s16 =	sadd.s32 s20, s15;
	[dreg:$0x7] =	wrdreg s3  }
0x1f: {  	s3 =	sadd.s32 s20, s18;
	s18 =	sadd.s32 s20, s24;
	s22 =	sadd.s32 $0x7B2C00, s31  }
0x20: {  	s24 =	simm.s32 $0x1;
	s11 =	sadd.s32 s4, s2;
	[dreg:$0x6] =	wrdreg s16  }
0x21: {  	s12 =	sadd.s32 s13, s2;
	[dreg:$0x8] =	wrdreg s3;
	s30 =	sshrl.u32 s19, $0x3  }
0x22: {  	v0 =	vimm.f32 $0.0e+00;
	s19 =	sadd.s32 s20, s26;
	s26 =	simm.s32 $0x100;
	s20 =	sadd.s32 s20, s30  }
.LBB2_1:
0x23: {  	s3 =	simm.s32 $0x0  }
0x24: {  	s0 =	sand.u32 $0xFE00, s3  }
0x25: {  	s3 =	sand.u32 $0x70, s3;
	s30 =	sshrl.u32 s0, $0x2  }
0x26: {  	s0 =	simm.s32 $0x40;
	s30 =	sor.u32 s3, s30;
	s3 =	simm.s32 $0x0  }
.LBB2_2:
0x27: {  	p1 =	sne.s32 s0, $0x9FC0  }
0x28: {  	[tilespmem:s30+$0x4080] =	vst v0;
	s3 =	sadd.s32 $0x10, s3;
	s30 =	smov.u32 s0;
	s0 =	sadd.s32 $0x40, s0  }
.Ltmp0:
0x29: {  	(pc) =	sbr.rel @p1 .LBB2_2-.Ltmp0, $4  }
0x2a: {  	_ = 	snop  }
0x2b: {  	s30 =	sand.u32 $0xFE00, s30  }
0x2c: {  	s31 =	sand.u32 $0x70, s3;
	s30 =	sshrl.u32 s30, $0x2  }
0x2d: {  	s30 =	sor.u32 s31, s30  }
0x2e: {  	[tilespmem:s30+$0x4080] =	vst v0  }
0x2f: {  	[spmem:s5] =	stream.linear.scatter [tilespmem:s23], [sflag:$0x1], $0x2800, $0x38;
	[tilespmem:$0x1A100] =	vst v63  }
0x30: {  	_ =	swait.ge [sflag:s24], $0x2800  }
0x31: {  	[sflag:s24] =	ssyncset.done $0x0  }
0x32: {  	[sflag:s24] =	ssyncadd.s32 $0xFFFFD800  }
0x33: {  	[spmem:s6] =	stream.linear.scatter [tilespmem:s23], [sflag:$0x1], $0x2800, $0x38;
	[tilespmem:$0x1A100] =	vst v63  }
0x34: {  	_ =	swait.ge [sflag:s24], $0x2800  }
0x35: {  	[sflag:s24] =	ssyncset.done $0x0  }
0x36: {  	[sflag:s24] =	ssyncadd.s32 $0xFFFFD800  }
0x37: {  	[spmem:s7] =	stream.linear.scatter [tilespmem:s23], [sflag:$0x1], $0x2800, $0x38;
	[tilespmem:$0x1A100] =	vst v63  }
0x38: {  	_ =	swait.ge [sflag:s24], $0x2800  }
0x39: {  	[sflag:s24] =	ssyncset.done $0x0  }
0x3a: {  	[sflag:s24] =	ssyncadd.s32 $0xFFFFD800  }
0x3b: {  	[spmem:s8] =	stream.linear.scatter [tilespmem:s23], [sflag:$0x1], $0x2800, $0x38;
	[tilespmem:$0x1A100] =	vst v63  }
0x3c: {  	_ =	swait.ge [sflag:s24], $0x2800  }
0x3d: {  	[sflag:s24] =	ssyncset.done $0x0  }
0x3e: {  	[sflag:s24] =	ssyncadd.s32 $0xFFFFD800  }
0x3f: {  	[spmem:s9] =	stream.linear.scatter [tilespmem:s23], [sflag:$0x1], $0x2800, $0x38;
	[tilespmem:$0x1A100] =	vst v63  }
0x40: {  	_ =	swait.ge [sflag:s24], $0x2800  }
0x41: {  	[sflag:s24] =	ssyncset.done $0x0  }
0x42: {  	[sflag:s24] =	ssyncadd.s32 $0xFFFFD800  }
0x43: {  	[spmem:s10] =	stream.linear.scatter [tilespmem:s23], [sflag:$0x1], $0x2800, $0x38;
	[tilespmem:$0x1A100] =	vst v63  }
0x44: {  	_ =	swait.ge [sflag:s24], $0x2800  }
0x45: {  	[sflag:s24] =	ssyncset.done $0x0  }
0x46: {  	[sflag:s24] =	ssyncadd.s32 $0xFFFFD800  }
0x47: {  	[spmem:s11] =	stream.linear.scatter [tilespmem:s23], [sflag:$0x1], $0x2800, $0x38;
	[tilespmem:$0x1A100] =	vst v63  }
0x48: {  	_ =	swait.ge [sflag:s24], $0x2800  }
0x49: {  	[sflag:s24] =	ssyncset.done $0x0  }
0x4a: {  	s0 =	simm.s32 @!p0 $0x4080;
	[sflag:s24] =	ssyncadd.s32 $0xFFFFD800  }
0x4b: {  	[spmem:s12] =	stream.linear.scatter @!p0 [tilespmem:s0], [sflag:$0x1], $0x2800, $0x38;
	[tilespmem:$0x1A100] =	vst v63  }
0x4c: {  	s0 =	simm.s32 @!p0 $0x1  }
0x4d: {  	_ =	swait.ge @!p0 [sflag:s0], $0x2800  }
0x4e: {  	s3 =	sadd.s32 $0x0, s1;
	[sflag:s0] =	ssyncset.done @!p0 $0x0  }
0x4f: {  	p1 =	sgt.u32 s3, $0x4E1;
	[sflag:s0] =	ssyncadd.s32 @!p0 $0xFFFFD800  }
0x50: {  	s3 =	simm.s32 @!p1 $0x2;
	s0 =	simm.s32 @!p1 $0x0;
	[bflag:$0x0] =	sbarrier.arrive $0xFFFF  }
0x51: {  	[tilespmem:s0], [sflag:$0x2] =	stream.linear.gather @!p1 [hbm4b:s21+s0], $0x80, $0x38;
	[tilespmem:$0x1A100] =	vst v63  }
0x52: {  	_ =	swait.ge @!p1 [sflag:s3], $0x80  }
0x53: {  	s30 =	simm.s32 @!p1 $0x80;
	[sflag:s3] =	ssyncset.done @!p1 $0x0  }
0x54: {  	s31 =	simm.s32 @!p1 $0x400;
	s4 =	simm.s32 @!p1 $0x800;
	[sflag:s3] =	ssyncadd.s32 @!p1 $0xFFFFFF80  }
0x55: {  	[tilespmem:s30], [sflag:$0x2] =	stream.strided.gather @!p1 [hbm4b:s22+s31], $0x4000, s4, s31, $0x38;
	[tilespmem:$0x1A100] =	vst v63  }
0x56: {  	p2 =	por p1, p1;
	_ =	swait.ge @!p1 [sflag:s3], $0x4000  }
0x57: {  	[sflag:s3] =	ssyncset.done @!p2 $0x0  }
0x58: {  	s16 =	sadd.s32 $0x10, s1;
	[sflag:s3] =	ssyncadd.s32 @!p2 $0xFFFFC000;
	s3 =	simm.s32 @!p2 $0x1  }
0x59: {  	[spmem:s2] =	stream.indirect.scatter.add.f32 @!p2 [tilespmem:s30], [sflag:$0x1], $0x80, s0, s30, $0xb8;
	[tilespmem:$0x1A100] =	vst v63  }
0x5a: {  	s31 =	simm.s32 $0x20;
	p1 =	sgt.u32 s16, $0x4E1;
	_ =	swait.ge @!p2 [sflag:s3], $0x4000  }
0x5b: {  	s30 =	sadd.s32 $0x10000, s22;
	s0 =	sadd.s32 $0x100, s21;
	[sflag:s3] =	ssyncset.done @!p2 $0x0  }
.LBB2_4:
0x5c: {  	s4 =	simm.s32 @!p1 $0x0;
	s13 =	simm.s32 @!p1 $0x2;
	[sflag:s3] =	ssyncadd.s32 @!p2 $0xFFFFC000  }
0x5d: {  	[tilespmem:s4], [sflag:$0x2] =	stream.linear.gather @!p1 [hbm4b:s0+s4], $0x80, $0x38;
	[tilespmem:$0x1A100] =	vst v63  }
0x5e: {  	s14 =	smov.u32 s31;
	s31 =	sadd.s32 $0x10, s31;
	_ =	swait.ge @!p1 [sflag:s13], $0x80  }
0x5f: {  	s15 =	simm.s32 @!p1 $0x80;
	p3 =	sne.s32 s31, $0x4F0;
	[sflag:s13] =	ssyncset.done @!p1 $0x0  }
0x60: {  	s3 =	simm.s32 @!p1 $0x400;
	s16 =	simm.s32 @!p1 $0x800;
	[sflag:s13] =	ssyncadd.s32 @!p1 $0xFFFFFF80  }
0x61: {  	[tilespmem:s15], [sflag:$0x2] =	stream.strided.gather @!p1 [hbm4b:s30+s3], $0x4000, s16, s3, $0x38;
	[tilespmem:$0x1A100] =	vst v63  }
0x62: {  	p2 =	por p1, p1;
	_ =	swait.ge @!p1 [sflag:s13], $0x4000  }
.Ltmp1:
0x63: {  	[sflag:s13] =	ssyncset.done @!p2 $0x0;
	(pc) =	sbr.rel @p3 .LBB2_4-.Ltmp1, $4  }
0x64: {  	s3 =	simm.s32 @!p2 $0x1;
	[sflag:s13] =	ssyncadd.s32 @!p2 $0xFFFFC000  }
0x65: {  	[spmem:s2] =	stream.indirect.scatter.add.f32 @!p2 [tilespmem:s15], [sflag:$0x1], $0x80, s4, s15, $0xb8;
	[tilespmem:$0x1A100] =	vst v63  }
0x66: {  	s30 =	sadd.s32 $0x10000, s30;
	s4 =	sadd.s32 s14, s1;
	_ =	swait.ge @!p2 [sflag:s3], $0x4000  }
0x67: {  	s0 =	sadd.s32 $0x100, s0;
	p1 =	sgt.u32 s4, $0x4E1;
	[sflag:s3] =	ssyncset.done @!p2 $0x0  }
0x68: {  	s4 =	simm.s32 @!p1 $0x0;
	s13 =	simm.s32 @!p1 $0x2;
	[sflag:s3] =	ssyncadd.s32 @!p2 $0xFFFFC000  }
0x69: {  	[tilespmem:s4], [sflag:$0x2] =	stream.linear.gather @!p1 [hbm4b:s0+s4], $0x80, $0x38;
	[tilespmem:$0x1A100] =	vst v63  }
0x6a: {  	_ =	swait.ge @!p1 [sflag:s13], $0x80  }
0x6b: {  	s3 =	simm.s32 @!p1 $0x400;
	[sflag:s13] =	ssyncset.done @!p1 $0x0  }
0x6c: {  	s14 =	simm.s32 @!p1 $0x800;
	s0 =	simm.s32 @!p1 $0x80;
	[sflag:s13] =	ssyncadd.s32 @!p1 $0xFFFFFF80  }
0x6d: {  	[tilespmem:s0], [sflag:$0x2] =	stream.strided.gather @!p1 [hbm4b:s30+s3], $0x4000, s14, s3, $0x38;
	[tilespmem:$0x1A100] =	vst v63  }
0x6e: {  	_ =	swait.ge @!p1 [sflag:s13], $0x4000;
	p1 =	por p1, p1  }
0x6f: {  	[sflag:s13] =	ssyncset.done @!p1 $0x0  }
0x70: {  	s3 =	simm.s32 @!p1 $0x1;
	[sflag:s13] =	ssyncadd.s32 @!p1 $0xFFFFC000  }
0x71: {  	[spmem:s2] =	stream.indirect.scatter.add.f32 @!p1 [tilespmem:s0], [sflag:$0x1], $0x80, s4, s0, $0xb8;
	[tilespmem:$0x1A100] =	vst v63  }
0x72: {  	_ =	swait.ge @!p1 [sflag:s3], $0x4000  }
0x73: {  	[sflag:s3] =	ssyncset.done @!p1 $0x0  }
0x74: {  	[sflag:s3] =	ssyncadd.s32 @!p1 $0xFFFFC000  }
0x75: {  	s4 =	sshll.u32 s1, $0x6;
	[bflag:$0x0] =	sbarrier.arrive $0xFFFF  }
0x76: {  	s13 =	sshrl.u32 s5, $0x3;
	s0 =	sor.u32 $0x1C01, s4;
	s14 =	rddreg [dreg:$0x5]  }
0x77: {  	[hbm:s14@s26], [sflag:s0] =	dma.strided [spmem:s13@s28], $0x500, s25, $0x10   }
0x78: {  	_ =	swait.ge [sflag:s24], $0x500  }
0x79: {  	[sflag:s24] =	ssyncset.done $0x0  }
0x7a: {  	s15 =	sshrl.u32 s6, $0x3;
	s16 =	rddreg [dreg:$0x6];
	[sflag:s24] =	ssyncadd.s32 $0xFFFFFB00  }
0x7b: {  	[hbm:s16@s26], [sflag:s0] =	dma.strided [spmem:s15@s28], $0x500, s25, $0x10   }
0x7c: {  	_ =	swait.ge [sflag:s24], $0x500  }
0x7d: {  	[sflag:s24] =	ssyncset.done $0x0  }
0x7e: {  	s30 =	sshrl.u32 s7, $0x3;
	s31 =	rddreg [dreg:$0x7];
	[sflag:s24] =	ssyncadd.s32 $0xFFFFFB00  }
0x7f: {  	[hbm:s31@s26], [sflag:s0] =	dma.strided [spmem:s30@s28], $0x500, s25, $0x10   }
0x80: {  	_ =	swait.ge [sflag:s24], $0x500  }
0x81: {  	[sflag:s24] =	ssyncset.done $0x0  }
0x82: {  	s13 =	sshrl.u32 s8, $0x3;
	s14 =	rddreg [dreg:$0x8];
	[sflag:s24] =	ssyncadd.s32 $0xFFFFFB00  }
0x83: {  	[hbm:s14@s26], [sflag:s0] =	dma.strided [spmem:s13@s28], $0x500, s25, $0x10   }
0x84: {  	_ =	swait.ge [sflag:s24], $0x500  }
0x85: {  	[sflag:s24] =	ssyncset.done $0x0  }
0x86: {  	s15 =	sshrl.u32 s9, $0x3;
	[sflag:s24] =	ssyncadd.s32 $0xFFFFFB00  }
0x87: {  	[hbm:s17@s26], [sflag:s0] =	dma.strided [spmem:s15@s28], $0x500, s25, $0x10   }
0x88: {  	_ =	swait.ge [sflag:s24], $0x500  }
0x89: {  	[sflag:s24] =	ssyncset.done $0x0  }
0x8a: {  	s16 =	sshrl.u32 s10, $0x3;
	[sflag:s24] =	ssyncadd.s32 $0xFFFFFB00  }
0x8b: {  	[hbm:s18@s26], [sflag:s0] =	dma.strided [spmem:s16@s28], $0x500, s25, $0x10   }
0x8c: {  	_ =	swait.ge [sflag:s24], $0x500  }
0x8d: {  	[sflag:s24] =	ssyncset.done $0x0  }
0x8e: {  	s30 =	sshrl.u32 s11, $0x3;
	[sflag:s24] =	ssyncadd.s32 $0xFFFFFB00  }
0x8f: {  	[hbm:s19@s26], [sflag:s0] =	dma.strided [spmem:s30@s28], $0x500, s25, $0x10   }
0x90: {  	_ =	swait.ge [sflag:s24], $0x500  }
0x91: {  	s4 =	simm.s32 @!p0 $0x8;
	s3 =	sshrl.u32 @!p0 s12, $0x3;
	[sflag:s24] =	ssyncset.done $0x0  }
0x92: {  	s13 =	simm.s32 @!p0 $0x100;
	s14 =	simm.s32 @!p0 $0x80;
	[sflag:s24] =	ssyncadd.s32 $0xFFFFFB00  }
0x93: {  	[hbm:s20@s13], [sflag:s0] =	dma.strided @!p0 [spmem:s3@s14], $0x500, s4, $0x10   }
0x94: {  	s0 =	simm.s32 @!p0 $0x1  }
0x95: {  	_ =	swait.ge @!p0 [sflag:s0], $0x500  }
0x96: {  	s29 =	sadd.s32 $0x1, s29;
	s31 =	rddreg [dreg:$0x4]  }
0x97: {  	p1 =	sne.s32 s29, s31  }
.Ltmp2:
0x98: {  	_ = 	snop;
	(pc) =	sbr.rel @p1 .LBB2_1-.Ltmp2, $3  }
0x99: {  	_ =	sdelay $0x1  }
0x9a: {  	[sflag:s0] =	ssyncset.done @!p0 $0x0  }
0x9b: {  	[sflag:s0] =	ssyncadd.s32 @!p0 $0xFFFFFB00  }
0x9c: {  	_ =	sfence.sel $0x180000  }
0x9d: {  	[bflag:$0x0] =	sbarrier.arrive $0xFFFF  }
0x9e: {  	_ =	strace $0x90000056  }
0x9f: {  	[bflag:$0x2] =	sbarrier.arrive $0xFFFF  }
0xa0: {  	p0 =	sne.s32 s1, $0x0;
	s0 =	rddreg [dreg:$0x3]  }
0xa1: {  	s0 =	sadd.s32 @!p0 $0x100000, s0  }
0xa2: {  	[sflag:s0] =	ssyncadd.tile.s32 @!p0 $0x1;
	_ =	shalt  }
.Lfunc_end2:
_tile_overlayer_lowered:
.L_overlay_start_2:
0xa3: {  	(tag) =	ssettag $0x2  }
0xa4: {  	s0 =	rddreg [dreg:$0x0];
	s2 =	stileid.u32  }
0xa5: {  	s1 =	rddreg [dreg:$0x1];
	p0 =	sne.s32 s2, $0x0  }
0xa6: {  	s3 =	rddreg [dreg:$0x2];
	[bflag:$0x3] =	sbarrier.arrive $0xFFFF;
	s2 =	simm.s32 @!p0 $0x1C01  }
0xa7: {  	[timem:s3], [sflag:s2] =	dma.local @!p0 [hbm:s0], s1  }
0xa8: {  	s0 =	simm.s32 @!p0 $0x1  }
0xa9: {  	_ =	swait.ge @!p0 [sflag:s0], s1  }
0xaa: {  	s1 =	ssub.s32 @!p0 $0x0, s1;
	[sflag:s0] =	ssyncset.done @!p0 $0x0  }
0xab: {  	[sflag:s0] =	ssyncadd.s32 @!p0 s1  }
0xac: {  	[bflag:$0x3] =	sbarrier.arrive $0xFFFF  }
0xad: {  	_ =	shalt  }

// kernel: kernel.37.cloned.1.call-start
scs
__scs_entry_jumppad:
0x0: {  	(pc) =	sbr.rel $0x88, $3  }
0x1: {  	(tag) =	ssettag $0x0;
	lr =	simm.s32 $0x1  }
0x2: {  	[smem:$0x3F95] =	sst lr;
	_ =	strace $0xD0000000  }
0x3: {  	_ = 	snop  }
0x4: {  	_ = 	snop  }
0x5: {  	_ = 	snop  }
0x6: {  	_ = 	snop  }
0x7: {  	_ = 	snop  }
__scs_overlays_trampoline_lowered:
0x8: {  	[smem:$0x3FA4] =	sst s0  }
0x9: {  	[smem:$0x3FA5] =	sst s1  }
0xa: {  	[smem:$0x3FA6] =	sst s2  }
0xb: {  	[smem:$0x3FA7] =	sst s3  }
0xc: {  	[smem:$0x3FA8] =	sst s4  }
0xd: {  	[smem:$0x3FA9] =	sst s5  }
0xe: {  	[smem:$0x3FAA] =	sst s6  }
0xf: {  	[smem:$0x3FAB] =	sst s7  }
0x10: {  	[smem:$0x3FAC] =	sst s8  }
0x11: {  	[smem:$0x3FAD] =	sst s9;
	s0 =	simm.s32 @!p0 $0x0  }
0x12: {  	s1 =	sld [smem:$0x3F93];
	s0 =	simm.s32 @p0 $0x1  }
0x13: {  	[smem:$0x3FAE] =	sst s0;
	s0 =	simm.s32 @!p1 $0x0  }
0x14: {  	s2 =	sld [smem:$0x3F92];
	s0 =	simm.s32 @p1 $0x1  }
0x15: {  	[smem:$0x3FAF] =	sst s0;
	s0 =	simm.s32 @!p2 $0x0  }
0x16: {  	s3 =	sld [smem:$0x3FDB];
	s0 =	simm.s32 @p2 $0x1  }
0x17: {  	s4 =	simm.s32 $0x1BF5;
	[smem:$0x3FB1] =	sst s0  }
0x18: {  	s0 =	sld [smem:$0x3F94];
	_ =	swait.ge [sflag:s4], $0x0  }
0x19: {  	s7 =	sld [smem:$0x3F95]  }
0x1a: {  	s8 =	sadd.s32 $0xFFFFE003, lr  }
0x1b: {  	s9 =	sadd.s32 $0xFFFFFEF7, lr;
	s5 =	simm.s32 $0xFFFFFFFF;
	p2 =	slt.u32 s8, $0xFFFFF086  }
0x1c: {  	p1 =	slt.u32 s9, $0xF7A;
	s5 =	simm.s32 @!p2 $0x0  }
0x1d: {  	s5 =	simm.s32 @p1 $0x1;
	p0 =	seq.s32 s7, s2  }
0x1e: {  	s7 =	smul.u32 @!p0 $0xF7A, s2;
	p2 =	seq.s32 @!p0 s5, $0x0  }
0x1f: {  	s9 =	smul.u32 $0xF7A, s1;
	s8 =	simm.s32 @!p0 $0x1BF5;
	p2 =	por !p2, p0  }
0x20: {  	[sflag:s8] =	ssyncset.s32 @!p0 $0xFFFFF086;
	s6 =	sadd.s32 @!p0 s3, s7;
	s7 =	simm.s32 @!p0 $0x108  }
0x21: {  	s3 =	sadd.s32 s3, s9;
	s6 =	sadd.s32 @!p0 $0x88, s6;
	s7 =	simm.s32 @p2 $0x1082  }
0x22: {  	[simem:s7], [sflag:s8] =	dma.local @!p0 [hbm:s6], $0xF7A  }
0x23: {  	s9 =	sor.u32 $0xD0000000, s2;
	s6 =	simm.s32 $0x108;
	_ =	swait.ge @!p0 [sflag:s8], $0x0  }
0x24: {  	s3 =	sadd.s32 $0x88, s3;
	s6 =	simm.s32 @!p1 $0x1082;
	[sflag:s4] =	ssyncset.s32 $0xFFFFF086  }
0x25: {  	[simem:s6], [sflag:s4] =	dma.local [hbm:s3], $0xF7A  }
0x26: {  	[smem:$0x3F95] =	sst s1;
	(tag) =	ssettag s2;
	_ =	strace s9  }
0x27: {  	s1 =	sld [smem:$0x3FA5]  }
0x28: {  	s2 =	sld [smem:$0x3FA6]  }
0x29: {  	s4 =	sld [smem:$0x3FA8]  }
0x2a: {  	p0 =	seq.s32 s5, $0x0;
	s5 =	sld [smem:$0x3FA9]  }
0x2b: {  	s6 =	sld [smem:$0x3FAA]  }
0x2c: {  	s7 =	sld [smem:$0x3FAB]  }
0x2d: {  	s3 =	simm.s32 $0x108;
	s8 =	sld [smem:$0x3FAC]  }
0x2e: {  	s3 =	simm.s32 @!p0 $0x1082;
	s9 =	sld [smem:$0x3FAD]  }
0x2f: {  	lr =	sadd.s32 s0, s3;
	s0 =	sld [smem:$0x3FA4]  }
0x30: {  	s3 =	sld [smem:$0x3FA7]  }
0x31: {  	[smem:$0x3FB0] =	sst s10  }
0x32: {  	s10 =	sld [smem:$0x3FAE];
	_ =	sdelay $0x3  }
0x33: {  	p0 =	seq.s32 s10, $0x1;
	s10 =	sld [smem:$0x3FB0];
	_ =	sdelay $0x3  }
0x34: {  	[smem:$0x3FB0] =	sst s10  }
0x35: {  	s10 =	sld [smem:$0x3FAF];
	_ =	sdelay $0x3  }
0x36: {  	p1 =	seq.s32 s10, $0x1;
	s10 =	sld [smem:$0x3FB0];
	_ =	sdelay $0x3  }
0x37: {  	[smem:$0x3FB0] =	sst s10  }
0x38: {  	s10 =	sld [smem:$0x3FB1]  }
0x39: {  	_ = 	snop;
	(pc) =	sbr.ind lr, $3  }
0x3a: {  	_ = 	snop  }
0x3b: {  	_ = 	snop  }
0x3c: {  	p2 =	seq.s32 s10, $0x1;
	s10 =	sld [smem:$0x3FB0]  }
0x3d: {  	_ =	shalt  }
0x3e: {  	_ =	shalt  }
0x3f: {  	_ =	shalt  }
0x40: {  	_ =	shalt  }
0x41: {  	_ =	shalt  }
0x42: {  	_ =	shalt  }
0x43: {  	_ =	shalt  }
0x44: {  	_ =	shalt  }
0x45: {  	_ =	shalt  }
0x46: {  	_ =	shalt  }
0x47: {  	_ =	shalt  }
0x48: {  	_ =	shalt  }
0x49: {  	_ =	shalt  }
0x4a: {  	_ =	shalt  }
0x4b: {  	_ =	shalt  }
0x4c: {  	_ =	shalt  }
0x4d: {  	_ =	shalt  }
0x4e: {  	_ =	shalt  }
0x4f: {  	_ =	shalt  }
0x50: {  	_ =	shalt  }
0x51: {  	_ =	shalt  }
0x52: {  	_ =	shalt  }
0x53: {  	_ =	shalt  }
0x54: {  	_ =	shalt  }
0x55: {  	_ =	shalt  }
0x56: {  	_ =	shalt  }
0x57: {  	_ =	shalt  }
0x58: {  	_ =	shalt  }
0x59: {  	_ =	shalt  }
0x5a: {  	_ =	shalt  }
0x5b: {  	_ =	shalt  }
0x5c: {  	_ =	shalt  }
0x5d: {  	_ =	shalt  }
0x5e: {  	_ =	shalt  }
0x5f: {  	_ =	shalt  }
0x60: {  	_ =	shalt  }
0x61: {  	_ =	shalt  }
0x62: {  	_ =	shalt  }
0x63: {  	_ =	shalt  }
0x64: {  	_ =	shalt  }
0x65: {  	_ =	shalt  }
0x66: {  	_ =	shalt  }
0x67: {  	_ =	shalt  }
0x68: {  	_ =	shalt  }
0x69: {  	_ =	shalt  }
0x6a: {  	_ =	shalt  }
0x6b: {  	_ =	shalt  }
0x6c: {  	_ =	shalt  }
0x6d: {  	_ =	shalt  }
0x6e: {  	_ =	shalt  }
0x6f: {  	_ =	shalt  }
0x70: {  	_ =	shalt  }
0x71: {  	_ =	shalt  }
0x72: {  	_ =	shalt  }
0x73: {  	_ =	shalt  }
0x74: {  	_ =	shalt  }
0x75: {  	_ =	shalt  }
0x76: {  	_ =	shalt  }
0x77: {  	_ =	shalt  }
0x78: {  	_ =	shalt  }
0x79: {  	_ =	shalt  }
0x7a: {  	_ =	shalt  }
0x7b: {  	_ =	shalt  }
0x7c: {  	_ =	shalt  }
0x7d: {  	_ =	shalt  }
0x7e: {  	_ =	shalt  }
0x7f: {  	_ =	shalt  }
0x80: {  	_ =	shalt  }
0x81: {  	_ =	shalt  }
0x82: {  	_ =	shalt  }
0x83: {  	_ =	shalt  }
0x84: {  	_ =	shalt  }
0x85: {  	_ =	shalt  }
0x86: {  	_ =	shalt  }
0x87: {  	_ =	shalt  }
.Lfunc_end0:
.L_simem_size_0:
called_computation.6_lowered:
.L_overlay_start_0:
0x88: {  	s2 =	sld [smem:$0x3FD9]  }
0x89: {  	s3 =	sld [smem:$0x3FFE];
	_ =	sdelay $0x1  }
0x8a: {  	s1 =	srdreg.scid  }
0x8b: {  	s0 =	sand.u32 $0x1, s1  }
0x8c: {  	s17 =	sshll.u32 s0, $0xA;
	s2 =	sadd.s32 s3, s2  }
0x8d: {  	s2 =	sadd.s32 s2, s17  }
0x8e: {  	[smem:$0x3FBC] =	sst s2  }
0x8f: {  	_ = 	snop  }
0x90: {  	s2 =	sld [smem:$0x3FC6]  }
0x91: {  	s18 =	sld [smem:$0x3FD0];
	(tm) =	ssettm $0x1  }
0x92: {  	s4 =	sld [smem:$0x3FFB];
	_ =	sdelay $0x3  }
0x93: {  	_ =	strace s4  }
0x94: {  	s4 =	sld [smem:$0x3FFC];
	_ =	sdelay $0x3  }
0x95: {  	_ =	strace s4  }
0x96: {  	s4 =	sld [smem:$0x3FFD];
	_ =	sdelay $0x3  }
0x97: {  	_ =	strace s4  }
0x98: {  	_ =	strace $0x8FFFFFFF  }
0x99: {  	s19 =	sld [smem:$0x3FDB];
	_ =	sdelay $0x1  }
0x9a: {  	s5 =	simm.s32 $_scs_section_size  }
0x9b: {  	s6 =	simm.s32 $_size__tile_overlayer_lowered;
	s7 =	simm.s32 $_tile_overlayer_lowered  }
0x9c: {  	s22 =	simm.s32 $0x1BFF;
	s21 =	sshll.u32 s7, $0x1;
	s4 =	sadd.s32 s5, s19  }
0x9d: {  	s8 =	simm.s32 $0x0;
	s20 =	sshll.u32 s6, $0x1;
	s6 =	sadd.s32 s21, s4  }
0x9e: {  	[timem:s8], [sflag:s22] =	dma.local [hbm:s6], s20  }
0x9f: {  	_ =	swait.ge [sflag:s22], s20  }
0xa0: {  	s5 =	ssub.s32 $0x0, s20;
	[sflag:s22] =	ssyncset.done $0x0  }
0xa1: {  	[sflag:s22] =	ssyncadd.s32 s5;
	_ =	sdelay $0x1  }
0xa2: {  	s23 =	simm.s32 $0x1B8B  }
0xa3: {  	_ =	swait.ge [sflag:s23], $0x1  }
0xa4: {  	[sflag:s23] =	ssyncset.done $0x0  }
0xa5: {  	s25 =	simm.s32 $0x1B8E;
	s24 =	sld [smem:$0x3FFE];
	[sflag:s23] =	ssyncadd.s32 $0xFFFFFFFF  }
0xa6: {  	s26 =	simm.s32 $execute0_lowered;
	[smem:$0x3FD2] =	sst s25  }
0xa7: {  	s6 =	sshll.u32 s26, $0x1;
	_ =	strace $0x80000058;
	[dreg:$0x1] =	wrdreg $0xFFFFFFFF  }
0xa8: {  	s28 =	simm.s32 $_size_execute0_lowered;
	s4 =	sadd.s32 s4, s6;
	[dreg:$0x0] =	wrdreg $0x0  }
0xa9: {  	s6 =	sshll.u32 s28, $0x1;
	[dreg:$0x2] =	wrdreg s4  }
0xaa: {  	[dreg:$0x3] =	wrdreg s6  }
0xab: {  	[dreg:$0x4] =	wrdreg $0xC0  }
0xac: {  	_ =	task [dreg:s8], $0x5FFFF  }
0xad: {  	[dreg:$0x1] =	wrdreg $0xFFFFFFFF  }
0xae: {  	[dreg:$0x0] =	wrdreg $0x60  }
0xaf: {  	[dreg:$0x2] =	wrdreg s18  }
0xb0: {  	[dreg:$0x3] =	wrdreg s24  }
0xb1: {  	[dreg:$0x4] =	wrdreg s2  }
0xb2: {  	[dreg:$0x5] =	wrdreg $0x9  }
0xb3: {  	_ =	task.clear_ibuf [dreg:s8], $0x6FFFF;
	_ =	strace $0x90000058  }
0xb4: {  	s29 =	simm.s32 $0x9;
	_ =	strace $0x8000005A  }
0xb5: {  	_ =	swait.ge [sflag:s29], $0x1  }
0xb6: {  	[sflag:s29] =	ssyncadd.s32 $0xFFFFFFFF  }
0xb7: {  	_ =	strace $0x9000005A  }
0xb8: {  	_ =	sfence  }
0xb9: {  	s30 =	sld [smem:$0x0];
	_ =	sdelay $0x2  }
0xba: {  	s31 =	sshll.u32 s1, $0xD;
	s1 =	sshrl.u32 s1, $0x2  }
0xbb: {  	s3 =	sand.u32 $0x4000, s31;
	s1 =	sadd.s32 s1, s30  }
0xbc: {  	s0 =	sor.u32 s3, s0;
	s1 =	sshll.u32 s1, $0x11  }
0xbd: {  	s0 =	sor.u32 s1, s0  }
0xbe: {  	s0 =	sadd.s32 $0x8F2B, s0  }
0xbf: {  	[sflag:s0] =	ssyncadd.remote.s32 $0x1  }
0xc0: {  	_ =	sfence.sel $0xFFFF  }
0xc1: {  	[dreg:$0x0] =	wrdreg $0xFFFFFFFF;
	(pc) =	sbr.abs _section_cstart, $3  }
0xc2: {  	[dreg:$0x1] =	wrdreg $0xFFFFFFFF  }
0xc3: {  	_ =	task.clear_ibuf [dreg:s8], $0x2FFFF;
	_ =	strace $0x9FFFFFFF  }
0xc4: {  	(tm) =	ssettm $0x7FFFFFFF  }
0xc5: {  	_ =	shalt  }
tec
execute0_lowered:
.L_overlay_start_1:
0x0: {  	(tag) =	ssettag $0x1  }
0x1: {  	s1 =	rddreg [dreg:$0x0]  }
0x2: {  	s0 =	rddreg [dreg:$0x1]  }
0x3: {  	s2 =	rddreg [dreg:$0x2];
	s3 =	simm.s32 $0x0  }
0x4: {  	s4 =	srdreg.scid;
	s11 =	stileid.u32;
	s13 =	simm.s32 $0x100  }
0x5: {  	s30 =	simm.s32 $0x8100;
	s12 =	simm.s32 $0xC100;
	s14 =	simm.s32 $0xC900  }
0x6: {  	s15 =	simm.s32 $0xD100;
	s16 =	simm.s32 $0xD900;
	s17 =	simm.s32 $0xE100  }
0x7: {  	s18 =	simm.s32 $0xE900;
	s19 =	simm.s32 $0xF100;
	s20 =	simm.s32 $0xF900  }
0x8: {  	s21 =	simm.s32 $0x1;
	s22 =	simm.s32 $0x2;
	s23 =	simm.s32 $0x3  }
0x9: {  	s31 =	simm.s32 $0x80;
	[smem:$0x7FF] =	sst s3;
	s5 =	sand.u32 $0x1, s4  }
0xa: {  	s4 =	sadd.s32 $0x7B2C00, s0;
	s6 =	sshll.u32 s11, $0x5;
	s9 =	sshll.u32 s11, $0xD  }
0xb: {  	s25 =	sshll.u32 s11, $0x1;
	s11 =	simm.s32 $0x4;
	_ =	strace $0x80000059  }
0xc: {  	s7 =	ssub.s32 $0x2, s5;
	s8 =	sadd.s32 s6, s0;
	s0 =	sadd.s32 s9, s0  }
0xd: {  	[dreg:$0x4] =	wrdreg s25;
	s26 =	sshll.u32 s5, $0x4;
	s5 =	sshll.u32 s5, $0xC  }
0xe: {  	s2 =	sadd.s32 s6, s2;
	s6 =	simm.s32 $0xA100;
	s9 =	simm.s32 $0xB100  }
0xf: {  	s25 =	simm.s32 $0x0;
	s10 =	sshrl.u32 s7, $0x1;
	s28 =	sadd.s32 s26, s8  }
.Ltmp0:
0x10: {  	s0 =	sadd.s32 s5, s0;
	s5 =	simm.s32 $0xA900;
	(pc) =	sbr.rel .LBB2_1-.Ltmp0, $4  }
0x11: {  	s7 =	ssub.s32 s7, s10;
	s8 =	sadd.s32 $0x5A00, s28;
	s29 =	sadd.s32 $0x1176C00, s0  }
0x12: {  	v2 =	vlaneseq.u32;
	s0 =	sadd.s32 $0x5DC00, s0;
	s10 =	simm.s32 $0xB900;
	[dreg:$0x6] =	wrdreg s29  }
0x13: {  	vm0 =	vmmov $0xffff;
	v1 =	vshrl.u32 v2, $0x3;
	s7 =	smax.u32 s7, $0x1;
	[dreg:$0x7] =	wrdreg s0;
	s0 =	simm.s32 $0x9100  }
0x14: {  	v0 =	vand.u32 $0x7, v2;
	v2 =	vor.u32 $0x8, v2;
	v1 =	vmul.u32 $0x8, v1;
	[dreg:$0x5] =	wrdreg s7;
	s7 =	sadd.s32 s26, s2;
	s2 =	simm.s32 $0x9900  }
.LBB2_5:
0x15: {  	s25 =	rddreg [dreg:$0x8]  }
0x16: {  	s24 =	rddreg [dreg:$0x5];
	s25 =	sadd.s32 $0x1, s25  }
0x17: {  	p0 =	sne.s32 s25, s24  }
.Ltmp1:
0x18: {  	_ = 	snop;
	(pc) =	sbr.rel @!p0 .LBB2_6-.Ltmp1, $1  }
0x19: {  	_ =	sdelay $0x3  }
.LBB2_1:
.Ltmp2:
0x1a: {  	(pc) =	sbr.rel .LBB2_2-.Ltmp2, $4  }
0x1b: {  	[dreg:$0x8] =	wrdreg s25  }
0x1c: {  	s24 =	rddreg [dreg:$0x4]  }
0x1d: {  	s25 =	rddreg [dreg:$0x7]  }
0x1e: {  	s26 =	rddreg [dreg:$0x6];
	s28 =	simm.s32 $0x0  }
.LBB2_4:
0x1f: {  	s28 =	sadd.s32 $0x200, s28  }
0x20: {  	p0 =	sne.s32 s28, $0x5000  }
.Ltmp3:
0x21: {  	_ = 	snop;
	(pc) =	sbr.rel @!p0 .LBB2_5-.Ltmp3, $2  }
0x22: {  	_ =	sdelay $0x2  }
0x23: {  	s26 =	sadd.s32 $0x20000, s26;
	s25 =	sadd.s32 $0x20000, s25;
	s24 =	sadd.s32 $0x20, s24  }
.LBB2_2:
0x24: {  	p0 =	sgt.u32 s24, $0x4E1  }
.Ltmp4:
0x25: {  	_ = 	snop;
	(pc) =	sbr.rel @p0 .LBB2_4-.Ltmp4, $1  }
0x26: {  	_ =	sdelay $0x3  }
0x27: {  	s29 =	sadd.s32 s28, s8  }
0x28: {  	[tilespmem:s3], [sflag:$0x4] =	stream.linear.gather [hbm4b:s29+s3], $0x80, $0x38;
	[tilespmem:$0x10100] =	vst v63  }
0x29: {  	_ =	swait.ge [sflag:s11], $0x80  }
0x2a: {  	[sflag:s11] =	ssyncset.done $0x0  }
0x2b: {  	s29 =	sadd.s32 s28, s7;
	[sflag:s11] =	ssyncadd.s32 $0xFFFFFF80  }
0x2c: {  	[tilespmem:s31], [sflag:$0x4] =	stream.linear.gather [hbm4b:s29+s3], $0x80, $0x38;
	[tilespmem:$0x10100] =	vst v63  }
0x2d: {  	_ =	swait.ge [sflag:s11], $0x80  }
0x2e: {  	[sflag:s11] =	ssyncset.done $0x0  }
0x2f: {  	[sflag:s11] =	ssyncadd.s32 $0xFFFFFF80  }
0x30: {  	v3 =	vld [tilespmem:$0x0];
	_ =	sdelay $0x4  }
0x31: {  	v4 =	vshll.u32 v3, $0x1  }
0x32: {  	v3 =	vand.u32 $0x7, v3;
	v4 =	vand.u32 $0xFFFFFFF0, v4  }
0x33: {  	v3 =	vor.u32 v3, v4  }
0x34: {  	v4 =	vperm.xlane v3, v0;
	_ =	sdelay $0x1  }
0x35: {  	v3 =	vperm.xlane v3, v2;
	v4 =	vadd.s32 v1, v4;
	_ =	sdelay $0x1  }
0x36: {  	v3 =	vadd.s32 v1, v3;
	_ =	sdelay $0x2  }
0x37: {  	[tilespmem:s13], [sflag:$0x1] =	stream.indirect_vreg.gather [hbm4b:s1+s3], $0x80, v4, vm0, $0xb8;
	[tilespmem:$0x10100] =	vst v63  }
0x38: {  	s29 =	simm.s32 $0x900  }
0x39: {  	[tilespmem:s29], [sflag:$0x1] =	stream.indirect_vreg.gather [hbm4b:s1+s3], $0x80, v3, vm0, $0xb8;
	[tilespmem:$0x10100] =	vst v63  }
0x3a: {  	v3 =	vld [tilespmem:$0x10];
	_ =	sdelay $0x4  }
0x3b: {  	v49 =	vshll.u32 v3, $0x1  }
0x3c: {  	v3 =	vand.u32 $0x7, v3;
	v4 =	vand.u32 $0xFFFFFFF0, v49  }
0x3d: {  	v3 =	vor.u32 v3, v4  }
0x3e: {  	v4 =	vperm.xlane v3, v0;
	_ =	sdelay $0x1  }
0x3f: {  	v3 =	vperm.xlane v3, v2;
	v4 =	vadd.s32 v1, v4;
	_ =	sdelay $0x1  }
0x40: {  	v3 =	vadd.s32 v1, v3;
	_ =	sdelay $0x1  }
0x41: {  	s29 =	simm.s32 $0x1100  }
0x42: {  	[tilespmem:s29], [sflag:$0x1] =	stream.indirect_vreg.gather [hbm4b:s1+s3], $0x80, v4, vm0, $0xb8;
	[tilespmem:$0x10100] =	vst v63  }
0x43: {  	s29 =	simm.s32 $0x1900  }
0x44: {  	[tilespmem:s29], [sflag:$0x1] =	stream.indirect_vreg.gather [hbm4b:s1+s3], $0x80, v3, vm0, $0xb8;
	[tilespmem:$0x10100] =	vst v63  }
0x45: {  	v3 =	vld [tilespmem:$0x20];
	_ =	sdelay $0x4  }
0x46: {  	v50 =	vshll.u32 v3, $0x1  }
0x47: {  	v3 =	vand.u32 $0x7, v3;
	v4 =	vand.u32 $0xFFFFFFF0, v50  }
0x48: {  	v3 =	vor.u32 v3, v4  }
0x49: {  	v4 =	vperm.xlane v3, v0;
	_ =	sdelay $0x1  }
0x4a: {  	v3 =	vperm.xlane v3, v2;
	v4 =	vadd.s32 v1, v4;
	_ =	sdelay $0x1  }
0x4b: {  	v3 =	vadd.s32 v1, v3;
	_ =	sdelay $0x1  }
0x4c: {  	s29 =	simm.s32 $0x2100  }
0x4d: {  	[tilespmem:s29], [sflag:$0x1] =	stream.indirect_vreg.gather [hbm4b:s1+s3], $0x80, v4, vm0, $0xb8;
	[tilespmem:$0x10100] =	vst v63  }
0x4e: {  	s29 =	simm.s32 $0x2900  }
0x4f: {  	[tilespmem:s29], [sflag:$0x1] =	stream.indirect_vreg.gather [hbm4b:s1+s3], $0x80, v3, vm0, $0xb8;
	[tilespmem:$0x10100] =	vst v63  }
0x50: {  	v3 =	vld [tilespmem:$0x30];
	_ =	sdelay $0x4  }
0x51: {  	v51 =	vshll.u32 v3, $0x1  }
0x52: {  	v3 =	vand.u32 $0x7, v3;
	v4 =	vand.u32 $0xFFFFFFF0, v51  }
0x53: {  	v3 =	vor.u32 v3, v4  }
0x54: {  	v4 =	vperm.xlane v3, v0;
	_ =	sdelay $0x1  }
0x55: {  	v3 =	vperm.xlane v3, v2;
	v4 =	vadd.s32 v1, v4;
	_ =	sdelay $0x1  }
0x56: {  	v3 =	vadd.s32 v1, v3;
	_ =	sdelay $0x1  }
0x57: {  	s29 =	simm.s32 $0x3100  }
0x58: {  	[tilespmem:s29], [sflag:$0x1] =	stream.indirect_vreg.gather [hbm4b:s1+s3], $0x80, v4, vm0, $0xb8;
	[tilespmem:$0x10100] =	vst v63  }
0x59: {  	s29 =	simm.s32 $0x3900  }
0x5a: {  	[tilespmem:s29], [sflag:$0x1] =	stream.indirect_vreg.gather [hbm4b:s1+s3], $0x80, v3, vm0, $0xb8;
	[tilespmem:$0x10100] =	vst v63  }
0x5b: {  	v3 =	vld [tilespmem:$0x40];
	_ =	sdelay $0x4  }
0x5c: {  	v52 =	vshll.u32 v3, $0x1  }
0x5d: {  	v3 =	vand.u32 $0x7, v3;
	v4 =	vand.u32 $0xFFFFFFF0, v52  }
0x5e: {  	v3 =	vor.u32 v3, v4  }
0x5f: {  	v4 =	vperm.xlane v3, v0;
	_ =	sdelay $0x1  }
0x60: {  	v3 =	vperm.xlane v3, v2;
	v4 =	vadd.s32 v1, v4;
	_ =	sdelay $0x1  }
0x61: {  	v3 =	vadd.s32 v1, v3;
	_ =	sdelay $0x1  }
0x62: {  	s29 =	simm.s32 $0x4100  }
0x63: {  	[tilespmem:s29], [sflag:$0x1] =	stream.indirect_vreg.gather [hbm4b:s1+s3], $0x80, v4, vm0, $0xb8;
	[tilespmem:$0x10100] =	vst v63  }
0x64: {  	s29 =	simm.s32 $0x4900  }
0x65: {  	[tilespmem:s29], [sflag:$0x1] =	stream.indirect_vreg.gather [hbm4b:s1+s3], $0x80, v3, vm0, $0xb8;
	[tilespmem:$0x10100] =	vst v63  }
0x66: {  	v3 =	vld [tilespmem:$0x50];
	_ =	sdelay $0x4  }
0x67: {  	v53 =	vshll.u32 v3, $0x1  }
0x68: {  	v3 =	vand.u32 $0x7, v3;
	v4 =	vand.u32 $0xFFFFFFF0, v53  }
0x69: {  	v3 =	vor.u32 v3, v4  }
0x6a: {  	v4 =	vperm.xlane v3, v0;
	_ =	sdelay $0x1  }
0x6b: {  	v3 =	vperm.xlane v3, v2;
	v4 =	vadd.s32 v1, v4;
	_ =	sdelay $0x1  }
0x6c: {  	v3 =	vadd.s32 v1, v3;
	_ =	sdelay $0x1  }
0x6d: {  	s29 =	simm.s32 $0x5100  }
0x6e: {  	[tilespmem:s29], [sflag:$0x1] =	stream.indirect_vreg.gather [hbm4b:s1+s3], $0x80, v4, vm0, $0xb8;
	[tilespmem:$0x10100] =	vst v63  }
0x6f: {  	s29 =	simm.s32 $0x5900  }
0x70: {  	[tilespmem:s29], [sflag:$0x1] =	stream.indirect_vreg.gather [hbm4b:s1+s3], $0x80, v3, vm0, $0xb8;
	[tilespmem:$0x10100] =	vst v63  }
0x71: {  	v3 =	vld [tilespmem:$0x60];
	_ =	sdelay $0x4  }
0x72: {  	v54 =	vshll.u32 v3, $0x1  }
0x73: {  	v3 =	vand.u32 $0x7, v3;
	v4 =	vand.u32 $0xFFFFFFF0, v54  }
0x74: {  	v3 =	vor.u32 v3, v4  }
0x75: {  	v4 =	vperm.xlane v3, v0;
	_ =	sdelay $0x1  }
0x76: {  	v3 =	vperm.xlane v3, v2;
	v4 =	vadd.s32 v1, v4;
	_ =	sdelay $0x1  }
0x77: {  	v3 =	vadd.s32 v1, v3;
	_ =	sdelay $0x1  }
0x78: {  	s29 =	simm.s32 $0x6100  }
0x79: {  	[tilespmem:s29], [sflag:$0x1] =	stream.indirect_vreg.gather [hbm4b:s1+s3], $0x80, v4, vm0, $0xb8;
	[tilespmem:$0x10100] =	vst v63  }
0x7a: {  	s29 =	simm.s32 $0x6900  }
0x7b: {  	[tilespmem:s29], [sflag:$0x1] =	stream.indirect_vreg.gather [hbm4b:s1+s3], $0x80, v3, vm0, $0xb8;
	[tilespmem:$0x10100] =	vst v63  }
0x7c: {  	v3 =	vld [tilespmem:$0x70];
	_ =	sdelay $0x4  }
0x7d: {  	v55 =	vshll.u32 v3, $0x1  }
0x7e: {  	v3 =	vand.u32 $0x7, v3;
	v4 =	vand.u32 $0xFFFFFFF0, v55  }
0x7f: {  	v3 =	vor.u32 v3, v4  }
0x80: {  	v4 =	vperm.xlane v3, v0;
	_ =	sdelay $0x1  }
0x81: {  	v3 =	vperm.xlane v3, v2;
	v4 =	vadd.s32 v1, v4;
	_ =	sdelay $0x1  }
0x82: {  	v3 =	vadd.s32 v1, v3;
	_ =	sdelay $0x1  }
0x83: {  	s29 =	simm.s32 $0x7100  }
0x84: {  	[tilespmem:s29], [sflag:$0x1] =	stream.indirect_vreg.gather [hbm4b:s1+s3], $0x80, v4, vm0, $0xb8;
	[tilespmem:$0x10100] =	vst v63  }
0x85: {  	s29 =	simm.s32 $0x7900  }
0x86: {  	[tilespmem:s29], [sflag:$0x1] =	stream.indirect_vreg.gather [hbm4b:s1+s3], $0x80, v3, vm0, $0xb8;
	[tilespmem:$0x10100] =	vst v63  }
0x87: {  	v3 =	vld [tilespmem:$0x80];
	_ =	sdelay $0x4  }
0x88: {  	v56 =	vshll.u32 v3, $0x1  }
0x89: {  	v3 =	vand.u32 $0x7, v3;
	v4 =	vand.u32 $0xFFFFFFF0, v56  }
0x8a: {  	v3 =	vor.u32 v3, v4  }
0x8b: {  	v4 =	vperm.xlane v3, v0;
	_ =	sdelay $0x1  }
0x8c: {  	v3 =	vperm.xlane v3, v2;
	v4 =	vadd.s32 v1, v4;
	_ =	sdelay $0x1  }
0x8d: {  	v3 =	vadd.s32 v1, v3;
	_ =	sdelay $0x2  }
0x8e: {  	[tilespmem:s30], [sflag:$0x2] =	stream.indirect_vreg.gather [hbm4b:s4+s3], $0x80, v4, vm0, $0xb8;
	[tilespmem:$0x10100] =	vst v63  }
0x8f: {  	s29 =	simm.s32 $0x8900  }
0x90: {  	[tilespmem:s29], [sflag:$0x2] =	stream.indirect_vreg.gather [hbm4b:s4+s3], $0x80, v3, vm0, $0xb8;
	[tilespmem:$0x10100] =	vst v63  }
0x91: {  	v3 =	vld [tilespmem:$0x90];
	_ =	sdelay $0x4  }
0x92: {  	v57 =	vshll.u32 v3, $0x1  }
0x93: {  	v3 =	vand.u32 $0x7, v3;
	v4 =	vand.u32 $0xFFFFFFF0, v57  }
0x94: {  	v3 =	vor.u32 v3, v4  }
0x95: {  	v4 =	vperm.xlane v3, v0;
	_ =	sdelay $0x1  }
0x96: {  	v3 =	vperm.xlane v3, v2;
	v4 =	vadd.s32 v1, v4;
	_ =	sdelay $0x1  }
0x97: {  	v3 =	vadd.s32 v1, v3;
	_ =	sdelay $0x2  }
0x98: {  	[tilespmem:s0], [sflag:$0x2] =	stream.indirect_vreg.gather [hbm4b:s4+s3], $0x80, v4, vm0, $0xb8;
	[tilespmem:$0x10100] =	vst v63  }
0x99: {  	_ = 	snop  }
0x9a: {  	[tilespmem:s2], [sflag:$0x2] =	stream.indirect_vreg.gather [hbm4b:s4+s3], $0x80, v3, vm0, $0xb8;
	[tilespmem:$0x10100] =	vst v63  }
0x9b: {  	v3 =	vld [tilespmem:$0xA0];
	_ =	sdelay $0x4  }
0x9c: {  	v58 =	vshll.u32 v3, $0x1  }
0x9d: {  	v3 =	vand.u32 $0x7, v3;
	v4 =	vand.u32 $0xFFFFFFF0, v58  }
0x9e: {  	v3 =	vor.u32 v3, v4  }
0x9f: {  	v4 =	vperm.xlane v3, v0;
	_ =	sdelay $0x1  }
0xa0: {  	v3 =	vperm.xlane v3, v2;
	v4 =	vadd.s32 v1, v4;
	_ =	sdelay $0x1  }
0xa1: {  	v3 =	vadd.s32 v1, v3;
	_ =	sdelay $0x2  }
0xa2: {  	[tilespmem:s6], [sflag:$0x2] =	stream.indirect_vreg.gather [hbm4b:s4+s3], $0x80, v4, vm0, $0xb8;
	[tilespmem:$0x10100] =	vst v63  }
0xa3: {  	_ = 	snop  }
0xa4: {  	[tilespmem:s5], [sflag:$0x2] =	stream.indirect_vreg.gather [hbm4b:s4+s3], $0x80, v3, vm0, $0xb8;
	[tilespmem:$0x10100] =	vst v63  }
0xa5: {  	v3 =	vld [tilespmem:$0xB0];
	_ =	sdelay $0x4  }
0xa6: {  	v59 =	vshll.u32 v3, $0x1  }
0xa7: {  	v3 =	vand.u32 $0x7, v3;
	v4 =	vand.u32 $0xFFFFFFF0, v59  }
0xa8: {  	v3 =	vor.u32 v3, v4  }
0xa9: {  	v4 =	vperm.xlane v3, v0;
	_ =	sdelay $0x1  }
0xaa: {  	v3 =	vperm.xlane v3, v2;
	v4 =	vadd.s32 v1, v4;
	_ =	sdelay $0x1  }
0xab: {  	v3 =	vadd.s32 v1, v3;
	_ =	sdelay $0x2  }
0xac: {  	[tilespmem:s9], [sflag:$0x2] =	stream.indirect_vreg.gather [hbm4b:s4+s3], $0x80, v4, vm0, $0xb8;
	[tilespmem:$0x10100] =	vst v63  }
0xad: {  	_ = 	snop  }
0xae: {  	[tilespmem:s10], [sflag:$0x2] =	stream.indirect_vreg.gather [hbm4b:s4+s3], $0x80, v3, vm0, $0xb8;
	[tilespmem:$0x10100] =	vst v63  }
0xaf: {  	v3 =	vld [tilespmem:$0xC0];
	_ =	sdelay $0x4  }
0xb0: {  	v60 =	vshll.u32 v3, $0x1  }
0xb1: {  	v3 =	vand.u32 $0x7, v3;
	v4 =	vand.u32 $0xFFFFFFF0, v60  }
0xb2: {  	v3 =	vor.u32 v3, v4  }
0xb3: {  	v4 =	vperm.xlane v3, v0;
	_ =	sdelay $0x1  }
0xb4: {  	v3 =	vperm.xlane v3, v2;
	v4 =	vadd.s32 v1, v4;
	_ =	sdelay $0x1  }
0xb5: {  	v3 =	vadd.s32 v1, v3;
	_ =	sdelay $0x2  }
0xb6: {  	[tilespmem:s12], [sflag:$0x2] =	stream.indirect_vreg.gather [hbm4b:s4+s3], $0x80, v4, vm0, $0xb8;
	[tilespmem:$0x10100] =	vst v63  }
0xb7: {  	_ = 	snop  }
0xb8: {  	[tilespmem:s14], [sflag:$0x2] =	stream.indirect_vreg.gather [hbm4b:s4+s3], $0x80, v3, vm0, $0xb8;
	[tilespmem:$0x10100] =	vst v63  }
0xb9: {  	v3 =	vld [tilespmem:$0xD0];
	_ =	sdelay $0x4  }
0xba: {  	v61 =	vshll.u32 v3, $0x1  }
0xbb: {  	v3 =	vand.u32 $0x7, v3;
	v4 =	vand.u32 $0xFFFFFFF0, v61  }
0xbc: {  	v3 =	vor.u32 v3, v4  }
0xbd: {  	v4 =	vperm.xlane v3, v0;
	_ =	sdelay $0x1  }
0xbe: {  	v3 =	vperm.xlane v3, v2;
	v4 =	vadd.s32 v1, v4;
	_ =	sdelay $0x1  }
0xbf: {  	v3 =	vadd.s32 v1, v3;
	_ =	sdelay $0x2  }
0xc0: {  	[tilespmem:s15], [sflag:$0x2] =	stream.indirect_vreg.gather [hbm4b:s4+s3], $0x80, v4, vm0, $0xb8;
	[tilespmem:$0x10100] =	vst v63  }
0xc1: {  	_ = 	snop  }
0xc2: {  	[tilespmem:s16], [sflag:$0x2] =	stream.indirect_vreg.gather [hbm4b:s4+s3], $0x80, v3, vm0, $0xb8;
	[tilespmem:$0x10100] =	vst v63  }
0xc3: {  	v3 =	vld [tilespmem:$0xE0];
	_ =	sdelay $0x4  }
0xc4: {  	v62 =	vshll.u32 v3, $0x1  }
0xc5: {  	v3 =	vand.u32 $0x7, v3;
	v4 =	vand.u32 $0xFFFFFFF0, v62  }
0xc6: {  	v3 =	vor.u32 v3, v4  }
0xc7: {  	v4 =	vperm.xlane v3, v0;
	_ =	sdelay $0x1  }
0xc8: {  	v3 =	vperm.xlane v3, v2;
	v4 =	vadd.s32 v1, v4;
	_ =	sdelay $0x1  }
0xc9: {  	v3 =	vadd.s32 v1, v3;
	_ =	sdelay $0x2  }
0xca: {  	[tilespmem:s17], [sflag:$0x2] =	stream.indirect_vreg.gather [hbm4b:s4+s3], $0x80, v4, vm0, $0xb8;
	[tilespmem:$0x10100] =	vst v63  }
0xcb: {  	_ = 	snop  }
0xcc: {  	[tilespmem:s18], [sflag:$0x2] =	stream.indirect_vreg.gather [hbm4b:s4+s3], $0x80, v3, vm0, $0xb8;
	[tilespmem:$0x10100] =	vst v63  }
0xcd: {  	v3 =	vld [tilespmem:$0xF0];
	_ =	sdelay $0x4  }
0xce: {  	v63 =	vshll.u32 v3, $0x1  }
0xcf: {  	v3 =	vand.u32 $0x7, v3;
	v4 =	vand.u32 $0xFFFFFFF0, v63  }
0xd0: {  	v3 =	vor.u32 v3, v4  }
0xd1: {  	v4 =	vperm.xlane v3, v0;
	_ =	sdelay $0x1  }
0xd2: {  	v3 =	vperm.xlane v3, v2;
	v4 =	vadd.s32 v1, v4;
	_ =	sdelay $0x1  }
0xd3: {  	v3 =	vadd.s32 v1, v3;
	_ =	sdelay $0x2  }
0xd4: {  	[tilespmem:s19], [sflag:$0x2] =	stream.indirect_vreg.gather [hbm4b:s4+s3], $0x80, v4, vm0, $0xb8;
	[tilespmem:$0x10100] =	vst v63  }
0xd5: {  	_ = 	snop  }
0xd6: {  	[tilespmem:s20], [sflag:$0x2] =	stream.indirect_vreg.gather [hbm4b:s4+s3], $0x80, v3, vm0, $0xb8;
	[tilespmem:$0x10100] =	vst v63  }
0xd7: {  	_ =	swait.ge [sflag:s21], $0x8000  }
0xd8: {  	[sflag:s21] =	ssyncset.done $0x0  }
0xd9: {  	[sflag:s21] =	ssyncadd.s32 $0xFFFF8000  }
0xda: {  	_ =	swait.ge [sflag:s22], $0x8000  }
0xdb: {  	[sflag:s22] =	ssyncset.done $0x0  }
0xdc: {  	[sflag:s22] =	ssyncadd.s32 $0xFFFF8000  }
0xdd: {  	[hbm4b:s25+s3] =	stream.linear.scatter [tilespmem:s13], [sflag:$0x4], $0x8000, $0x38;
	[tilespmem:$0x10100] =	vst v63  }
0xde: {  	_ =	swait.ge [sflag:s11], $0x8000  }
0xdf: {  	[sflag:s11] =	ssyncset.done $0x0  }
.Ltmp5:
0xe0: {  	[sflag:s11] =	ssyncadd.s32 $0xFFFF8000;
	(pc) =	sbr.rel .LBB2_4-.Ltmp5, $4  }
0xe1: {  	[hbm4b:s26+s3] =	stream.linear.scatter [tilespmem:s30], [sflag:$0x3], $0x8000, $0x38;
	[tilespmem:$0x10100] =	vst v63  }
0xe2: {  	_ =	swait.ge [sflag:s23], $0x8000  }
0xe3: {  	[sflag:s23] =	ssyncset.done $0x0  }
0xe4: {  	[sflag:s23] =	ssyncadd.s32 $0xFFFF8000  }
.LBB2_6:
0xe5: {  	_ =	sfence.sel $0x180000  }
0xe6: {  	[bflag:$0x0] =	sbarrier.arrive $0xFFFF  }
0xe7: {  	_ =	strace $0x90000059  }
0xe8: {  	s0 =	stileid.u32;
	[bflag:$0x2] =	sbarrier.arrive $0xFFFF  }
0xe9: {  	p0 =	sne.s32 s0, $0x0;
	s0 =	rddreg [dreg:$0x3]  }
0xea: {  	s0 =	sadd.s32 @!p0 $0x100000, s0  }
0xeb: {  	[sflag:s0] =	ssyncadd.tile.s32 @!p0 $0x1;
	_ =	shalt  }
.Lfunc_end2:
_tile_overlayer_lowered:
.L_overlay_start_2:
0xec: {  	(tag) =	ssettag $0x2  }
0xed: {  	s0 =	rddreg [dreg:$0x0];
	s2 =	stileid.u32  }
0xee: {  	s1 =	rddreg [dreg:$0x1];
	p0 =	sne.s32 s2, $0x0  }
0xef: {  	s3 =	rddreg [dreg:$0x2];
	[bflag:$0x3] =	sbarrier.arrive $0xFFFF;
	s2 =	simm.s32 @!p0 $0x1C03  }
0xf0: {  	[timem:s3], [sflag:s2] =	dma.local @!p0 [hbm:s0], s1  }
0xf1: {  	s0 =	simm.s32 @!p0 $0x3  }
0xf2: {  	_ =	swait.ge @!p0 [sflag:s0], s1  }
0xf3: {  	s1 =	ssub.s32 @!p0 $0x0, s1;
	[sflag:s0] =	ssyncset.done @!p0 $0x0  }
0xf4: {  	[sflag:s0] =	ssyncadd.s32 @!p0 s1  }
0xf5: {  	[bflag:$0x3] =	sbarrier.arrive $0xFFFF  }
0xf6: {  	_ =	shalt  }

// kernel: kernel.40.cloned.1.call-start
scs
__scs_entry_jumppad:
0x0: {  	(pc) =	sbr.rel $0x88, $3  }
0x1: {  	(tag) =	ssettag $0x0;
	lr =	simm.s32 $0x1  }
0x2: {  	[smem:$0x3F95] =	sst lr;
	_ =	strace $0xD0000000  }
0x3: {  	_ = 	snop  }
0x4: {  	_ = 	snop  }
0x5: {  	_ = 	snop  }
0x6: {  	_ = 	snop  }
0x7: {  	_ = 	snop  }
__scs_overlays_trampoline_lowered:
0x8: {  	[smem:$0x3FA4] =	sst s0  }
0x9: {  	[smem:$0x3FA5] =	sst s1  }
0xa: {  	[smem:$0x3FA6] =	sst s2  }
0xb: {  	[smem:$0x3FA7] =	sst s3  }
0xc: {  	[smem:$0x3FA8] =	sst s4  }
0xd: {  	[smem:$0x3FA9] =	sst s5  }
0xe: {  	[smem:$0x3FAA] =	sst s6  }
0xf: {  	[smem:$0x3FAB] =	sst s7  }
0x10: {  	[smem:$0x3FAC] =	sst s8  }
0x11: {  	[smem:$0x3FAD] =	sst s9;
	s0 =	simm.s32 @!p0 $0x0  }
0x12: {  	s1 =	sld [smem:$0x3F93];
	s0 =	simm.s32 @p0 $0x1  }
0x13: {  	[smem:$0x3FAE] =	sst s0;
	s0 =	simm.s32 @!p1 $0x0  }
0x14: {  	s2 =	sld [smem:$0x3F92];
	s0 =	simm.s32 @p1 $0x1  }
0x15: {  	[smem:$0x3FAF] =	sst s0;
	s0 =	simm.s32 @!p2 $0x0  }
0x16: {  	s3 =	sld [smem:$0x3FDB];
	s0 =	simm.s32 @p2 $0x1  }
0x17: {  	s4 =	simm.s32 $0x1BF5;
	[smem:$0x3FB1] =	sst s0  }
0x18: {  	s0 =	sld [smem:$0x3F94];
	_ =	swait.ge [sflag:s4], $0x0  }
0x19: {  	s7 =	sld [smem:$0x3F95]  }
0x1a: {  	s8 =	sadd.s32 $0xFFFFE003, lr  }
0x1b: {  	s9 =	sadd.s32 $0xFFFFFEF7, lr;
	s5 =	simm.s32 $0xFFFFFFFF;
	p2 =	slt.u32 s8, $0xFFFFF086  }
0x1c: {  	p1 =	slt.u32 s9, $0xF7A;
	s5 =	simm.s32 @!p2 $0x0  }
0x1d: {  	s5 =	simm.s32 @p1 $0x1;
	p0 =	seq.s32 s7, s2  }
0x1e: {  	s7 =	smul.u32 @!p0 $0xF7A, s2;
	p2 =	seq.s32 @!p0 s5, $0x0  }
0x1f: {  	s9 =	smul.u32 $0xF7A, s1;
	s8 =	simm.s32 @!p0 $0x1BF5;
	p2 =	por !p2, p0  }
0x20: {  	[sflag:s8] =	ssyncset.s32 @!p0 $0xFFFFF086;
	s6 =	sadd.s32 @!p0 s3, s7;
	s7 =	simm.s32 @!p0 $0x108  }
0x21: {  	s3 =	sadd.s32 s3, s9;
	s6 =	sadd.s32 @!p0 $0x88, s6;
	s7 =	simm.s32 @p2 $0x1082  }
0x22: {  	[simem:s7], [sflag:s8] =	dma.local @!p0 [hbm:s6], $0xF7A  }
0x23: {  	s9 =	sor.u32 $0xD0000000, s2;
	s6 =	simm.s32 $0x108;
	_ =	swait.ge @!p0 [sflag:s8], $0x0  }
0x24: {  	s3 =	sadd.s32 $0x88, s3;
	s6 =	simm.s32 @!p1 $0x1082;
	[sflag:s4] =	ssyncset.s32 $0xFFFFF086  }
0x25: {  	[simem:s6], [sflag:s4] =	dma.local [hbm:s3], $0xF7A  }
0x26: {  	[smem:$0x3F95] =	sst s1;
	(tag) =	ssettag s2;
	_ =	strace s9  }
0x27: {  	s1 =	sld [smem:$0x3FA5]  }
0x28: {  	s2 =	sld [smem:$0x3FA6]  }
0x29: {  	s4 =	sld [smem:$0x3FA8]  }
0x2a: {  	p0 =	seq.s32 s5, $0x0;
	s5 =	sld [smem:$0x3FA9]  }
0x2b: {  	s6 =	sld [smem:$0x3FAA]  }
0x2c: {  	s7 =	sld [smem:$0x3FAB]  }
0x2d: {  	s3 =	simm.s32 $0x108;
	s8 =	sld [smem:$0x3FAC]  }
0x2e: {  	s3 =	simm.s32 @!p0 $0x1082;
	s9 =	sld [smem:$0x3FAD]  }
0x2f: {  	lr =	sadd.s32 s0, s3;
	s0 =	sld [smem:$0x3FA4]  }
0x30: {  	s3 =	sld [smem:$0x3FA7]  }
0x31: {  	[smem:$0x3FB0] =	sst s10  }
0x32: {  	s10 =	sld [smem:$0x3FAE];
	_ =	sdelay $0x3  }
0x33: {  	p0 =	seq.s32 s10, $0x1;
	s10 =	sld [smem:$0x3FB0];
	_ =	sdelay $0x3  }
0x34: {  	[smem:$0x3FB0] =	sst s10  }
0x35: {  	s10 =	sld [smem:$0x3FAF];
	_ =	sdelay $0x3  }
0x36: {  	p1 =	seq.s32 s10, $0x1;
	s10 =	sld [smem:$0x3FB0];
	_ =	sdelay $0x3  }
0x37: {  	[smem:$0x3FB0] =	sst s10  }
0x38: {  	s10 =	sld [smem:$0x3FB1]  }
0x39: {  	_ = 	snop;
	(pc) =	sbr.ind lr, $3  }
0x3a: {  	_ = 	snop  }
0x3b: {  	_ = 	snop  }
0x3c: {  	p2 =	seq.s32 s10, $0x1;
	s10 =	sld [smem:$0x3FB0]  }
0x3d: {  	_ =	shalt  }
0x3e: {  	_ =	shalt  }
0x3f: {  	_ =	shalt  }
0x40: {  	_ =	shalt  }
0x41: {  	_ =	shalt  }
0x42: {  	_ =	shalt  }
0x43: {  	_ =	shalt  }
0x44: {  	_ =	shalt  }
0x45: {  	_ =	shalt  }
0x46: {  	_ =	shalt  }
0x47: {  	_ =	shalt  }
0x48: {  	_ =	shalt  }
0x49: {  	_ =	shalt  }
0x4a: {  	_ =	shalt  }
0x4b: {  	_ =	shalt  }
0x4c: {  	_ =	shalt  }
0x4d: {  	_ =	shalt  }
0x4e: {  	_ =	shalt  }
0x4f: {  	_ =	shalt  }
0x50: {  	_ =	shalt  }
0x51: {  	_ =	shalt  }
0x52: {  	_ =	shalt  }
0x53: {  	_ =	shalt  }
0x54: {  	_ =	shalt  }
0x55: {  	_ =	shalt  }
0x56: {  	_ =	shalt  }
0x57: {  	_ =	shalt  }
0x58: {  	_ =	shalt  }
0x59: {  	_ =	shalt  }
0x5a: {  	_ =	shalt  }
0x5b: {  	_ =	shalt  }
0x5c: {  	_ =	shalt  }
0x5d: {  	_ =	shalt  }
0x5e: {  	_ =	shalt  }
0x5f: {  	_ =	shalt  }
0x60: {  	_ =	shalt  }
0x61: {  	_ =	shalt  }
0x62: {  	_ =	shalt  }
0x63: {  	_ =	shalt  }
0x64: {  	_ =	shalt  }
0x65: {  	_ =	shalt  }
0x66: {  	_ =	shalt  }
0x67: {  	_ =	shalt  }
0x68: {  	_ =	shalt  }
0x69: {  	_ =	shalt  }
0x6a: {  	_ =	shalt  }
0x6b: {  	_ =	shalt  }
0x6c: {  	_ =	shalt  }
0x6d: {  	_ =	shalt  }
0x6e: {  	_ =	shalt  }
0x6f: {  	_ =	shalt  }
0x70: {  	_ =	shalt  }
0x71: {  	_ =	shalt  }
0x72: {  	_ =	shalt  }
0x73: {  	_ =	shalt  }
0x74: {  	_ =	shalt  }
0x75: {  	_ =	shalt  }
0x76: {  	_ =	shalt  }
0x77: {  	_ =	shalt  }
0x78: {  	_ =	shalt  }
0x79: {  	_ =	shalt  }
0x7a: {  	_ =	shalt  }
0x7b: {  	_ =	shalt  }
0x7c: {  	_ =	shalt  }
0x7d: {  	_ =	shalt  }
0x7e: {  	_ =	shalt  }
0x7f: {  	_ =	shalt  }
0x80: {  	_ =	shalt  }
0x81: {  	_ =	shalt  }
0x82: {  	_ =	shalt  }
0x83: {  	_ =	shalt  }
0x84: {  	_ =	shalt  }
0x85: {  	_ =	shalt  }
0x86: {  	_ =	shalt  }
0x87: {  	_ =	shalt  }
.Lfunc_end0:
.L_simem_size_0:
called_computation.7_lowered:
.L_overlay_start_0:
0x88: {  	s2 =	sld [smem:$0x3FD9]  }
0x89: {  	s3 =	sld [smem:$0x3FFE];
	_ =	sdelay $0x1  }
0x8a: {  	s1 =	srdreg.scid  }
0x8b: {  	s0 =	sand.u32 $0x1, s1  }
0x8c: {  	s17 =	sshll.u32 s0, $0xA;
	s2 =	sadd.s32 s3, s2  }
0x8d: {  	s2 =	sadd.s32 s2, s17  }
0x8e: {  	[smem:$0x3FBC] =	sst s2  }
0x8f: {  	_ = 	snop  }
0x90: {  	s2 =	sld [smem:$0x3FD0];
	(tm) =	ssettm $0x1  }
0x91: {  	s18 =	sld [smem:$0x3FFB];
	_ =	sdelay $0x3  }
0x92: {  	_ =	strace s18  }
0x93: {  	s3 =	sld [smem:$0x3FFC];
	_ =	sdelay $0x3  }
0x94: {  	_ =	strace s3  }
0x95: {  	s3 =	sld [smem:$0x3FFD];
	_ =	sdelay $0x3  }
0x96: {  	_ =	strace s3  }
0x97: {  	_ =	strace $0x8FFFFFFF  }
0x98: {  	s19 =	sld [smem:$0x3FDB];
	_ =	sdelay $0x1  }
0x99: {  	s4 =	simm.s32 $_scs_section_size  }
0x9a: {  	s5 =	simm.s32 $_size__tile_overlayer_lowered;
	s6 =	simm.s32 $_tile_overlayer_lowered  }
0x9b: {  	s22 =	simm.s32 $0x1BFF;
	s21 =	sshll.u32 s6, $0x1;
	s3 =	sadd.s32 s4, s19  }
0x9c: {  	s7 =	simm.s32 $0x0;
	s20 =	sshll.u32 s5, $0x1;
	s5 =	sadd.s32 s21, s3  }
0x9d: {  	[timem:s7], [sflag:s22] =	dma.local [hbm:s5], s20  }
0x9e: {  	_ =	swait.ge [sflag:s22], s20  }
0x9f: {  	s4 =	ssub.s32 $0x0, s20;
	[sflag:s22] =	ssyncset.done $0x0  }
0xa0: {  	[sflag:s22] =	ssyncadd.s32 s4;
	_ =	sdelay $0x1  }
0xa1: {  	s23 =	simm.s32 $0x1B8B  }
0xa2: {  	_ =	swait.ge [sflag:s23], $0x1  }
0xa3: {  	[sflag:s23] =	ssyncset.done $0x0  }
0xa4: {  	s25 =	simm.s32 $0x1B8E;
	s24 =	sld [smem:$0x3FFE];
	[sflag:s23] =	ssyncadd.s32 $0xFFFFFFFF  }
0xa5: {  	s26 =	simm.s32 $execute0_lowered;
	[smem:$0x3FD2] =	sst s25  }
0xa6: {  	s5 =	sshll.u32 s26, $0x1;
	_ =	strace $0x8000005B;
	[dreg:$0x1] =	wrdreg $0xFFFFFFFF  }
0xa7: {  	s28 =	simm.s32 $_size_execute0_lowered;
	s3 =	sadd.s32 s3, s5;
	[dreg:$0x0] =	wrdreg $0x0  }
0xa8: {  	s5 =	sshll.u32 s28, $0x1;
	[dreg:$0x2] =	wrdreg s3  }
0xa9: {  	[dreg:$0x3] =	wrdreg s5  }
0xaa: {  	[dreg:$0x4] =	wrdreg $0xC0  }
0xab: {  	_ =	task [dreg:s7], $0x5FFFF  }
0xac: {  	[dreg:$0x1] =	wrdreg $0xFFFFFFFF  }
0xad: {  	[dreg:$0x0] =	wrdreg $0x60  }
0xae: {  	[dreg:$0x2] =	wrdreg s24  }
0xaf: {  	[dreg:$0x3] =	wrdreg s2  }
0xb0: {  	[dreg:$0x4] =	wrdreg $0x68800  }
0xb1: {  	[dreg:$0x5] =	wrdreg $0x9  }
0xb2: {  	_ =	task.clear_ibuf [dreg:s7], $0x6FFFF;
	_ =	strace $0x9000005B  }
0xb3: {  	s29 =	simm.s32 $0x9;
	_ =	strace $0x8000005D  }
0xb4: {  	_ =	swait.ge [sflag:s29], $0x1  }
0xb5: {  	[sflag:s29] =	ssyncadd.s32 $0xFFFFFFFF  }
0xb6: {  	_ =	strace $0x9000005D  }
0xb7: {  	_ =	sfence  }
0xb8: {  	s30 =	sld [smem:$0x0];
	_ =	sdelay $0x2  }
0xb9: {  	s31 =	sshll.u32 s1, $0xD;
	s1 =	sshrl.u32 s1, $0x2  }
0xba: {  	s3 =	sand.u32 $0x4000, s31;
	s1 =	sadd.s32 s1, s30  }
0xbb: {  	s0 =	sor.u32 s3, s0;
	s1 =	sshll.u32 s1, $0x11  }
0xbc: {  	s0 =	sor.u32 s1, s0  }
0xbd: {  	s0 =	sadd.s32 $0x8F2B, s0  }
0xbe: {  	[sflag:s0] =	ssyncadd.remote.s32 $0x1  }
0xbf: {  	_ =	sfence.sel $0xFFFF  }
0xc0: {  	[dreg:$0x0] =	wrdreg $0xFFFFFFFF;
	(pc) =	sbr.abs _section_cstart, $3  }
0xc1: {  	[dreg:$0x1] =	wrdreg $0xFFFFFFFF  }
0xc2: {  	_ =	task.clear_ibuf [dreg:s7], $0x2FFFF;
	_ =	strace $0x9FFFFFFF  }
0xc3: {  	(tm) =	ssettm $0x7FFFFFFF  }
tec
execute0_lowered:
.L_overlay_start_1:
0x0: {  	(tag) =	ssettag $0x1  }
0x1: {  	s1 =	simm.s32 $0x0  }
0x2: {  	[smem:$0x7FF] =	sst s1;
	s1 =	stileid.u32  }
0x3: {  	s30 =	smul.u32 $0xA000, s1  }
0x4: {  	s0 =	rddreg [dreg:$0x0];
	s5 =	sor.u32 $0x10, s1;
	s19 =	smul.u32 $0x5000, s1  }
0x5: {  	s20 =	rddreg [dreg:$0x1];
	s7 =	sor.u32 $0x20, s1;
	s6 =	smul.u32 $0xA000, s5  }
0x6: {  	s2 =	rddreg [dreg:$0x2];
	s10 =	sor.u32 $0x30, s1;
	s9 =	smul.u32 $0xA000, s7  }
0x7: {  	s8 =	srdreg.scid;
	s12 =	sor.u32 $0x40, s1;
	s11 =	smul.u32 $0xA000, s10  }
0x8: {  	s29 =	simm.s32 $0x0;
	s15 =	sor.u32 $0x50, s1;
	s14 =	smul.u32 $0xA000, s12  }
0x9: {  	s8 =	sand.u32 $0x1, s8;
	_ =	strace $0x8000005C;
	s17 =	smul.u32 $0xA000, s15  }
0xa: {  	s3 =	sshll.u32 s1, $0xC;
	s4 =	sshll.u32 s1, $0x4;
	s23 =	smul.u32 $0x5000, s5  }
0xb: {  	s13 =	ssub.s32 $0x2, s8;
	s18 =	sor.u32 $0x60, s1;
	s24 =	smul.u32 $0x5000, s7  }
0xc: {  	s22 =	sshll.u32 s8, $0x7;
	s21 =	sadd.s32 s3, s0;
	s10 =	smul.u32 $0x5000, s10  }
0xd: {  	s16 =	sshrl.u32 s13, $0x1;
	s0 =	sadd.s32 s4, s0;
	s26 =	smul.u32 $0x5000, s12  }
0xe: {  	s31 =	ssub.s32 s13, s16;
	s13 =	smul.u32 $0xA000, s18;
	s16 =	sshll.u32 s8, $0xA  }
0xf: {  	s3 =	sshrl.u32 s30, $0x2;
	s30 =	smul.u32 $0x5000, s15;
	s4 =	smax.u32 s31, $0x1  }
0x10: {  	s5 =	sadd.s32 s3, s2;
	s8 =	sshrl.u32 s6, $0x2;
	s9 =	sshrl.u32 s9, $0x2  }
0x11: {  	s25 =	sshrl.u32 s11, $0x2;
	s3 =	sshrl.u32 s14, $0x2;
	s14 =	sor.u32 s16, s19  }
0x12: {  	s31 =	smul.u32 $0x5000, s18;
	s15 =	sor.u32 s16, s23;
	s18 =	sor.u32 s16, s24  }
0x13: {  	s23 =	sor.u32 s16, s10;
	s24 =	sor.u32 s16, s26;
	[dreg:$0x4] =	wrdreg s4  }
0x14: {  	s6 =	sadd.s32 s8, s2;
	s7 =	sadd.s32 s9, s2;
	s8 =	sadd.s32 s25, s2  }
0x15: {  	s25 =	sor.u32 $0x70, s1;
	s26 =	sor.u32 s16, s30;
	s9 =	sadd.s32 s3, s2  }
0x16: {  	s14 =	sshrl.u32 s14, $0x3;
	s15 =	sshrl.u32 s15, $0x3;
	s4 =	smul.u32 $0x5000, s25  }
0x17: {  	s28 =	sor.u32 s16, s31;
	s30 =	smul.u32 $0xA000, s25;
	s31 =	sshrl.u32 s17, $0x2  }
0x18: {  	s3 =	sadd.s32 s20, s14;
	s17 =	sshrl.u32 s18, $0x3;
	s18 =	sshrl.u32 s23, $0x3  }
0x19: {  	s23 =	sshrl.u32 s24, $0x3;
	s24 =	sshrl.u32 s26, $0x3;
	p0 =	sgt.u32 s25, $0x7C  }
0x1a: {  	s25 =	simm.s32 $0x8;
	s10 =	sadd.s32 s31, s2;
	[dreg:$0x5] =	wrdreg s3  }
0x1b: {  	s3 =	sadd.s32 s20, s17;
	s17 =	sadd.s32 s20, s23;
	s26 =	sshrl.u32 s28, $0x3  }
0x1c: {  	s31 =	sadd.s32 s22, s21;
	s21 =	sadd.s32 $0xAA00, s0;
	s23 =	simm.s32 $0x4080  }
0x1d: {  	s28 =	simm.s32 $0x80;
	s19 =	sor.u32 s16, s4;
	s4 =	sshrl.u32 s13, $0x2  }
0x1e: {  	s13 =	sshrl.u32 s30, $0x2;
	s16 =	sadd.s32 s20, s15;
	[dreg:$0x7] =	wrdreg s3  }
0x1f: {  	s3 =	sadd.s32 s20, s18;
	s18 =	sadd.s32 s20, s24;
	s22 =	sadd.s32 $0x53FC00, s31  }
0x20: {  	s24 =	simm.s32 $0x1;
	s11 =	sadd.s32 s4, s2;
	[dreg:$0x6] =	wrdreg s16  }
0x21: {  	s12 =	sadd.s32 s13, s2;
	[dreg:$0x8] =	wrdreg s3;
	s30 =	sshrl.u32 s19, $0x3  }
0x22: {  	v0 =	vimm.f32 $0.0e+00;
	s19 =	sadd.s32 s20, s26;
	s26 =	simm.s32 $0x100;
	s20 =	sadd.s32 s20, s30  }
.LBB2_1:
0x23: {  	s3 =	simm.s32 $0x0  }
0x24: {  	s0 =	sand.u32 $0xFE00, s3  }
0x25: {  	s3 =	sand.u32 $0x70, s3;
	s30 =	sshrl.u32 s0, $0x2  }
0x26: {  	s0 =	simm.s32 $0x40;
	s30 =	sor.u32 s3, s30;
	s3 =	simm.s32 $0x0  }
.LBB2_2:
0x27: {  	p1 =	sne.s32 s0, $0x9FC0  }
0x28: {  	[tilespmem:s30+$0x4080] =	vst v0;
	s3 =	sadd.s32 $0x10, s3;
	s30 =	smov.u32 s0;
	s0 =	sadd.s32 $0x40, s0  }
.Ltmp0:
0x29: {  	(pc) =	sbr.rel @p1 .LBB2_2-.Ltmp0, $4  }
0x2a: {  	_ = 	snop  }
0x2b: {  	s30 =	sand.u32 $0xFE00, s30  }
0x2c: {  	s31 =	sand.u32 $0x70, s3;
	s30 =	sshrl.u32 s30, $0x2  }
0x2d: {  	s30 =	sor.u32 s31, s30  }
0x2e: {  	[tilespmem:s30+$0x4080] =	vst v0  }
0x2f: {  	[spmem:s5] =	stream.linear.scatter [tilespmem:s23], [sflag:$0x1], $0x2800, $0x38;
	[tilespmem:$0x1A100] =	vst v63  }
0x30: {  	_ =	swait.ge [sflag:s24], $0x2800  }
0x31: {  	[sflag:s24] =	ssyncset.done $0x0  }
0x32: {  	[sflag:s24] =	ssyncadd.s32 $0xFFFFD800  }
0x33: {  	[spmem:s6] =	stream.linear.scatter [tilespmem:s23], [sflag:$0x1], $0x2800, $0x38;
	[tilespmem:$0x1A100] =	vst v63  }
0x34: {  	_ =	swait.ge [sflag:s24], $0x2800  }
0x35: {  	[sflag:s24] =	ssyncset.done $0x0  }
0x36: {  	[sflag:s24] =	ssyncadd.s32 $0xFFFFD800  }
0x37: {  	[spmem:s7] =	stream.linear.scatter [tilespmem:s23], [sflag:$0x1], $0x2800, $0x38;
	[tilespmem:$0x1A100] =	vst v63  }
0x38: {  	_ =	swait.ge [sflag:s24], $0x2800  }
0x39: {  	[sflag:s24] =	ssyncset.done $0x0  }
0x3a: {  	[sflag:s24] =	ssyncadd.s32 $0xFFFFD800  }
0x3b: {  	[spmem:s8] =	stream.linear.scatter [tilespmem:s23], [sflag:$0x1], $0x2800, $0x38;
	[tilespmem:$0x1A100] =	vst v63  }
0x3c: {  	_ =	swait.ge [sflag:s24], $0x2800  }
0x3d: {  	[sflag:s24] =	ssyncset.done $0x0  }
0x3e: {  	[sflag:s24] =	ssyncadd.s32 $0xFFFFD800  }
0x3f: {  	[spmem:s9] =	stream.linear.scatter [tilespmem:s23], [sflag:$0x1], $0x2800, $0x38;
	[tilespmem:$0x1A100] =	vst v63  }
0x40: {  	_ =	swait.ge [sflag:s24], $0x2800  }
0x41: {  	[sflag:s24] =	ssyncset.done $0x0  }
0x42: {  	[sflag:s24] =	ssyncadd.s32 $0xFFFFD800  }
0x43: {  	[spmem:s10] =	stream.linear.scatter [tilespmem:s23], [sflag:$0x1], $0x2800, $0x38;
	[tilespmem:$0x1A100] =	vst v63  }
0x44: {  	_ =	swait.ge [sflag:s24], $0x2800  }
0x45: {  	[sflag:s24] =	ssyncset.done $0x0  }
0x46: {  	[sflag:s24] =	ssyncadd.s32 $0xFFFFD800  }
0x47: {  	[spmem:s11] =	stream.linear.scatter [tilespmem:s23], [sflag:$0x1], $0x2800, $0x38;
	[tilespmem:$0x1A100] =	vst v63  }
0x48: {  	_ =	swait.ge [sflag:s24], $0x2800  }
0x49: {  	[sflag:s24] =	ssyncset.done $0x0  }
0x4a: {  	s0 =	simm.s32 @!p0 $0x4080;
	[sflag:s24] =	ssyncadd.s32 $0xFFFFD800  }
0x4b: {  	[spmem:s12] =	stream.linear.scatter @!p0 [tilespmem:s0], [sflag:$0x1], $0x2800, $0x38;
	[tilespmem:$0x1A100] =	vst v63  }
0x4c: {  	s0 =	simm.s32 @!p0 $0x1  }
0x4d: {  	_ =	swait.ge @!p0 [sflag:s0], $0x2800  }
0x4e: {  	s3 =	sadd.s32 $0x0, s1;
	[sflag:s0] =	ssyncset.done @!p0 $0x0  }
0x4f: {  	p1 =	sgt.u32 s3, $0x4E1;
	[sflag:s0] =	ssyncadd.s32 @!p0 $0xFFFFD800  }
0x50: {  	s3 =	simm.s32 @!p1 $0x2;
	s0 =	simm.s32 @!p1 $0x0;
	[bflag:$0x0] =	sbarrier.arrive $0xFFFF  }
0x51: {  	[tilespmem:s0], [sflag:$0x2] =	stream.linear.gather @!p1 [hbm4b:s21+s0], $0x80, $0x38;
	[tilespmem:$0x1A100] =	vst v63  }
0x52: {  	_ =	swait.ge @!p1 [sflag:s3], $0x80  }
0x53: {  	s30 =	simm.s32 @!p1 $0x80;
	[sflag:s3] =	ssyncset.done @!p1 $0x0  }
0x54: {  	s31 =	simm.s32 @!p1 $0x400;
	s4 =	simm.s32 @!p1 $0x800;
	[sflag:s3] =	ssyncadd.s32 @!p1 $0xFFFFFF80  }
0x55: {  	[tilespmem:s30], [sflag:$0x2] =	stream.strided.gather @!p1 [hbm4b:s22+s31], $0x4000, s4, s31, $0x38;
	[tilespmem:$0x1A100] =	vst v63  }
0x56: {  	p2 =	por p1, p1;
	_ =	swait.ge @!p1 [sflag:s3], $0x4000  }
0x57: {  	[sflag:s3] =	ssyncset.done @!p2 $0x0  }
0x58: {  	s16 =	sadd.s32 $0x10, s1;
	[sflag:s3] =	ssyncadd.s32 @!p2 $0xFFFFC000;
	s3 =	simm.s32 @!p2 $0x1  }
0x59: {  	[spmem:s2] =	stream.indirect.scatter.add.f32 @!p2 [tilespmem:s30], [sflag:$0x1], $0x80, s0, s30, $0xb8;
	[tilespmem:$0x1A100] =	vst v63  }
0x5a: {  	s31 =	simm.s32 $0x20;
	p1 =	sgt.u32 s16, $0x4E1;
	_ =	swait.ge @!p2 [sflag:s3], $0x4000  }
0x5b: {  	s30 =	sadd.s32 $0x10000, s22;
	s0 =	sadd.s32 $0x100, s21;
	[sflag:s3] =	ssyncset.done @!p2 $0x0  }
.LBB2_4:
0x5c: {  	s4 =	simm.s32 @!p1 $0x0;
	s13 =	simm.s32 @!p1 $0x2;
	[sflag:s3] =	ssyncadd.s32 @!p2 $0xFFFFC000  }
0x5d: {  	[tilespmem:s4], [sflag:$0x2] =	stream.linear.gather @!p1 [hbm4b:s0+s4], $0x80, $0x38;
	[tilespmem:$0x1A100] =	vst v63  }
0x5e: {  	s14 =	smov.u32 s31;
	s31 =	sadd.s32 $0x10, s31;
	_ =	swait.ge @!p1 [sflag:s13], $0x80  }
0x5f: {  	s15 =	simm.s32 @!p1 $0x80;
	p3 =	sne.s32 s31, $0x4F0;
	[sflag:s13] =	ssyncset.done @!p1 $0x0  }
0x60: {  	s3 =	simm.s32 @!p1 $0x400;
	s16 =	simm.s32 @!p1 $0x800;
	[sflag:s13] =	ssyncadd.s32 @!p1 $0xFFFFFF80  }
0x61: {  	[tilespmem:s15], [sflag:$0x2] =	stream.strided.gather @!p1 [hbm4b:s30+s3], $0x4000, s16, s3, $0x38;
	[tilespmem:$0x1A100] =	vst v63  }
0x62: {  	p2 =	por p1, p1;
	_ =	swait.ge @!p1 [sflag:s13], $0x4000  }
.Ltmp1:
0x63: {  	[sflag:s13] =	ssyncset.done @!p2 $0x0;
	(pc) =	sbr.rel @p3 .LBB2_4-.Ltmp1, $4  }
0x64: {  	s3 =	simm.s32 @!p2 $0x1;
	[sflag:s13] =	ssyncadd.s32 @!p2 $0xFFFFC000  }
0x65: {  	[spmem:s2] =	stream.indirect.scatter.add.f32 @!p2 [tilespmem:s15], [sflag:$0x1], $0x80, s4, s15, $0xb8;
	[tilespmem:$0x1A100] =	vst v63  }
0x66: {  	s30 =	sadd.s32 $0x10000, s30;
	s4 =	sadd.s32 s14, s1;
	_ =	swait.ge @!p2 [sflag:s3], $0x4000  }
0x67: {  	s0 =	sadd.s32 $0x100, s0;
	p1 =	sgt.u32 s4, $0x4E1;
	[sflag:s3] =	ssyncset.done @!p2 $0x0  }
0x68: {  	s4 =	simm.s32 @!p1 $0x0;
	s13 =	simm.s32 @!p1 $0x2;
	[sflag:s3] =	ssyncadd.s32 @!p2 $0xFFFFC000  }
0x69: {  	[tilespmem:s4], [sflag:$0x2] =	stream.linear.gather @!p1 [hbm4b:s0+s4], $0x80, $0x38;
	[tilespmem:$0x1A100] =	vst v63  }
0x6a: {  	_ =	swait.ge @!p1 [sflag:s13], $0x80  }
0x6b: {  	s3 =	simm.s32 @!p1 $0x400;
	[sflag:s13] =	ssyncset.done @!p1 $0x0  }
0x6c: {  	s14 =	simm.s32 @!p1 $0x800;
	s0 =	simm.s32 @!p1 $0x80;
	[sflag:s13] =	ssyncadd.s32 @!p1 $0xFFFFFF80  }
0x6d: {  	[tilespmem:s0], [sflag:$0x2] =	stream.strided.gather @!p1 [hbm4b:s30+s3], $0x4000, s14, s3, $0x38;
	[tilespmem:$0x1A100] =	vst v63  }
0x6e: {  	_ =	swait.ge @!p1 [sflag:s13], $0x4000;
	p1 =	por p1, p1  }
0x6f: {  	[sflag:s13] =	ssyncset.done @!p1 $0x0  }
0x70: {  	s3 =	simm.s32 @!p1 $0x1;
	[sflag:s13] =	ssyncadd.s32 @!p1 $0xFFFFC000  }
0x71: {  	[spmem:s2] =	stream.indirect.scatter.add.f32 @!p1 [tilespmem:s0], [sflag:$0x1], $0x80, s4, s0, $0xb8;
	[tilespmem:$0x1A100] =	vst v63  }
0x72: {  	_ =	swait.ge @!p1 [sflag:s3], $0x4000  }
0x73: {  	[sflag:s3] =	ssyncset.done @!p1 $0x0  }
0x74: {  	[sflag:s3] =	ssyncadd.s32 @!p1 $0xFFFFC000  }
0x75: {  	s4 =	sshll.u32 s1, $0x6;
	[bflag:$0x0] =	sbarrier.arrive $0xFFFF  }
0x76: {  	s13 =	sshrl.u32 s5, $0x3;
	s0 =	sor.u32 $0x1C01, s4;
	s14 =	rddreg [dreg:$0x5]  }
0x77: {  	[hbm:s14@s26], [sflag:s0] =	dma.strided [spmem:s13@s28], $0x500, s25, $0x10   }
0x78: {  	_ =	swait.ge [sflag:s24], $0x500  }
0x79: {  	[sflag:s24] =	ssyncset.done $0x0  }
0x7a: {  	s15 =	sshrl.u32 s6, $0x3;
	s16 =	rddreg [dreg:$0x6];
	[sflag:s24] =	ssyncadd.s32 $0xFFFFFB00  }
0x7b: {  	[hbm:s16@s26], [sflag:s0] =	dma.strided [spmem:s15@s28], $0x500, s25, $0x10   }
0x7c: {  	_ =	swait.ge [sflag:s24], $0x500  }
0x7d: {  	[sflag:s24] =	ssyncset.done $0x0  }
0x7e: {  	s30 =	sshrl.u32 s7, $0x3;
	s31 =	rddreg [dreg:$0x7];
	[sflag:s24] =	ssyncadd.s32 $0xFFFFFB00  }
0x7f: {  	[hbm:s31@s26], [sflag:s0] =	dma.strided [spmem:s30@s28], $0x500, s25, $0x10   }
0x80: {  	_ =	swait.ge [sflag:s24], $0x500  }
0x81: {  	[sflag:s24] =	ssyncset.done $0x0  }
0x82: {  	s13 =	sshrl.u32 s8, $0x3;
	s14 =	rddreg [dreg:$0x8];
	[sflag:s24] =	ssyncadd.s32 $0xFFFFFB00  }
0x83: {  	[hbm:s14@s26], [sflag:s0] =	dma.strided [spmem:s13@s28], $0x500, s25, $0x10   }
0x84: {  	_ =	swait.ge [sflag:s24], $0x500  }
0x85: {  	[sflag:s24] =	ssyncset.done $0x0  }
0x86: {  	s15 =	sshrl.u32 s9, $0x3;
	[sflag:s24] =	ssyncadd.s32 $0xFFFFFB00  }
0x87: {  	[hbm:s17@s26], [sflag:s0] =	dma.strided [spmem:s15@s28], $0x500, s25, $0x10   }
0x88: {  	_ =	swait.ge [sflag:s24], $0x500  }
0x89: {  	[sflag:s24] =	ssyncset.done $0x0  }
0x8a: {  	s16 =	sshrl.u32 s10, $0x3;
	[sflag:s24] =	ssyncadd.s32 $0xFFFFFB00  }
0x8b: {  	[hbm:s18@s26], [sflag:s0] =	dma.strided [spmem:s16@s28], $0x500, s25, $0x10   }
0x8c: {  	_ =	swait.ge [sflag:s24], $0x500  }
0x8d: {  	[sflag:s24] =	ssyncset.done $0x0  }
0x8e: {  	s30 =	sshrl.u32 s11, $0x3;
	[sflag:s24] =	ssyncadd.s32 $0xFFFFFB00  }
0x8f: {  	[hbm:s19@s26], [sflag:s0] =	dma.strided [spmem:s30@s28], $0x500, s25, $0x10   }
0x90: {  	_ =	swait.ge [sflag:s24], $0x500  }
0x91: {  	s4 =	simm.s32 @!p0 $0x8;
	s3 =	sshrl.u32 @!p0 s12, $0x3;
	[sflag:s24] =	ssyncset.done $0x0  }
0x92: {  	s13 =	simm.s32 @!p0 $0x100;
	s14 =	simm.s32 @!p0 $0x80;
	[sflag:s24] =	ssyncadd.s32 $0xFFFFFB00  }
0x93: {  	[hbm:s20@s13], [sflag:s0] =	dma.strided @!p0 [spmem:s3@s14], $0x500, s4, $0x10   }
0x94: {  	s0 =	simm.s32 @!p0 $0x1  }
0x95: {  	_ =	swait.ge @!p0 [sflag:s0], $0x500  }
0x96: {  	s29 =	sadd.s32 $0x1, s29;
	s31 =	rddreg [dreg:$0x4]  }
0x97: {  	p1 =	sne.s32 s29, s31  }
.Ltmp2:
0x98: {  	_ = 	snop;
	(pc) =	sbr.rel @p1 .LBB2_1-.Ltmp2, $3  }
0x99: {  	_ =	sdelay $0x1  }
0x9a: {  	[sflag:s0] =	ssyncset.done @!p0 $0x0  }
0x9b: {  	[sflag:s0] =	ssyncadd.s32 @!p0 $0xFFFFFB00  }
0x9c: {  	_ =	sfence.sel $0x180000  }
0x9d: {  	[bflag:$0x0] =	sbarrier.arrive $0xFFFF  }
0x9e: {  	_ =	strace $0x9000005C  }
0x9f: {  	[bflag:$0x2] =	sbarrier.arrive $0xFFFF  }
0xa0: {  	p0 =	sne.s32 s1, $0x0;
	s0 =	rddreg [dreg:$0x3]  }
0xa1: {  	s0 =	sadd.s32 @!p0 $0x100000, s0  }
0xa2: {  	[sflag:s0] =	ssyncadd.tile.s32 @!p0 $0x1;
	_ =	shalt  }
.Lfunc_end2:
_tile_overlayer_lowered:
.L_overlay_start_2:
0xa3: {  	(tag) =	ssettag $0x2  }
0xa4: {  	s0 =	rddreg [dreg:$0x0];
	s2 =	stileid.u32  }
0xa5: {  	s1 =	rddreg [dreg:$0x1];
	p0 =	sne.s32 s2, $0x0  }
0xa6: {  	s3 =	rddreg [dreg:$0x2];
	[bflag:$0x3] =	sbarrier.arrive $0xFFFF;
	s2 =	simm.s32 @!p0 $0x1C01  }
0xa7: {  	[timem:s3], [sflag:s2] =	dma.local @!p0 [hbm:s0], s1  }
0xa8: {  	s0 =	simm.s32 @!p0 $0x1  }
0xa9: {  	_ =	swait.ge @!p0 [sflag:s0], s1  }
0xaa: {  	s1 =	ssub.s32 @!p0 $0x0, s1;
	[sflag:s0] =	ssyncset.done @!p0 $0x0  }
0xab: {  	[sflag:s0] =	ssyncadd.s32 @!p0 s1  }
0xac: {  	[bflag:$0x3] =	sbarrier.arrive $0xFFFF  }
0xad: {  	_ =	shalt  }

// kernel: kernel.43.cloned.1.call-start
scs
__scs_entry_jumppad:
0x0: {  	(pc) =	sbr.rel $0x88, $3  }
0x1: {  	(tag) =	ssettag $0x0;
	lr =	simm.s32 $0x1  }
0x2: {  	[smem:$0x3F95] =	sst lr;
	_ =	strace $0xD0000000  }
0x3: {  	_ = 	snop  }
0x4: {  	_ = 	snop  }
0x5: {  	_ = 	snop  }
0x6: {  	_ = 	snop  }
0x7: {  	_ = 	snop  }
__scs_overlays_trampoline_lowered:
0x8: {  	[smem:$0x3FA4] =	sst s0  }
0x9: {  	[smem:$0x3FA5] =	sst s1  }
0xa: {  	[smem:$0x3FA6] =	sst s2  }
0xb: {  	[smem:$0x3FA7] =	sst s3  }
0xc: {  	[smem:$0x3FA8] =	sst s4  }
0xd: {  	[smem:$0x3FA9] =	sst s5  }
0xe: {  	[smem:$0x3FAA] =	sst s6  }
0xf: {  	[smem:$0x3FAB] =	sst s7  }
0x10: {  	[smem:$0x3FAC] =	sst s8  }
0x11: {  	[smem:$0x3FAD] =	sst s9;
	s0 =	simm.s32 @!p0 $0x0  }
0x12: {  	s1 =	sld [smem:$0x3F93];
	s0 =	simm.s32 @p0 $0x1  }
0x13: {  	[smem:$0x3FAE] =	sst s0;
	s0 =	simm.s32 @!p1 $0x0  }
0x14: {  	s2 =	sld [smem:$0x3F92];
	s0 =	simm.s32 @p1 $0x1  }
0x15: {  	[smem:$0x3FAF] =	sst s0;
	s0 =	simm.s32 @!p2 $0x0  }
0x16: {  	s3 =	sld [smem:$0x3FDB];
	s0 =	simm.s32 @p2 $0x1  }
0x17: {  	s4 =	simm.s32 $0x1BF5;
	[smem:$0x3FB1] =	sst s0  }
0x18: {  	s0 =	sld [smem:$0x3F94];
	_ =	swait.ge [sflag:s4], $0x0  }
0x19: {  	s7 =	sld [smem:$0x3F95]  }
0x1a: {  	s8 =	sadd.s32 $0xFFFFE003, lr  }
0x1b: {  	s9 =	sadd.s32 $0xFFFFFEF7, lr;
	s5 =	simm.s32 $0xFFFFFFFF;
	p2 =	slt.u32 s8, $0xFFFFF086  }
0x1c: {  	p1 =	slt.u32 s9, $0xF7A;
	s5 =	simm.s32 @!p2 $0x0  }
0x1d: {  	s5 =	simm.s32 @p1 $0x1;
	p0 =	seq.s32 s7, s2  }
0x1e: {  	s7 =	smul.u32 @!p0 $0xF7A, s2;
	p2 =	seq.s32 @!p0 s5, $0x0  }
0x1f: {  	s9 =	smul.u32 $0xF7A, s1;
	s8 =	simm.s32 @!p0 $0x1BF5;
	p2 =	por !p2, p0  }
0x20: {  	[sflag:s8] =	ssyncset.s32 @!p0 $0xFFFFF086;
	s6 =	sadd.s32 @!p0 s3, s7;
	s7 =	simm.s32 @!p0 $0x108  }
0x21: {  	s3 =	sadd.s32 s3, s9;
	s6 =	sadd.s32 @!p0 $0x88, s6;
	s7 =	simm.s32 @p2 $0x1082  }
0x22: {  	[simem:s7], [sflag:s8] =	dma.local @!p0 [hbm:s6], $0xF7A  }
0x23: {  	s9 =	sor.u32 $0xD0000000, s2;
	s6 =	simm.s32 $0x108;
	_ =	swait.ge @!p0 [sflag:s8], $0x0  }
0x24: {  	s3 =	sadd.s32 $0x88, s3;
	s6 =	simm.s32 @!p1 $0x1082;
	[sflag:s4] =	ssyncset.s32 $0xFFFFF086  }
0x25: {  	[simem:s6], [sflag:s4] =	dma.local [hbm:s3], $0xF7A  }
0x26: {  	[smem:$0x3F95] =	sst s1;
	(tag) =	ssettag s2;
	_ =	strace s9  }
0x27: {  	s1 =	sld [smem:$0x3FA5]  }
0x28: {  	s2 =	sld [smem:$0x3FA6]  }
0x29: {  	s4 =	sld [smem:$0x3FA8]  }
0x2a: {  	p0 =	seq.s32 s5, $0x0;
	s5 =	sld [smem:$0x3FA9]  }
0x2b: {  	s6 =	sld [smem:$0x3FAA]  }
0x2c: {  	s7 =	sld [smem:$0x3FAB]  }
0x2d: {  	s3 =	simm.s32 $0x108;
	s8 =	sld [smem:$0x3FAC]  }
0x2e: {  	s3 =	simm.s32 @!p0 $0x1082;
	s9 =	sld [smem:$0x3FAD]  }
0x2f: {  	lr =	sadd.s32 s0, s3;
	s0 =	sld [smem:$0x3FA4]  }
0x30: {  	s3 =	sld [smem:$0x3FA7]  }
0x31: {  	[smem:$0x3FB0] =	sst s10  }
0x32: {  	s10 =	sld [smem:$0x3FAE];
	_ =	sdelay $0x3  }
0x33: {  	p0 =	seq.s32 s10, $0x1;
	s10 =	sld [smem:$0x3FB0];
	_ =	sdelay $0x3  }
0x34: {  	[smem:$0x3FB0] =	sst s10  }
0x35: {  	s10 =	sld [smem:$0x3FAF];
	_ =	sdelay $0x3  }
0x36: {  	p1 =	seq.s32 s10, $0x1;
	s10 =	sld [smem:$0x3FB0];
	_ =	sdelay $0x3  }
0x37: {  	[smem:$0x3FB0] =	sst s10  }
0x38: {  	s10 =	sld [smem:$0x3FB1]  }
0x39: {  	_ = 	snop;
	(pc) =	sbr.ind lr, $3  }
0x3a: {  	_ = 	snop  }
0x3b: {  	_ = 	snop  }
0x3c: {  	p2 =	seq.s32 s10, $0x1;
	s10 =	sld [smem:$0x3FB0]  }
0x3d: {  	_ =	shalt  }
0x3e: {  	_ =	shalt  }
0x3f: {  	_ =	shalt  }
0x40: {  	_ =	shalt  }
0x41: {  	_ =	shalt  }
0x42: {  	_ =	shalt  }
0x43: {  	_ =	shalt  }
0x44: {  	_ =	shalt  }
0x45: {  	_ =	shalt  }
0x46: {  	_ =	shalt  }
0x47: {  	_ =	shalt  }
0x48: {  	_ =	shalt  }
0x49: {  	_ =	shalt  }
0x4a: {  	_ =	shalt  }
0x4b: {  	_ =	shalt  }
0x4c: {  	_ =	shalt  }
0x4d: {  	_ =	shalt  }
0x4e: {  	_ =	shalt  }
0x4f: {  	_ =	shalt  }
0x50: {  	_ =	shalt  }
0x51: {  	_ =	shalt  }
0x52: {  	_ =	shalt  }
0x53: {  	_ =	shalt  }
0x54: {  	_ =	shalt  }
0x55: {  	_ =	shalt  }
0x56: {  	_ =	shalt  }
0x57: {  	_ =	shalt  }
0x58: {  	_ =	shalt  }
0x59: {  	_ =	shalt  }
0x5a: {  	_ =	shalt  }
0x5b: {  	_ =	shalt  }
0x5c: {  	_ =	shalt  }
0x5d: {  	_ =	shalt  }
0x5e: {  	_ =	shalt  }
0x5f: {  	_ =	shalt  }
0x60: {  	_ =	shalt  }
0x61: {  	_ =	shalt  }
0x62: {  	_ =	shalt  }
0x63: {  	_ =	shalt  }
0x64: {  	_ =	shalt  }
0x65: {  	_ =	shalt  }
0x66: {  	_ =	shalt  }
0x67: {  	_ =	shalt  }
0x68: {  	_ =	shalt  }
0x69: {  	_ =	shalt  }
0x6a: {  	_ =	shalt  }
0x6b: {  	_ =	shalt  }
0x6c: {  	_ =	shalt  }
0x6d: {  	_ =	shalt  }
0x6e: {  	_ =	shalt  }
0x6f: {  	_ =	shalt  }
0x70: {  	_ =	shalt  }
0x71: {  	_ =	shalt  }
0x72: {  	_ =	shalt  }
0x73: {  	_ =	shalt  }
0x74: {  	_ =	shalt  }
0x75: {  	_ =	shalt  }
0x76: {  	_ =	shalt  }
0x77: {  	_ =	shalt  }
0x78: {  	_ =	shalt  }
0x79: {  	_ =	shalt  }
0x7a: {  	_ =	shalt  }
0x7b: {  	_ =	shalt  }
0x7c: {  	_ =	shalt  }
0x7d: {  	_ =	shalt  }
0x7e: {  	_ =	shalt  }
0x7f: {  	_ =	shalt  }
0x80: {  	_ =	shalt  }
0x81: {  	_ =	shalt  }
0x82: {  	_ =	shalt  }
0x83: {  	_ =	shalt  }
0x84: {  	_ =	shalt  }
0x85: {  	_ =	shalt  }
0x86: {  	_ =	shalt  }
0x87: {  	_ =	shalt  }
.Lfunc_end0:
.L_simem_size_0:
called_computation.8_lowered:
.L_overlay_start_0:
0x88: {  	s2 =	sld [smem:$0x3FD9]  }
0x89: {  	s3 =	sld [smem:$0x3FFE];
	_ =	sdelay $0x1  }
0x8a: {  	s1 =	srdreg.scid  }
0x8b: {  	s0 =	sand.u32 $0x1, s1  }
0x8c: {  	s17 =	sshll.u32 s0, $0xA;
	s2 =	sadd.s32 s3, s2  }
0x8d: {  	s2 =	sadd.s32 s2, s17  }
0x8e: {  	[smem:$0x3FBC] =	sst s2  }
0x8f: {  	_ = 	snop  }
0x90: {  	s2 =	sld [smem:$0x3FC6]  }
0x91: {  	s18 =	sld [smem:$0x3FD0];
	(tm) =	ssettm $0x1  }
0x92: {  	s4 =	sld [smem:$0x3FFB];
	_ =	sdelay $0x3  }
0x93: {  	_ =	strace s4  }
0x94: {  	s4 =	sld [smem:$0x3FFC];
	_ =	sdelay $0x3  }
0x95: {  	_ =	strace s4  }
0x96: {  	s4 =	sld [smem:$0x3FFD];
	_ =	sdelay $0x3  }
0x97: {  	_ =	strace s4  }
0x98: {  	_ =	strace $0x8FFFFFFF  }
0x99: {  	s19 =	sld [smem:$0x3FDB];
	_ =	sdelay $0x1  }
0x9a: {  	s5 =	simm.s32 $_scs_section_size  }
0x9b: {  	s6 =	simm.s32 $_size__tile_overlayer_lowered;
	s7 =	simm.s32 $_tile_overlayer_lowered  }
0x9c: {  	s22 =	simm.s32 $0x1BFF;
	s21 =	sshll.u32 s7, $0x1;
	s4 =	sadd.s32 s5, s19  }
0x9d: {  	s8 =	simm.s32 $0x0;
	s20 =	sshll.u32 s6, $0x1;
	s6 =	sadd.s32 s21, s4  }
0x9e: {  	[timem:s8], [sflag:s22] =	dma.local [hbm:s6], s20  }
0x9f: {  	_ =	swait.ge [sflag:s22], s20  }
0xa0: {  	s5 =	ssub.s32 $0x0, s20;
	[sflag:s22] =	ssyncset.done $0x0  }
0xa1: {  	[sflag:s22] =	ssyncadd.s32 s5;
	_ =	sdelay $0x1  }
0xa2: {  	s23 =	simm.s32 $0x1B8B  }
0xa3: {  	_ =	swait.ge [sflag:s23], $0x1  }
0xa4: {  	[sflag:s23] =	ssyncset.done $0x0  }
0xa5: {  	s25 =	simm.s32 $0x1B8E;
	s24 =	sld [smem:$0x3FFE];
	[sflag:s23] =	ssyncadd.s32 $0xFFFFFFFF  }
0xa6: {  	s26 =	simm.s32 $execute0_lowered;
	[smem:$0x3FD2] =	sst s25  }
0xa7: {  	s6 =	sshll.u32 s26, $0x1;
	_ =	strace $0x8000005E;
	[dreg:$0x1] =	wrdreg $0xFFFFFFFF  }
0xa8: {  	s28 =	simm.s32 $_size_execute0_lowered;
	s4 =	sadd.s32 s4, s6;
	[dreg:$0x0] =	wrdreg $0x0  }
0xa9: {  	s6 =	sshll.u32 s28, $0x1;
	[dreg:$0x2] =	wrdreg s4  }
0xaa: {  	[dreg:$0x3] =	wrdreg s6  }
0xab: {  	[dreg:$0x4] =	wrdreg $0xC0  }
0xac: {  	_ =	task [dreg:s8], $0x5FFFF  }
0xad: {  	[dreg:$0x1] =	wrdreg $0xFFFFFFFF  }
0xae: {  	[dreg:$0x0] =	wrdreg $0x60  }
0xaf: {  	[dreg:$0x2] =	wrdreg s18  }
0xb0: {  	[dreg:$0x3] =	wrdreg s24  }
0xb1: {  	[dreg:$0x4] =	wrdreg s2  }
0xb2: {  	[dreg:$0x5] =	wrdreg $0x9  }
0xb3: {  	_ =	task.clear_ibuf [dreg:s8], $0x6FFFF;
	_ =	strace $0x9000005E  }
0xb4: {  	s29 =	simm.s32 $0x9;
	_ =	strace $0x80000060  }
0xb5: {  	_ =	swait.ge [sflag:s29], $0x1  }
0xb6: {  	[sflag:s29] =	ssyncadd.s32 $0xFFFFFFFF  }
0xb7: {  	_ =	strace $0x90000060  }
0xb8: {  	_ =	sfence  }
0xb9: {  	s30 =	sld [smem:$0x0];
	_ =	sdelay $0x2  }
0xba: {  	s31 =	sshll.u32 s1, $0xD;
	s1 =	sshrl.u32 s1, $0x2  }
0xbb: {  	s3 =	sand.u32 $0x4000, s31;
	s1 =	sadd.s32 s1, s30  }
0xbc: {  	s0 =	sor.u32 s3, s0;
	s1 =	sshll.u32 s1, $0x11  }
0xbd: {  	s0 =	sor.u32 s1, s0  }
0xbe: {  	s0 =	sadd.s32 $0x8F2B, s0  }
0xbf: {  	[sflag:s0] =	ssyncadd.remote.s32 $0x1  }
0xc0: {  	_ =	sfence.sel $0xFFFF  }
0xc1: {  	[dreg:$0x0] =	wrdreg $0xFFFFFFFF;
	(pc) =	sbr.abs _section_cstart, $3  }
0xc2: {  	[dreg:$0x1] =	wrdreg $0xFFFFFFFF  }
0xc3: {  	_ =	task.clear_ibuf [dreg:s8], $0x2FFFF;
	_ =	strace $0x9FFFFFFF  }
0xc4: {  	(tm) =	ssettm $0x7FFFFFFF  }
0xc5: {  	_ =	shalt  }
tec
execute0_lowered:
.L_overlay_start_1:
0x0: {  	(tag) =	ssettag $0x1  }
0x1: {  	s1 =	rddreg [dreg:$0x0]  }
0x2: {  	s0 =	rddreg [dreg:$0x1]  }
0x3: {  	s2 =	rddreg [dreg:$0x2];
	s3 =	simm.s32 $0x0  }
0x4: {  	s4 =	srdreg.scid;
	s11 =	stileid.u32;
	s13 =	simm.s32 $0x100  }
0x5: {  	s30 =	simm.s32 $0x8100;
	s12 =	simm.s32 $0xC100;
	s14 =	simm.s32 $0xC900  }
0x6: {  	s15 =	simm.s32 $0xD100;
	s16 =	simm.s32 $0xD900;
	s17 =	simm.s32 $0xE100  }
0x7: {  	s18 =	simm.s32 $0xE900;
	s19 =	simm.s32 $0xF100;
	s20 =	simm.s32 $0xF900  }
0x8: {  	s21 =	simm.s32 $0x1;
	s22 =	simm.s32 $0x2;
	s23 =	simm.s32 $0x3  }
0x9: {  	s31 =	simm.s32 $0x80;
	[smem:$0x7FF] =	sst s3;
	s5 =	sand.u32 $0x1, s4  }
0xa: {  	s4 =	sadd.s32 $0x53FC00, s0;
	s6 =	sshll.u32 s11, $0x5;
	s9 =	sshll.u32 s11, $0xD  }
0xb: {  	s25 =	sshll.u32 s11, $0x1;
	s11 =	simm.s32 $0x4;
	_ =	strace $0x8000005F  }
0xc: {  	s7 =	ssub.s32 $0x2, s5;
	s8 =	sadd.s32 s6, s0;
	s0 =	sadd.s32 s9, s0  }
0xd: {  	[dreg:$0x4] =	wrdreg s25;
	s26 =	sshll.u32 s5, $0x4;
	s5 =	sshll.u32 s5, $0xC  }
0xe: {  	s2 =	sadd.s32 s6, s2;
	s6 =	simm.s32 $0xA100;
	s9 =	simm.s32 $0xB100  }
0xf: {  	s25 =	simm.s32 $0x0;
	s10 =	sshrl.u32 s7, $0x1;
	s28 =	sadd.s32 s26, s8  }
.Ltmp0:
0x10: {  	s0 =	sadd.s32 s5, s0;
	s5 =	simm.s32 $0xA900;
	(pc) =	sbr.rel .LBB2_1-.Ltmp0, $4  }
0x11: {  	s7 =	ssub.s32 s7, s10;
	s8 =	sadd.s32 $0x5A00, s28;
	s29 =	sadd.s32 $0x1176C00, s0  }
0x12: {  	v2 =	vlaneseq.u32;
	s0 =	sadd.s32 $0x5DC00, s0;
	s10 =	simm.s32 $0xB900;
	[dreg:$0x6] =	wrdreg s29  }
0x13: {  	vm0 =	vmmov $0xffff;
	v1 =	vshrl.u32 v2, $0x3;
	s7 =	smax.u32 s7, $0x1;
	[dreg:$0x7] =	wrdreg s0;
	s0 =	simm.s32 $0x9100  }
0x14: {  	v0 =	vand.u32 $0x7, v2;
	v2 =	vor.u32 $0x8, v2;
	v1 =	vmul.u32 $0x8, v1;
	[dreg:$0x5] =	wrdreg s7;
	s7 =	sadd.s32 s26, s2;
	s2 =	simm.s32 $0x9900  }
.LBB2_5:
0x15: {  	s25 =	rddreg [dreg:$0x8]  }
0x16: {  	s24 =	rddreg [dreg:$0x5];
	s25 =	sadd.s32 $0x1, s25  }
0x17: {  	p0 =	sne.s32 s25, s24  }
.Ltmp1:
0x18: {  	_ = 	snop;
	(pc) =	sbr.rel @!p0 .LBB2_6-.Ltmp1, $1  }
0x19: {  	_ =	sdelay $0x3  }
.LBB2_1:
.Ltmp2:
0x1a: {  	(pc) =	sbr.rel .LBB2_2-.Ltmp2, $4  }
0x1b: {  	[dreg:$0x8] =	wrdreg s25  }
0x1c: {  	s24 =	rddreg [dreg:$0x4]  }
0x1d: {  	s25 =	rddreg [dreg:$0x7]  }
0x1e: {  	s26 =	rddreg [dreg:$0x6];
	s28 =	simm.s32 $0x0  }
.LBB2_4:
0x1f: {  	s28 =	sadd.s32 $0x200, s28  }
0x20: {  	p0 =	sne.s32 s28, $0x5000  }
.Ltmp3:
0x21: {  	_ = 	snop;
	(pc) =	sbr.rel @!p0 .LBB2_5-.Ltmp3, $2  }
0x22: {  	_ =	sdelay $0x2  }
0x23: {  	s26 =	sadd.s32 $0x20000, s26;
	s25 =	sadd.s32 $0x20000, s25;
	s24 =	sadd.s32 $0x20, s24  }
.LBB2_2:
0x24: {  	p0 =	sgt.u32 s24, $0x4E1  }
.Ltmp4:
0x25: {  	_ = 	snop;
	(pc) =	sbr.rel @p0 .LBB2_4-.Ltmp4, $1  }
0x26: {  	_ =	sdelay $0x3  }
0x27: {  	s29 =	sadd.s32 s28, s8  }
0x28: {  	[tilespmem:s3], [sflag:$0x4] =	stream.linear.gather [hbm4b:s29+s3], $0x80, $0x38;
	[tilespmem:$0x10100] =	vst v63  }
0x29: {  	_ =	swait.ge [sflag:s11], $0x80  }
0x2a: {  	[sflag:s11] =	ssyncset.done $0x0  }
0x2b: {  	s29 =	sadd.s32 s28, s7;
	[sflag:s11] =	ssyncadd.s32 $0xFFFFFF80  }
0x2c: {  	[tilespmem:s31], [sflag:$0x4] =	stream.linear.gather [hbm4b:s29+s3], $0x80, $0x38;
	[tilespmem:$0x10100] =	vst v63  }
0x2d: {  	_ =	swait.ge [sflag:s11], $0x80  }
0x2e: {  	[sflag:s11] =	ssyncset.done $0x0  }
0x2f: {  	[sflag:s11] =	ssyncadd.s32 $0xFFFFFF80  }
0x30: {  	v3 =	vld [tilespmem:$0x0];
	_ =	sdelay $0x4  }
0x31: {  	v4 =	vshll.u32 v3, $0x1  }
0x32: {  	v3 =	vand.u32 $0x7, v3;
	v4 =	vand.u32 $0xFFFFFFF0, v4  }
0x33: {  	v3 =	vor.u32 v3, v4  }
0x34: {  	v4 =	vperm.xlane v3, v0;
	_ =	sdelay $0x1  }
0x35: {  	v3 =	vperm.xlane v3, v2;
	v4 =	vadd.s32 v1, v4;
	_ =	sdelay $0x1  }
0x36: {  	v3 =	vadd.s32 v1, v3;
	_ =	sdelay $0x2  }
0x37: {  	[tilespmem:s13], [sflag:$0x1] =	stream.indirect_vreg.gather [hbm4b:s1+s3], $0x80, v4, vm0, $0xb8;
	[tilespmem:$0x10100] =	vst v63  }
0x38: {  	s29 =	simm.s32 $0x900  }
0x39: {  	[tilespmem:s29], [sflag:$0x1] =	stream.indirect_vreg.gather [hbm4b:s1+s3], $0x80, v3, vm0, $0xb8;
	[tilespmem:$0x10100] =	vst v63  }
0x3a: {  	v3 =	vld [tilespmem:$0x10];
	_ =	sdelay $0x4  }
0x3b: {  	v49 =	vshll.u32 v3, $0x1  }
0x3c: {  	v3 =	vand.u32 $0x7, v3;
	v4 =	vand.u32 $0xFFFFFFF0, v49  }
0x3d: {  	v3 =	vor.u32 v3, v4  }
0x3e: {  	v4 =	vperm.xlane v3, v0;
	_ =	sdelay $0x1  }
0x3f: {  	v3 =	vperm.xlane v3, v2;
	v4 =	vadd.s32 v1, v4;
	_ =	sdelay $0x1  }
0x40: {  	v3 =	vadd.s32 v1, v3;
	_ =	sdelay $0x1  }
0x41: {  	s29 =	simm.s32 $0x1100  }
0x42: {  	[tilespmem:s29], [sflag:$0x1] =	stream.indirect_vreg.gather [hbm4b:s1+s3], $0x80, v4, vm0, $0xb8;
	[tilespmem:$0x10100] =	vst v63  }
0x43: {  	s29 =	simm.s32 $0x1900  }
0x44: {  	[tilespmem:s29], [sflag:$0x1] =	stream.indirect_vreg.gather [hbm4b:s1+s3], $0x80, v3, vm0, $0xb8;
	[tilespmem:$0x10100] =	vst v63  }
0x45: {  	v3 =	vld [tilespmem:$0x20];
	_ =	sdelay $0x4  }
0x46: {  	v50 =	vshll.u32 v3, $0x1  }
0x47: {  	v3 =	vand.u32 $0x7, v3;
	v4 =	vand.u32 $0xFFFFFFF0, v50  }
0x48: {  	v3 =	vor.u32 v3, v4  }
0x49: {  	v4 =	vperm.xlane v3, v0;
	_ =	sdelay $0x1  }
0x4a: {  	v3 =	vperm.xlane v3, v2;
	v4 =	vadd.s32 v1, v4;
	_ =	sdelay $0x1  }
0x4b: {  	v3 =	vadd.s32 v1, v3;
	_ =	sdelay $0x1  }
0x4c: {  	s29 =	simm.s32 $0x2100  }
0x4d: {  	[tilespmem:s29], [sflag:$0x1] =	stream.indirect_vreg.gather [hbm4b:s1+s3], $0x80, v4, vm0, $0xb8;
	[tilespmem:$0x10100] =	vst v63  }
0x4e: {  	s29 =	simm.s32 $0x2900  }
0x4f: {  	[tilespmem:s29], [sflag:$0x1] =	stream.indirect_vreg.gather [hbm4b:s1+s3], $0x80, v3, vm0, $0xb8;
	[tilespmem:$0x10100] =	vst v63  }
0x50: {  	v3 =	vld [tilespmem:$0x30];
	_ =	sdelay $0x4  }
0x51: {  	v51 =	vshll.u32 v3, $0x1  }
0x52: {  	v3 =	vand.u32 $0x7, v3;
	v4 =	vand.u32 $0xFFFFFFF0, v51  }
0x53: {  	v3 =	vor.u32 v3, v4  }
0x54: {  	v4 =	vperm.xlane v3, v0;
	_ =	sdelay $0x1  }
0x55: {  	v3 =	vperm.xlane v3, v2;
	v4 =	vadd.s32 v1, v4;
	_ =	sdelay $0x1  }
0x56: {  	v3 =	vadd.s32 v1, v3;
	_ =	sdelay $0x1  }
0x57: {  	s29 =	simm.s32 $0x3100  }
0x58: {  	[tilespmem:s29], [sflag:$0x1] =	stream.indirect_vreg.gather [hbm4b:s1+s3], $0x80, v4, vm0, $0xb8;
	[tilespmem:$0x10100] =	vst v63  }
0x59: {  	s29 =	simm.s32 $0x3900  }
0x5a: {  	[tilespmem:s29], [sflag:$0x1] =	stream.indirect_vreg.gather [hbm4b:s1+s3], $0x80, v3, vm0, $0xb8;
	[tilespmem:$0x10100] =	vst v63  }
0x5b: {  	v3 =	vld [tilespmem:$0x40];
	_ =	sdelay $0x4  }
0x5c: {  	v52 =	vshll.u32 v3, $0x1  }
0x5d: {  	v3 =	vand.u32 $0x7, v3;
	v4 =	vand.u32 $0xFFFFFFF0, v52  }
0x5e: {  	v3 =	vor.u32 v3, v4  }
0x5f: {  	v4 =	vperm.xlane v3, v0;
	_ =	sdelay $0x1  }
0x60: {  	v3 =	vperm.xlane v3, v2;
	v4 =	vadd.s32 v1, v4;
	_ =	sdelay $0x1  }
0x61: {  	v3 =	vadd.s32 v1, v3;
	_ =	sdelay $0x1  }
0x62: {  	s29 =	simm.s32 $0x4100  }
0x63: {  	[tilespmem:s29], [sflag:$0x1] =	stream.indirect_vreg.gather [hbm4b:s1+s3], $0x80, v4, vm0, $0xb8;
	[tilespmem:$0x10100] =	vst v63  }
0x64: {  	s29 =	simm.s32 $0x4900  }
0x65: {  	[tilespmem:s29], [sflag:$0x1] =	stream.indirect_vreg.gather [hbm4b:s1+s3], $0x80, v3, vm0, $0xb8;
	[tilespmem:$0x10100] =	vst v63  }
0x66: {  	v3 =	vld [tilespmem:$0x50];
	_ =	sdelay $0x4  }
0x67: {  	v53 =	vshll.u32 v3, $0x1  }
0x68: {  	v3 =	vand.u32 $0x7, v3;
	v4 =	vand.u32 $0xFFFFFFF0, v53  }
0x69: {  	v3 =	vor.u32 v3, v4  }
0x6a: {  	v4 =	vperm.xlane v3, v0;
	_ =	sdelay $0x1  }
0x6b: {  	v3 =	vperm.xlane v3, v2;
	v4 =	vadd.s32 v1, v4;
	_ =	sdelay $0x1  }
0x6c: {  	v3 =	vadd.s32 v1, v3;
	_ =	sdelay $0x1  }
0x6d: {  	s29 =	simm.s32 $0x5100  }
0x6e: {  	[tilespmem:s29], [sflag:$0x1] =	stream.indirect_vreg.gather [hbm4b:s1+s3], $0x80, v4, vm0, $0xb8;
	[tilespmem:$0x10100] =	vst v63  }
0x6f: {  	s29 =	simm.s32 $0x5900  }
0x70: {  	[tilespmem:s29], [sflag:$0x1] =	stream.indirect_vreg.gather [hbm4b:s1+s3], $0x80, v3, vm0, $0xb8;
	[tilespmem:$0x10100] =	vst v63  }
0x71: {  	v3 =	vld [tilespmem:$0x60];
	_ =	sdelay $0x4  }
0x72: {  	v54 =	vshll.u32 v3, $0x1  }
0x73: {  	v3 =	vand.u32 $0x7, v3;
	v4 =	vand.u32 $0xFFFFFFF0, v54  }
0x74: {  	v3 =	vor.u32 v3, v4  }
0x75: {  	v4 =	vperm.xlane v3, v0;
	_ =	sdelay $0x1  }
0x76: {  	v3 =	vperm.xlane v3, v2;
	v4 =	vadd.s32 v1, v4;
	_ =	sdelay $0x1  }
0x77: {  	v3 =	vadd.s32 v1, v3;
	_ =	sdelay $0x1  }
0x78: {  	s29 =	simm.s32 $0x6100  }
0x79: {  	[tilespmem:s29], [sflag:$0x1] =	stream.indirect_vreg.gather [hbm4b:s1+s3], $0x80, v4, vm0, $0xb8;
	[tilespmem:$0x10100] =	vst v63  }
0x7a: {  	s29 =	simm.s32 $0x6900  }
0x7b: {  	[tilespmem:s29], [sflag:$0x1] =	stream.indirect_vreg.gather [hbm4b:s1+s3], $0x80, v3, vm0, $0xb8;
	[tilespmem:$0x10100] =	vst v63  }
0x7c: {  	v3 =	vld [tilespmem:$0x70];
	_ =	sdelay $0x4  }
0x7d: {  	v55 =	vshll.u32 v3, $0x1  }
0x7e: {  	v3 =	vand.u32 $0x7, v3;
	v4 =	vand.u32 $0xFFFFFFF0, v55  }
0x7f: {  	v3 =	vor.u32 v3, v4  }
0x80: {  	v4 =	vperm.xlane v3, v0;
	_ =	sdelay $0x1  }
0x81: {  	v3 =	vperm.xlane v3, v2;
	v4 =	vadd.s32 v1, v4;
	_ =	sdelay $0x1  }
0x82: {  	v3 =	vadd.s32 v1, v3;
	_ =	sdelay $0x1  }
0x83: {  	s29 =	simm.s32 $0x7100  }
0x84: {  	[tilespmem:s29], [sflag:$0x1] =	stream.indirect_vreg.gather [hbm4b:s1+s3], $0x80, v4, vm0, $0xb8;
	[tilespmem:$0x10100] =	vst v63  }
0x85: {  	s29 =	simm.s32 $0x7900  }
0x86: {  	[tilespmem:s29], [sflag:$0x1] =	stream.indirect_vreg.gather [hbm4b:s1+s3], $0x80, v3, vm0, $0xb8;
	[tilespmem:$0x10100] =	vst v63  }
0x87: {  	v3 =	vld [tilespmem:$0x80];
	_ =	sdelay $0x4  }
0x88: {  	v56 =	vshll.u32 v3, $0x1  }
0x89: {  	v3 =	vand.u32 $0x7, v3;
	v4 =	vand.u32 $0xFFFFFFF0, v56  }
0x8a: {  	v3 =	vor.u32 v3, v4  }
0x8b: {  	v4 =	vperm.xlane v3, v0;
	_ =	sdelay $0x1  }
0x8c: {  	v3 =	vperm.xlane v3, v2;
	v4 =	vadd.s32 v1, v4;
	_ =	sdelay $0x1  }
0x8d: {  	v3 =	vadd.s32 v1, v3;
	_ =	sdelay $0x2  }
0x8e: {  	[tilespmem:s30], [sflag:$0x2] =	stream.indirect_vreg.gather [hbm4b:s4+s3], $0x80, v4, vm0, $0xb8;
	[tilespmem:$0x10100] =	vst v63  }
0x8f: {  	s29 =	simm.s32 $0x8900  }
0x90: {  	[tilespmem:s29], [sflag:$0x2] =	stream.indirect_vreg.gather [hbm4b:s4+s3], $0x80, v3, vm0, $0xb8;
	[tilespmem:$0x10100] =	vst v63  }
0x91: {  	v3 =	vld [tilespmem:$0x90];
	_ =	sdelay $0x4  }
0x92: {  	v57 =	vshll.u32 v3, $0x1  }
0x93: {  	v3 =	vand.u32 $0x7, v3;
	v4 =	vand.u32 $0xFFFFFFF0, v57  }
0x94: {  	v3 =	vor.u32 v3, v4  }
0x95: {  	v4 =	vperm.xlane v3, v0;
	_ =	sdelay $0x1  }
0x96: {  	v3 =	vperm.xlane v3, v2;
	v4 =	vadd.s32 v1, v4;
	_ =	sdelay $0x1  }
0x97: {  	v3 =	vadd.s32 v1, v3;
	_ =	sdelay $0x2  }
0x98: {  	[tilespmem:s0], [sflag:$0x2] =	stream.indirect_vreg.gather [hbm4b:s4+s3], $0x80, v4, vm0, $0xb8;
	[tilespmem:$0x10100] =	vst v63  }
0x99: {  	_ = 	snop  }
0x9a: {  	[tilespmem:s2], [sflag:$0x2] =	stream.indirect_vreg.gather [hbm4b:s4+s3], $0x80, v3, vm0, $0xb8;
	[tilespmem:$0x10100] =	vst v63  }
0x9b: {  	v3 =	vld [tilespmem:$0xA0];
	_ =	sdelay $0x4  }
0x9c: {  	v58 =	vshll.u32 v3, $0x1  }
0x9d: {  	v3 =	vand.u32 $0x7, v3;
	v4 =	vand.u32 $0xFFFFFFF0, v58  }
0x9e: {  	v3 =	vor.u32 v3, v4  }
0x9f: {  	v4 =	vperm.xlane v3, v0;
	_ =	sdelay $0x1  }
0xa0: {  	v3 =	vperm.xlane v3, v2;
	v4 =	vadd.s32 v1, v4;
	_ =	sdelay $0x1  }
0xa1: {  	v3 =	vadd.s32 v1, v3;
	_ =	sdelay $0x2  }
0xa2: {  	[tilespmem:s6], [sflag:$0x2] =	stream.indirect_vreg.gather [hbm4b:s4+s3], $0x80, v4, vm0, $0xb8;
	[tilespmem:$0x10100] =	vst v63  }
0xa3: {  	_ = 	snop  }
0xa4: {  	[tilespmem:s5], [sflag:$0x2] =	stream.indirect_vreg.gather [hbm4b:s4+s3], $0x80, v3, vm0, $0xb8;
	[tilespmem:$0x10100] =	vst v63  }
0xa5: {  	v3 =	vld [tilespmem:$0xB0];
	_ =	sdelay $0x4  }
0xa6: {  	v59 =	vshll.u32 v3, $0x1  }
0xa7: {  	v3 =	vand.u32 $0x7, v3;
	v4 =	vand.u32 $0xFFFFFFF0, v59  }
0xa8: {  	v3 =	vor.u32 v3, v4  }
0xa9: {  	v4 =	vperm.xlane v3, v0;
	_ =	sdelay $0x1  }
0xaa: {  	v3 =	vperm.xlane v3, v2;
	v4 =	vadd.s32 v1, v4;
	_ =	sdelay $0x1  }
0xab: {  	v3 =	vadd.s32 v1, v3;
	_ =	sdelay $0x2  }
0xac: {  	[tilespmem:s9], [sflag:$0x2] =	stream.indirect_vreg.gather [hbm4b:s4+s3], $0x80, v4, vm0, $0xb8;
	[tilespmem:$0x10100] =	vst v63  }
0xad: {  	_ = 	snop  }
0xae: {  	[tilespmem:s10], [sflag:$0x2] =	stream.indirect_vreg.gather [hbm4b:s4+s3], $0x80, v3, vm0, $0xb8;
	[tilespmem:$0x10100] =	vst v63  }
0xaf: {  	v3 =	vld [tilespmem:$0xC0];
	_ =	sdelay $0x4  }
0xb0: {  	v60 =	vshll.u32 v3, $0x1  }
0xb1: {  	v3 =	vand.u32 $0x7, v3;
	v4 =	vand.u32 $0xFFFFFFF0, v60  }
0xb2: {  	v3 =	vor.u32 v3, v4  }
0xb3: {  	v4 =	vperm.xlane v3, v0;
	_ =	sdelay $0x1  }
0xb4: {  	v3 =	vperm.xlane v3, v2;
	v4 =	vadd.s32 v1, v4;
	_ =	sdelay $0x1  }
0xb5: {  	v3 =	vadd.s32 v1, v3;
	_ =	sdelay $0x2  }
0xb6: {  	[tilespmem:s12], [sflag:$0x2] =	stream.indirect_vreg.gather [hbm4b:s4+s3], $0x80, v4, vm0, $0xb8;
	[tilespmem:$0x10100] =	vst v63  }
0xb7: {  	_ = 	snop  }
0xb8: {  	[tilespmem:s14], [sflag:$0x2] =	stream.indirect_vreg.gather [hbm4b:s4+s3], $0x80, v3, vm0, $0xb8;
	[tilespmem:$0x10100] =	vst v63  }
0xb9: {  	v3 =	vld [tilespmem:$0xD0];
	_ =	sdelay $0x4  }
0xba: {  	v61 =	vshll.u32 v3, $0x1  }
0xbb: {  	v3 =	vand.u32 $0x7, v3;
	v4 =	vand.u32 $0xFFFFFFF0, v61  }
0xbc: {  	v3 =	vor.u32 v3, v4  }
0xbd: {  	v4 =	vperm.xlane v3, v0;
	_ =	sdelay $0x1  }
0xbe: {  	v3 =	vperm.xlane v3, v2;
	v4 =	vadd.s32 v1, v4;
	_ =	sdelay $0x1  }
0xbf: {  	v3 =	vadd.s32 v1, v3;
	_ =	sdelay $0x2  }
0xc0: {  	[tilespmem:s15], [sflag:$0x2] =	stream.indirect_vreg.gather [hbm4b:s4+s3], $0x80, v4, vm0, $0xb8;
	[tilespmem:$0x10100] =	vst v63  }
0xc1: {  	_ = 	snop  }
0xc2: {  	[tilespmem:s16], [sflag:$0x2] =	stream.indirect_vreg.gather [hbm4b:s4+s3], $0x80, v3, vm0, $0xb8;
	[tilespmem:$0x10100] =	vst v63  }
0xc3: {  	v3 =	vld [tilespmem:$0xE0];
	_ =	sdelay $0x4  }
0xc4: {  	v62 =	vshll.u32 v3, $0x1  }
0xc5: {  	v3 =	vand.u32 $0x7, v3;
	v4 =	vand.u32 $0xFFFFFFF0, v62  }
0xc6: {  	v3 =	vor.u32 v3, v4  }
0xc7: {  	v4 =	vperm.xlane v3, v0;
	_ =	sdelay $0x1  }
0xc8: {  	v3 =	vperm.xlane v3, v2;
	v4 =	vadd.s32 v1, v4;
	_ =	sdelay $0x1  }
0xc9: {  	v3 =	vadd.s32 v1, v3;
	_ =	sdelay $0x2  }
0xca: {  	[tilespmem:s17], [sflag:$0x2] =	stream.indirect_vreg.gather [hbm4b:s4+s3], $0x80, v4, vm0, $0xb8;
	[tilespmem:$0x10100] =	vst v63  }
0xcb: {  	_ = 	snop  }
0xcc: {  	[tilespmem:s18], [sflag:$0x2] =	stream.indirect_vreg.gather [hbm4b:s4+s3], $0x80, v3, vm0, $0xb8;
	[tilespmem:$0x10100] =	vst v63  }
0xcd: {  	v3 =	vld [tilespmem:$0xF0];
	_ =	sdelay $0x4  }
0xce: {  	v63 =	vshll.u32 v3, $0x1  }
0xcf: {  	v3 =	vand.u32 $0x7, v3;
	v4 =	vand.u32 $0xFFFFFFF0, v63  }
0xd0: {  	v3 =	vor.u32 v3, v4  }
0xd1: {  	v4 =	vperm.xlane v3, v0;
	_ =	sdelay $0x1  }
0xd2: {  	v3 =	vperm.xlane v3, v2;
	v4 =	vadd.s32 v1, v4;
	_ =	sdelay $0x1  }
0xd3: {  	v3 =	vadd.s32 v1, v3;
	_ =	sdelay $0x2  }
0xd4: {  	[tilespmem:s19], [sflag:$0x2] =	stream.indirect_vreg.gather [hbm4b:s4+s3], $0x80, v4, vm0, $0xb8;
	[tilespmem:$0x10100] =	vst v63  }
0xd5: {  	_ = 	snop  }
0xd6: {  	[tilespmem:s20], [sflag:$0x2] =	stream.indirect_vreg.gather [hbm4b:s4+s3], $0x80, v3, vm0, $0xb8;
	[tilespmem:$0x10100] =	vst v63  }
0xd7: {  	_ =	swait.ge [sflag:s21], $0x8000  }
0xd8: {  	[sflag:s21] =	ssyncset.done $0x0  }
0xd9: {  	[sflag:s21] =	ssyncadd.s32 $0xFFFF8000  }
0xda: {  	_ =	swait.ge [sflag:s22], $0x8000  }
0xdb: {  	[sflag:s22] =	ssyncset.done $0x0  }
0xdc: {  	[sflag:s22] =	ssyncadd.s32 $0xFFFF8000  }
0xdd: {  	[hbm4b:s25+s3] =	stream.linear.scatter [tilespmem:s13], [sflag:$0x4], $0x8000, $0x38;
	[tilespmem:$0x10100] =	vst v63  }
0xde: {  	_ =	swait.ge [sflag:s11], $0x8000  }
0xdf: {  	[sflag:s11] =	ssyncset.done $0x0  }
.Ltmp5:
0xe0: {  	[sflag:s11] =	ssyncadd.s32 $0xFFFF8000;
	(pc) =	sbr.rel .LBB2_4-.Ltmp5, $4  }
0xe1: {  	[hbm4b:s26+s3] =	stream.linear.scatter [tilespmem:s30], [sflag:$0x3], $0x8000, $0x38;
	[tilespmem:$0x10100] =	vst v63  }
0xe2: {  	_ =	swait.ge [sflag:s23], $0x8000  }
0xe3: {  	[sflag:s23] =	ssyncset.done $0x0  }
0xe4: {  	[sflag:s23] =	ssyncadd.s32 $0xFFFF8000  }
.LBB2_6:
0xe5: {  	_ =	sfence.sel $0x180000  }
0xe6: {  	[bflag:$0x0] =	sbarrier.arrive $0xFFFF  }
0xe7: {  	_ =	strace $0x9000005F  }
0xe8: {  	s0 =	stileid.u32;
	[bflag:$0x2] =	sbarrier.arrive $0xFFFF  }
0xe9: {  	p0 =	sne.s32 s0, $0x0;
	s0 =	rddreg [dreg:$0x3]  }
0xea: {  	s0 =	sadd.s32 @!p0 $0x100000, s0  }
0xeb: {  	[sflag:s0] =	ssyncadd.tile.s32 @!p0 $0x1;
	_ =	shalt  }
.Lfunc_end2:
_tile_overlayer_lowered:
.L_overlay_start_2:
0xec: {  	(tag) =	ssettag $0x2  }
0xed: {  	s0 =	rddreg [dreg:$0x0];
	s2 =	stileid.u32  }
0xee: {  	s1 =	rddreg [dreg:$0x1];
	p0 =	sne.s32 s2, $0x0  }
0xef: {  	s3 =	rddreg [dreg:$0x2];
	[bflag:$0x3] =	sbarrier.arrive $0xFFFF;
	s2 =	simm.s32 @!p0 $0x1C03  }
0xf0: {  	[timem:s3], [sflag:s2] =	dma.local @!p0 [hbm:s0], s1  }
0xf1: {  	s0 =	simm.s32 @!p0 $0x3  }
0xf2: {  	_ =	swait.ge @!p0 [sflag:s0], s1  }
0xf3: {  	s1 =	ssub.s32 @!p0 $0x0, s1;
	[sflag:s0] =	ssyncset.done @!p0 $0x0  }
0xf4: {  	[sflag:s0] =	ssyncadd.s32 @!p0 s1  }
0xf5: {  	[bflag:$0x3] =	sbarrier.arrive $0xFFFF  }
0xf6: {  	_ =	shalt  }

// kernel: kernel.46.cloned.1.call-start
scs
__scs_entry_jumppad:
0x0: {  	(pc) =	sbr.rel $0x88, $3  }
0x1: {  	(tag) =	ssettag $0x0;
	lr =	simm.s32 $0x1  }
0x2: {  	[smem:$0x3F95] =	sst lr;
	_ =	strace $0xD0000000  }
0x3: {  	_ = 	snop  }
0x4: {  	_ = 	snop  }
0x5: {  	_ = 	snop  }
0x6: {  	_ = 	snop  }
0x7: {  	_ = 	snop  }
__scs_overlays_trampoline_lowered:
0x8: {  	[smem:$0x3FA4] =	sst s0  }
0x9: {  	[smem:$0x3FA5] =	sst s1  }
0xa: {  	[smem:$0x3FA6] =	sst s2  }
0xb: {  	[smem:$0x3FA7] =	sst s3  }
0xc: {  	[smem:$0x3FA8] =	sst s4  }
0xd: {  	[smem:$0x3FA9] =	sst s5  }
0xe: {  	[smem:$0x3FAA] =	sst s6  }
0xf: {  	[smem:$0x3FAB] =	sst s7  }
0x10: {  	[smem:$0x3FAC] =	sst s8  }
0x11: {  	[smem:$0x3FAD] =	sst s9;
	s0 =	simm.s32 @!p0 $0x0  }
0x12: {  	s1 =	sld [smem:$0x3F93];
	s0 =	simm.s32 @p0 $0x1  }
0x13: {  	[smem:$0x3FAE] =	sst s0;
	s0 =	simm.s32 @!p1 $0x0  }
0x14: {  	s2 =	sld [smem:$0x3F92];
	s0 =	simm.s32 @p1 $0x1  }
0x15: {  	[smem:$0x3FAF] =	sst s0;
	s0 =	simm.s32 @!p2 $0x0  }
0x16: {  	s3 =	sld [smem:$0x3FDB];
	s0 =	simm.s32 @p2 $0x1  }
0x17: {  	s4 =	simm.s32 $0x1BF5;
	[smem:$0x3FB1] =	sst s0  }
0x18: {  	s0 =	sld [smem:$0x3F94];
	_ =	swait.ge [sflag:s4], $0x0  }
0x19: {  	s7 =	sld [smem:$0x3F95]  }
0x1a: {  	s8 =	sadd.s32 $0xFFFFE003, lr  }
0x1b: {  	s9 =	sadd.s32 $0xFFFFFEF7, lr;
	s5 =	simm.s32 $0xFFFFFFFF;
	p2 =	slt.u32 s8, $0xFFFFF086  }
0x1c: {  	p1 =	slt.u32 s9, $0xF7A;
	s5 =	simm.s32 @!p2 $0x0  }
0x1d: {  	s5 =	simm.s32 @p1 $0x1;
	p0 =	seq.s32 s7, s2  }
0x1e: {  	s7 =	smul.u32 @!p0 $0xF7A, s2;
	p2 =	seq.s32 @!p0 s5, $0x0  }
0x1f: {  	s9 =	smul.u32 $0xF7A, s1;
	s8 =	simm.s32 @!p0 $0x1BF5;
	p2 =	por !p2, p0  }
0x20: {  	[sflag:s8] =	ssyncset.s32 @!p0 $0xFFFFF086;
	s6 =	sadd.s32 @!p0 s3, s7;
	s7 =	simm.s32 @!p0 $0x108  }
0x21: {  	s3 =	sadd.s32 s3, s9;
	s6 =	sadd.s32 @!p0 $0x88, s6;
	s7 =	simm.s32 @p2 $0x1082  }
0x22: {  	[simem:s7], [sflag:s8] =	dma.local @!p0 [hbm:s6], $0xF7A  }
0x23: {  	s9 =	sor.u32 $0xD0000000, s2;
	s6 =	simm.s32 $0x108;
	_ =	swait.ge @!p0 [sflag:s8], $0x0  }
0x24: {  	s3 =	sadd.s32 $0x88, s3;
	s6 =	simm.s32 @!p1 $0x1082;
	[sflag:s4] =	ssyncset.s32 $0xFFFFF086  }
0x25: {  	[simem:s6], [sflag:s4] =	dma.local [hbm:s3], $0xF7A  }
0x26: {  	[smem:$0x3F95] =	sst s1;
	(tag) =	ssettag s2;
	_ =	strace s9  }
0x27: {  	s1 =	sld [smem:$0x3FA5]  }
0x28: {  	s2 =	sld [smem:$0x3FA6]  }
0x29: {  	s4 =	sld [smem:$0x3FA8]  }
0x2a: {  	p0 =	seq.s32 s5, $0x0;
	s5 =	sld [smem:$0x3FA9]  }
0x2b: {  	s6 =	sld [smem:$0x3FAA]  }
0x2c: {  	s7 =	sld [smem:$0x3FAB]  }
0x2d: {  	s3 =	simm.s32 $0x108;
	s8 =	sld [smem:$0x3FAC]  }
0x2e: {  	s3 =	simm.s32 @!p0 $0x1082;
	s9 =	sld [smem:$0x3FAD]  }
0x2f: {  	lr =	sadd.s32 s0, s3;
	s0 =	sld [smem:$0x3FA4]  }
0x30: {  	s3 =	sld [smem:$0x3FA7]  }
0x31: {  	[smem:$0x3FB0] =	sst s10  }
0x32: {  	s10 =	sld [smem:$0x3FAE];
	_ =	sdelay $0x3  }
0x33: {  	p0 =	seq.s32 s10, $0x1;
	s10 =	sld [smem:$0x3FB0];
	_ =	sdelay $0x3  }
0x34: {  	[smem:$0x3FB0] =	sst s10  }
0x35: {  	s10 =	sld [smem:$0x3FAF];
	_ =	sdelay $0x3  }
0x36: {  	p1 =	seq.s32 s10, $0x1;
	s10 =	sld [smem:$0x3FB0];
	_ =	sdelay $0x3  }
0x37: {  	[smem:$0x3FB0] =	sst s10  }
0x38: {  	s10 =	sld [smem:$0x3FB1]  }
0x39: {  	_ = 	snop;
	(pc) =	sbr.ind lr, $3  }
0x3a: {  	_ = 	snop  }
0x3b: {  	_ = 	snop  }
0x3c: {  	p2 =	seq.s32 s10, $0x1;
	s10 =	sld [smem:$0x3FB0]  }
0x3d: {  	_ =	shalt  }
0x3e: {  	_ =	shalt  }
0x3f: {  	_ =	shalt  }
0x40: {  	_ =	shalt  }
0x41: {  	_ =	shalt  }
0x42: {  	_ =	shalt  }
0x43: {  	_ =	shalt  }
0x44: {  	_ =	shalt  }
0x45: {  	_ =	shalt  }
0x46: {  	_ =	shalt  }
0x47: {  	_ =	shalt  }
0x48: {  	_ =	shalt  }
0x49: {  	_ =	shalt  }
0x4a: {  	_ =	shalt  }
0x4b: {  	_ =	shalt  }
0x4c: {  	_ =	shalt  }
0x4d: {  	_ =	shalt  }
0x4e: {  	_ =	shalt  }
0x4f: {  	_ =	shalt  }
0x50: {  	_ =	shalt  }
0x51: {  	_ =	shalt  }
0x52: {  	_ =	shalt  }
0x53: {  	_ =	shalt  }
0x54: {  	_ =	shalt  }
0x55: {  	_ =	shalt  }
0x56: {  	_ =	shalt  }
0x57: {  	_ =	shalt  }
0x58: {  	_ =	shalt  }
0x59: {  	_ =	shalt  }
0x5a: {  	_ =	shalt  }
0x5b: {  	_ =	shalt  }
0x5c: {  	_ =	shalt  }
0x5d: {  	_ =	shalt  }
0x5e: {  	_ =	shalt  }
0x5f: {  	_ =	shalt  }
0x60: {  	_ =	shalt  }
0x61: {  	_ =	shalt  }
0x62: {  	_ =	shalt  }
0x63: {  	_ =	shalt  }
0x64: {  	_ =	shalt  }
0x65: {  	_ =	shalt  }
0x66: {  	_ =	shalt  }
0x67: {  	_ =	shalt  }
0x68: {  	_ =	shalt  }
0x69: {  	_ =	shalt  }
0x6a: {  	_ =	shalt  }
0x6b: {  	_ =	shalt  }
0x6c: {  	_ =	shalt  }
0x6d: {  	_ =	shalt  }
0x6e: {  	_ =	shalt  }
0x6f: {  	_ =	shalt  }
0x70: {  	_ =	shalt  }
0x71: {  	_ =	shalt  }
0x72: {  	_ =	shalt  }
0x73: {  	_ =	shalt  }
0x74: {  	_ =	shalt  }
0x75: {  	_ =	shalt  }
0x76: {  	_ =	shalt  }
0x77: {  	_ =	shalt  }
0x78: {  	_ =	shalt  }
0x79: {  	_ =	shalt  }
0x7a: {  	_ =	shalt  }
0x7b: {  	_ =	shalt  }
0x7c: {  	_ =	shalt  }
0x7d: {  	_ =	shalt  }
0x7e: {  	_ =	shalt  }
0x7f: {  	_ =	shalt  }
0x80: {  	_ =	shalt  }
0x81: {  	_ =	shalt  }
0x82: {  	_ =	shalt  }
0x83: {  	_ =	shalt  }
0x84: {  	_ =	shalt  }
0x85: {  	_ =	shalt  }
0x86: {  	_ =	shalt  }
0x87: {  	_ =	shalt  }
.Lfunc_end0:
.L_simem_size_0:
called_computation.9_lowered:
.L_overlay_start_0:
0x88: {  	s2 =	sld [smem:$0x3FD9]  }
0x89: {  	s3 =	sld [smem:$0x3FFE];
	_ =	sdelay $0x1  }
0x8a: {  	s1 =	srdreg.scid  }
0x8b: {  	s0 =	sand.u32 $0x1, s1  }
0x8c: {  	s17 =	sshll.u32 s0, $0xA;
	s2 =	sadd.s32 s3, s2  }
0x8d: {  	s2 =	sadd.s32 s2, s17  }
0x8e: {  	[smem:$0x3FBC] =	sst s2  }
0x8f: {  	_ = 	snop  }
0x90: {  	s2 =	sld [smem:$0x3FD0];
	(tm) =	ssettm $0x1  }
0x91: {  	s18 =	sld [smem:$0x3FFB];
	_ =	sdelay $0x3  }
0x92: {  	_ =	strace s18  }
0x93: {  	s3 =	sld [smem:$0x3FFC];
	_ =	sdelay $0x3  }
0x94: {  	_ =	strace s3  }
0x95: {  	s3 =	sld [smem:$0x3FFD];
	_ =	sdelay $0x3  }
0x96: {  	_ =	strace s3  }
0x97: {  	_ =	strace $0x8FFFFFFF  }
0x98: {  	s19 =	sld [smem:$0x3FDB];
	_ =	sdelay $0x1  }
0x99: {  	s4 =	simm.s32 $_scs_section_size  }
0x9a: {  	s5 =	simm.s32 $_size__tile_overlayer_lowered;
	s6 =	simm.s32 $_tile_overlayer_lowered  }
0x9b: {  	s22 =	simm.s32 $0x1BFF;
	s21 =	sshll.u32 s6, $0x1;
	s3 =	sadd.s32 s4, s19  }
0x9c: {  	s7 =	simm.s32 $0x0;
	s20 =	sshll.u32 s5, $0x1;
	s5 =	sadd.s32 s21, s3  }
0x9d: {  	[timem:s7], [sflag:s22] =	dma.local [hbm:s5], s20  }
0x9e: {  	_ =	swait.ge [sflag:s22], s20  }
0x9f: {  	s4 =	ssub.s32 $0x0, s20;
	[sflag:s22] =	ssyncset.done $0x0  }
0xa0: {  	[sflag:s22] =	ssyncadd.s32 s4;
	_ =	sdelay $0x1  }
0xa1: {  	s23 =	simm.s32 $0x1B8B  }
0xa2: {  	_ =	swait.ge [sflag:s23], $0x1  }
0xa3: {  	[sflag:s23] =	ssyncset.done $0x0  }
0xa4: {  	s25 =	simm.s32 $0x1B8E;
	s24 =	sld [smem:$0x3FFE];
	[sflag:s23] =	ssyncadd.s32 $0xFFFFFFFF  }
0xa5: {  	s26 =	simm.s32 $execute0_lowered;
	[smem:$0x3FD2] =	sst s25  }
0xa6: {  	s5 =	sshll.u32 s26, $0x1;
	_ =	strace $0x80000061;
	[dreg:$0x1] =	wrdreg $0xFFFFFFFF  }
0xa7: {  	s28 =	simm.s32 $_size_execute0_lowered;
	s3 =	sadd.s32 s3, s5;
	[dreg:$0x0] =	wrdreg $0x0  }
0xa8: {  	s5 =	sshll.u32 s28, $0x1;
	[dreg:$0x2] =	wrdreg s3  }
0xa9: {  	[dreg:$0x3] =	wrdreg s5  }
0xaa: {  	[dreg:$0x4] =	wrdreg $0xC0  }
0xab: {  	_ =	task [dreg:s7], $0x5FFFF  }
0xac: {  	[dreg:$0x1] =	wrdreg $0xFFFFFFFF  }
0xad: {  	[dreg:$0x0] =	wrdreg $0x60  }
0xae: {  	[dreg:$0x2] =	wrdreg s24  }
0xaf: {  	[dreg:$0x3] =	wrdreg s2  }
0xb0: {  	[dreg:$0x4] =	wrdreg $0x68800  }
0xb1: {  	[dreg:$0x5] =	wrdreg $0x9  }
0xb2: {  	_ =	task.clear_ibuf [dreg:s7], $0x6FFFF;
	_ =	strace $0x90000061  }
0xb3: {  	s29 =	simm.s32 $0x9;
	_ =	strace $0x80000063  }
0xb4: {  	_ =	swait.ge [sflag:s29], $0x1  }
0xb5: {  	[sflag:s29] =	ssyncadd.s32 $0xFFFFFFFF  }
0xb6: {  	_ =	strace $0x90000063  }
0xb7: {  	_ =	sfence  }
0xb8: {  	s30 =	sld [smem:$0x0];
	_ =	sdelay $0x2  }
0xb9: {  	s31 =	sshll.u32 s1, $0xD;
	s1 =	sshrl.u32 s1, $0x2  }
0xba: {  	s3 =	sand.u32 $0x4000, s31;
	s1 =	sadd.s32 s1, s30  }
0xbb: {  	s0 =	sor.u32 s3, s0;
	s1 =	sshll.u32 s1, $0x11  }
0xbc: {  	s0 =	sor.u32 s1, s0  }
0xbd: {  	s0 =	sadd.s32 $0x8F2B, s0  }
0xbe: {  	[sflag:s0] =	ssyncadd.remote.s32 $0x1  }
0xbf: {  	_ =	sfence.sel $0xFFFF  }
0xc0: {  	[dreg:$0x0] =	wrdreg $0xFFFFFFFF;
	(pc) =	sbr.abs _section_cstart, $3  }
0xc1: {  	[dreg:$0x1] =	wrdreg $0xFFFFFFFF  }
0xc2: {  	_ =	task.clear_ibuf [dreg:s7], $0x2FFFF;
	_ =	strace $0x9FFFFFFF  }
0xc3: {  	(tm) =	ssettm $0x7FFFFFFF  }
tec
execute0_lowered:
.L_overlay_start_1:
0x0: {  	(tag) =	ssettag $0x1  }
0x1: {  	s1 =	simm.s32 $0x0  }
0x2: {  	[smem:$0x7FF] =	sst s1;
	s1 =	stileid.u32  }
0x3: {  	s30 =	smul.u32 $0xA000, s1  }
0x4: {  	s0 =	rddreg [dreg:$0x0];
	s5 =	sor.u32 $0x10, s1;
	s19 =	smul.u32 $0x5000, s1  }
0x5: {  	s20 =	rddreg [dreg:$0x1];
	s7 =	sor.u32 $0x20, s1;
	s6 =	smul.u32 $0xA000, s5  }
0x6: {  	s2 =	rddreg [dreg:$0x2];
	s10 =	sor.u32 $0x30, s1;
	s9 =	smul.u32 $0xA000, s7  }
0x7: {  	s8 =	srdreg.scid;
	s12 =	sor.u32 $0x40, s1;
	s11 =	smul.u32 $0xA000, s10  }
0x8: {  	s29 =	simm.s32 $0x0;
	s15 =	sor.u32 $0x50, s1;
	s14 =	smul.u32 $0xA000, s12  }
0x9: {  	s8 =	sand.u32 $0x1, s8;
	_ =	strace $0x80000062;
	s17 =	smul.u32 $0xA000, s15  }
0xa: {  	s3 =	sshll.u32 s1, $0xC;
	s4 =	sshll.u32 s1, $0x4;
	s23 =	smul.u32 $0x5000, s5  }
0xb: {  	s13 =	ssub.s32 $0x2, s8;
	s18 =	sor.u32 $0x60, s1;
	s24 =	smul.u32 $0x5000, s7  }
0xc: {  	s22 =	sshll.u32 s8, $0x7;
	s21 =	sadd.s32 s3, s0;
	s10 =	smul.u32 $0x5000, s10  }
0xd: {  	s16 =	sshrl.u32 s13, $0x1;
	s0 =	sadd.s32 s4, s0;
	s26 =	smul.u32 $0x5000, s12  }
0xe: {  	s31 =	ssub.s32 s13, s16;
	s13 =	smul.u32 $0xA000, s18;
	s16 =	sshll.u32 s8, $0xA  }
0xf: {  	s3 =	sshrl.u32 s30, $0x2;
	s30 =	smul.u32 $0x5000, s15;
	s4 =	smax.u32 s31, $0x1  }
0x10: {  	s5 =	sadd.s32 s3, s2;
	s8 =	sshrl.u32 s6, $0x2;
	s9 =	sshrl.u32 s9, $0x2  }
0x11: {  	s25 =	sshrl.u32 s11, $0x2;
	s3 =	sshrl.u32 s14, $0x2;
	s14 =	sor.u32 s16, s19  }
0x12: {  	s31 =	smul.u32 $0x5000, s18;
	s15 =	sor.u32 s16, s23;
	s18 =	sor.u32 s16, s24  }
0x13: {  	s23 =	sor.u32 s16, s10;
	s24 =	sor.u32 s16, s26;
	[dreg:$0x4] =	wrdreg s4  }
0x14: {  	s6 =	sadd.s32 s8, s2;
	s7 =	sadd.s32 s9, s2;
	s8 =	sadd.s32 s25, s2  }
0x15: {  	s25 =	sor.u32 $0x70, s1;
	s26 =	sor.u32 s16, s30;
	s9 =	sadd.s32 s3, s2  }
0x16: {  	s14 =	sshrl.u32 s14, $0x3;
	s15 =	sshrl.u32 s15, $0x3;
	s4 =	smul.u32 $0x5000, s25  }
0x17: {  	s28 =	sor.u32 s16, s31;
	s30 =	smul.u32 $0xA000, s25;
	s31 =	sshrl.u32 s17, $0x2  }
0x18: {  	s3 =	sadd.s32 s20, s14;
	s17 =	sshrl.u32 s18, $0x3;
	s18 =	sshrl.u32 s23, $0x3  }
0x19: {  	s23 =	sshrl.u32 s24, $0x3;
	s24 =	sshrl.u32 s26, $0x3;
	p0 =	sgt.u32 s25, $0x7C  }
0x1a: {  	s25 =	simm.s32 $0x8;
	s10 =	sadd.s32 s31, s2;
	[dreg:$0x5] =	wrdreg s3  }
0x1b: {  	s3 =	sadd.s32 s20, s17;
	s17 =	sadd.s32 s20, s23;
	s26 =	sshrl.u32 s28, $0x3  }
0x1c: {  	s31 =	sadd.s32 s22, s21;
	s21 =	sadd.s32 $0xAA00, s0;
	s23 =	simm.s32 $0x4080  }
0x1d: {  	s28 =	simm.s32 $0x80;
	s19 =	sor.u32 s16, s4;
	s4 =	sshrl.u32 s13, $0x2  }
0x1e: {  	s13 =	sshrl.u32 s30, $0x2;
	s16 =	sadd.s32 s20, s15;
	[dreg:$0x7] =	wrdreg s3  }
0x1f: {  	s3 =	sadd.s32 s20, s18;
	s18 =	sadd.s32 s20, s24;
	s22 =	sadd.s32 $0x53FC00, s31  }
0x20: {  	s24 =	simm.s32 $0x1;
	s11 =	sadd.s32 s4, s2;
	[dreg:$0x6] =	wrdreg s16  }
0x21: {  	s12 =	sadd.s32 s13, s2;
	[dreg:$0x8] =	wrdreg s3;
	s30 =	sshrl.u32 s19, $0x3  }
0x22: {  	v0 =	vimm.f32 $0.0e+00;
	s19 =	sadd.s32 s20, s26;
	s26 =	simm.s32 $0x100;
	s20 =	sadd.s32 s20, s30  }
.LBB2_1:
0x23: {  	s3 =	simm.s32 $0x0  }
0x24: {  	s0 =	sand.u32 $0xFE00, s3  }
0x25: {  	s3 =	sand.u32 $0x70, s3;
	s30 =	sshrl.u32 s0, $0x2  }
0x26: {  	s0 =	simm.s32 $0x40;
	s30 =	sor.u32 s3, s30;
	s3 =	simm.s32 $0x0  }
.LBB2_2:
0x27: {  	p1 =	sne.s32 s0, $0x9FC0  }
0x28: {  	[tilespmem:s30+$0x4080] =	vst v0;
	s3 =	sadd.s32 $0x10, s3;
	s30 =	smov.u32 s0;
	s0 =	sadd.s32 $0x40, s0  }
.Ltmp0:
0x29: {  	(pc) =	sbr.rel @p1 .LBB2_2-.Ltmp0, $4  }
0x2a: {  	_ = 	snop  }
0x2b: {  	s30 =	sand.u32 $0xFE00, s30  }
0x2c: {  	s31 =	sand.u32 $0x70, s3;
	s30 =	sshrl.u32 s30, $0x2  }
0x2d: {  	s30 =	sor.u32 s31, s30  }
0x2e: {  	[tilespmem:s30+$0x4080] =	vst v0  }
0x2f: {  	[spmem:s5] =	stream.linear.scatter [tilespmem:s23], [sflag:$0x1], $0x2800, $0x38;
	[tilespmem:$0x1A100] =	vst v63  }
0x30: {  	_ =	swait.ge [sflag:s24], $0x2800  }
0x31: {  	[sflag:s24] =	ssyncset.done $0x0  }
0x32: {  	[sflag:s24] =	ssyncadd.s32 $0xFFFFD800  }
0x33: {  	[spmem:s6] =	stream.linear.scatter [tilespmem:s23], [sflag:$0x1], $0x2800, $0x38;
	[tilespmem:$0x1A100] =	vst v63  }
0x34: {  	_ =	swait.ge [sflag:s24], $0x2800  }
0x35: {  	[sflag:s24] =	ssyncset.done $0x0  }
0x36: {  	[sflag:s24] =	ssyncadd.s32 $0xFFFFD800  }
0x37: {  	[spmem:s7] =	stream.linear.scatter [tilespmem:s23], [sflag:$0x1], $0x2800, $0x38;
	[tilespmem:$0x1A100] =	vst v63  }
0x38: {  	_ =	swait.ge [sflag:s24], $0x2800  }
0x39: {  	[sflag:s24] =	ssyncset.done $0x0  }
0x3a: {  	[sflag:s24] =	ssyncadd.s32 $0xFFFFD800  }
0x3b: {  	[spmem:s8] =	stream.linear.scatter [tilespmem:s23], [sflag:$0x1], $0x2800, $0x38;
	[tilespmem:$0x1A100] =	vst v63  }
0x3c: {  	_ =	swait.ge [sflag:s24], $0x2800  }
0x3d: {  	[sflag:s24] =	ssyncset.done $0x0  }
0x3e: {  	[sflag:s24] =	ssyncadd.s32 $0xFFFFD800  }
0x3f: {  	[spmem:s9] =	stream.linear.scatter [tilespmem:s23], [sflag:$0x1], $0x2800, $0x38;
	[tilespmem:$0x1A100] =	vst v63  }
0x40: {  	_ =	swait.ge [sflag:s24], $0x2800  }
0x41: {  	[sflag:s24] =	ssyncset.done $0x0  }
0x42: {  	[sflag:s24] =	ssyncadd.s32 $0xFFFFD800  }
0x43: {  	[spmem:s10] =	stream.linear.scatter [tilespmem:s23], [sflag:$0x1], $0x2800, $0x38;
	[tilespmem:$0x1A100] =	vst v63  }
0x44: {  	_ =	swait.ge [sflag:s24], $0x2800  }
0x45: {  	[sflag:s24] =	ssyncset.done $0x0  }
0x46: {  	[sflag:s24] =	ssyncadd.s32 $0xFFFFD800  }
0x47: {  	[spmem:s11] =	stream.linear.scatter [tilespmem:s23], [sflag:$0x1], $0x2800, $0x38;
	[tilespmem:$0x1A100] =	vst v63  }
0x48: {  	_ =	swait.ge [sflag:s24], $0x2800  }
0x49: {  	[sflag:s24] =	ssyncset.done $0x0  }
0x4a: {  	s0 =	simm.s32 @!p0 $0x4080;
	[sflag:s24] =	ssyncadd.s32 $0xFFFFD800  }
0x4b: {  	[spmem:s12] =	stream.linear.scatter @!p0 [tilespmem:s0], [sflag:$0x1], $0x2800, $0x38;
	[tilespmem:$0x1A100] =	vst v63  }
0x4c: {  	s0 =	simm.s32 @!p0 $0x1  }
0x4d: {  	_ =	swait.ge @!p0 [sflag:s0], $0x2800  }
0x4e: {  	s3 =	sadd.s32 $0x0, s1;
	[sflag:s0] =	ssyncset.done @!p0 $0x0  }
0x4f: {  	p1 =	sgt.u32 s3, $0x4E1;
	[sflag:s0] =	ssyncadd.s32 @!p0 $0xFFFFD800  }
0x50: {  	s3 =	simm.s32 @!p1 $0x2;
	s0 =	simm.s32 @!p1 $0x0;
	[bflag:$0x0] =	sbarrier.arrive $0xFFFF  }
0x51: {  	[tilespmem:s0], [sflag:$0x2] =	stream.linear.gather @!p1 [hbm4b:s21+s0], $0x80, $0x38;
	[tilespmem:$0x1A100] =	vst v63  }
0x52: {  	_ =	swait.ge @!p1 [sflag:s3], $0x80  }
0x53: {  	s30 =	simm.s32 @!p1 $0x80;
	[sflag:s3] =	ssyncset.done @!p1 $0x0  }
0x54: {  	s31 =	simm.s32 @!p1 $0x400;
	s4 =	simm.s32 @!p1 $0x800;
	[sflag:s3] =	ssyncadd.s32 @!p1 $0xFFFFFF80  }
0x55: {  	[tilespmem:s30], [sflag:$0x2] =	stream.strided.gather @!p1 [hbm4b:s22+s31], $0x4000, s4, s31, $0x38;
	[tilespmem:$0x1A100] =	vst v63  }
0x56: {  	p2 =	por p1, p1;
	_ =	swait.ge @!p1 [sflag:s3], $0x4000  }
0x57: {  	[sflag:s3] =	ssyncset.done @!p2 $0x0  }
0x58: {  	s16 =	sadd.s32 $0x10, s1;
	[sflag:s3] =	ssyncadd.s32 @!p2 $0xFFFFC000;
	s3 =	simm.s32 @!p2 $0x1  }
0x59: {  	[spmem:s2] =	stream.indirect.scatter.add.f32 @!p2 [tilespmem:s30], [sflag:$0x1], $0x80, s0, s30, $0xb8;
	[tilespmem:$0x1A100] =	vst v63  }
0x5a: {  	s31 =	simm.s32 $0x20;
	p1 =	sgt.u32 s16, $0x4E1;
	_ =	swait.ge @!p2 [sflag:s3], $0x4000  }
0x5b: {  	s30 =	sadd.s32 $0x10000, s22;
	s0 =	sadd.s32 $0x100, s21;
	[sflag:s3] =	ssyncset.done @!p2 $0x0  }
.LBB2_4:
0x5c: {  	s4 =	simm.s32 @!p1 $0x0;
	s13 =	simm.s32 @!p1 $0x2;
	[sflag:s3] =	ssyncadd.s32 @!p2 $0xFFFFC000  }
0x5d: {  	[tilespmem:s4], [sflag:$0x2] =	stream.linear.gather @!p1 [hbm4b:s0+s4], $0x80, $0x38;
	[tilespmem:$0x1A100] =	vst v63  }
0x5e: {  	s14 =	smov.u32 s31;
	s31 =	sadd.s32 $0x10, s31;
	_ =	swait.ge @!p1 [sflag:s13], $0x80  }
0x5f: {  	s15 =	simm.s32 @!p1 $0x80;
	p3 =	sne.s32 s31, $0x4F0;
	[sflag:s13] =	ssyncset.done @!p1 $0x0  }
0x60: {  	s3 =	simm.s32 @!p1 $0x400;
	s16 =	simm.s32 @!p1 $0x800;
	[sflag:s13] =	ssyncadd.s32 @!p1 $0xFFFFFF80  }
0x61: {  	[tilespmem:s15], [sflag:$0x2] =	stream.strided.gather @!p1 [hbm4b:s30+s3], $0x4000, s16, s3, $0x38;
	[tilespmem:$0x1A100] =	vst v63  }
0x62: {  	p2 =	por p1, p1;
	_ =	swait.ge @!p1 [sflag:s13], $0x4000  }
.Ltmp1:
0x63: {  	[sflag:s13] =	ssyncset.done @!p2 $0x0;
	(pc) =	sbr.rel @p3 .LBB2_4-.Ltmp1, $4  }
0x64: {  	s3 =	simm.s32 @!p2 $0x1;
	[sflag:s13] =	ssyncadd.s32 @!p2 $0xFFFFC000  }
0x65: {  	[spmem:s2] =	stream.indirect.scatter.add.f32 @!p2 [tilespmem:s15], [sflag:$0x1], $0x80, s4, s15, $0xb8;
	[tilespmem:$0x1A100] =	vst v63  }
0x66: {  	s30 =	sadd.s32 $0x10000, s30;
	s4 =	sadd.s32 s14, s1;
	_ =	swait.ge @!p2 [sflag:s3], $0x4000  }
0x67: {  	s0 =	sadd.s32 $0x100, s0;
	p1 =	sgt.u32 s4, $0x4E1;
	[sflag:s3] =	ssyncset.done @!p2 $0x0  }
0x68: {  	s4 =	simm.s32 @!p1 $0x0;
	s13 =	simm.s32 @!p1 $0x2;
	[sflag:s3] =	ssyncadd.s32 @!p2 $0xFFFFC000  }
0x69: {  	[tilespmem:s4], [sflag:$0x2] =	stream.linear.gather @!p1 [hbm4b:s0+s4], $0x80, $0x38;
	[tilespmem:$0x1A100] =	vst v63  }
0x6a: {  	_ =	swait.ge @!p1 [sflag:s13], $0x80  }
0x6b: {  	s3 =	simm.s32 @!p1 $0x400;
	[sflag:s13] =	ssyncset.done @!p1 $0x0  }
0x6c: {  	s14 =	simm.s32 @!p1 $0x800;
	s0 =	simm.s32 @!p1 $0x80;
	[sflag:s13] =	ssyncadd.s32 @!p1 $0xFFFFFF80  }
0x6d: {  	[tilespmem:s0], [sflag:$0x2] =	stream.strided.gather @!p1 [hbm4b:s30+s3], $0x4000, s14, s3, $0x38;
	[tilespmem:$0x1A100] =	vst v63  }
0x6e: {  	_ =	swait.ge @!p1 [sflag:s13], $0x4000;
	p1 =	por p1, p1  }
0x6f: {  	[sflag:s13] =	ssyncset.done @!p1 $0x0  }
0x70: {  	s3 =	simm.s32 @!p1 $0x1;
	[sflag:s13] =	ssyncadd.s32 @!p1 $0xFFFFC000  }
0x71: {  	[spmem:s2] =	stream.indirect.scatter.add.f32 @!p1 [tilespmem:s0], [sflag:$0x1], $0x80, s4, s0, $0xb8;
	[tilespmem:$0x1A100] =	vst v63  }
0x72: {  	_ =	swait.ge @!p1 [sflag:s3], $0x4000  }
0x73: {  	[sflag:s3] =	ssyncset.done @!p1 $0x0  }
0x74: {  	[sflag:s3] =	ssyncadd.s32 @!p1 $0xFFFFC000  }
0x75: {  	s4 =	sshll.u32 s1, $0x6;
	[bflag:$0x0] =	sbarrier.arrive $0xFFFF  }
0x76: {  	s13 =	sshrl.u32 s5, $0x3;
	s0 =	sor.u32 $0x1C01, s4;
	s14 =	rddreg [dreg:$0x5]  }
0x77: {  	[hbm:s14@s26], [sflag:s0] =	dma.strided [spmem:s13@s28], $0x500, s25, $0x10   }
0x78: {  	_ =	swait.ge [sflag:s24], $0x500  }
0x79: {  	[sflag:s24] =	ssyncset.done $0x0  }
0x7a: {  	s15 =	sshrl.u32 s6, $0x3;
	s16 =	rddreg [dreg:$0x6];
	[sflag:s24] =	ssyncadd.s32 $0xFFFFFB00  }
0x7b: {  	[hbm:s16@s26], [sflag:s0] =	dma.strided [spmem:s15@s28], $0x500, s25, $0x10   }
0x7c: {  	_ =	swait.ge [sflag:s24], $0x500  }
0x7d: {  	[sflag:s24] =	ssyncset.done $0x0  }
0x7e: {  	s30 =	sshrl.u32 s7, $0x3;
	s31 =	rddreg [dreg:$0x7];
	[sflag:s24] =	ssyncadd.s32 $0xFFFFFB00  }
0x7f: {  	[hbm:s31@s26], [sflag:s0] =	dma.strided [spmem:s30@s28], $0x500, s25, $0x10   }
0x80: {  	_ =	swait.ge [sflag:s24], $0x500  }
0x81: {  	[sflag:s24] =	ssyncset.done $0x0  }
0x82: {  	s13 =	sshrl.u32 s8, $0x3;
	s14 =	rddreg [dreg:$0x8];
	[sflag:s24] =	ssyncadd.s32 $0xFFFFFB00  }
0x83: {  	[hbm:s14@s26], [sflag:s0] =	dma.strided [spmem:s13@s28], $0x500, s25, $0x10   }
0x84: {  	_ =	swait.ge [sflag:s24], $0x500  }
0x85: {  	[sflag:s24] =	ssyncset.done $0x0  }
0x86: {  	s15 =	sshrl.u32 s9, $0x3;
	[sflag:s24] =	ssyncadd.s32 $0xFFFFFB00  }
0x87: {  	[hbm:s17@s26], [sflag:s0] =	dma.strided [spmem:s15@s28], $0x500, s25, $0x10   }
0x88: {  	_ =	swait.ge [sflag:s24], $0x500  }
0x89: {  	[sflag:s24] =	ssyncset.done $0x0  }
0x8a: {  	s16 =	sshrl.u32 s10, $0x3;
	[sflag:s24] =	ssyncadd.s32 $0xFFFFFB00  }
0x8b: {  	[hbm:s18@s26], [sflag:s0] =	dma.strided [spmem:s16@s28], $0x500, s25, $0x10   }
0x8c: {  	_ =	swait.ge [sflag:s24], $0x500  }
0x8d: {  	[sflag:s24] =	ssyncset.done $0x0  }
0x8e: {  	s30 =	sshrl.u32 s11, $0x3;
	[sflag:s24] =	ssyncadd.s32 $0xFFFFFB00  }
0x8f: {  	[hbm:s19@s26], [sflag:s0] =	dma.strided [spmem:s30@s28], $0x500, s25, $0x10   }
0x90: {  	_ =	swait.ge [sflag:s24], $0x500  }
0x91: {  	s4 =	simm.s32 @!p0 $0x8;
	s3 =	sshrl.u32 @!p0 s12, $0x3;
	[sflag:s24] =	ssyncset.done $0x0  }
0x92: {  	s13 =	simm.s32 @!p0 $0x100;
	s14 =	simm.s32 @!p0 $0x80;
	[sflag:s24] =	ssyncadd.s32 $0xFFFFFB00  }
0x93: {  	[hbm:s20@s13], [sflag:s0] =	dma.strided @!p0 [spmem:s3@s14], $0x500, s4, $0x10   }
0x94: {  	s0 =	simm.s32 @!p0 $0x1  }
0x95: {  	_ =	swait.ge @!p0 [sflag:s0], $0x500  }
0x96: {  	s29 =	sadd.s32 $0x1, s29;
	s31 =	rddreg [dreg:$0x4]  }
0x97: {  	p1 =	sne.s32 s29, s31  }
.Ltmp2:
0x98: {  	_ = 	snop;
	(pc) =	sbr.rel @p1 .LBB2_1-.Ltmp2, $3  }
0x99: {  	_ =	sdelay $0x1  }
0x9a: {  	[sflag:s0] =	ssyncset.done @!p0 $0x0  }
0x9b: {  	[sflag:s0] =	ssyncadd.s32 @!p0 $0xFFFFFB00  }
0x9c: {  	_ =	sfence.sel $0x180000  }
0x9d: {  	[bflag:$0x0] =	sbarrier.arrive $0xFFFF  }
0x9e: {  	_ =	strace $0x90000062  }
0x9f: {  	[bflag:$0x2] =	sbarrier.arrive $0xFFFF  }
0xa0: {  	p0 =	sne.s32 s1, $0x0;
	s0 =	rddreg [dreg:$0x3]  }
0xa1: {  	s0 =	sadd.s32 @!p0 $0x100000, s0  }
0xa2: {  	[sflag:s0] =	ssyncadd.tile.s32 @!p0 $0x1;
	_ =	shalt  }
.Lfunc_end2:
_tile_overlayer_lowered:
.L_overlay_start_2:
0xa3: {  	(tag) =	ssettag $0x2  }
0xa4: {  	s0 =	rddreg [dreg:$0x0];
	s2 =	stileid.u32  }
0xa5: {  	s1 =	rddreg [dreg:$0x1];
	p0 =	sne.s32 s2, $0x0  }
0xa6: {  	s3 =	rddreg [dreg:$0x2];
	[bflag:$0x3] =	sbarrier.arrive $0xFFFF;
	s2 =	simm.s32 @!p0 $0x1C01  }
0xa7: {  	[timem:s3], [sflag:s2] =	dma.local @!p0 [hbm:s0], s1  }
0xa8: {  	s0 =	simm.s32 @!p0 $0x1  }
0xa9: {  	_ =	swait.ge @!p0 [sflag:s0], s1  }
0xaa: {  	s1 =	ssub.s32 @!p0 $0x0, s1;
	[sflag:s0] =	ssyncset.done @!p0 $0x0  }
0xab: {  	[sflag:s0] =	ssyncadd.s32 @!p0 s1  }
0xac: {  	[bflag:$0x3] =	sbarrier.arrive $0xFFFF  }
0xad: {  	_ =	shalt  }

</sc_bundles>
